<compile_context>
chip_gen: v7x
topology: tpu7x:2x2x1
jax: 0.10.2.dev20260603
libtpu: 0.0.44.dev20260713+nightly
codegen_flags: <defaults>
</compile_context>

<pallas_src>
import functools

import jax
import jax.numpy as jnp
import numpy as np
from jax import lax
from jax.experimental import pallas as pl
from jax.experimental.pallas import tpu as pltpu
from jax.experimental.pallas import tpu_sc as plsc

N1, N2, NQ, NL = 2000, 2000, 4, 3
NP_, NN_, NZ_ = 100000, 100000, 800000
LOG2PI = float(np.log(2.0 * np.pi))

NC, NS = 2, 16
NW = NC * NS
SZ = 25008
SPN = 3136
BZ = SZ // 16
BPN = SPN // 16

_LOGC = (-7.788711203771115e-10, 0.9999999096875468, -0.49999956288490294,
         0.3333465033023849, -0.2500434801612538, 0.19950129931010036,
         -0.16511500339293791, 0.14932157138841426, -0.14707770124455374,
         0.09274272935687101)
_LN2 = 0.6931471805599453
_OFF = 0x3F330000


def _plog(g):
    bits = lax.bitcast_convert_type(g, jnp.int32)
    tmp = bits - jnp.int32(_OFF)
    k = tmp >> 23
    z = lax.bitcast_convert_type(bits - (tmp & jnp.int32(-8388608)), jnp.float32)
    u = z - 1.0
    acc = jnp.full(g.shape, _LOGC[-1], jnp.float32)
    for i in range(len(_LOGC) - 2, -1, -1):
        acc = acc * u + jnp.float32(_LOGC[i])
    return k.astype(jnp.float32) * jnp.float32(_LN2) + acc


def _tc_prep(g8_ref, t1_ref, t2_ref, sc_ref, tab_ref, dense_ref):
    g8 = g8_ref[...]
    ga, gra, gb, grb = g8[0:1], g8[1:2], g8[2:3], g8[3:4]
    gp, grp, gq, grq = g8[4:5], g8[5:6], g8[6:7], g8[7:8]
    rho_a, rho_b = jnp.exp(gra), jnp.exp(grb)
    rho_p, rho_q = jnp.exp(grp), jnp.exp(grq)

    zrow = jnp.zeros((1, N1), jnp.float32)
    t1 = jnp.concatenate([t1_ref[...], zrow], axis=0)
    mx1 = jnp.max(t1, axis=0, keepdims=True)
    e1 = jnp.exp(t1 - mx1)
    z1 = jnp.sum(e1, axis=0, keepdims=True)
    tau1 = e1 / z1
    S1 = jnp.sum(tau1 * (t1 - mx1 - jnp.log(z1)))

    t2 = jnp.concatenate([t2_ref[...], zrow], axis=0)
    mx2 = jnp.max(t2, axis=0, keepdims=True)
    e2 = jnp.exp(t2 - mx2)
    z2 = jnp.sum(e2, axis=0, keepdims=True)
    tau2 = e2 / z2
    S2 = jnp.sum(tau2 * (t2 - mx2 - jnp.log(z2)))

    entropy = (0.5 * (2 * N1 + 2 * N2) * (LOG2PI + 1.0)
               + 0.5 * (jnp.sum(gra) + jnp.sum(grb) + jnp.sum(grp) + jnp.sum(grq))
               - S1 - S2)
    ell_a = -N1 / 2 * (LOG2PI + sc_ref[1]) - sc_ref[5] * jnp.sum(rho_a + ga * ga)
    ell_b = -N1 / 2 * (LOG2PI + sc_ref[2]) - sc_ref[6] * jnp.sum(rho_b + gb * gb)
    ell_p = -N2 / 2 * (LOG2PI + sc_ref[3]) - sc_ref[7] * jnp.sum(rho_p + gp * gp)
    ell_q = -N2 / 2 * (LOG2PI + sc_ref[4]) - sc_ref[8] * jnp.sum(rho_q + gq * gq)
    ell_y1 = sum(jnp.sum(tau1[q:q + 1, :]) * sc_ref[33 + q] for q in range(NQ))
    ell_y2 = sum(jnp.sum(tau2[l:l + 1, :]) * sc_ref[37 + l] for l in range(NL))

    Ap = [sum(tau1[q:q + 1, :] * sc_ref[9 + q * NL + l] for q in range(NQ))
          for l in range(NL)]
    Am = [sum(tau1[q:q + 1, :] * sc_ref[21 + q * NL + l] for q in range(NQ))
          for l in range(NL)]

    tab_ref[...] = jnp.concatenate(
        [ga, gb, rho_a, rho_b, tau1, gp, gq, rho_p, rho_q, tau2] + Ap + Am,
        axis=0)
    dense_ref[0] = entropy + ell_a + ell_b + ell_p + ell_q + ell_y1 + ell_y2


def _sc_body(tab_h, c16_h, ip_h, jp_h, in_h, jn_h, iz_h, jz_h, out_h,
             tab_v, c_v, iz_v, jz_v, ip_v, jp_v, in_v, jn_v, acc_v, dsem):
    wid = lax.axis_index("s") * NC + lax.axis_index("c")
    copies = [
        pltpu.async_copy(tab_h, tab_v, dsem),
        pltpu.async_copy(c16_h, c_v, dsem),
        pltpu.async_copy(iz_h.at[pl.ds(wid * SZ, SZ)], iz_v, dsem),
        pltpu.async_copy(jz_h.at[pl.ds(wid * SZ, SZ)], jz_v, dsem),
        pltpu.async_copy(ip_h.at[pl.ds(wid * SPN, SPN)], ip_v, dsem),
        pltpu.async_copy(jp_h.at[pl.ds(wid * SPN, SPN)], jp_v, dsem),
        pltpu.async_copy(in_h.at[pl.ds(wid * SPN, SPN)], in_v, dsem),
        pltpu.async_copy(jn_h.at[pl.ds(wid * SPN, SPN)], jn_v, dsem),
    ]
    for cp in copies:
        cp.wait()

    def full(v):
        return jnp.full((16,), v, jnp.int32)

    def gath(row, ii):
        return plsc.load_gather(tab_v, [full(row), ii])


    mu_v = c_v[pl.ds(0, 16)]
    pi_vs = [c_v[pl.ds((1 + c) * 16, 16)] for c in range(NQ * NL)]
    iota = lax.iota(jnp.int32, 16)

    validz = NZ_ - wid * SZ

    def zbody(k, acc):
        ii = iz_v[pl.ds(k * 16, 16)]
        jj = jz_v[pl.ds(k * 16, 16)]
        na, nb = gath(0, ii), gath(1, ii)
        ra, rb = gath(2, ii), gath(3, ii)
        t1 = [gath(4 + q, ii) for q in range(NQ)]
        np_, nq_ = gath(8, jj), gath(9, jj)
        rp, rq = gath(10, jj), gath(11, jj)
        t2 = [gath(12 + l, jj) for l in range(NL)]
        x = na + np_
        y = nb + nq_
        svx = ra + rp
        svy = rb + rq
        s1 = 1.0 / (1.0 + jnp.exp(-(mu_v + x + y)))
        s2 = 1.0 / (1.0 + jnp.exp(-(mu_v + x - y)))
        u1 = s1 * (1.0 - s1)
        w1 = u1 * (1.0 - 2.0 * s1)
        u2 = s2 * (1.0 - s2)
        w2 = u2 * (1.0 - 2.0 * s2)
        A = 1.0 - s2
        d = s1 - s2
        nw2 = -w2
        ndw = w2 - w1
        nu2 = -u2
        ndu = u2 - u1
        nsu = -(u1 + u2)
        svs = 0.5 * (svx + svy)
        hx = 0.5 * svx
        hy = 0.5 * svy
        blk = jnp.zeros((16,), jnp.float32)
        for c in range(NQ * NL):
            piv = pi_vs[c]
            g = A - piv * d
            lg = _plog(g)
            r = 1.0 / g
            g2 = nw2 + piv * ndw
            g1x = nu2 + piv * ndu
            g1y = u2 + piv * nsu
            q1 = g1x * r
            q2 = g1y * r
            tq = (q1 * q1) * hx + (q2 * q2) * hy
            blk = blk + (t1[c // NL] * t2[c % NL]) * (lg + (g2 * r) * svs - tq)
        return acc + jnp.where(iota < validz - k * 16, blk, 0.0)

    acc = plsc.parallel_loop(0, BZ, unroll=6,
                             carry=jnp.zeros((16,), jnp.float32))(
        lambda k, a: zbody(k, a))

    def make_pn(iv, jv, valid, arow, neg):
        def body(k, acc):
            ii = iv[pl.ds(k * 16, 16)]
            jj = jv[pl.ds(k * 16, 16)]
            na, nb = gath(0, ii), gath(1, ii)
            ra, rb = gath(2, ii), gath(3, ii)
            np_, nq_ = gath(8, jj), gath(9, jj)
            rp, rq = gath(10, jj), gath(11, jj)
            t2 = [gath(12 + l, jj) for l in range(NL)]
            A = [gath(arow + l, ii) for l in range(NL)]
            if neg:
                z = mu_v + na + np_ - nb - nq_
            else:
                z = mu_v + na + np_ + nb + nq_
            ez = jnp.exp(-jnp.abs(z))
            inv = 1.0 / (1.0 + ez)
            s = jnp.where(z >= 0, inv, ez * inv)
            lsg = jnp.minimum(z, 0.0) - _plog(1.0 + ez)
            der2 = -s * (1.0 - s)
            sv = ra + rb + rp + rq
            dotA = A[0] * t2[0] + A[1] * t2[1] + A[2] * t2[2]
            val = dotA + lsg + 0.5 * der2 * sv
            return acc + jnp.where(iota < valid - k * 16, val, 0.0)
        return body

    acc = plsc.parallel_loop(0, BPN, unroll=4, carry=acc)(
        make_pn(ip_v, jp_v, NP_ - wid * SPN, 15, False))
    acc = plsc.parallel_loop(0, BPN, unroll=4, carry=acc)(
        make_pn(in_v, jn_v, NN_ - wid * SPN, 18, True))

    acc_v[...] = acc
    pltpu.sync_copy(acc_v, out_h.at[pl.ds(wid * 16, 16)])


def _pad_idx(a, total):
    a = a.astype(jnp.int32)
    return jnp.pad(a, (0, total - a.shape[0]))


@jax.jit
def kernel(variationnal_params, model_params, i_p, j_p, i_n, j_n, i_z, j_z):
    vp = variationnal_params.astype(jnp.float32)
    mp = model_params.astype(jnp.float32)

    g8 = jnp.stack([vp[0:N1], vp[N1:2 * N1], vp[2 * N1:3 * N1], vp[3 * N1:4 * N1],
                    vp[4 * N1:4 * N1 + N2], vp[4 * N1 + N2:4 * N1 + 2 * N2],
                    vp[4 * N1 + 2 * N2:4 * N1 + 3 * N2],
                    vp[4 * N1 + 3 * N2:4 * N1 + 4 * N2]])
    o = 4 * N1 + 4 * N2
    t1T = vp[o:o + N1 * (NQ - 1)].reshape(N1, NQ - 1).T
    o += N1 * (NQ - 1)
    t2T = vp[o:o + N2 * (NL - 1)].reshape(N2, NL - 1).T

    mu = mp[0]
    inv2 = 0.5 * jnp.exp(-mp[1:5])
    la1 = jax.nn.log_softmax(jnp.pad(mp[5:5 + NQ - 1], (0, 1)))
    la2 = jax.nn.log_softmax(jnp.pad(mp[5 + NQ - 1:5 + NQ + NL - 2], (0, 1)))
    pi = jax.nn.sigmoid(mp[10:10 + NQ * NL])
    sc = jnp.concatenate([mp[0:5], inv2, jnp.log(pi), jnp.log1p(-pi), la1, la2])
    c16 = jnp.repeat(jnp.concatenate([mu[None], pi]), 16)

    tab, dense = pl.pallas_call(
        _tc_prep,
        in_specs=[pl.BlockSpec(memory_space=pltpu.VMEM),
                  pl.BlockSpec(memory_space=pltpu.VMEM),
                  pl.BlockSpec(memory_space=pltpu.VMEM),
                  pl.BlockSpec(memory_space=pltpu.SMEM)],
        out_specs=[pl.BlockSpec(memory_space=pltpu.VMEM),
                   pl.BlockSpec(memory_space=pltpu.SMEM)],
        out_shape=[jax.ShapeDtypeStruct((21, N1), jnp.float32),
                   jax.ShapeDtypeStruct((1,), jnp.float32)],
    )(g8, t1T, t2T, sc)

    sc_fn = pl.kernel(
        _sc_body,
        out_type=jax.ShapeDtypeStruct((NW * 16,), jnp.float32),
        mesh=plsc.VectorSubcoreMesh(core_axis_name="c", subcore_axis_name="s",
                                    num_cores=NC, num_subcores=NS),
        compiler_params=pltpu.CompilerParams(use_tc_tiling_on_sc=False, needs_layout_passes=False),
        scratch_types=[
            pltpu.VMEM((21, N1), jnp.float32),
            pltpu.VMEM((13 * 16,), jnp.float32),
            pltpu.VMEM((SZ,), jnp.int32),
            pltpu.VMEM((SZ,), jnp.int32),
            pltpu.VMEM((SPN,), jnp.int32),
            pltpu.VMEM((SPN,), jnp.int32),
            pltpu.VMEM((SPN,), jnp.int32),
            pltpu.VMEM((SPN,), jnp.int32),
            pltpu.VMEM((16,), jnp.float32),
            pltpu.SemaphoreType.DMA,
        ],
    )
    partials = sc_fn(tab, c16,
                     _pad_idx(i_p, NW * SPN), _pad_idx(j_p, NW * SPN),
                     _pad_idx(i_n, NW * SPN), _pad_idx(j_n, NW * SPN),
                     _pad_idx(i_z, NW * SZ), _pad_idx(j_z, NW * SZ))

    exp_x = jnp.sum(partials)
    exp_x = jnp.where(exp_x < 0, exp_x, jnp.inf)
    return -(dense + exp_x)

# --- scband reference (transcript-rebuilt; emitter-appended) ---
"""Pipeline reference for scband-lbm-nmar-17068200034388 (READ-ONLY COPY).

The authoritative reference and input builder live on the scoring server;
editing this copy changes nothing except your own understanding.
"""

import jax, jax.numpy as jnp
import numpy as np

N1, N2, NQ, NL = 2000, 2000, 4, 3
NP_, NN_, NZ_ = 100000, 100000, 800000
LOG2PI = float(np.log(2.0 * np.pi))


def setup_inputs(seed: int = 0):
    key = jax.random.key(seed)
    ks = jax.random.split(key, 8)
    lengamma = 4 * N1 + 4 * N2 + N1 * (NQ - 1) + N2 * (NL - 1)
    nmodel = 1 + 4 + (NQ - 1) + (NL - 1) + NQ * NL
    vparams = 0.1 * jax.random.normal(ks[0], (lengamma,), dtype=jnp.float32)
    mparams = 0.1 * jax.random.normal(ks[1], (nmodel,), dtype=jnp.float32)
    i_p = jax.random.randint(ks[2], (NP_,), 0, N1)
    j_p = jax.random.randint(ks[3], (NP_,), 0, N2)
    i_n = jax.random.randint(ks[4], (NN_,), 0, N1)
    j_n = jax.random.randint(ks[5], (NN_,), 0, N2)
    i_z = jax.random.randint(ks[6], (NZ_,), 0, N1)
    j_z = jax.random.randint(ks[7], (NZ_,), 0, N2)
    return {"variationnal_params": vparams, "model_params": mparams,
            "i_p": i_p, "j_p": j_p, "i_n": i_n, "j_n": j_n, "i_z": i_z, "j_z": j_z}


def _reparam(params):
    o = 0
    def take(n):
        nonlocal o
        out = params[o:o + n]
        o += n
        return out
    nu_a = take(N1).reshape(N1, 1)
    rho_a = jnp.exp(take(N1)).reshape(N1, 1)
    nu_b = take(N1).reshape(N1, 1)
    rho_b = jnp.exp(take(N1)).reshape(N1, 1)
    nu_p = take(N2).reshape(1, N2)
    rho_p = jnp.exp(take(N2)).reshape(1, N2)
    nu_q = take(N2).reshape(1, N2)
    rho_q = jnp.exp(take(N2)).reshape(1, N2)
    t1 = take(N1 * (NQ - 1)).reshape(N1, NQ - 1)
    tau_1 = jax.nn.softmax(jnp.concatenate([t1, jnp.zeros((N1, 1), dtype=params.dtype)], axis=1), axis=1)
    t2 = take(N2 * (NL - 1)).reshape(N2, NL - 1)
    tau_2 = jax.nn.softmax(jnp.concatenate([t2, jnp.zeros((N2, 1), dtype=params.dtype)], axis=1), axis=1)
    mu_un = take(1)
    sigma_sq_a = jnp.exp(take(1))
    sigma_sq_b = jnp.exp(take(1))
    sigma_sq_p = jnp.exp(take(1))
    sigma_sq_q = jnp.exp(take(1))
    a1 = take(NQ - 1)
    alpha_1 = jax.nn.softmax(jnp.concatenate([a1, jnp.zeros((1,), dtype=params.dtype)]))
    a2 = take(NL - 1)
    alpha_2 = jax.nn.softmax(jnp.concatenate([a2, jnp.zeros((1,), dtype=params.dtype)])).reshape(1, NL)
    pi = jax.nn.sigmoid(take(NQ * NL)).reshape(NQ, NL)
    return (nu_a, rho_a, nu_b, rho_b, nu_p, rho_p, nu_q, rho_q, tau_1, tau_2,
            mu_un, sigma_sq_a, sigma_sq_b, sigma_sq_p, sigma_sq_q, alpha_1, alpha_2, pi)


def _d2_DL3_XO(x, y, mu, pi, which):
    # second derivative of log(1 - pi*sig(mu+x+y) - (1-pi)*sig(mu+x-y)) wrt x or y
    s1 = jax.nn.sigmoid(mu + x + y)
    s2 = jax.nn.sigmoid(mu + x - y)
    g = 1.0 - pi * s1 - (1.0 - pi) * s2
    g2 = -(pi * s1 * (1 - s1) * (1 - 2 * s1) + (1 - pi) * s2 * (1 - s2) * (1 - 2 * s2))
    if which == 'x':
        g1 = -(pi * s1 * (1 - s1) + (1 - pi) * s2 * (1 - s2))
    else:
        g1 = -pi * s1 * (1 - s1) + (1 - pi) * s2 * (1 - s2)
    return g2 / g - g1 ** 2 / g ** 2


def _criteria(variationnal_params, model_params, i_p, j_p, i_n, j_n, i_z, j_z):
    (nu_a, rho_a, nu_b, rho_b, nu_p, rho_p, nu_q, rho_q, tau_1, tau_2,
     mu_un, sigma_sq_a, sigma_sq_b, sigma_sq_p, sigma_sq_q, alpha_1, alpha_2, pi) = _reparam(
        jnp.concatenate([variationnal_params, model_params]))
    entropy = (0.5 * (2 * N1 + 2 * N2) * (LOG2PI + 1.0)
               + 0.5 * jnp.sum(jnp.log(rho_a)) + 0.5 * jnp.sum(jnp.log(rho_b))
               + 0.5 * jnp.sum(jnp.log(rho_p)) + 0.5 * jnp.sum(jnp.log(rho_q))
               - jnp.sum(tau_1 * jnp.log(tau_1)) - jnp.sum(tau_2 * jnp.log(tau_2)))
    ell_a = (-N1 / 2 * (LOG2PI + jnp.log(sigma_sq_a)) - 1.0 / (2 * sigma_sq_a) * jnp.sum(rho_a + nu_a ** 2))[0]
    ell_b = (-N1 / 2 * (LOG2PI + jnp.log(sigma_sq_b)) - 1.0 / (2 * sigma_sq_b) * jnp.sum(rho_b + nu_b ** 2))[0]
    ell_p = (-N2 / 2 * (LOG2PI + jnp.log(sigma_sq_p)) - 1.0 / (2 * sigma_sq_p) * jnp.sum(rho_p + nu_p ** 2))[0]
    ell_q = (-N2 / 2 * (LOG2PI + jnp.log(sigma_sq_q)) - 1.0 / (2 * sigma_sq_q) * jnp.sum(rho_q + nu_q ** 2))[0]
    ell_y1 = tau_1.sum(0) @ jnp.log(alpha_1)
    ell_y2 = tau_2.sum(0) @ jnp.log(alpha_2).T
    # positives
    xp = nu_a[i_p].flatten() + nu_p[:, j_p].flatten()
    yp = nu_b[i_p].flatten() + nu_q[:, j_p].flatten()
    sig_p = jax.nn.sigmoid(mu_un + nu_a[i_p] + nu_b[i_p] + nu_p[:, j_p].T + nu_q[:, j_p].T)
    der2_sig_p = (-sig_p * (1 - sig_p)).flatten()
    sum_var_p = rho_a[i_p].flatten() + rho_p[:, j_p].flatten() + rho_b[i_p].flatten() + rho_q[:, j_p].flatten()
    fp = jnp.log(pi.reshape(1, NQ, NL) * jax.nn.sigmoid(mu_un + xp + yp).reshape(-1, 1, 1))
    exp_p = (tau_1[i_p].reshape(-1, NQ, 1) * tau_2[j_p].reshape(-1, 1, NL)
             * (fp + 0.5 * (der2_sig_p * sum_var_p).reshape(-1, 1, 1))).sum()
    # negatives
    xn = nu_a[i_n].flatten() + nu_p[:, j_n].flatten()
    yn = nu_b[i_n].flatten() + nu_q[:, j_n].flatten()
    sig_m = jax.nn.sigmoid(mu_un + nu_a[i_n] - nu_b[i_n] + nu_p[:, j_n].T - nu_q[:, j_n].T)
    der2_sig_m = -(sig_m * (1 - sig_m)).flatten()
    sum_var_m = rho_a[i_n].flatten() + rho_p[:, j_n].flatten() + rho_b[i_n].flatten() + rho_q[:, j_n].flatten()
    fm = jnp.log((1 - pi).reshape(1, NQ, NL) * jax.nn.sigmoid(mu_un + xn - yn).reshape(-1, 1, 1))
    exp_m = (tau_1[i_n].reshape(-1, NQ, 1) * tau_2[j_n].reshape(-1, 1, NL)
             * (fm + 0.5 * (der2_sig_m * sum_var_m).reshape(-1, 1, 1))).sum()
    # zeros
    xz = nu_a[i_z].flatten() + nu_p[:, j_z].flatten()
    yz = nu_b[i_z].flatten() + nu_q[:, j_z].flatten()
    fz = jnp.log(1 - pi.reshape(1, NQ, NL) * jax.nn.sigmoid(mu_un + xz + yz).reshape(-1, 1, 1)
                 - (1 - pi).reshape(1, NQ, NL) * jax.nn.sigmoid(mu_un + xz - yz).reshape(-1, 1, 1))
    der_x = _d2_DL3_XO(xz.reshape(-1, 1, 1), yz.reshape(-1, 1, 1), mu_un, pi.reshape(1, NQ, NL), 'x')
    der_y = _d2_DL3_XO(xz.reshape(-1, 1, 1), yz.reshape(-1, 1, 1), mu_un, pi.reshape(1, NQ, NL), 'y')
    tau_12 = tau_1[i_z].reshape(-1, NQ, 1) * tau_2[j_z].reshape(-1, 1, NL)
    exp_z = (tau_12 * (fz + 0.5 * (der_x * (rho_a[i_z].flatten() + rho_p[:, j_z].flatten()).reshape(-1, 1, 1)
                                   + der_y * (rho_b[i_z].flatten() + rho_q[:, j_z].flatten()).reshape(-1, 1, 1)))).sum()
    exp_x = exp_p + exp_m + exp_z
    exp_x = jnp.where(exp_x < 0, exp_x, jnp.inf)
    expectation = entropy + ell_a + ell_b + ell_p + ell_q + ell_y1 + ell_y2 + exp_x
    return -expectation


def reference(variationnal_params, model_params, i_p, j_p, i_n, j_n, i_z, j_z):
    return _criteria(variationnal_params, model_params, i_p, j_p, i_n, j_n, i_z, j_z)

if __name__ == "__main__":
    import jax
    _d = setup_inputs()
    print(jax.jit(kernel)(*tuple(_d.values())))

</pallas_src>

<mosaic_0001>
#map = affine_map<(d0, d1) -> (0, 0)>
#map1 = affine_map<(d0, d1) -> (0)>
module attributes {stable_mosaic.version = 14 : i64} {
  func.func @_sc_body(%arg0: i32, %arg1: i32, %arg2: memref<21x2000xf32, #tpu.memory_space<hbm>>, %arg3: memref<208xf32, #tpu.memory_space<hbm>>, %arg4: memref<100352xi32, #tpu.memory_space<hbm>>, %arg5: memref<100352xi32, #tpu.memory_space<hbm>>, %arg6: memref<100352xi32, #tpu.memory_space<hbm>>, %arg7: memref<100352xi32, #tpu.memory_space<hbm>>, %arg8: memref<800256xi32, #tpu.memory_space<hbm>>, %arg9: memref<800256xi32, #tpu.memory_space<hbm>>, %arg10: memref<512xf32, #tpu.memory_space<hbm>>, %arg11: memref<21x2000xf32, #tpu.memory_space<vmem>>, %arg12: memref<208xf32, #tpu.memory_space<vmem>>, %arg13: memref<25008xi32, #tpu.memory_space<vmem>>, %arg14: memref<25008xi32, #tpu.memory_space<vmem>>, %arg15: memref<3136xi32, #tpu.memory_space<vmem>>, %arg16: memref<3136xi32, #tpu.memory_space<vmem>>, %arg17: memref<3136xi32, #tpu.memory_space<vmem>>, %arg18: memref<3136xi32, #tpu.memory_space<vmem>>, %arg19: memref<16xf32, #tpu.memory_space<vmem>>, %arg20: memref<!tpu.dma_semaphore, #tpu.memory_space<semaphore_mem>>) attributes {dimension_semantics = [#tpu.dimension_semantics<core_parallel>, #tpu.dimension_semantics<subcore_parallel>], iteration_bounds = array<i64: 2, 16>, scalar_prefetch = 0 : i64, scratch_operands = 10 : i64, tpu.core_type = #tpu.core_type<sc_vector_subcore>, window_params = [{transform_indices = #map}, {transform_indices = #map1}, {transform_indices = #map1}, {transform_indices = #map1}, {transform_indices = #map1}, {transform_indices = #map1}, {transform_indices = #map1}, {transform_indices = #map1}, {transform_indices = #map1}]} {
    %mul3A = arith.constant 2 : i32
    %mul3A_0 = arith.muli %arg1, %mul3A : i32
    %add3A = arith.addi %mul3A_0, %arg0 : i32
    tpu.enqueue_dma source(%arg2 : memref<21x2000xf32, #tpu.memory_space<hbm>>) target(%arg11 : memref<21x2000xf32, #tpu.memory_space<vmem>>) target_semaphore(%arg20 : memref<!tpu.dma_semaphore, #tpu.memory_space<semaphore_mem>>)
    tpu.enqueue_dma source(%arg3 : memref<208xf32, #tpu.memory_space<hbm>>) target(%arg12 : memref<208xf32, #tpu.memory_space<vmem>>) target_semaphore(%arg20 : memref<!tpu.dma_semaphore, #tpu.memory_space<semaphore_mem>>)
    %mul3A_1 = arith.constant 25008 : i32
    %mul3A_2 = arith.muli %add3A, %mul3A_1 : i32
    %dma_start3A = tpu.memref_slice %arg8[%mul3A_2] : memref<800256xi32, #tpu.memory_space<hbm>> -> memref<25008xi32, #tpu.memory_space<hbm>>
    %dma_start3A_3 = tpu.memref_slice %arg8[%mul3A_2] : memref<800256xi32, #tpu.memory_space<hbm>> -> memref<25008xi32, #tpu.memory_space<hbm>>
    tpu.enqueue_dma source(%dma_start3A_3 : memref<25008xi32, #tpu.memory_space<hbm>>) target(%arg13 : memref<25008xi32, #tpu.memory_space<vmem>>) target_semaphore(%arg20 : memref<!tpu.dma_semaphore, #tpu.memory_space<semaphore_mem>>)
    %mul3A_4 = arith.constant 25008 : i32
    %mul3A_5 = arith.muli %add3A, %mul3A_4 : i32
    %dma_start3A_6 = tpu.memref_slice %arg9[%mul3A_5] : memref<800256xi32, #tpu.memory_space<hbm>> -> memref<25008xi32, #tpu.memory_space<hbm>>
    %dma_start3A_7 = tpu.memref_slice %arg9[%mul3A_5] : memref<800256xi32, #tpu.memory_space<hbm>> -> memref<25008xi32, #tpu.memory_space<hbm>>
    tpu.enqueue_dma source(%dma_start3A_7 : memref<25008xi32, #tpu.memory_space<hbm>>) target(%arg14 : memref<25008xi32, #tpu.memory_space<vmem>>) target_semaphore(%arg20 : memref<!tpu.dma_semaphore, #tpu.memory_space<semaphore_mem>>)
    %mul3A_8 = arith.constant 3136 : i32
    %mul3A_9 = arith.muli %add3A, %mul3A_8 : i32
    %dma_start3A_10 = tpu.memref_slice %arg4[%mul3A_9] : memref<100352xi32, #tpu.memory_space<hbm>> -> memref<3136xi32, #tpu.memory_space<hbm>>
    %dma_start3A_11 = tpu.memref_slice %arg4[%mul3A_9] : memref<100352xi32, #tpu.memory_space<hbm>> -> memref<3136xi32, #tpu.memory_space<hbm>>
    tpu.enqueue_dma source(%dma_start3A_11 : memref<3136xi32, #tpu.memory_space<hbm>>) target(%arg15 : memref<3136xi32, #tpu.memory_space<vmem>>) target_semaphore(%arg20 : memref<!tpu.dma_semaphore, #tpu.memory_space<semaphore_mem>>)
    %mul3A_12 = arith.constant 3136 : i32
    %mul3A_13 = arith.muli %add3A, %mul3A_12 : i32
    %dma_start3A_14 = tpu.memref_slice %arg5[%mul3A_13] : memref<100352xi32, #tpu.memory_space<hbm>> -> memref<3136xi32, #tpu.memory_space<hbm>>
    %dma_start3A_15 = tpu.memref_slice %arg5[%mul3A_13] : memref<100352xi32, #tpu.memory_space<hbm>> -> memref<3136xi32, #tpu.memory_space<hbm>>
    tpu.enqueue_dma source(%dma_start3A_15 : memref<3136xi32, #tpu.memory_space<hbm>>) target(%arg16 : memref<3136xi32, #tpu.memory_space<vmem>>) target_semaphore(%arg20 : memref<!tpu.dma_semaphore, #tpu.memory_space<semaphore_mem>>)
    %mul3A_16 = arith.constant 3136 : i32
    %mul3A_17 = arith.muli %add3A, %mul3A_16 : i32
    %dma_start3A_18 = tpu.memref_slice %arg6[%mul3A_17] : memref<100352xi32, #tpu.memory_space<hbm>> -> memref<3136xi32, #tpu.memory_space<hbm>>
    %dma_start3A_19 = tpu.memref_slice %arg6[%mul3A_17] : memref<100352xi32, #tpu.memory_space<hbm>> -> memref<3136xi32, #tpu.memory_space<hbm>>
    tpu.enqueue_dma source(%dma_start3A_19 : memref<3136xi32, #tpu.memory_space<hbm>>) target(%arg17 : memref<3136xi32, #tpu.memory_space<vmem>>) target_semaphore(%arg20 : memref<!tpu.dma_semaphore, #tpu.memory_space<semaphore_mem>>)
    %mul3A_20 = arith.constant 3136 : i32
    %mul3A_21 = arith.muli %add3A, %mul3A_20 : i32
    %dma_start3A_22 = tpu.memref_slice %arg7[%mul3A_21] : memref<100352xi32, #tpu.memory_space<hbm>> -> memref<3136xi32, #tpu.memory_space<hbm>>
    %dma_start3A_23 = tpu.memref_slice %arg7[%mul3A_21] : memref<100352xi32, #tpu.memory_space<hbm>> -> memref<3136xi32, #tpu.memory_space<hbm>>
    tpu.enqueue_dma source(%dma_start3A_23 : memref<3136xi32, #tpu.memory_space<hbm>>) target(%arg18 : memref<3136xi32, #tpu.memory_space<vmem>>) target_semaphore(%arg20 : memref<!tpu.dma_semaphore, #tpu.memory_space<semaphore_mem>>)
    tpu.wait_dma2 semaphore(%arg20 : memref<!tpu.dma_semaphore, #tpu.memory_space<semaphore_mem>>) src(%arg2 : memref<21x2000xf32, #tpu.memory_space<hbm>>) dst(%arg11 : memref<21x2000xf32, #tpu.memory_space<vmem>>)
    tpu.wait_dma2 semaphore(%arg20 : memref<!tpu.dma_semaphore, #tpu.memory_space<semaphore_mem>>) src(%arg3 : memref<208xf32, #tpu.memory_space<hbm>>) dst(%arg12 : memref<208xf32, #tpu.memory_space<vmem>>)
    %dma_wait3A = tpu.memref_slice %arg8[%mul3A_2] : memref<800256xi32, #tpu.memory_space<hbm>> -> memref<25008xi32, #tpu.memory_space<hbm>>
    %dma_wait3A_24 = tpu.memref_slice %arg8[%mul3A_2] : memref<800256xi32, #tpu.memory_space<hbm>> -> memref<25008xi32, #tpu.memory_space<hbm>>
    tpu.wait_dma2 semaphore(%arg20 : memref<!tpu.dma_semaphore, #tpu.memory_space<semaphore_mem>>) src(%dma_wait3A_24 : memref<25008xi32, #tpu.memory_space<hbm>>) dst(%arg13 : memref<25008xi32, #tpu.memory_space<vmem>>)
    %dma_wait3A_25 = tpu.memref_slice %arg9[%mul3A_5] : memref<800256xi32, #tpu.memory_space<hbm>> -> memref<25008xi32, #tpu.memory_space<hbm>>
    %dma_wait3A_26 = tpu.memref_slice %arg9[%mul3A_5] : memref<800256xi32, #tpu.memory_space<hbm>> -> memref<25008xi32, #tpu.memory_space<hbm>>
    tpu.wait_dma2 semaphore(%arg20 : memref<!tpu.dma_semaphore, #tpu.memory_space<semaphore_mem>>) src(%dma_wait3A_26 : memref<25008xi32, #tpu.memory_space<hbm>>) dst(%arg14 : memref<25008xi32, #tpu.memory_space<vmem>>)
    %dma_wait3A_27 = tpu.memref_slice %arg4[%mul3A_9] : memref<100352xi32, #tpu.memory_space<hbm>> -> memref<3136xi32, #tpu.memory_space<hbm>>
    %dma_wait3A_28 = tpu.memref_slice %arg4[%mul3A_9] : memref<100352xi32, #tpu.memory_space<hbm>> -> memref<3136xi32, #tpu.memory_space<hbm>>
    tpu.wait_dma2 semaphore(%arg20 : memref<!tpu.dma_semaphore, #tpu.memory_space<semaphore_mem>>) src(%dma_wait3A_28 : memref<3136xi32, #tpu.memory_space<hbm>>) dst(%arg15 : memref<3136xi32, #tpu.memory_space<vmem>>)
    %dma_wait3A_29 = tpu.memref_slice %arg5[%mul3A_13] : memref<100352xi32, #tpu.memory_space<hbm>> -> memref<3136xi32, #tpu.memory_space<hbm>>
    %dma_wait3A_30 = tpu.memref_slice %arg5[%mul3A_13] : memref<100352xi32, #tpu.memory_space<hbm>> -> memref<3136xi32, #tpu.memory_space<hbm>>
    tpu.wait_dma2 semaphore(%arg20 : memref<!tpu.dma_semaphore, #tpu.memory_space<semaphore_mem>>) src(%dma_wait3A_30 : memref<3136xi32, #tpu.memory_space<hbm>>) dst(%arg16 : memref<3136xi32, #tpu.memory_space<vmem>>)
    %dma_wait3A_31 = tpu.memref_slice %arg6[%mul3A_17] : memref<100352xi32, #tpu.memory_space<hbm>> -> memref<3136xi32, #tpu.memory_space<hbm>>
    %dma_wait3A_32 = tpu.memref_slice %arg6[%mul3A_17] : memref<100352xi32, #tpu.memory_space<hbm>> -> memref<3136xi32, #tpu.memory_space<hbm>>
    tpu.wait_dma2 semaphore(%arg20 : memref<!tpu.dma_semaphore, #tpu.memory_space<semaphore_mem>>) src(%dma_wait3A_32 : memref<3136xi32, #tpu.memory_space<hbm>>) dst(%arg17 : memref<3136xi32, #tpu.memory_space<vmem>>)
    %dma_wait3A_33 = tpu.memref_slice %arg7[%mul3A_21] : memref<100352xi32, #tpu.memory_space<hbm>> -> memref<3136xi32, #tpu.memory_space<hbm>>
    %dma_wait3A_34 = tpu.memref_slice %arg7[%mul3A_21] : memref<100352xi32, #tpu.memory_space<hbm>> -> memref<3136xi32, #tpu.memory_space<hbm>>
    tpu.wait_dma2 semaphore(%arg20 : memref<!tpu.dma_semaphore, #tpu.memory_space<semaphore_mem>>) src(%dma_wait3A_34 : memref<3136xi32, #tpu.memory_space<hbm>>) dst(%arg18 : memref<3136xi32, #tpu.memory_space<vmem>>)
    %get3A = arith.constant 0 : index
    %get3A_35 = tpu.vector_load %arg12[%get3A] {strides = array<i32>} : memref<208xf32, #tpu.memory_space<vmem>>, vector<16xf32>,
    %get3A_36 = arith.constant 16 : index
    %get3A_37 = tpu.vector_load %arg12[%get3A_36] {strides = array<i32>} : memref<208xf32, #tpu.memory_space<vmem>>, vector<16xf32>,
    %get3A_38 = arith.constant 32 : index
    %get3A_39 = tpu.vector_load %arg12[%get3A_38] {strides = array<i32>} : memref<208xf32, #tpu.memory_space<vmem>>, vector<16xf32>,
    %get3A_40 = arith.constant 48 : index
    %get3A_41 = tpu.vector_load %arg12[%get3A_40] {strides = array<i32>} : memref<208xf32, #tpu.memory_space<vmem>>, vector<16xf32>,
    %get3A_42 = arith.constant 64 : index
    %get3A_43 = tpu.vector_load %arg12[%get3A_42] {strides = array<i32>} : memref<208xf32, #tpu.memory_space<vmem>>, vector<16xf32>,
    %get3A_44 = arith.constant 80 : index
    %get3A_45 = tpu.vector_load %arg12[%get3A_44] {strides = array<i32>} : memref<208xf32, #tpu.memory_space<vmem>>, vector<16xf32>,
    %get3A_46 = arith.constant 96 : index
    %get3A_47 = tpu.vector_load %arg12[%get3A_46] {strides = array<i32>} : memref<208xf32, #tpu.memory_space<vmem>>, vector<16xf32>,
    %get3A_48 = arith.constant 112 : index
    %get3A_49 = tpu.vector_load %arg12[%get3A_48] {strides = array<i32>} : memref<208xf32, #tpu.memory_space<vmem>>, vector<16xf32>,
    %get3A_50 = arith.constant 128 : index
    %get3A_51 = tpu.vector_load %arg12[%get3A_50] {strides = array<i32>} : memref<208xf32, #tpu.memory_space<vmem>>, vector<16xf32>,
    %get3A_52 = arith.constant 144 : index
    %get3A_53 = tpu.vector_load %arg12[%get3A_52] {strides = array<i32>} : memref<208xf32, #tpu.memory_space<vmem>>, vector<16xf32>,
    %get3A_54 = arith.constant 160 : index
    %get3A_55 = tpu.vector_load %arg12[%get3A_54] {strides = array<i32>} : memref<208xf32, #tpu.memory_space<vmem>>, vector<16xf32>,
    %get3A_56 = arith.constant 176 : index
    %get3A_57 = tpu.vector_load %arg12[%get3A_56] {strides = array<i32>} : memref<208xf32, #tpu.memory_space<vmem>>, vector<16xf32>,
    %get3A_58 = arith.constant 192 : index
    %get3A_59 = tpu.vector_load %arg12[%get3A_58] {strides = array<i32>} : memref<208xf32, #tpu.memory_space<vmem>>, vector<16xf32>,
    %iota3A = tpu.iota {dimensions = array<i32: 0>} : vector<16xi32>
    %mul3A_60 = arith.constant 25008 : i32
    %mul3A_61 = arith.muli %add3A, %mul3A_60 : i32
    %sub3A = arith.constant 800000 : i32
    %sub3A_62 = arith.subi %sub3A, %mul3A_61 : i32
    %broadcast_in_dim3A = arith.constant 0.000000e+00 : f32
    %broadcast_in_dim3A_63 = vector.broadcast %broadcast_in_dim3A : f32 to vector<16xf32>
    %parallel_loop3A = arith.constant 0 : i32
    %parallel_loop3A_64 = arith.constant 1563 : i32
    %parallel_loop3A_65 = arith.constant 1 : i32
    %parallel_loop3A_66 = scf.for %parallel_loop3A_86 = %parallel_loop3A to %parallel_loop3A_64 step %parallel_loop3A_65 iter_args(%parallel_loop3A_87 = %broadcast_in_dim3A_63) -> (vector<16xf32>)  : i32 {
      %parallel_loop3A_88 = arith.constant 16 : i32
      %parallel_loop3A_89 = arith.muli %parallel_loop3A_86, %parallel_loop3A_88 : i32
      %parallel_loop3A_90 = arith.index_cast %parallel_loop3A_89 : i32 to index
      %parallel_loop3A_91 = tpu.vector_load %arg13[%parallel_loop3A_90] {strides = array<i32>} : memref<25008xi32, #tpu.memory_space<vmem>>, vector<16xi32>,
      %parallel_loop3A_92 = arith.constant 16 : i32
      %parallel_loop3A_93 = arith.muli %parallel_loop3A_86, %parallel_loop3A_92 : i32
      %parallel_loop3A_94 = arith.index_cast %parallel_loop3A_93 : i32 to index
      %parallel_loop3A_95 = tpu.vector_load %arg14[%parallel_loop3A_94] {strides = array<i32>} : memref<25008xi32, #tpu.memory_space<vmem>>, vector<16xi32>,
      %parallel_loop3A_96 = arith.constant 0 : i32
      %parallel_loop3A_97 = vector.broadcast %parallel_loop3A_96 : i32 to vector<16xi32>
      %parallel_loop3A_98 = tpu.vector_load_idx %arg11[%parallel_loop3A_97, %parallel_loop3A_91] : memref<21x2000xf32, #tpu.memory_space<vmem>>[vector<16xi32>, vector<16xi32>], vector<16xf32>,
      %parallel_loop3A_99 = arith.constant 1 : i32
      %parallel_loop3A_100 = vector.broadcast %parallel_loop3A_99 : i32 to vector<16xi32>
      %parallel_loop3A_101 = tpu.vector_load_idx %arg11[%parallel_loop3A_100, %parallel_loop3A_91] : memref<21x2000xf32, #tpu.memory_space<vmem>>[vector<16xi32>, vector<16xi32>], vector<16xf32>,
      %parallel_loop3A_102 = arith.constant 2 : i32
      %parallel_loop3A_103 = vector.broadcast %parallel_loop3A_102 : i32 to vector<16xi32>
      %parallel_loop3A_104 = tpu.vector_load_idx %arg11[%parallel_loop3A_103, %parallel_loop3A_91] : memref<21x2000xf32, #tpu.memory_space<vmem>>[vector<16xi32>, vector<16xi32>], vector<16xf32>,
      %parallel_loop3A_105 = arith.constant 3 : i32
      %parallel_loop3A_106 = vector.broadcast %parallel_loop3A_105 : i32 to vector<16xi32>
      %parallel_loop3A_107 = tpu.vector_load_idx %arg11[%parallel_loop3A_106, %parallel_loop3A_91] : memref<21x2000xf32, #tpu.memory_space<vmem>>[vector<16xi32>, vector<16xi32>], vector<16xf32>,
      %parallel_loop3A_108 = arith.constant 4 : i32
      %parallel_loop3A_109 = vector.broadcast %parallel_loop3A_108 : i32 to vector<16xi32>
      %parallel_loop3A_110 = tpu.vector_load_idx %arg11[%parallel_loop3A_109, %parallel_loop3A_91] : memref<21x2000xf32, #tpu.memory_space<vmem>>[vector<16xi32>, vector<16xi32>], vector<16xf32>,
      %parallel_loop3A_111 = arith.constant 5 : i32
      %parallel_loop3A_112 = vector.broadcast %parallel_loop3A_111 : i32 to vector<16xi32>
      %parallel_loop3A_113 = tpu.vector_load_idx %arg11[%parallel_loop3A_112, %parallel_loop3A_91] : memref<21x2000xf32, #tpu.memory_space<vmem>>[vector<16xi32>, vector<16xi32>], vector<16xf32>,
      %parallel_loop3A_114 = arith.constant 6 : i32
      %parallel_loop3A_115 = vector.broadcast %parallel_loop3A_114 : i32 to vector<16xi32>
      %parallel_loop3A_116 = tpu.vector_load_idx %arg11[%parallel_loop3A_115, %parallel_loop3A_91] : memref<21x2000xf32, #tpu.memory_space<vmem>>[vector<16xi32>, vector<16xi32>], vector<16xf32>,
      %parallel_loop3A_117 = arith.constant 7 : i32
      %parallel_loop3A_118 = vector.broadcast %parallel_loop3A_117 : i32 to vector<16xi32>
      %parallel_loop3A_119 = tpu.vector_load_idx %arg11[%parallel_loop3A_118, %parallel_loop3A_91] : memref<21x2000xf32, #tpu.memory_space<vmem>>[vector<16xi32>, vector<16xi32>], vector<16xf32>,
      %parallel_loop3A_120 = arith.constant 8 : i32
      %parallel_loop3A_121 = vector.broadcast %parallel_loop3A_120 : i32 to vector<16xi32>
      %parallel_loop3A_122 = tpu.vector_load_idx %arg11[%parallel_loop3A_121, %parallel_loop3A_95] : memref<21x2000xf32, #tpu.memory_space<vmem>>[vector<16xi32>, vector<16xi32>], vector<16xf32>,
      %parallel_loop3A_123 = arith.constant 9 : i32
      %parallel_loop3A_124 = vector.broadcast %parallel_loop3A_123 : i32 to vector<16xi32>
      %parallel_loop3A_125 = tpu.vector_load_idx %arg11[%parallel_loop3A_124, %parallel_loop3A_95] : memref<21x2000xf32, #tpu.memory_space<vmem>>[vector<16xi32>, vector<16xi32>], vector<16xf32>,
      %parallel_loop3A_126 = arith.constant 10 : i32
      %parallel_loop3A_127 = vector.broadcast %parallel_loop3A_126 : i32 to vector<16xi32>
      %parallel_loop3A_128 = tpu.vector_load_idx %arg11[%parallel_loop3A_127, %parallel_loop3A_95] : memref<21x2000xf32, #tpu.memory_space<vmem>>[vector<16xi32>, vector<16xi32>], vector<16xf32>,
      %parallel_loop3A_129 = arith.constant 11 : i32
      %parallel_loop3A_130 = vector.broadcast %parallel_loop3A_129 : i32 to vector<16xi32>
      %parallel_loop3A_131 = tpu.vector_load_idx %arg11[%parallel_loop3A_130, %parallel_loop3A_95] : memref<21x2000xf32, #tpu.memory_space<vmem>>[vector<16xi32>, vector<16xi32>], vector<16xf32>,
      %parallel_loop3A_132 = arith.constant 12 : i32
      %parallel_loop3A_133 = vector.broadcast %parallel_loop3A_132 : i32 to vector<16xi32>
      %parallel_loop3A_134 = tpu.vector_load_idx %arg11[%parallel_loop3A_133, %parallel_loop3A_95] : memref<21x2000xf32, #tpu.memory_space<vmem>>[vector<16xi32>, vector<16xi32>], vector<16xf32>,
      %parallel_loop3A_135 = arith.constant 13 : i32
      %parallel_loop3A_136 = vector.broadcast %parallel_loop3A_135 : i32 to vector<16xi32>
      %parallel_loop3A_137 = tpu.vector_load_idx %arg11[%parallel_loop3A_136, %parallel_loop3A_95] : memref<21x2000xf32, #tpu.memory_space<vmem>>[vector<16xi32>, vector<16xi32>], vector<16xf32>,
      %parallel_loop3A_138 = arith.constant 14 : i32
      %parallel_loop3A_139 = vector.broadcast %parallel_loop3A_138 : i32 to vector<16xi32>
      %parallel_loop3A_140 = tpu.vector_load_idx %arg11[%parallel_loop3A_139, %parallel_loop3A_95] : memref<21x2000xf32, #tpu.memory_space<vmem>>[vector<16xi32>, vector<16xi32>], vector<16xf32>,
      %parallel_loop3A_141 = arith.addf %parallel_loop3A_98, %parallel_loop3A_122 : vector<16xf32>
      %parallel_loop3A_142 = arith.addf %parallel_loop3A_101, %parallel_loop3A_125 : vector<16xf32>
      %parallel_loop3A_143 = arith.addf %parallel_loop3A_104, %parallel_loop3A_128 : vector<16xf32>
      %parallel_loop3A_144 = arith.addf %parallel_loop3A_107, %parallel_loop3A_131 : vector<16xf32>
      %parallel_loop3A_145 = arith.addf %get3A_35, %parallel_loop3A_141 : vector<16xf32>
      %parallel_loop3A_146 = arith.addf %parallel_loop3A_145, %parallel_loop3A_142 : vector<16xf32>
      %parallel_loop3A_147 = arith.constant 0.000000e+00 : f32
      %parallel_loop3A_148 = vector.broadcast %parallel_loop3A_147 : f32 to vector<16xf32>
      %parallel_loop3A_149 = arith.subf %parallel_loop3A_148, %parallel_loop3A_146 : vector<16xf32>
      %parallel_loop3A_150 = math.exp %parallel_loop3A_149 : vector<16xf32>
      %parallel_loop3A_151 = arith.constant 1.000000e+00 : f32
      %parallel_loop3A_152 = vector.broadcast %parallel_loop3A_151 : f32 to vector<16xf32>
      %parallel_loop3A_153 = arith.addf %parallel_loop3A_152, %parallel_loop3A_150 : vector<16xf32>
      %parallel_loop3A_154 = arith.constant 1.000000e+00 : f32
      %parallel_loop3A_155 = vector.broadcast %parallel_loop3A_154 : f32 to vector<16xf32>
      %parallel_loop3A_156 = arith.divf %parallel_loop3A_155, %parallel_loop3A_153 : vector<16xf32>
      %parallel_loop3A_157 = arith.addf %get3A_35, %parallel_loop3A_141 : vector<16xf32>
      %parallel_loop3A_158 = arith.subf %parallel_loop3A_157, %parallel_loop3A_142 : vector<16xf32>
      %parallel_loop3A_159 = arith.constant 0.000000e+00 : f32
      %parallel_loop3A_160 = vector.broadcast %parallel_loop3A_159 : f32 to vector<16xf32>
      %parallel_loop3A_161 = arith.subf %parallel_loop3A_160, %parallel_loop3A_158 : vector<16xf32>
      %parallel_loop3A_162 = math.exp %parallel_loop3A_161 : vector<16xf32>
      %parallel_loop3A_163 = arith.constant 1.000000e+00 : f32
      %parallel_loop3A_164 = vector.broadcast %parallel_loop3A_163 : f32 to vector<16xf32>
      %parallel_loop3A_165 = arith.addf %parallel_loop3A_164, %parallel_loop3A_162 : vector<16xf32>
      %parallel_loop3A_166 = arith.constant 1.000000e+00 : f32
      %parallel_loop3A_167 = vector.broadcast %parallel_loop3A_166 : f32 to vector<16xf32>
      %parallel_loop3A_168 = arith.divf %parallel_loop3A_167, %parallel_loop3A_165 : vector<16xf32>
      %parallel_loop3A_169 = arith.constant 1.000000e+00 : f32
      %parallel_loop3A_170 = vector.broadcast %parallel_loop3A_169 : f32 to vector<16xf32>
      %parallel_loop3A_171 = arith.subf %parallel_loop3A_170, %parallel_loop3A_156 : vector<16xf32>
      %parallel_loop3A_172 = arith.mulf %parallel_loop3A_156, %parallel_loop3A_171 : vector<16xf32>
      %parallel_loop3A_173 = arith.constant 2.000000e+00 : f32
      %parallel_loop3A_174 = vector.broadcast %parallel_loop3A_173 : f32 to vector<16xf32>
      %parallel_loop3A_175 = arith.mulf %parallel_loop3A_174, %parallel_loop3A_156 : vector<16xf32>
      %parallel_loop3A_176 = arith.constant 1.000000e+00 : f32
      %parallel_loop3A_177 = vector.broadcast %parallel_loop3A_176 : f32 to vector<16xf32>
      %parallel_loop3A_178 = arith.subf %parallel_loop3A_177, %parallel_loop3A_175 : vector<16xf32>
      %parallel_loop3A_179 = arith.mulf %parallel_loop3A_172, %parallel_loop3A_178 : vector<16xf32>
      %parallel_loop3A_180 = arith.constant 1.000000e+00 : f32
      %parallel_loop3A_181 = vector.broadcast %parallel_loop3A_180 : f32 to vector<16xf32>
      %parallel_loop3A_182 = arith.subf %parallel_loop3A_181, %parallel_loop3A_168 : vector<16xf32>
      %parallel_loop3A_183 = arith.mulf %parallel_loop3A_168, %parallel_loop3A_182 : vector<16xf32>
      %parallel_loop3A_184 = arith.constant 2.000000e+00 : f32
      %parallel_loop3A_185 = vector.broadcast %parallel_loop3A_184 : f32 to vector<16xf32>
      %parallel_loop3A_186 = arith.mulf %parallel_loop3A_185, %parallel_loop3A_168 : vector<16xf32>
      %parallel_loop3A_187 = arith.constant 1.000000e+00 : f32
      %parallel_loop3A_188 = vector.broadcast %parallel_loop3A_187 : f32 to vector<16xf32>
      %parallel_loop3A_189 = arith.subf %parallel_loop3A_188, %parallel_loop3A_186 : vector<16xf32>
      %parallel_loop3A_190 = arith.mulf %parallel_loop3A_183, %parallel_loop3A_189 : vector<16xf32>
      %parallel_loop3A_191 = arith.constant 1.000000e+00 : f32
      %parallel_loop3A_192 = vector.broadcast %parallel_loop3A_191 : f32 to vector<16xf32>
      %parallel_loop3A_193 = arith.subf %parallel_loop3A_192, %parallel_loop3A_168 : vector<16xf32>
      %parallel_loop3A_194 = arith.subf %parallel_loop3A_156, %parallel_loop3A_168 : vector<16xf32>
      %parallel_loop3A_195 = arith.constant 0.000000e+00 : f32
      %parallel_loop3A_196 = vector.broadcast %parallel_loop3A_195 : f32 to vector<16xf32>
      %parallel_loop3A_197 = arith.subf %parallel_loop3A_196, %parallel_loop3A_190 : vector<16xf32>
      %parallel_loop3A_198 = arith.subf %parallel_loop3A_190, %parallel_loop3A_179 : vector<16xf32>
      %parallel_loop3A_199 = arith.constant 0.000000e+00 : f32
      %parallel_loop3A_200 = vector.broadcast %parallel_loop3A_199 : f32 to vector<16xf32>
      %parallel_loop3A_201 = arith.subf %parallel_loop3A_200, %parallel_loop3A_183 : vector<16xf32>
      %parallel_loop3A_202 = arith.subf %parallel_loop3A_183, %parallel_loop3A_172 : vector<16xf32>
      %parallel_loop3A_203 = arith.addf %parallel_loop3A_172, %parallel_loop3A_183 : vector<16xf32>
      %parallel_loop3A_204 = arith.constant 0.000000e+00 : f32
      %parallel_loop3A_205 = vector.broadcast %parallel_loop3A_204 : f32 to vector<16xf32>
      %parallel_loop3A_206 = arith.subf %parallel_loop3A_205, %parallel_loop3A_203 : vector<16xf32>
      %parallel_loop3A_207 = arith.addf %parallel_loop3A_143, %parallel_loop3A_144 : vector<16xf32>
      %parallel_loop3A_208 = arith.constant 5.000000e-01 : f32
      %parallel_loop3A_209 = vector.broadcast %parallel_loop3A_208 : f32 to vector<16xf32>
      %parallel_loop3A_210 = arith.mulf %parallel_loop3A_209, %parallel_loop3A_207 : vector<16xf32>
      %parallel_loop3A_211 = arith.constant 5.000000e-01 : f32
      %parallel_loop3A_212 = vector.broadcast %parallel_loop3A_211 : f32 to vector<16xf32>
      %parallel_loop3A_213 = arith.mulf %parallel_loop3A_212, %parallel_loop3A_143 : vector<16xf32>
      %parallel_loop3A_214 = arith.constant 5.000000e-01 : f32
      %parallel_loop3A_215 = vector.broadcast %parallel_loop3A_214 : f32 to vector<16xf32>
      %parallel_loop3A_216 = arith.mulf %parallel_loop3A_215, %parallel_loop3A_144 : vector<16xf32>
      %parallel_loop3A_217 = arith.constant 0.000000e+00 : f32
      %parallel_loop3A_218 = vector.broadcast %parallel_loop3A_217 : f32 to vector<16xf32>
      %parallel_loop3A_219 = arith.mulf %get3A_37, %parallel_loop3A_194 : vector<16xf32>
      %parallel_loop3A_220 = arith.subf %parallel_loop3A_193, %parallel_loop3A_219 : vector<16xf32>
      %parallel_loop3A_221 = tpu.bitcast %parallel_loop3A_220 : vector<16xf32> -> vector<16xi32>
      %parallel_loop3A_222 = arith.constant 1060306944 : i32
      %parallel_loop3A_223 = vector.broadcast %parallel_loop3A_222 : i32 to vector<16xi32>
      %parallel_loop3A_224 = arith.subi %parallel_loop3A_221, %parallel_loop3A_223 : vector<16xi32>
      %parallel_loop3A_225 = arith.constant 23 : i32
      %parallel_loop3A_226 = vector.broadcast %parallel_loop3A_225 : i32 to vector<16xi32>
      %parallel_loop3A_227 = arith.shrsi %parallel_loop3A_224, %parallel_loop3A_226 : vector<16xi32>
      %parallel_loop3A_228 = arith.constant -8388608 : i32
      %parallel_loop3A_229 = vector.broadcast %parallel_loop3A_228 : i32 to vector<16xi32>
      %parallel_loop3A_230 = arith.andi %parallel_loop3A_224, %parallel_loop3A_229 : vector<16xi32>
      %parallel_loop3A_231 = arith.subi %parallel_loop3A_221, %parallel_loop3A_230 : vector<16xi32>
      %parallel_loop3A_232 = tpu.bitcast %parallel_loop3A_231 : vector<16xi32> -> vector<16xf32>
      %parallel_loop3A_233 = arith.constant 1.000000e+00 : f32
      %parallel_loop3A_234 = vector.broadcast %parallel_loop3A_233 : f32 to vector<16xf32>
      %parallel_loop3A_235 = arith.subf %parallel_loop3A_232, %parallel_loop3A_234 : vector<16xf32>
      %parallel_loop3A_236 = arith.constant 0.0927427262 : f32
      %parallel_loop3A_237 = vector.broadcast %parallel_loop3A_236 : f32 to vector<16xf32>
      %parallel_loop3A_238 = arith.mulf %parallel_loop3A_237, %parallel_loop3A_235 : vector<16xf32>
      %parallel_loop3A_239 = arith.constant -0.147077695 : f32
      %parallel_loop3A_240 = vector.broadcast %parallel_loop3A_239 : f32 to vector<16xf32>
      %parallel_loop3A_241 = arith.addf %parallel_loop3A_238, %parallel_loop3A_240 : vector<16xf32>
      %parallel_loop3A_242 = arith.mulf %parallel_loop3A_241, %parallel_loop3A_235 : vector<16xf32>
      %parallel_loop3A_243 = arith.constant 0.149321571 : f32
      %parallel_loop3A_244 = vector.broadcast %parallel_loop3A_243 : f32 to vector<16xf32>
      %parallel_loop3A_245 = arith.addf %parallel_loop3A_242, %parallel_loop3A_244 : vector<16xf32>
      %parallel_loop3A_246 = arith.mulf %parallel_loop3A_245, %parallel_loop3A_235 : vector<16xf32>
      %parallel_loop3A_247 = arith.constant -1.651150e-01 : f32
      %parallel_loop3A_248 = vector.broadcast %parallel_loop3A_247 : f32 to vector<16xf32>
      %parallel_loop3A_249 = arith.addf %parallel_loop3A_246, %parallel_loop3A_248 : vector<16xf32>
      %parallel_loop3A_250 = arith.mulf %parallel_loop3A_249, %parallel_loop3A_235 : vector<16xf32>
      %parallel_loop3A_251 = arith.constant 0.199501306 : f32
      %parallel_loop3A_252 = vector.broadcast %parallel_loop3A_251 : f32 to vector<16xf32>
      %parallel_loop3A_253 = arith.addf %parallel_loop3A_250, %parallel_loop3A_252 : vector<16xf32>
      %parallel_loop3A_254 = arith.mulf %parallel_loop3A_253, %parallel_loop3A_235 : vector<16xf32>
      %parallel_loop3A_255 = arith.constant -0.250043482 : f32
      %parallel_loop3A_256 = vector.broadcast %parallel_loop3A_255 : f32 to vector<16xf32>
      %parallel_loop3A_257 = arith.addf %parallel_loop3A_254, %parallel_loop3A_256 : vector<16xf32>
      %parallel_loop3A_258 = arith.mulf %parallel_loop3A_257, %parallel_loop3A_235 : vector<16xf32>
      %parallel_loop3A_259 = arith.constant 0.333346516 : f32
      %parallel_loop3A_260 = vector.broadcast %parallel_loop3A_259 : f32 to vector<16xf32>
      %parallel_loop3A_261 = arith.addf %parallel_loop3A_258, %parallel_loop3A_260 : vector<16xf32>
      %parallel_loop3A_262 = arith.mulf %parallel_loop3A_261, %parallel_loop3A_235 : vector<16xf32>
      %parallel_loop3A_263 = arith.constant -0.499999553 : f32
      %parallel_loop3A_264 = vector.broadcast %parallel_loop3A_263 : f32 to vector<16xf32>
      %parallel_loop3A_265 = arith.addf %parallel_loop3A_262, %parallel_loop3A_264 : vector<16xf32>
      %parallel_loop3A_266 = arith.mulf %parallel_loop3A_265, %parallel_loop3A_235 : vector<16xf32>
      %parallel_loop3A_267 = arith.constant 0.99999988 : f32
      %parallel_loop3A_268 = vector.broadcast %parallel_loop3A_267 : f32 to vector<16xf32>
      %parallel_loop3A_269 = arith.addf %parallel_loop3A_266, %parallel_loop3A_268 : vector<16xf32>
      %parallel_loop3A_270 = arith.mulf %parallel_loop3A_269, %parallel_loop3A_235 : vector<16xf32>
      %parallel_loop3A_271 = arith.constant -7.78871134E-10 : f32
      %parallel_loop3A_272 = vector.broadcast %parallel_loop3A_271 : f32 to vector<16xf32>
      %parallel_loop3A_273 = arith.addf %parallel_loop3A_270, %parallel_loop3A_272 : vector<16xf32>
      %parallel_loop3A_274 = arith.sitofp %parallel_loop3A_227 : vector<16xi32> to vector<16xf32>
      %parallel_loop3A_275 = arith.constant 0.693147182 : f32
      %parallel_loop3A_276 = vector.broadcast %parallel_loop3A_275 : f32 to vector<16xf32>
      %parallel_loop3A_277 = arith.mulf %parallel_loop3A_274, %parallel_loop3A_276 : vector<16xf32>
      %parallel_loop3A_278 = arith.addf %parallel_loop3A_277, %parallel_loop3A_273 : vector<16xf32>
      %parallel_loop3A_279 = arith.constant 1.000000e+00 : f32
      %parallel_loop3A_280 = vector.broadcast %parallel_loop3A_279 : f32 to vector<16xf32>
      %parallel_loop3A_281 = arith.divf %parallel_loop3A_280, %parallel_loop3A_220 : vector<16xf32>
      %parallel_loop3A_282 = arith.mulf %get3A_37, %parallel_loop3A_198 : vector<16xf32>
      %parallel_loop3A_283 = arith.addf %parallel_loop3A_197, %parallel_loop3A_282 : vector<16xf32>
      %parallel_loop3A_284 = arith.mulf %get3A_37, %parallel_loop3A_202 : vector<16xf32>
      %parallel_loop3A_285 = arith.addf %parallel_loop3A_201, %parallel_loop3A_284 : vector<16xf32>
      %parallel_loop3A_286 = arith.mulf %get3A_37, %parallel_loop3A_206 : vector<16xf32>
      %parallel_loop3A_287 = arith.addf %parallel_loop3A_183, %parallel_loop3A_286 : vector<16xf32>
      %parallel_loop3A_288 = arith.mulf %parallel_loop3A_285, %parallel_loop3A_281 : vector<16xf32>
      %parallel_loop3A_289 = arith.mulf %parallel_loop3A_287, %parallel_loop3A_281 : vector<16xf32>
      %parallel_loop3A_290 = arith.mulf %parallel_loop3A_288, %parallel_loop3A_288 : vector<16xf32>
      %parallel_loop3A_291 = arith.mulf %parallel_loop3A_290, %parallel_loop3A_213 : vector<16xf32>
      %parallel_loop3A_292 = arith.mulf %parallel_loop3A_289, %parallel_loop3A_289 : vector<16xf32>
      %parallel_loop3A_293 = arith.mulf %parallel_loop3A_292, %parallel_loop3A_216 : vector<16xf32>
      %parallel_loop3A_294 = arith.addf %parallel_loop3A_291, %parallel_loop3A_293 : vector<16xf32>
      %parallel_loop3A_295 = arith.mulf %parallel_loop3A_110, %parallel_loop3A_134 : vector<16xf32>
      %parallel_loop3A_296 = arith.mulf %parallel_loop3A_283, %parallel_loop3A_281 : vector<16xf32>
      %parallel_loop3A_297 = arith.mulf %parallel_loop3A_296, %parallel_loop3A_210 : vector<16xf32>
      %parallel_loop3A_298 = arith.addf %parallel_loop3A_278, %parallel_loop3A_297 : vector<16xf32>
      %parallel_loop3A_299 = arith.subf %parallel_loop3A_298, %parallel_loop3A_294 : vector<16xf32>
      %parallel_loop3A_300 = arith.mulf %parallel_loop3A_295, %parallel_loop3A_299 : vector<16xf32>
      %parallel_loop3A_301 = arith.addf %parallel_loop3A_218, %parallel_loop3A_300 : vector<16xf32>
      %parallel_loop3A_302 = arith.mulf %get3A_39, %parallel_loop3A_194 : vector<16xf32>
      %parallel_loop3A_303 = arith.subf %parallel_loop3A_193, %parallel_loop3A_302 : vector<16xf32>
      %parallel_loop3A_304 = tpu.bitcast %parallel_loop3A_303 : vector<16xf32> -> vector<16xi32>
      %parallel_loop3A_305 = arith.constant 1060306944 : i32
      %parallel_loop3A_306 = vector.broadcast %parallel_loop3A_305 : i32 to vector<16xi32>
      %parallel_loop3A_307 = arith.subi %parallel_loop3A_304, %parallel_loop3A_306 : vector<16xi32>
      %parallel_loop3A_308 = arith.constant 23 : i32
      %parallel_loop3A_309 = vector.broadcast %parallel_loop3A_308 : i32 to vector<16xi32>
      %parallel_loop3A_310 = arith.shrsi %parallel_loop3A_307, %parallel_loop3A_309 : vector<16xi32>
      %parallel_loop3A_311 = arith.constant -8388608 : i32
      %parallel_loop3A_312 = vector.broadcast %parallel_loop3A_311 : i32 to vector<16xi32>
      %parallel_loop3A_313 = arith.andi %parallel_loop3A_307, %parallel_loop3A_312 : vector<16xi32>
      %parallel_loop3A_314 = arith.subi %parallel_loop3A_304, %parallel_loop3A_313 : vector<16xi32>
      %parallel_loop3A_315 = tpu.bitcast %parallel_loop3A_314 : vector<16xi32> -> vector<16xf32>
      %parallel_loop3A_316 = arith.constant 1.000000e+00 : f32
      %parallel_loop3A_317 = vector.broadcast %parallel_loop3A_316 : f32 to vector<16xf32>
      %parallel_loop3A_318 = arith.subf %parallel_loop3A_315, %parallel_loop3A_317 : vector<16xf32>
      %parallel_loop3A_319 = arith.constant 0.0927427262 : f32
      %parallel_loop3A_320 = vector.broadcast %parallel_loop3A_319 : f32 to vector<16xf32>
      %parallel_loop3A_321 = arith.mulf %parallel_loop3A_320, %parallel_loop3A_318 : vector<16xf32>
      %parallel_loop3A_322 = arith.constant -0.147077695 : f32
      %parallel_loop3A_323 = vector.broadcast %parallel_loop3A_322 : f32 to vector<16xf32>
      %parallel_loop3A_324 = arith.addf %parallel_loop3A_321, %parallel_loop3A_323 : vector<16xf32>
      %parallel_loop3A_325 = arith.mulf %parallel_loop3A_324, %parallel_loop3A_318 : vector<16xf32>
      %parallel_loop3A_326 = arith.constant 0.149321571 : f32
      %parallel_loop3A_327 = vector.broadcast %parallel_loop3A_326 : f32 to vector<16xf32>
      %parallel_loop3A_328 = arith.addf %parallel_loop3A_325, %parallel_loop3A_327 : vector<16xf32>
      %parallel_loop3A_329 = arith.mulf %parallel_loop3A_328, %parallel_loop3A_318 : vector<16xf32>
      %parallel_loop3A_330 = arith.constant -1.651150e-01 : f32
      %parallel_loop3A_331 = vector.broadcast %parallel_loop3A_330 : f32 to vector<16xf32>
      %parallel_loop3A_332 = arith.addf %parallel_loop3A_329, %parallel_loop3A_331 : vector<16xf32>
      %parallel_loop3A_333 = arith.mulf %parallel_loop3A_332, %parallel_loop3A_318 : vector<16xf32>
      %parallel_loop3A_334 = arith.constant 0.199501306 : f32
      %parallel_loop3A_335 = vector.broadcast %parallel_loop3A_334 : f32 to vector<16xf32>
      %parallel_loop3A_336 = arith.addf %parallel_loop3A_333, %parallel_loop3A_335 : vector<16xf32>
      %parallel_loop3A_337 = arith.mulf %parallel_loop3A_336, %parallel_loop3A_318 : vector<16xf32>
      %parallel_loop3A_338 = arith.constant -0.250043482 : f32
      %parallel_loop3A_339 = vector.broadcast %parallel_loop3A_338 : f32 to vector<16xf32>
      %parallel_loop3A_340 = arith.addf %parallel_loop3A_337, %parallel_loop3A_339 : vector<16xf32>
      %parallel_loop3A_341 = arith.mulf %parallel_loop3A_340, %parallel_loop3A_318 : vector<16xf32>
      %parallel_loop3A_342 = arith.constant 0.333346516 : f32
      %parallel_loop3A_343 = vector.broadcast %parallel_loop3A_342 : f32 to vector<16xf32>
      %parallel_loop3A_344 = arith.addf %parallel_loop3A_341, %parallel_loop3A_343 : vector<16xf32>
      %parallel_loop3A_345 = arith.mulf %parallel_loop3A_344, %parallel_loop3A_318 : vector<16xf32>
      %parallel_loop3A_346 = arith.constant -0.499999553 : f32
      %parallel_loop3A_347 = vector.broadcast %parallel_loop3A_346 : f32 to vector<16xf32>
      %parallel_loop3A_348 = arith.addf %parallel_loop3A_345, %parallel_loop3A_347 : vector<16xf32>
      %parallel_loop3A_349 = arith.mulf %parallel_loop3A_348, %parallel_loop3A_318 : vector<16xf32>
      %parallel_loop3A_350 = arith.constant 0.99999988 : f32
      %parallel_loop3A_351 = vector.broadcast %parallel_loop3A_350 : f32 to vector<16xf32>
      %parallel_loop3A_352 = arith.addf %parallel_loop3A_349, %parallel_loop3A_351 : vector<16xf32>
      %parallel_loop3A_353 = arith.mulf %parallel_loop3A_352, %parallel_loop3A_318 : vector<16xf32>
      %parallel_loop3A_354 = arith.constant -7.78871134E-10 : f32
      %parallel_loop3A_355 = vector.broadcast %parallel_loop3A_354 : f32 to vector<16xf32>
      %parallel_loop3A_356 = arith.addf %parallel_loop3A_353, %parallel_loop3A_355 : vector<16xf32>
      %parallel_loop3A_357 = arith.sitofp %parallel_loop3A_310 : vector<16xi32> to vector<16xf32>
      %parallel_loop3A_358 = arith.constant 0.693147182 : f32
      %parallel_loop3A_359 = vector.broadcast %parallel_loop3A_358 : f32 to vector<16xf32>
      %parallel_loop3A_360 = arith.mulf %parallel_loop3A_357, %parallel_loop3A_359 : vector<16xf32>
      %parallel_loop3A_361 = arith.addf %parallel_loop3A_360, %parallel_loop3A_356 : vector<16xf32>
      %parallel_loop3A_362 = arith.constant 1.000000e+00 : f32
      %parallel_loop3A_363 = vector.broadcast %parallel_loop3A_362 : f32 to vector<16xf32>
      %parallel_loop3A_364 = arith.divf %parallel_loop3A_363, %parallel_loop3A_303 : vector<16xf32>
      %parallel_loop3A_365 = arith.mulf %get3A_39, %parallel_loop3A_198 : vector<16xf32>
      %parallel_loop3A_366 = arith.addf %parallel_loop3A_197, %parallel_loop3A_365 : vector<16xf32>
      %parallel_loop3A_367 = arith.mulf %get3A_39, %parallel_loop3A_202 : vector<16xf32>
      %parallel_loop3A_368 = arith.addf %parallel_loop3A_201, %parallel_loop3A_367 : vector<16xf32>
      %parallel_loop3A_369 = arith.mulf %get3A_39, %parallel_loop3A_206 : vector<16xf32>
      %parallel_loop3A_370 = arith.addf %parallel_loop3A_183, %parallel_loop3A_369 : vector<16xf32>
      %parallel_loop3A_371 = arith.mulf %parallel_loop3A_368, %parallel_loop3A_364 : vector<16xf32>
      %parallel_loop3A_372 = arith.mulf %parallel_loop3A_370, %parallel_loop3A_364 : vector<16xf32>
      %parallel_loop3A_373 = arith.mulf %parallel_loop3A_371, %parallel_loop3A_371 : vector<16xf32>
      %parallel_loop3A_374 = arith.mulf %parallel_loop3A_373, %parallel_loop3A_213 : vector<16xf32>
      %parallel_loop3A_375 = arith.mulf %parallel_loop3A_372, %parallel_loop3A_372 : vector<16xf32>
      %parallel_loop3A_376 = arith.mulf %parallel_loop3A_375, %parallel_loop3A_216 : vector<16xf32>
      %parallel_loop3A_377 = arith.addf %parallel_loop3A_374, %parallel_loop3A_376 : vector<16xf32>
      %parallel_loop3A_378 = arith.mulf %parallel_loop3A_110, %parallel_loop3A_137 : vector<16xf32>
      %parallel_loop3A_379 = arith.mulf %parallel_loop3A_366, %parallel_loop3A_364 : vector<16xf32>
      %parallel_loop3A_380 = arith.mulf %parallel_loop3A_379, %parallel_loop3A_210 : vector<16xf32>
      %parallel_loop3A_381 = arith.addf %parallel_loop3A_361, %parallel_loop3A_380 : vector<16xf32>
      %parallel_loop3A_382 = arith.subf %parallel_loop3A_381, %parallel_loop3A_377 : vector<16xf32>
      %parallel_loop3A_383 = arith.mulf %parallel_loop3A_378, %parallel_loop3A_382 : vector<16xf32>
      %parallel_loop3A_384 = arith.addf %parallel_loop3A_301, %parallel_loop3A_383 : vector<16xf32>
      %parallel_loop3A_385 = arith.mulf %get3A_41, %parallel_loop3A_194 : vector<16xf32>
      %parallel_loop3A_386 = arith.subf %parallel_loop3A_193, %parallel_loop3A_385 : vector<16xf32>
      %parallel_loop3A_387 = tpu.bitcast %parallel_loop3A_386 : vector<16xf32> -> vector<16xi32>
      %parallel_loop3A_388 = arith.constant 1060306944 : i32
      %parallel_loop3A_389 = vector.broadcast %parallel_loop3A_388 : i32 to vector<16xi32>
      %parallel_loop3A_390 = arith.subi %parallel_loop3A_387, %parallel_loop3A_389 : vector<16xi32>
      %parallel_loop3A_391 = arith.constant 23 : i32
      %parallel_loop3A_392 = vector.broadcast %parallel_loop3A_391 : i32 to vector<16xi32>
      %parallel_loop3A_393 = arith.shrsi %parallel_loop3A_390, %parallel_loop3A_392 : vector<16xi32>
      %parallel_loop3A_394 = arith.constant -8388608 : i32
      %parallel_loop3A_395 = vector.broadcast %parallel_loop3A_394 : i32 to vector<16xi32>
      %parallel_loop3A_396 = arith.andi %parallel_loop3A_390, %parallel_loop3A_395 : vector<16xi32>
      %parallel_loop3A_397 = arith.subi %parallel_loop3A_387, %parallel_loop3A_396 : vector<16xi32>
      %parallel_loop3A_398 = tpu.bitcast %parallel_loop3A_397 : vector<16xi32> -> vector<16xf32>
      %parallel_loop3A_399 = arith.constant 1.000000e+00 : f32
      %parallel_loop3A_400 = vector.broadcast %parallel_loop3A_399 : f32 to vector<16xf32>
      %parallel_loop3A_401 = arith.subf %parallel_loop3A_398, %parallel_loop3A_400 : vector<16xf32>
      %parallel_loop3A_402 = arith.constant 0.0927427262 : f32
      %parallel_loop3A_403 = vector.broadcast %parallel_loop3A_402 : f32 to vector<16xf32>
      %parallel_loop3A_404 = arith.mulf %parallel_loop3A_403, %parallel_loop3A_401 : vector<16xf32>
      %parallel_loop3A_405 = arith.constant -0.147077695 : f32
      %parallel_loop3A_406 = vector.broadcast %parallel_loop3A_405 : f32 to vector<16xf32>
      %parallel_loop3A_407 = arith.addf %parallel_loop3A_404, %parallel_loop3A_406 : vector<16xf32>
      %parallel_loop3A_408 = arith.mulf %parallel_loop3A_407, %parallel_loop3A_401 : vector<16xf32>
      %parallel_loop3A_409 = arith.constant 0.149321571 : f32
      %parallel_loop3A_410 = vector.broadcast %parallel_loop3A_409 : f32 to vector<16xf32>
      %parallel_loop3A_411 = arith.addf %parallel_loop3A_408, %parallel_loop3A_410 : vector<16xf32>
      %parallel_loop3A_412 = arith.mulf %parallel_loop3A_411, %parallel_loop3A_401 : vector<16xf32>
      %parallel_loop3A_413 = arith.constant -1.651150e-01 : f32
      %parallel_loop3A_414 = vector.broadcast %parallel_loop3A_413 : f32 to vector<16xf32>
      %parallel_loop3A_415 = arith.addf %parallel_loop3A_412, %parallel_loop3A_414 : vector<16xf32>
      %parallel_loop3A_416 = arith.mulf %parallel_loop3A_415, %parallel_loop3A_401 : vector<16xf32>
      %parallel_loop3A_417 = arith.constant 0.199501306 : f32
      %parallel_loop3A_418 = vector.broadcast %parallel_loop3A_417 : f32 to vector<16xf32>
      %parallel_loop3A_419 = arith.addf %parallel_loop3A_416, %parallel_loop3A_418 : vector<16xf32>
      %parallel_loop3A_420 = arith.mulf %parallel_loop3A_419, %parallel_loop3A_401 : vector<16xf32>
      %parallel_loop3A_421 = arith.constant -0.250043482 : f32
      %parallel_loop3A_422 = vector.broadcast %parallel_loop3A_421 : f32 to vector<16xf32>
      %parallel_loop3A_423 = arith.addf %parallel_loop3A_420, %parallel_loop3A_422 : vector<16xf32>
      %parallel_loop3A_424 = arith.mulf %parallel_loop3A_423, %parallel_loop3A_401 : vector<16xf32>
      %parallel_loop3A_425 = arith.constant 0.333346516 : f32
      %parallel_loop3A_426 = vector.broadcast %parallel_loop3A_425 : f32 to vector<16xf32>
      %parallel_loop3A_427 = arith.addf %parallel_loop3A_424, %parallel_loop3A_426 : vector<16xf32>
      %parallel_loop3A_428 = arith.mulf %parallel_loop3A_427, %parallel_loop3A_401 : vector<16xf32>
      %parallel_loop3A_429 = arith.constant -0.499999553 : f32
      %parallel_loop3A_430 = vector.broadcast %parallel_loop3A_429 : f32 to vector<16xf32>
      %parallel_loop3A_431 = arith.addf %parallel_loop3A_428, %parallel_loop3A_430 : vector<16xf32>
      %parallel_loop3A_432 = arith.mulf %parallel_loop3A_431, %parallel_loop3A_401 : vector<16xf32>
      %parallel_loop3A_433 = arith.constant 0.99999988 : f32
      %parallel_loop3A_434 = vector.broadcast %parallel_loop3A_433 : f32 to vector<16xf32>
      %parallel_loop3A_435 = arith.addf %parallel_loop3A_432, %parallel_loop3A_434 : vector<16xf32>
      %parallel_loop3A_436 = arith.mulf %parallel_loop3A_435, %parallel_loop3A_401 : vector<16xf32>
      %parallel_loop3A_437 = arith.constant -7.78871134E-10 : f32
      %parallel_loop3A_438 = vector.broadcast %parallel_loop3A_437 : f32 to vector<16xf32>
      %parallel_loop3A_439 = arith.addf %parallel_loop3A_436, %parallel_loop3A_438 : vector<16xf32>
      %parallel_loop3A_440 = arith.sitofp %parallel_loop3A_393 : vector<16xi32> to vector<16xf32>
      %parallel_loop3A_441 = arith.constant 0.693147182 : f32
      %parallel_loop3A_442 = vector.broadcast %parallel_loop3A_441 : f32 to vector<16xf32>
      %parallel_loop3A_443 = arith.mulf %parallel_loop3A_440, %parallel_loop3A_442 : vector<16xf32>
      %parallel_loop3A_444 = arith.addf %parallel_loop3A_443, %parallel_loop3A_439 : vector<16xf32>
      %parallel_loop3A_445 = arith.constant 1.000000e+00 : f32
      %parallel_loop3A_446 = vector.broadcast %parallel_loop3A_445 : f32 to vector<16xf32>
      %parallel_loop3A_447 = arith.divf %parallel_loop3A_446, %parallel_loop3A_386 : vector<16xf32>
      %parallel_loop3A_448 = arith.mulf %get3A_41, %parallel_loop3A_198 : vector<16xf32>
      %parallel_loop3A_449 = arith.addf %parallel_loop3A_197, %parallel_loop3A_448 : vector<16xf32>
      %parallel_loop3A_450 = arith.mulf %get3A_41, %parallel_loop3A_202 : vector<16xf32>
      %parallel_loop3A_451 = arith.addf %parallel_loop3A_201, %parallel_loop3A_450 : vector<16xf32>
      %parallel_loop3A_452 = arith.mulf %get3A_41, %parallel_loop3A_206 : vector<16xf32>
      %parallel_loop3A_453 = arith.addf %parallel_loop3A_183, %parallel_loop3A_452 : vector<16xf32>
      %parallel_loop3A_454 = arith.mulf %parallel_loop3A_451, %parallel_loop3A_447 : vector<16xf32>
      %parallel_loop3A_455 = arith.mulf %parallel_loop3A_453, %parallel_loop3A_447 : vector<16xf32>
      %parallel_loop3A_456 = arith.mulf %parallel_loop3A_454, %parallel_loop3A_454 : vector<16xf32>
      %parallel_loop3A_457 = arith.mulf %parallel_loop3A_456, %parallel_loop3A_213 : vector<16xf32>
      %parallel_loop3A_458 = arith.mulf %parallel_loop3A_455, %parallel_loop3A_455 : vector<16xf32>
      %parallel_loop3A_459 = arith.mulf %parallel_loop3A_458, %parallel_loop3A_216 : vector<16xf32>
      %parallel_loop3A_460 = arith.addf %parallel_loop3A_457, %parallel_loop3A_459 : vector<16xf32>
      %parallel_loop3A_461 = arith.mulf %parallel_loop3A_110, %parallel_loop3A_140 : vector<16xf32>
      %parallel_loop3A_462 = arith.mulf %parallel_loop3A_449, %parallel_loop3A_447 : vector<16xf32>
      %parallel_loop3A_463 = arith.mulf %parallel_loop3A_462, %parallel_loop3A_210 : vector<16xf32>
      %parallel_loop3A_464 = arith.addf %parallel_loop3A_444, %parallel_loop3A_463 : vector<16xf32>
      %parallel_loop3A_465 = arith.subf %parallel_loop3A_464, %parallel_loop3A_460 : vector<16xf32>
      %parallel_loop3A_466 = arith.mulf %parallel_loop3A_461, %parallel_loop3A_465 : vector<16xf32>
      %parallel_loop3A_467 = arith.addf %parallel_loop3A_384, %parallel_loop3A_466 : vector<16xf32>
      %parallel_loop3A_468 = arith.mulf %get3A_43, %parallel_loop3A_194 : vector<16xf32>
      %parallel_loop3A_469 = arith.subf %parallel_loop3A_193, %parallel_loop3A_468 : vector<16xf32>
      %parallel_loop3A_470 = tpu.bitcast %parallel_loop3A_469 : vector<16xf32> -> vector<16xi32>
      %parallel_loop3A_471 = arith.constant 1060306944 : i32
      %parallel_loop3A_472 = vector.broadcast %parallel_loop3A_471 : i32 to vector<16xi32>
      %parallel_loop3A_473 = arith.subi %parallel_loop3A_470, %parallel_loop3A_472 : vector<16xi32>
      %parallel_loop3A_474 = arith.constant 23 : i32
      %parallel_loop3A_475 = vector.broadcast %parallel_loop3A_474 : i32 to vector<16xi32>
      %parallel_loop3A_476 = arith.shrsi %parallel_loop3A_473, %parallel_loop3A_475 : vector<16xi32>
      %parallel_loop3A_477 = arith.constant -8388608 : i32
      %parallel_loop3A_478 = vector.broadcast %parallel_loop3A_477 : i32 to vector<16xi32>
      %parallel_loop3A_479 = arith.andi %parallel_loop3A_473, %parallel_loop3A_478 : vector<16xi32>
      %parallel_loop3A_480 = arith.subi %parallel_loop3A_470, %parallel_loop3A_479 : vector<16xi32>
      %parallel_loop3A_481 = tpu.bitcast %parallel_loop3A_480 : vector<16xi32> -> vector<16xf32>
      %parallel_loop3A_482 = arith.constant 1.000000e+00 : f32
      %parallel_loop3A_483 = vector.broadcast %parallel_loop3A_482 : f32 to vector<16xf32>
      %parallel_loop3A_484 = arith.subf %parallel_loop3A_481, %parallel_loop3A_483 : vector<16xf32>
      %parallel_loop3A_485 = arith.constant 0.0927427262 : f32
      %parallel_loop3A_486 = vector.broadcast %parallel_loop3A_485 : f32 to vector<16xf32>
      %parallel_loop3A_487 = arith.mulf %parallel_loop3A_486, %parallel_loop3A_484 : vector<16xf32>
      %parallel_loop3A_488 = arith.constant -0.147077695 : f32
      %parallel_loop3A_489 = vector.broadcast %parallel_loop3A_488 : f32 to vector<16xf32>
      %parallel_loop3A_490 = arith.addf %parallel_loop3A_487, %parallel_loop3A_489 : vector<16xf32>
      %parallel_loop3A_491 = arith.mulf %parallel_loop3A_490, %parallel_loop3A_484 : vector<16xf32>
      %parallel_loop3A_492 = arith.constant 0.149321571 : f32
      %parallel_loop3A_493 = vector.broadcast %parallel_loop3A_492 : f32 to vector<16xf32>
      %parallel_loop3A_494 = arith.addf %parallel_loop3A_491, %parallel_loop3A_493 : vector<16xf32>
      %parallel_loop3A_495 = arith.mulf %parallel_loop3A_494, %parallel_loop3A_484 : vector<16xf32>
      %parallel_loop3A_496 = arith.constant -1.651150e-01 : f32
      %parallel_loop3A_497 = vector.broadcast %parallel_loop3A_496 : f32 to vector<16xf32>
      %parallel_loop3A_498 = arith.addf %parallel_loop3A_495, %parallel_loop3A_497 : vector<16xf32>
      %parallel_loop3A_499 = arith.mulf %parallel_loop3A_498, %parallel_loop3A_484 : vector<16xf32>
      %parallel_loop3A_500 = arith.constant 0.199501306 : f32
      %parallel_loop3A_501 = vector.broadcast %parallel_loop3A_500 : f32 to vector<16xf32>
      %parallel_loop3A_502 = arith.addf %parallel_loop3A_499, %parallel_loop3A_501 : vector<16xf32>
      %parallel_loop3A_503 = arith.mulf %parallel_loop3A_502, %parallel_loop3A_484 : vector<16xf32>
      %parallel_loop3A_504 = arith.constant -0.250043482 : f32
      %parallel_loop3A_505 = vector.broadcast %parallel_loop3A_504 : f32 to vector<16xf32>
      %parallel_loop3A_506 = arith.addf %parallel_loop3A_503, %parallel_loop3A_505 : vector<16xf32>
      %parallel_loop3A_507 = arith.mulf %parallel_loop3A_506, %parallel_loop3A_484 : vector<16xf32>
      %parallel_loop3A_508 = arith.constant 0.333346516 : f32
      %parallel_loop3A_509 = vector.broadcast %parallel_loop3A_508 : f32 to vector<16xf32>
      %parallel_loop3A_510 = arith.addf %parallel_loop3A_507, %parallel_loop3A_509 : vector<16xf32>
      %parallel_loop3A_511 = arith.mulf %parallel_loop3A_510, %parallel_loop3A_484 : vector<16xf32>
      %parallel_loop3A_512 = arith.constant -0.499999553 : f32
      %parallel_loop3A_513 = vector.broadcast %parallel_loop3A_512 : f32 to vector<16xf32>
      %parallel_loop3A_514 = arith.addf %parallel_loop3A_511, %parallel_loop3A_513 : vector<16xf32>
      %parallel_loop3A_515 = arith.mulf %parallel_loop3A_514, %parallel_loop3A_484 : vector<16xf32>
      %parallel_loop3A_516 = arith.constant 0.99999988 : f32
      %parallel_loop3A_517 = vector.broadcast %parallel_loop3A_516 : f32 to vector<16xf32>
      %parallel_loop3A_518 = arith.addf %parallel_loop3A_515, %parallel_loop3A_517 : vector<16xf32>
      %parallel_loop3A_519 = arith.mulf %parallel_loop3A_518, %parallel_loop3A_484 : vector<16xf32>
      %parallel_loop3A_520 = arith.constant -7.78871134E-10 : f32
      %parallel_loop3A_521 = vector.broadcast %parallel_loop3A_520 : f32 to vector<16xf32>
      %parallel_loop3A_522 = arith.addf %parallel_loop3A_519, %parallel_loop3A_521 : vector<16xf32>
      %parallel_loop3A_523 = arith.sitofp %parallel_loop3A_476 : vector<16xi32> to vector<16xf32>
      %parallel_loop3A_524 = arith.constant 0.693147182 : f32
      %parallel_loop3A_525 = vector.broadcast %parallel_loop3A_524 : f32 to vector<16xf32>
      %parallel_loop3A_526 = arith.mulf %parallel_loop3A_523, %parallel_loop3A_525 : vector<16xf32>
      %parallel_loop3A_527 = arith.addf %parallel_loop3A_526, %parallel_loop3A_522 : vector<16xf32>
      %parallel_loop3A_528 = arith.constant 1.000000e+00 : f32
      %parallel_loop3A_529 = vector.broadcast %parallel_loop3A_528 : f32 to vector<16xf32>
      %parallel_loop3A_530 = arith.divf %parallel_loop3A_529, %parallel_loop3A_469 : vector<16xf32>
      %parallel_loop3A_531 = arith.mulf %get3A_43, %parallel_loop3A_198 : vector<16xf32>
      %parallel_loop3A_532 = arith.addf %parallel_loop3A_197, %parallel_loop3A_531 : vector<16xf32>
      %parallel_loop3A_533 = arith.mulf %get3A_43, %parallel_loop3A_202 : vector<16xf32>
      %parallel_loop3A_534 = arith.addf %parallel_loop3A_201, %parallel_loop3A_533 : vector<16xf32>
      %parallel_loop3A_535 = arith.mulf %get3A_43, %parallel_loop3A_206 : vector<16xf32>
      %parallel_loop3A_536 = arith.addf %parallel_loop3A_183, %parallel_loop3A_535 : vector<16xf32>
      %parallel_loop3A_537 = arith.mulf %parallel_loop3A_534, %parallel_loop3A_530 : vector<16xf32>
      %parallel_loop3A_538 = arith.mulf %parallel_loop3A_536, %parallel_loop3A_530 : vector<16xf32>
      %parallel_loop3A_539 = arith.mulf %parallel_loop3A_537, %parallel_loop3A_537 : vector<16xf32>
      %parallel_loop3A_540 = arith.mulf %parallel_loop3A_539, %parallel_loop3A_213 : vector<16xf32>
      %parallel_loop3A_541 = arith.mulf %parallel_loop3A_538, %parallel_loop3A_538 : vector<16xf32>
      %parallel_loop3A_542 = arith.mulf %parallel_loop3A_541, %parallel_loop3A_216 : vector<16xf32>
      %parallel_loop3A_543 = arith.addf %parallel_loop3A_540, %parallel_loop3A_542 : vector<16xf32>
      %parallel_loop3A_544 = arith.mulf %parallel_loop3A_113, %parallel_loop3A_134 : vector<16xf32>
      %parallel_loop3A_545 = arith.mulf %parallel_loop3A_532, %parallel_loop3A_530 : vector<16xf32>
      %parallel_loop3A_546 = arith.mulf %parallel_loop3A_545, %parallel_loop3A_210 : vector<16xf32>
      %parallel_loop3A_547 = arith.addf %parallel_loop3A_527, %parallel_loop3A_546 : vector<16xf32>
      %parallel_loop3A_548 = arith.subf %parallel_loop3A_547, %parallel_loop3A_543 : vector<16xf32>
      %parallel_loop3A_549 = arith.mulf %parallel_loop3A_544, %parallel_loop3A_548 : vector<16xf32>
      %parallel_loop3A_550 = arith.addf %parallel_loop3A_467, %parallel_loop3A_549 : vector<16xf32>
      %parallel_loop3A_551 = arith.mulf %get3A_45, %parallel_loop3A_194 : vector<16xf32>
      %parallel_loop3A_552 = arith.subf %parallel_loop3A_193, %parallel_loop3A_551 : vector<16xf32>
      %parallel_loop3A_553 = tpu.bitcast %parallel_loop3A_552 : vector<16xf32> -> vector<16xi32>
      %parallel_loop3A_554 = arith.constant 1060306944 : i32
      %parallel_loop3A_555 = vector.broadcast %parallel_loop3A_554 : i32 to vector<16xi32>
      %parallel_loop3A_556 = arith.subi %parallel_loop3A_553, %parallel_loop3A_555 : vector<16xi32>
      %parallel_loop3A_557 = arith.constant 23 : i32
      %parallel_loop3A_558 = vector.broadcast %parallel_loop3A_557 : i32 to vector<16xi32>
      %parallel_loop3A_559 = arith.shrsi %parallel_loop3A_556, %parallel_loop3A_558 : vector<16xi32>
      %parallel_loop3A_560 = arith.constant -8388608 : i32
      %parallel_loop3A_561 = vector.broadcast %parallel_loop3A_560 : i32 to vector<16xi32>
      %parallel_loop3A_562 = arith.andi %parallel_loop3A_556, %parallel_loop3A_561 : vector<16xi32>
      %parallel_loop3A_563 = arith.subi %parallel_loop3A_553, %parallel_loop3A_562 : vector<16xi32>
      %parallel_loop3A_564 = tpu.bitcast %parallel_loop3A_563 : vector<16xi32> -> vector<16xf32>
      %parallel_loop3A_565 = arith.constant 1.000000e+00 : f32
      %parallel_loop3A_566 = vector.broadcast %parallel_loop3A_565 : f32 to vector<16xf32>
      %parallel_loop3A_567 = arith.subf %parallel_loop3A_564, %parallel_loop3A_566 : vector<16xf32>
      %parallel_loop3A_568 = arith.constant 0.0927427262 : f32
      %parallel_loop3A_569 = vector.broadcast %parallel_loop3A_568 : f32 to vector<16xf32>
      %parallel_loop3A_570 = arith.mulf %parallel_loop3A_569, %parallel_loop3A_567 : vector<16xf32>
      %parallel_loop3A_571 = arith.constant -0.147077695 : f32
      %parallel_loop3A_572 = vector.broadcast %parallel_loop3A_571 : f32 to vector<16xf32>
      %parallel_loop3A_573 = arith.addf %parallel_loop3A_570, %parallel_loop3A_572 : vector<16xf32>
      %parallel_loop3A_574 = arith.mulf %parallel_loop3A_573, %parallel_loop3A_567 : vector<16xf32>
      %parallel_loop3A_575 = arith.constant 0.149321571 : f32
      %parallel_loop3A_576 = vector.broadcast %parallel_loop3A_575 : f32 to vector<16xf32>
      %parallel_loop3A_577 = arith.addf %parallel_loop3A_574, %parallel_loop3A_576 : vector<16xf32>
      %parallel_loop3A_578 = arith.mulf %parallel_loop3A_577, %parallel_loop3A_567 : vector<16xf32>
      %parallel_loop3A_579 = arith.constant -1.651150e-01 : f32
      %parallel_loop3A_580 = vector.broadcast %parallel_loop3A_579 : f32 to vector<16xf32>
      %parallel_loop3A_581 = arith.addf %parallel_loop3A_578, %parallel_loop3A_580 : vector<16xf32>
      %parallel_loop3A_582 = arith.mulf %parallel_loop3A_581, %parallel_loop3A_567 : vector<16xf32>
      %parallel_loop3A_583 = arith.constant 0.199501306 : f32
      %parallel_loop3A_584 = vector.broadcast %parallel_loop3A_583 : f32 to vector<16xf32>
      %parallel_loop3A_585 = arith.addf %parallel_loop3A_582, %parallel_loop3A_584 : vector<16xf32>
      %parallel_loop3A_586 = arith.mulf %parallel_loop3A_585, %parallel_loop3A_567 : vector<16xf32>
      %parallel_loop3A_587 = arith.constant -0.250043482 : f32
      %parallel_loop3A_588 = vector.broadcast %parallel_loop3A_587 : f32 to vector<16xf32>
      %parallel_loop3A_589 = arith.addf %parallel_loop3A_586, %parallel_loop3A_588 : vector<16xf32>
      %parallel_loop3A_590 = arith.mulf %parallel_loop3A_589, %parallel_loop3A_567 : vector<16xf32>
      %parallel_loop3A_591 = arith.constant 0.333346516 : f32
      %parallel_loop3A_592 = vector.broadcast %parallel_loop3A_591 : f32 to vector<16xf32>
      %parallel_loop3A_593 = arith.addf %parallel_loop3A_590, %parallel_loop3A_592 : vector<16xf32>
      %parallel_loop3A_594 = arith.mulf %parallel_loop3A_593, %parallel_loop3A_567 : vector<16xf32>
      %parallel_loop3A_595 = arith.constant -0.499999553 : f32
      %parallel_loop3A_596 = vector.broadcast %parallel_loop3A_595 : f32 to vector<16xf32>
      %parallel_loop3A_597 = arith.addf %parallel_loop3A_594, %parallel_loop3A_596 : vector<16xf32>
      %parallel_loop3A_598 = arith.mulf %parallel_loop3A_597, %parallel_loop3A_567 : vector<16xf32>
      %parallel_loop3A_599 = arith.constant 0.99999988 : f32
      %parallel_loop3A_600 = vector.broadcast %parallel_loop3A_599 : f32 to vector<16xf32>
      %parallel_loop3A_601 = arith.addf %parallel_loop3A_598, %parallel_loop3A_600 : vector<16xf32>
      %parallel_loop3A_602 = arith.mulf %parallel_loop3A_601, %parallel_loop3A_567 : vector<16xf32>
      %parallel_loop3A_603 = arith.constant -7.78871134E-10 : f32
      %parallel_loop3A_604 = vector.broadcast %parallel_loop3A_603 : f32 to vector<16xf32>
      %parallel_loop3A_605 = arith.addf %parallel_loop3A_602, %parallel_loop3A_604 : vector<16xf32>
      %parallel_loop3A_606 = arith.sitofp %parallel_loop3A_559 : vector<16xi32> to vector<16xf32>
      %parallel_loop3A_607 = arith.constant 0.693147182 : f32
      %parallel_loop3A_608 = vector.broadcast %parallel_loop3A_607 : f32 to vector<16xf32>
      %parallel_loop3A_609 = arith.mulf %parallel_loop3A_606, %parallel_loop3A_608 : vector<16xf32>
      %parallel_loop3A_610 = arith.addf %parallel_loop3A_609, %parallel_loop3A_605 : vector<16xf32>
      %parallel_loop3A_611 = arith.constant 1.000000e+00 : f32
      %parallel_loop3A_612 = vector.broadcast %parallel_loop3A_611 : f32 to vector<16xf32>
      %parallel_loop3A_613 = arith.divf %parallel_loop3A_612, %parallel_loop3A_552 : vector<16xf32>
      %parallel_loop3A_614 = arith.mulf %get3A_45, %parallel_loop3A_198 : vector<16xf32>
      %parallel_loop3A_615 = arith.addf %parallel_loop3A_197, %parallel_loop3A_614 : vector<16xf32>
      %parallel_loop3A_616 = arith.mulf %get3A_45, %parallel_loop3A_202 : vector<16xf32>
      %parallel_loop3A_617 = arith.addf %parallel_loop3A_201, %parallel_loop3A_616 : vector<16xf32>
      %parallel_loop3A_618 = arith.mulf %get3A_45, %parallel_loop3A_206 : vector<16xf32>
      %parallel_loop3A_619 = arith.addf %parallel_loop3A_183, %parallel_loop3A_618 : vector<16xf32>
      %parallel_loop3A_620 = arith.mulf %parallel_loop3A_617, %parallel_loop3A_613 : vector<16xf32>
      %parallel_loop3A_621 = arith.mulf %parallel_loop3A_619, %parallel_loop3A_613 : vector<16xf32>
      %parallel_loop3A_622 = arith.mulf %parallel_loop3A_620, %parallel_loop3A_620 : vector<16xf32>
      %parallel_loop3A_623 = arith.mulf %parallel_loop3A_622, %parallel_loop3A_213 : vector<16xf32>
      %parallel_loop3A_624 = arith.mulf %parallel_loop3A_621, %parallel_loop3A_621 : vector<16xf32>
      %parallel_loop3A_625 = arith.mulf %parallel_loop3A_624, %parallel_loop3A_216 : vector<16xf32>
      %parallel_loop3A_626 = arith.addf %parallel_loop3A_623, %parallel_loop3A_625 : vector<16xf32>
      %parallel_loop3A_627 = arith.mulf %parallel_loop3A_113, %parallel_loop3A_137 : vector<16xf32>
      %parallel_loop3A_628 = arith.mulf %parallel_loop3A_615, %parallel_loop3A_613 : vector<16xf32>
      %parallel_loop3A_629 = arith.mulf %parallel_loop3A_628, %parallel_loop3A_210 : vector<16xf32>
      %parallel_loop3A_630 = arith.addf %parallel_loop3A_610, %parallel_loop3A_629 : vector<16xf32>
      %parallel_loop3A_631 = arith.subf %parallel_loop3A_630, %parallel_loop3A_626 : vector<16xf32>
      %parallel_loop3A_632 = arith.mulf %parallel_loop3A_627, %parallel_loop3A_631 : vector<16xf32>
      %parallel_loop3A_633 = arith.addf %parallel_loop3A_550, %parallel_loop3A_632 : vector<16xf32>
      %parallel_loop3A_634 = arith.mulf %get3A_47, %parallel_loop3A_194 : vector<16xf32>
      %parallel_loop3A_635 = arith.subf %parallel_loop3A_193, %parallel_loop3A_634 : vector<16xf32>
      %parallel_loop3A_636 = tpu.bitcast %parallel_loop3A_635 : vector<16xf32> -> vector<16xi32>
      %parallel_loop3A_637 = arith.constant 1060306944 : i32
      %parallel_loop3A_638 = vector.broadcast %parallel_loop3A_637 : i32 to vector<16xi32>
      %parallel_loop3A_639 = arith.subi %parallel_loop3A_636, %parallel_loop3A_638 : vector<16xi32>
      %parallel_loop3A_640 = arith.constant 23 : i32
      %parallel_loop3A_641 = vector.broadcast %parallel_loop3A_640 : i32 to vector<16xi32>
      %parallel_loop3A_642 = arith.shrsi %parallel_loop3A_639, %parallel_loop3A_641 : vector<16xi32>
      %parallel_loop3A_643 = arith.constant -8388608 : i32
      %parallel_loop3A_644 = vector.broadcast %parallel_loop3A_643 : i32 to vector<16xi32>
      %parallel_loop3A_645 = arith.andi %parallel_loop3A_639, %parallel_loop3A_644 : vector<16xi32>
      %parallel_loop3A_646 = arith.subi %parallel_loop3A_636, %parallel_loop3A_645 : vector<16xi32>
      %parallel_loop3A_647 = tpu.bitcast %parallel_loop3A_646 : vector<16xi32> -> vector<16xf32>
      %parallel_loop3A_648 = arith.constant 1.000000e+00 : f32
      %parallel_loop3A_649 = vector.broadcast %parallel_loop3A_648 : f32 to vector<16xf32>
      %parallel_loop3A_650 = arith.subf %parallel_loop3A_647, %parallel_loop3A_649 : vector<16xf32>
      %parallel_loop3A_651 = arith.constant 0.0927427262 : f32
      %parallel_loop3A_652 = vector.broadcast %parallel_loop3A_651 : f32 to vector<16xf32>
      %parallel_loop3A_653 = arith.mulf %parallel_loop3A_652, %parallel_loop3A_650 : vector<16xf32>
      %parallel_loop3A_654 = arith.constant -0.147077695 : f32
      %parallel_loop3A_655 = vector.broadcast %parallel_loop3A_654 : f32 to vector<16xf32>
      %parallel_loop3A_656 = arith.addf %parallel_loop3A_653, %parallel_loop3A_655 : vector<16xf32>
      %parallel_loop3A_657 = arith.mulf %parallel_loop3A_656, %parallel_loop3A_650 : vector<16xf32>
      %parallel_loop3A_658 = arith.constant 0.149321571 : f32
      %parallel_loop3A_659 = vector.broadcast %parallel_loop3A_658 : f32 to vector<16xf32>
      %parallel_loop3A_660 = arith.addf %parallel_loop3A_657, %parallel_loop3A_659 : vector<16xf32>
      %parallel_loop3A_661 = arith.mulf %parallel_loop3A_660, %parallel_loop3A_650 : vector<16xf32>
      %parallel_loop3A_662 = arith.constant -1.651150e-01 : f32
      %parallel_loop3A_663 = vector.broadcast %parallel_loop3A_662 : f32 to vector<16xf32>
      %parallel_loop3A_664 = arith.addf %parallel_loop3A_661, %parallel_loop3A_663 : vector<16xf32>
      %parallel_loop3A_665 = arith.mulf %parallel_loop3A_664, %parallel_loop3A_650 : vector<16xf32>
      %parallel_loop3A_666 = arith.constant 0.199501306 : f32
      %parallel_loop3A_667 = vector.broadcast %parallel_loop3A_666 : f32 to vector<16xf32>
      %parallel_loop3A_668 = arith.addf %parallel_loop3A_665, %parallel_loop3A_667 : vector<16xf32>
      %parallel_loop3A_669 = arith.mulf %parallel_loop3A_668, %parallel_loop3A_650 : vector<16xf32>
      %parallel_loop3A_670 = arith.constant -0.250043482 : f32
      %parallel_loop3A_671 = vector.broadcast %parallel_loop3A_670 : f32 to vector<16xf32>
      %parallel_loop3A_672 = arith.addf %parallel_loop3A_669, %parallel_loop3A_671 : vector<16xf32>
      %parallel_loop3A_673 = arith.mulf %parallel_loop3A_672, %parallel_loop3A_650 : vector<16xf32>
      %parallel_loop3A_674 = arith.constant 0.333346516 : f32
      %parallel_loop3A_675 = vector.broadcast %parallel_loop3A_674 : f32 to vector<16xf32>
      %parallel_loop3A_676 = arith.addf %parallel_loop3A_673, %parallel_loop3A_675 : vector<16xf32>
      %parallel_loop3A_677 = arith.mulf %parallel_loop3A_676, %parallel_loop3A_650 : vector<16xf32>
      %parallel_loop3A_678 = arith.constant -0.499999553 : f32
      %parallel_loop3A_679 = vector.broadcast %parallel_loop3A_678 : f32 to vector<16xf32>
      %parallel_loop3A_680 = arith.addf %parallel_loop3A_677, %parallel_loop3A_679 : vector<16xf32>
      %parallel_loop3A_681 = arith.mulf %parallel_loop3A_680, %parallel_loop3A_650 : vector<16xf32>
      %parallel_loop3A_682 = arith.constant 0.99999988 : f32
      %parallel_loop3A_683 = vector.broadcast %parallel_loop3A_682 : f32 to vector<16xf32>
      %parallel_loop3A_684 = arith.addf %parallel_loop3A_681, %parallel_loop3A_683 : vector<16xf32>
      %parallel_loop3A_685 = arith.mulf %parallel_loop3A_684, %parallel_loop3A_650 : vector<16xf32>
      %parallel_loop3A_686 = arith.constant -7.78871134E-10 : f32
      %parallel_loop3A_687 = vector.broadcast %parallel_loop3A_686 : f32 to vector<16xf32>
      %parallel_loop3A_688 = arith.addf %parallel_loop3A_685, %parallel_loop3A_687 : vector<16xf32>
      %parallel_loop3A_689 = arith.sitofp %parallel_loop3A_642 : vector<16xi32> to vector<16xf32>
      %parallel_loop3A_690 = arith.constant 0.693147182 : f32
      %parallel_loop3A_691 = vector.broadcast %parallel_loop3A_690 : f32 to vector<16xf32>
      %parallel_loop3A_692 = arith.mulf %parallel_loop3A_689, %parallel_loop3A_691 : vector<16xf32>
      %parallel_loop3A_693 = arith.addf %parallel_loop3A_692, %parallel_loop3A_688 : vector<16xf32>
      %parallel_loop3A_694 = arith.constant 1.000000e+00 : f32
      %parallel_loop3A_695 = vector.broadcast %parallel_loop3A_694 : f32 to vector<16xf32>
      %parallel_loop3A_696 = arith.divf %parallel_loop3A_695, %parallel_loop3A_635 : vector<16xf32>
      %parallel_loop3A_697 = arith.mulf %get3A_47, %parallel_loop3A_198 : vector<16xf32>
      %parallel_loop3A_698 = arith.addf %parallel_loop3A_197, %parallel_loop3A_697 : vector<16xf32>
      %parallel_loop3A_699 = arith.mulf %get3A_47, %parallel_loop3A_202 : vector<16xf32>
      %parallel_loop3A_700 = arith.addf %parallel_loop3A_201, %parallel_loop3A_699 : vector<16xf32>
      %parallel_loop3A_701 = arith.mulf %get3A_47, %parallel_loop3A_206 : vector<16xf32>
      %parallel_loop3A_702 = arith.addf %parallel_loop3A_183, %parallel_loop3A_701 : vector<16xf32>
      %parallel_loop3A_703 = arith.mulf %parallel_loop3A_700, %parallel_loop3A_696 : vector<16xf32>
      %parallel_loop3A_704 = arith.mulf %parallel_loop3A_702, %parallel_loop3A_696 : vector<16xf32>
      %parallel_loop3A_705 = arith.mulf %parallel_loop3A_703, %parallel_loop3A_703 : vector<16xf32>
      %parallel_loop3A_706 = arith.mulf %parallel_loop3A_705, %parallel_loop3A_213 : vector<16xf32>
      %parallel_loop3A_707 = arith.mulf %parallel_loop3A_704, %parallel_loop3A_704 : vector<16xf32>
      %parallel_loop3A_708 = arith.mulf %parallel_loop3A_707, %parallel_loop3A_216 : vector<16xf32>
      %parallel_loop3A_709 = arith.addf %parallel_loop3A_706, %parallel_loop3A_708 : vector<16xf32>
      %parallel_loop3A_710 = arith.mulf %parallel_loop3A_113, %parallel_loop3A_140 : vector<16xf32>
      %parallel_loop3A_711 = arith.mulf %parallel_loop3A_698, %parallel_loop3A_696 : vector<16xf32>
      %parallel_loop3A_712 = arith.mulf %parallel_loop3A_711, %parallel_loop3A_210 : vector<16xf32>
      %parallel_loop3A_713 = arith.addf %parallel_loop3A_693, %parallel_loop3A_712 : vector<16xf32>
      %parallel_loop3A_714 = arith.subf %parallel_loop3A_713, %parallel_loop3A_709 : vector<16xf32>
      %parallel_loop3A_715 = arith.mulf %parallel_loop3A_710, %parallel_loop3A_714 : vector<16xf32>
      %parallel_loop3A_716 = arith.addf %parallel_loop3A_633, %parallel_loop3A_715 : vector<16xf32>
      %parallel_loop3A_717 = arith.mulf %get3A_49, %parallel_loop3A_194 : vector<16xf32>
      %parallel_loop3A_718 = arith.subf %parallel_loop3A_193, %parallel_loop3A_717 : vector<16xf32>
      %parallel_loop3A_719 = tpu.bitcast %parallel_loop3A_718 : vector<16xf32> -> vector<16xi32>
      %parallel_loop3A_720 = arith.constant 1060306944 : i32
      %parallel_loop3A_721 = vector.broadcast %parallel_loop3A_720 : i32 to vector<16xi32>
      %parallel_loop3A_722 = arith.subi %parallel_loop3A_719, %parallel_loop3A_721 : vector<16xi32>
      %parallel_loop3A_723 = arith.constant 23 : i32
      %parallel_loop3A_724 = vector.broadcast %parallel_loop3A_723 : i32 to vector<16xi32>
      %parallel_loop3A_725 = arith.shrsi %parallel_loop3A_722, %parallel_loop3A_724 : vector<16xi32>
      %parallel_loop3A_726 = arith.constant -8388608 : i32
      %parallel_loop3A_727 = vector.broadcast %parallel_loop3A_726 : i32 to vector<16xi32>
      %parallel_loop3A_728 = arith.andi %parallel_loop3A_722, %parallel_loop3A_727 : vector<16xi32>
      %parallel_loop3A_729 = arith.subi %parallel_loop3A_719, %parallel_loop3A_728 : vector<16xi32>
      %parallel_loop3A_730 = tpu.bitcast %parallel_loop3A_729 : vector<16xi32> -> vector<16xf32>
      %parallel_loop3A_731 = arith.constant 1.000000e+00 : f32
      %parallel_loop3A_732 = vector.broadcast %parallel_loop3A_731 : f32 to vector<16xf32>
      %parallel_loop3A_733 = arith.subf %parallel_loop3A_730, %parallel_loop3A_732 : vector<16xf32>
      %parallel_loop3A_734 = arith.constant 0.0927427262 : f32
      %parallel_loop3A_735 = vector.broadcast %parallel_loop3A_734 : f32 to vector<16xf32>
      %parallel_loop3A_736 = arith.mulf %parallel_loop3A_735, %parallel_loop3A_733 : vector<16xf32>
      %parallel_loop3A_737 = arith.constant -0.147077695 : f32
      %parallel_loop3A_738 = vector.broadcast %parallel_loop3A_737 : f32 to vector<16xf32>
      %parallel_loop3A_739 = arith.addf %parallel_loop3A_736, %parallel_loop3A_738 : vector<16xf32>
      %parallel_loop3A_740 = arith.mulf %parallel_loop3A_739, %parallel_loop3A_733 : vector<16xf32>
      %parallel_loop3A_741 = arith.constant 0.149321571 : f32
      %parallel_loop3A_742 = vector.broadcast %parallel_loop3A_741 : f32 to vector<16xf32>
      %parallel_loop3A_743 = arith.addf %parallel_loop3A_740, %parallel_loop3A_742 : vector<16xf32>
      %parallel_loop3A_744 = arith.mulf %parallel_loop3A_743, %parallel_loop3A_733 : vector<16xf32>
      %parallel_loop3A_745 = arith.constant -1.651150e-01 : f32
      %parallel_loop3A_746 = vector.broadcast %parallel_loop3A_745 : f32 to vector<16xf32>
      %parallel_loop3A_747 = arith.addf %parallel_loop3A_744, %parallel_loop3A_746 : vector<16xf32>
      %parallel_loop3A_748 = arith.mulf %parallel_loop3A_747, %parallel_loop3A_733 : vector<16xf32>
      %parallel_loop3A_749 = arith.constant 0.199501306 : f32
      %parallel_loop3A_750 = vector.broadcast %parallel_loop3A_749 : f32 to vector<16xf32>
      %parallel_loop3A_751 = arith.addf %parallel_loop3A_748, %parallel_loop3A_750 : vector<16xf32>
      %parallel_loop3A_752 = arith.mulf %parallel_loop3A_751, %parallel_loop3A_733 : vector<16xf32>
      %parallel_loop3A_753 = arith.constant -0.250043482 : f32
      %parallel_loop3A_754 = vector.broadcast %parallel_loop3A_753 : f32 to vector<16xf32>
      %parallel_loop3A_755 = arith.addf %parallel_loop3A_752, %parallel_loop3A_754 : vector<16xf32>
      %parallel_loop3A_756 = arith.mulf %parallel_loop3A_755, %parallel_loop3A_733 : vector<16xf32>
      %parallel_loop3A_757 = arith.constant 0.333346516 : f32
      %parallel_loop3A_758 = vector.broadcast %parallel_loop3A_757 : f32 to vector<16xf32>
      %parallel_loop3A_759 = arith.addf %parallel_loop3A_756, %parallel_loop3A_758 : vector<16xf32>
      %parallel_loop3A_760 = arith.mulf %parallel_loop3A_759, %parallel_loop3A_733 : vector<16xf32>
      %parallel_loop3A_761 = arith.constant -0.499999553 : f32
      %parallel_loop3A_762 = vector.broadcast %parallel_loop3A_761 : f32 to vector<16xf32>
      %parallel_loop3A_763 = arith.addf %parallel_loop3A_760, %parallel_loop3A_762 : vector<16xf32>
      %parallel_loop3A_764 = arith.mulf %parallel_loop3A_763, %parallel_loop3A_733 : vector<16xf32>
      %parallel_loop3A_765 = arith.constant 0.99999988 : f32
      %parallel_loop3A_766 = vector.broadcast %parallel_loop3A_765 : f32 to vector<16xf32>
      %parallel_loop3A_767 = arith.addf %parallel_loop3A_764, %parallel_loop3A_766 : vector<16xf32>
      %parallel_loop3A_768 = arith.mulf %parallel_loop3A_767, %parallel_loop3A_733 : vector<16xf32>
      %parallel_loop3A_769 = arith.constant -7.78871134E-10 : f32
      %parallel_loop3A_770 = vector.broadcast %parallel_loop3A_769 : f32 to vector<16xf32>
      %parallel_loop3A_771 = arith.addf %parallel_loop3A_768, %parallel_loop3A_770 : vector<16xf32>
      %parallel_loop3A_772 = arith.sitofp %parallel_loop3A_725 : vector<16xi32> to vector<16xf32>
      %parallel_loop3A_773 = arith.constant 0.693147182 : f32
      %parallel_loop3A_774 = vector.broadcast %parallel_loop3A_773 : f32 to vector<16xf32>
      %parallel_loop3A_775 = arith.mulf %parallel_loop3A_772, %parallel_loop3A_774 : vector<16xf32>
      %parallel_loop3A_776 = arith.addf %parallel_loop3A_775, %parallel_loop3A_771 : vector<16xf32>
      %parallel_loop3A_777 = arith.constant 1.000000e+00 : f32
      %parallel_loop3A_778 = vector.broadcast %parallel_loop3A_777 : f32 to vector<16xf32>
      %parallel_loop3A_779 = arith.divf %parallel_loop3A_778, %parallel_loop3A_718 : vector<16xf32>
      %parallel_loop3A_780 = arith.mulf %get3A_49, %parallel_loop3A_198 : vector<16xf32>
      %parallel_loop3A_781 = arith.addf %parallel_loop3A_197, %parallel_loop3A_780 : vector<16xf32>
      %parallel_loop3A_782 = arith.mulf %get3A_49, %parallel_loop3A_202 : vector<16xf32>
      %parallel_loop3A_783 = arith.addf %parallel_loop3A_201, %parallel_loop3A_782 : vector<16xf32>
      %parallel_loop3A_784 = arith.mulf %get3A_49, %parallel_loop3A_206 : vector<16xf32>
      %parallel_loop3A_785 = arith.addf %parallel_loop3A_183, %parallel_loop3A_784 : vector<16xf32>
      %parallel_loop3A_786 = arith.mulf %parallel_loop3A_783, %parallel_loop3A_779 : vector<16xf32>
      %parallel_loop3A_787 = arith.mulf %parallel_loop3A_785, %parallel_loop3A_779 : vector<16xf32>
      %parallel_loop3A_788 = arith.mulf %parallel_loop3A_786, %parallel_loop3A_786 : vector<16xf32>
      %parallel_loop3A_789 = arith.mulf %parallel_loop3A_788, %parallel_loop3A_213 : vector<16xf32>
      %parallel_loop3A_790 = arith.mulf %parallel_loop3A_787, %parallel_loop3A_787 : vector<16xf32>
      %parallel_loop3A_791 = arith.mulf %parallel_loop3A_790, %parallel_loop3A_216 : vector<16xf32>
      %parallel_loop3A_792 = arith.addf %parallel_loop3A_789, %parallel_loop3A_791 : vector<16xf32>
      %parallel_loop3A_793 = arith.mulf %parallel_loop3A_116, %parallel_loop3A_134 : vector<16xf32>
      %parallel_loop3A_794 = arith.mulf %parallel_loop3A_781, %parallel_loop3A_779 : vector<16xf32>
      %parallel_loop3A_795 = arith.mulf %parallel_loop3A_794, %parallel_loop3A_210 : vector<16xf32>
      %parallel_loop3A_796 = arith.addf %parallel_loop3A_776, %parallel_loop3A_795 : vector<16xf32>
      %parallel_loop3A_797 = arith.subf %parallel_loop3A_796, %parallel_loop3A_792 : vector<16xf32>
      %parallel_loop3A_798 = arith.mulf %parallel_loop3A_793, %parallel_loop3A_797 : vector<16xf32>
      %parallel_loop3A_799 = arith.addf %parallel_loop3A_716, %parallel_loop3A_798 : vector<16xf32>
      %parallel_loop3A_800 = arith.mulf %get3A_51, %parallel_loop3A_194 : vector<16xf32>
      %parallel_loop3A_801 = arith.subf %parallel_loop3A_193, %parallel_loop3A_800 : vector<16xf32>
      %parallel_loop3A_802 = tpu.bitcast %parallel_loop3A_801 : vector<16xf32> -> vector<16xi32>
      %parallel_loop3A_803 = arith.constant 1060306944 : i32
      %parallel_loop3A_804 = vector.broadcast %parallel_loop3A_803 : i32 to vector<16xi32>
      %parallel_loop3A_805 = arith.subi %parallel_loop3A_802, %parallel_loop3A_804 : vector<16xi32>
      %parallel_loop3A_806 = arith.constant 23 : i32
      %parallel_loop3A_807 = vector.broadcast %parallel_loop3A_806 : i32 to vector<16xi32>
      %parallel_loop3A_808 = arith.shrsi %parallel_loop3A_805, %parallel_loop3A_807 : vector<16xi32>
      %parallel_loop3A_809 = arith.constant -8388608 : i32
      %parallel_loop3A_810 = vector.broadcast %parallel_loop3A_809 : i32 to vector<16xi32>
      %parallel_loop3A_811 = arith.andi %parallel_loop3A_805, %parallel_loop3A_810 : vector<16xi32>
      %parallel_loop3A_812 = arith.subi %parallel_loop3A_802, %parallel_loop3A_811 : vector<16xi32>
      %parallel_loop3A_813 = tpu.bitcast %parallel_loop3A_812 : vector<16xi32> -> vector<16xf32>
      %parallel_loop3A_814 = arith.constant 1.000000e+00 : f32
      %parallel_loop3A_815 = vector.broadcast %parallel_loop3A_814 : f32 to vector<16xf32>
      %parallel_loop3A_816 = arith.subf %parallel_loop3A_813, %parallel_loop3A_815 : vector<16xf32>
      %parallel_loop3A_817 = arith.constant 0.0927427262 : f32
      %parallel_loop3A_818 = vector.broadcast %parallel_loop3A_817 : f32 to vector<16xf32>
      %parallel_loop3A_819 = arith.mulf %parallel_loop3A_818, %parallel_loop3A_816 : vector<16xf32>
      %parallel_loop3A_820 = arith.constant -0.147077695 : f32
      %parallel_loop3A_821 = vector.broadcast %parallel_loop3A_820 : f32 to vector<16xf32>
      %parallel_loop3A_822 = arith.addf %parallel_loop3A_819, %parallel_loop3A_821 : vector<16xf32>
      %parallel_loop3A_823 = arith.mulf %parallel_loop3A_822, %parallel_loop3A_816 : vector<16xf32>
      %parallel_loop3A_824 = arith.constant 0.149321571 : f32
      %parallel_loop3A_825 = vector.broadcast %parallel_loop3A_824 : f32 to vector<16xf32>
      %parallel_loop3A_826 = arith.addf %parallel_loop3A_823, %parallel_loop3A_825 : vector<16xf32>
      %parallel_loop3A_827 = arith.mulf %parallel_loop3A_826, %parallel_loop3A_816 : vector<16xf32>
      %parallel_loop3A_828 = arith.constant -1.651150e-01 : f32
      %parallel_loop3A_829 = vector.broadcast %parallel_loop3A_828 : f32 to vector<16xf32>
      %parallel_loop3A_830 = arith.addf %parallel_loop3A_827, %parallel_loop3A_829 : vector<16xf32>
      %parallel_loop3A_831 = arith.mulf %parallel_loop3A_830, %parallel_loop3A_816 : vector<16xf32>
      %parallel_loop3A_832 = arith.constant 0.199501306 : f32
      %parallel_loop3A_833 = vector.broadcast %parallel_loop3A_832 : f32 to vector<16xf32>
      %parallel_loop3A_834 = arith.addf %parallel_loop3A_831, %parallel_loop3A_833 : vector<16xf32>
      %parallel_loop3A_835 = arith.mulf %parallel_loop3A_834, %parallel_loop3A_816 : vector<16xf32>
      %parallel_loop3A_836 = arith.constant -0.250043482 : f32
      %parallel_loop3A_837 = vector.broadcast %parallel_loop3A_836 : f32 to vector<16xf32>
      %parallel_loop3A_838 = arith.addf %parallel_loop3A_835, %parallel_loop3A_837 : vector<16xf32>
      %parallel_loop3A_839 = arith.mulf %parallel_loop3A_838, %parallel_loop3A_816 : vector<16xf32>
      %parallel_loop3A_840 = arith.constant 0.333346516 : f32
      %parallel_loop3A_841 = vector.broadcast %parallel_loop3A_840 : f32 to vector<16xf32>
      %parallel_loop3A_842 = arith.addf %parallel_loop3A_839, %parallel_loop3A_841 : vector<16xf32>
      %parallel_loop3A_843 = arith.mulf %parallel_loop3A_842, %parallel_loop3A_816 : vector<16xf32>
      %parallel_loop3A_844 = arith.constant -0.499999553 : f32
      %parallel_loop3A_845 = vector.broadcast %parallel_loop3A_844 : f32 to vector<16xf32>
      %parallel_loop3A_846 = arith.addf %parallel_loop3A_843, %parallel_loop3A_845 : vector<16xf32>
      %parallel_loop3A_847 = arith.mulf %parallel_loop3A_846, %parallel_loop3A_816 : vector<16xf32>
      %parallel_loop3A_848 = arith.constant 0.99999988 : f32
      %parallel_loop3A_849 = vector.broadcast %parallel_loop3A_848 : f32 to vector<16xf32>
      %parallel_loop3A_850 = arith.addf %parallel_loop3A_847, %parallel_loop3A_849 : vector<16xf32>
      %parallel_loop3A_851 = arith.mulf %parallel_loop3A_850, %parallel_loop3A_816 : vector<16xf32>
      %parallel_loop3A_852 = arith.constant -7.78871134E-10 : f32
      %parallel_loop3A_853 = vector.broadcast %parallel_loop3A_852 : f32 to vector<16xf32>
      %parallel_loop3A_854 = arith.addf %parallel_loop3A_851, %parallel_loop3A_853 : vector<16xf32>
      %parallel_loop3A_855 = arith.sitofp %parallel_loop3A_808 : vector<16xi32> to vector<16xf32>
      %parallel_loop3A_856 = arith.constant 0.693147182 : f32
      %parallel_loop3A_857 = vector.broadcast %parallel_loop3A_856 : f32 to vector<16xf32>
      %parallel_loop3A_858 = arith.mulf %parallel_loop3A_855, %parallel_loop3A_857 : vector<16xf32>
      %parallel_loop3A_859 = arith.addf %parallel_loop3A_858, %parallel_loop3A_854 : vector<16xf32>
      %parallel_loop3A_860 = arith.constant 1.000000e+00 : f32
      %parallel_loop3A_861 = vector.broadcast %parallel_loop3A_860 : f32 to vector<16xf32>
      %parallel_loop3A_862 = arith.divf %parallel_loop3A_861, %parallel_loop3A_801 : vector<16xf32>
      %parallel_loop3A_863 = arith.mulf %get3A_51, %parallel_loop3A_198 : vector<16xf32>
      %parallel_loop3A_864 = arith.addf %parallel_loop3A_197, %parallel_loop3A_863 : vector<16xf32>
      %parallel_loop3A_865 = arith.mulf %get3A_51, %parallel_loop3A_202 : vector<16xf32>
      %parallel_loop3A_866 = arith.addf %parallel_loop3A_201, %parallel_loop3A_865 : vector<16xf32>
      %parallel_loop3A_867 = arith.mulf %get3A_51, %parallel_loop3A_206 : vector<16xf32>
      %parallel_loop3A_868 = arith.addf %parallel_loop3A_183, %parallel_loop3A_867 : vector<16xf32>
      %parallel_loop3A_869 = arith.mulf %parallel_loop3A_866, %parallel_loop3A_862 : vector<16xf32>
      %parallel_loop3A_870 = arith.mulf %parallel_loop3A_868, %parallel_loop3A_862 : vector<16xf32>
      %parallel_loop3A_871 = arith.mulf %parallel_loop3A_869, %parallel_loop3A_869 : vector<16xf32>
      %parallel_loop3A_872 = arith.mulf %parallel_loop3A_871, %parallel_loop3A_213 : vector<16xf32>
      %parallel_loop3A_873 = arith.mulf %parallel_loop3A_870, %parallel_loop3A_870 : vector<16xf32>
      %parallel_loop3A_874 = arith.mulf %parallel_loop3A_873, %parallel_loop3A_216 : vector<16xf32>
      %parallel_loop3A_875 = arith.addf %parallel_loop3A_872, %parallel_loop3A_874 : vector<16xf32>
      %parallel_loop3A_876 = arith.mulf %parallel_loop3A_116, %parallel_loop3A_137 : vector<16xf32>
      %parallel_loop3A_877 = arith.mulf %parallel_loop3A_864, %parallel_loop3A_862 : vector<16xf32>
      %parallel_loop3A_878 = arith.mulf %parallel_loop3A_877, %parallel_loop3A_210 : vector<16xf32>
      %parallel_loop3A_879 = arith.addf %parallel_loop3A_859, %parallel_loop3A_878 : vector<16xf32>
      %parallel_loop3A_880 = arith.subf %parallel_loop3A_879, %parallel_loop3A_875 : vector<16xf32>
      %parallel_loop3A_881 = arith.mulf %parallel_loop3A_876, %parallel_loop3A_880 : vector<16xf32>
      %parallel_loop3A_882 = arith.addf %parallel_loop3A_799, %parallel_loop3A_881 : vector<16xf32>
      %parallel_loop3A_883 = arith.mulf %get3A_53, %parallel_loop3A_194 : vector<16xf32>
      %parallel_loop3A_884 = arith.subf %parallel_loop3A_193, %parallel_loop3A_883 : vector<16xf32>
      %parallel_loop3A_885 = tpu.bitcast %parallel_loop3A_884 : vector<16xf32> -> vector<16xi32>
      %parallel_loop3A_886 = arith.constant 1060306944 : i32
      %parallel_loop3A_887 = vector.broadcast %parallel_loop3A_886 : i32 to vector<16xi32>
      %parallel_loop3A_888 = arith.subi %parallel_loop3A_885, %parallel_loop3A_887 : vector<16xi32>
      %parallel_loop3A_889 = arith.constant 23 : i32
      %parallel_loop3A_890 = vector.broadcast %parallel_loop3A_889 : i32 to vector<16xi32>
      %parallel_loop3A_891 = arith.shrsi %parallel_loop3A_888, %parallel_loop3A_890 : vector<16xi32>
      %parallel_loop3A_892 = arith.constant -8388608 : i32
      %parallel_loop3A_893 = vector.broadcast %parallel_loop3A_892 : i32 to vector<16xi32>
      %parallel_loop3A_894 = arith.andi %parallel_loop3A_888, %parallel_loop3A_893 : vector<16xi32>
      %parallel_loop3A_895 = arith.subi %parallel_loop3A_885, %parallel_loop3A_894 : vector<16xi32>
      %parallel_loop3A_896 = tpu.bitcast %parallel_loop3A_895 : vector<16xi32> -> vector<16xf32>
      %parallel_loop3A_897 = arith.constant 1.000000e+00 : f32
      %parallel_loop3A_898 = vector.broadcast %parallel_loop3A_897 : f32 to vector<16xf32>
      %parallel_loop3A_899 = arith.subf %parallel_loop3A_896, %parallel_loop3A_898 : vector<16xf32>
      %parallel_loop3A_900 = arith.constant 0.0927427262 : f32
      %parallel_loop3A_901 = vector.broadcast %parallel_loop3A_900 : f32 to vector<16xf32>
      %parallel_loop3A_902 = arith.mulf %parallel_loop3A_901, %parallel_loop3A_899 : vector<16xf32>
      %parallel_loop3A_903 = arith.constant -0.147077695 : f32
      %parallel_loop3A_904 = vector.broadcast %parallel_loop3A_903 : f32 to vector<16xf32>
      %parallel_loop3A_905 = arith.addf %parallel_loop3A_902, %parallel_loop3A_904 : vector<16xf32>
      %parallel_loop3A_906 = arith.mulf %parallel_loop3A_905, %parallel_loop3A_899 : vector<16xf32>
      %parallel_loop3A_907 = arith.constant 0.149321571 : f32
      %parallel_loop3A_908 = vector.broadcast %parallel_loop3A_907 : f32 to vector<16xf32>
      %parallel_loop3A_909 = arith.addf %parallel_loop3A_906, %parallel_loop3A_908 : vector<16xf32>
      %parallel_loop3A_910 = arith.mulf %parallel_loop3A_909, %parallel_loop3A_899 : vector<16xf32>
      %parallel_loop3A_911 = arith.constant -1.651150e-01 : f32
      %parallel_loop3A_912 = vector.broadcast %parallel_loop3A_911 : f32 to vector<16xf32>
      %parallel_loop3A_913 = arith.addf %parallel_loop3A_910, %parallel_loop3A_912 : vector<16xf32>
      %parallel_loop3A_914 = arith.mulf %parallel_loop3A_913, %parallel_loop3A_899 : vector<16xf32>
      %parallel_loop3A_915 = arith.constant 0.199501306 : f32
      %parallel_loop3A_916 = vector.broadcast %parallel_loop3A_915 : f32 to vector<16xf32>
      %parallel_loop3A_917 = arith.addf %parallel_loop3A_914, %parallel_loop3A_916 : vector<16xf32>
      %parallel_loop3A_918 = arith.mulf %parallel_loop3A_917, %parallel_loop3A_899 : vector<16xf32>
      %parallel_loop3A_919 = arith.constant -0.250043482 : f32
      %parallel_loop3A_920 = vector.broadcast %parallel_loop3A_919 : f32 to vector<16xf32>
      %parallel_loop3A_921 = arith.addf %parallel_loop3A_918, %parallel_loop3A_920 : vector<16xf32>
      %parallel_loop3A_922 = arith.mulf %parallel_loop3A_921, %parallel_loop3A_899 : vector<16xf32>
      %parallel_loop3A_923 = arith.constant 0.333346516 : f32
      %parallel_loop3A_924 = vector.broadcast %parallel_loop3A_923 : f32 to vector<16xf32>
      %parallel_loop3A_925 = arith.addf %parallel_loop3A_922, %parallel_loop3A_924 : vector<16xf32>
      %parallel_loop3A_926 = arith.mulf %parallel_loop3A_925, %parallel_loop3A_899 : vector<16xf32>
      %parallel_loop3A_927 = arith.constant -0.499999553 : f32
      %parallel_loop3A_928 = vector.broadcast %parallel_loop3A_927 : f32 to vector<16xf32>
      %parallel_loop3A_929 = arith.addf %parallel_loop3A_926, %parallel_loop3A_928 : vector<16xf32>
      %parallel_loop3A_930 = arith.mulf %parallel_loop3A_929, %parallel_loop3A_899 : vector<16xf32>
      %parallel_loop3A_931 = arith.constant 0.99999988 : f32
      %parallel_loop3A_932 = vector.broadcast %parallel_loop3A_931 : f32 to vector<16xf32>
      %parallel_loop3A_933 = arith.addf %parallel_loop3A_930, %parallel_loop3A_932 : vector<16xf32>
      %parallel_loop3A_934 = arith.mulf %parallel_loop3A_933, %parallel_loop3A_899 : vector<16xf32>
      %parallel_loop3A_935 = arith.constant -7.78871134E-10 : f32
      %parallel_loop3A_936 = vector.broadcast %parallel_loop3A_935 : f32 to vector<16xf32>
      %parallel_loop3A_937 = arith.addf %parallel_loop3A_934, %parallel_loop3A_936 : vector<16xf32>
      %parallel_loop3A_938 = arith.sitofp %parallel_loop3A_891 : vector<16xi32> to vector<16xf32>
      %parallel_loop3A_939 = arith.constant 0.693147182 : f32
      %parallel_loop3A_940 = vector.broadcast %parallel_loop3A_939 : f32 to vector<16xf32>
      %parallel_loop3A_941 = arith.mulf %parallel_loop3A_938, %parallel_loop3A_940 : vector<16xf32>
      %parallel_loop3A_942 = arith.addf %parallel_loop3A_941, %parallel_loop3A_937 : vector<16xf32>
      %parallel_loop3A_943 = arith.constant 1.000000e+00 : f32
      %parallel_loop3A_944 = vector.broadcast %parallel_loop3A_943 : f32 to vector<16xf32>
      %parallel_loop3A_945 = arith.divf %parallel_loop3A_944, %parallel_loop3A_884 : vector<16xf32>
      %parallel_loop3A_946 = arith.mulf %get3A_53, %parallel_loop3A_198 : vector<16xf32>
      %parallel_loop3A_947 = arith.addf %parallel_loop3A_197, %parallel_loop3A_946 : vector<16xf32>
      %parallel_loop3A_948 = arith.mulf %get3A_53, %parallel_loop3A_202 : vector<16xf32>
      %parallel_loop3A_949 = arith.addf %parallel_loop3A_201, %parallel_loop3A_948 : vector<16xf32>
      %parallel_loop3A_950 = arith.mulf %get3A_53, %parallel_loop3A_206 : vector<16xf32>
      %parallel_loop3A_951 = arith.addf %parallel_loop3A_183, %parallel_loop3A_950 : vector<16xf32>
      %parallel_loop3A_952 = arith.mulf %parallel_loop3A_949, %parallel_loop3A_945 : vector<16xf32>
      %parallel_loop3A_953 = arith.mulf %parallel_loop3A_951, %parallel_loop3A_945 : vector<16xf32>
      %parallel_loop3A_954 = arith.mulf %parallel_loop3A_952, %parallel_loop3A_952 : vector<16xf32>
      %parallel_loop3A_955 = arith.mulf %parallel_loop3A_954, %parallel_loop3A_213 : vector<16xf32>
      %parallel_loop3A_956 = arith.mulf %parallel_loop3A_953, %parallel_loop3A_953 : vector<16xf32>
      %parallel_loop3A_957 = arith.mulf %parallel_loop3A_956, %parallel_loop3A_216 : vector<16xf32>
      %parallel_loop3A_958 = arith.addf %parallel_loop3A_955, %parallel_loop3A_957 : vector<16xf32>
      %parallel_loop3A_959 = arith.mulf %parallel_loop3A_116, %parallel_loop3A_140 : vector<16xf32>
      %parallel_loop3A_960 = arith.mulf %parallel_loop3A_947, %parallel_loop3A_945 : vector<16xf32>
      %parallel_loop3A_961 = arith.mulf %parallel_loop3A_960, %parallel_loop3A_210 : vector<16xf32>
      %parallel_loop3A_962 = arith.addf %parallel_loop3A_942, %parallel_loop3A_961 : vector<16xf32>
      %parallel_loop3A_963 = arith.subf %parallel_loop3A_962, %parallel_loop3A_958 : vector<16xf32>
      %parallel_loop3A_964 = arith.mulf %parallel_loop3A_959, %parallel_loop3A_963 : vector<16xf32>
      %parallel_loop3A_965 = arith.addf %parallel_loop3A_882, %parallel_loop3A_964 : vector<16xf32>
      %parallel_loop3A_966 = arith.mulf %get3A_55, %parallel_loop3A_194 : vector<16xf32>
      %parallel_loop3A_967 = arith.subf %parallel_loop3A_193, %parallel_loop3A_966 : vector<16xf32>
      %parallel_loop3A_968 = tpu.bitcast %parallel_loop3A_967 : vector<16xf32> -> vector<16xi32>
      %parallel_loop3A_969 = arith.constant 1060306944 : i32
      %parallel_loop3A_970 = vector.broadcast %parallel_loop3A_969 : i32 to vector<16xi32>
      %parallel_loop3A_971 = arith.subi %parallel_loop3A_968, %parallel_loop3A_970 : vector<16xi32>
      %parallel_loop3A_972 = arith.constant 23 : i32
      %parallel_loop3A_973 = vector.broadcast %parallel_loop3A_972 : i32 to vector<16xi32>
      %parallel_loop3A_974 = arith.shrsi %parallel_loop3A_971, %parallel_loop3A_973 : vector<16xi32>
      %parallel_loop3A_975 = arith.constant -8388608 : i32
      %parallel_loop3A_976 = vector.broadcast %parallel_loop3A_975 : i32 to vector<16xi32>
      %parallel_loop3A_977 = arith.andi %parallel_loop3A_971, %parallel_loop3A_976 : vector<16xi32>
      %parallel_loop3A_978 = arith.subi %parallel_loop3A_968, %parallel_loop3A_977 : vector<16xi32>
      %parallel_loop3A_979 = tpu.bitcast %parallel_loop3A_978 : vector<16xi32> -> vector<16xf32>
      %parallel_loop3A_980 = arith.constant 1.000000e+00 : f32
      %parallel_loop3A_981 = vector.broadcast %parallel_loop3A_980 : f32 to vector<16xf32>
      %parallel_loop3A_982 = arith.subf %parallel_loop3A_979, %parallel_loop3A_981 : vector<16xf32>
      %parallel_loop3A_983 = arith.constant 0.0927427262 : f32
      %parallel_loop3A_984 = vector.broadcast %parallel_loop3A_983 : f32 to vector<16xf32>
      %parallel_loop3A_985 = arith.mulf %parallel_loop3A_984, %parallel_loop3A_982 : vector<16xf32>
      %parallel_loop3A_986 = arith.constant -0.147077695 : f32
      %parallel_loop3A_987 = vector.broadcast %parallel_loop3A_986 : f32 to vector<16xf32>
      %parallel_loop3A_988 = arith.addf %parallel_loop3A_985, %parallel_loop3A_987 : vector<16xf32>
      %parallel_loop3A_989 = arith.mulf %parallel_loop3A_988, %parallel_loop3A_982 : vector<16xf32>
      %parallel_loop3A_990 = arith.constant 0.149321571 : f32
      %parallel_loop3A_991 = vector.broadcast %parallel_loop3A_990 : f32 to vector<16xf32>
      %parallel_loop3A_992 = arith.addf %parallel_loop3A_989, %parallel_loop3A_991 : vector<16xf32>
      %parallel_loop3A_993 = arith.mulf %parallel_loop3A_992, %parallel_loop3A_982 : vector<16xf32>
      %parallel_loop3A_994 = arith.constant -1.651150e-01 : f32
      %parallel_loop3A_995 = vector.broadcast %parallel_loop3A_994 : f32 to vector<16xf32>
      %parallel_loop3A_996 = arith.addf %parallel_loop3A_993, %parallel_loop3A_995 : vector<16xf32>
      %parallel_loop3A_997 = arith.mulf %parallel_loop3A_996, %parallel_loop3A_982 : vector<16xf32>
      %parallel_loop3A_998 = arith.constant 0.199501306 : f32
      %parallel_loop3A_999 = vector.broadcast %parallel_loop3A_998 : f32 to vector<16xf32>
      %parallel_loop3A_1000 = arith.addf %parallel_loop3A_997, %parallel_loop3A_999 : vector<16xf32>
      %parallel_loop3A_1001 = arith.mulf %parallel_loop3A_1000, %parallel_loop3A_982 : vector<16xf32>
      %parallel_loop3A_1002 = arith.constant -0.250043482 : f32
      %parallel_loop3A_1003 = vector.broadcast %parallel_loop3A_1002 : f32 to vector<16xf32>
      %parallel_loop3A_1004 = arith.addf %parallel_loop3A_1001, %parallel_loop3A_1003 : vector<16xf32>
      %parallel_loop3A_1005 = arith.mulf %parallel_loop3A_1004, %parallel_loop3A_982 : vector<16xf32>
      %parallel_loop3A_1006 = arith.constant 0.333346516 : f32
      %parallel_loop3A_1007 = vector.broadcast %parallel_loop3A_1006 : f32 to vector<16xf32>
      %parallel_loop3A_1008 = arith.addf %parallel_loop3A_1005, %parallel_loop3A_1007 : vector<16xf32>
      %parallel_loop3A_1009 = arith.mulf %parallel_loop3A_1008, %parallel_loop3A_982 : vector<16xf32>
      %parallel_loop3A_1010 = arith.constant -0.499999553 : f32
      %parallel_loop3A_1011 = vector.broadcast %parallel_loop3A_1010 : f32 to vector<16xf32>
      %parallel_loop3A_1012 = arith.addf %parallel_loop3A_1009, %parallel_loop3A_1011 : vector<16xf32>
      %parallel_loop3A_1013 = arith.mulf %parallel_loop3A_1012, %parallel_loop3A_982 : vector<16xf32>
      %parallel_loop3A_1014 = arith.constant 0.99999988 : f32
      %parallel_loop3A_1015 = vector.broadcast %parallel_loop3A_1014 : f32 to vector<16xf32>
      %parallel_loop3A_1016 = arith.addf %parallel_loop3A_1013, %parallel_loop3A_1015 : vector<16xf32>
      %parallel_loop3A_1017 = arith.mulf %parallel_loop3A_1016, %parallel_loop3A_982 : vector<16xf32>
      %parallel_loop3A_1018 = arith.constant -7.78871134E-10 : f32
      %parallel_loop3A_1019 = vector.broadcast %parallel_loop3A_1018 : f32 to vector<16xf32>
      %parallel_loop3A_1020 = arith.addf %parallel_loop3A_1017, %parallel_loop3A_1019 : vector<16xf32>
      %parallel_loop3A_1021 = arith.sitofp %parallel_loop3A_974 : vector<16xi32> to vector<16xf32>
      %parallel_loop3A_1022 = arith.constant 0.693147182 : f32
      %parallel_loop3A_1023 = vector.broadcast %parallel_loop3A_1022 : f32 to vector<16xf32>
      %parallel_loop3A_1024 = arith.mulf %parallel_loop3A_1021, %parallel_loop3A_1023 : vector<16xf32>
      %parallel_loop3A_1025 = arith.addf %parallel_loop3A_1024, %parallel_loop3A_1020 : vector<16xf32>
      %parallel_loop3A_1026 = arith.constant 1.000000e+00 : f32
      %parallel_loop3A_1027 = vector.broadcast %parallel_loop3A_1026 : f32 to vector<16xf32>
      %parallel_loop3A_1028 = arith.divf %parallel_loop3A_1027, %parallel_loop3A_967 : vector<16xf32>
      %parallel_loop3A_1029 = arith.mulf %get3A_55, %parallel_loop3A_198 : vector<16xf32>
      %parallel_loop3A_1030 = arith.addf %parallel_loop3A_197, %parallel_loop3A_1029 : vector<16xf32>
      %parallel_loop3A_1031 = arith.mulf %get3A_55, %parallel_loop3A_202 : vector<16xf32>
      %parallel_loop3A_1032 = arith.addf %parallel_loop3A_201, %parallel_loop3A_1031 : vector<16xf32>
      %parallel_loop3A_1033 = arith.mulf %get3A_55, %parallel_loop3A_206 : vector<16xf32>
      %parallel_loop3A_1034 = arith.addf %parallel_loop3A_183, %parallel_loop3A_1033 : vector<16xf32>
      %parallel_loop3A_1035 = arith.mulf %parallel_loop3A_1032, %parallel_loop3A_1028 : vector<16xf32>
      %parallel_loop3A_1036 = arith.mulf %parallel_loop3A_1034, %parallel_loop3A_1028 : vector<16xf32>
      %parallel_loop3A_1037 = arith.mulf %parallel_loop3A_1035, %parallel_loop3A_1035 : vector<16xf32>
      %parallel_loop3A_1038 = arith.mulf %parallel_loop3A_1037, %parallel_loop3A_213 : vector<16xf32>
      %parallel_loop3A_1039 = arith.mulf %parallel_loop3A_1036, %parallel_loop3A_1036 : vector<16xf32>
      %parallel_loop3A_1040 = arith.mulf %parallel_loop3A_1039, %parallel_loop3A_216 : vector<16xf32>
      %parallel_loop3A_1041 = arith.addf %parallel_loop3A_1038, %parallel_loop3A_1040 : vector<16xf32>
      %parallel_loop3A_1042 = arith.mulf %parallel_loop3A_119, %parallel_loop3A_134 : vector<16xf32>
      %parallel_loop3A_1043 = arith.mulf %parallel_loop3A_1030, %parallel_loop3A_1028 : vector<16xf32>
      %parallel_loop3A_1044 = arith.mulf %parallel_loop3A_1043, %parallel_loop3A_210 : vector<16xf32>
      %parallel_loop3A_1045 = arith.addf %parallel_loop3A_1025, %parallel_loop3A_1044 : vector<16xf32>
      %parallel_loop3A_1046 = arith.subf %parallel_loop3A_1045, %parallel_loop3A_1041 : vector<16xf32>
      %parallel_loop3A_1047 = arith.mulf %parallel_loop3A_1042, %parallel_loop3A_1046 : vector<16xf32>
      %parallel_loop3A_1048 = arith.addf %parallel_loop3A_965, %parallel_loop3A_1047 : vector<16xf32>
      %parallel_loop3A_1049 = arith.mulf %get3A_57, %parallel_loop3A_194 : vector<16xf32>
      %parallel_loop3A_1050 = arith.subf %parallel_loop3A_193, %parallel_loop3A_1049 : vector<16xf32>
      %parallel_loop3A_1051 = tpu.bitcast %parallel_loop3A_1050 : vector<16xf32> -> vector<16xi32>
      %parallel_loop3A_1052 = arith.constant 1060306944 : i32
      %parallel_loop3A_1053 = vector.broadcast %parallel_loop3A_1052 : i32 to vector<16xi32>
      %parallel_loop3A_1054 = arith.subi %parallel_loop3A_1051, %parallel_loop3A_1053 : vector<16xi32>
      %parallel_loop3A_1055 = arith.constant 23 : i32
      %parallel_loop3A_1056 = vector.broadcast %parallel_loop3A_1055 : i32 to vector<16xi32>
      %parallel_loop3A_1057 = arith.shrsi %parallel_loop3A_1054, %parallel_loop3A_1056 : vector<16xi32>
      %parallel_loop3A_1058 = arith.constant -8388608 : i32
      %parallel_loop3A_1059 = vector.broadcast %parallel_loop3A_1058 : i32 to vector<16xi32>
      %parallel_loop3A_1060 = arith.andi %parallel_loop3A_1054, %parallel_loop3A_1059 : vector<16xi32>
      %parallel_loop3A_1061 = arith.subi %parallel_loop3A_1051, %parallel_loop3A_1060 : vector<16xi32>
      %parallel_loop3A_1062 = tpu.bitcast %parallel_loop3A_1061 : vector<16xi32> -> vector<16xf32>
      %parallel_loop3A_1063 = arith.constant 1.000000e+00 : f32
      %parallel_loop3A_1064 = vector.broadcast %parallel_loop3A_1063 : f32 to vector<16xf32>
      %parallel_loop3A_1065 = arith.subf %parallel_loop3A_1062, %parallel_loop3A_1064 : vector<16xf32>
      %parallel_loop3A_1066 = arith.constant 0.0927427262 : f32
      %parallel_loop3A_1067 = vector.broadcast %parallel_loop3A_1066 : f32 to vector<16xf32>
      %parallel_loop3A_1068 = arith.mulf %parallel_loop3A_1067, %parallel_loop3A_1065 : vector<16xf32>
      %parallel_loop3A_1069 = arith.constant -0.147077695 : f32
      %parallel_loop3A_1070 = vector.broadcast %parallel_loop3A_1069 : f32 to vector<16xf32>
      %parallel_loop3A_1071 = arith.addf %parallel_loop3A_1068, %parallel_loop3A_1070 : vector<16xf32>
      %parallel_loop3A_1072 = arith.mulf %parallel_loop3A_1071, %parallel_loop3A_1065 : vector<16xf32>
      %parallel_loop3A_1073 = arith.constant 0.149321571 : f32
      %parallel_loop3A_1074 = vector.broadcast %parallel_loop3A_1073 : f32 to vector<16xf32>
      %parallel_loop3A_1075 = arith.addf %parallel_loop3A_1072, %parallel_loop3A_1074 : vector<16xf32>
      %parallel_loop3A_1076 = arith.mulf %parallel_loop3A_1075, %parallel_loop3A_1065 : vector<16xf32>
      %parallel_loop3A_1077 = arith.constant -1.651150e-01 : f32
      %parallel_loop3A_1078 = vector.broadcast %parallel_loop3A_1077 : f32 to vector<16xf32>
      %parallel_loop3A_1079 = arith.addf %parallel_loop3A_1076, %parallel_loop3A_1078 : vector<16xf32>
      %parallel_loop3A_1080 = arith.mulf %parallel_loop3A_1079, %parallel_loop3A_1065 : vector<16xf32>
      %parallel_loop3A_1081 = arith.constant 0.199501306 : f32
      %parallel_loop3A_1082 = vector.broadcast %parallel_loop3A_1081 : f32 to vector<16xf32>
      %parallel_loop3A_1083 = arith.addf %parallel_loop3A_1080, %parallel_loop3A_1082 : vector<16xf32>
      %parallel_loop3A_1084 = arith.mulf %parallel_loop3A_1083, %parallel_loop3A_1065 : vector<16xf32>
      %parallel_loop3A_1085 = arith.constant -0.250043482 : f32
      %parallel_loop3A_1086 = vector.broadcast %parallel_loop3A_1085 : f32 to vector<16xf32>
      %parallel_loop3A_1087 = arith.addf %parallel_loop3A_1084, %parallel_loop3A_1086 : vector<16xf32>
      %parallel_loop3A_1088 = arith.mulf %parallel_loop3A_1087, %parallel_loop3A_1065 : vector<16xf32>
      %parallel_loop3A_1089 = arith.constant 0.333346516 : f32
      %parallel_loop3A_1090 = vector.broadcast %parallel_loop3A_1089 : f32 to vector<16xf32>
      %parallel_loop3A_1091 = arith.addf %parallel_loop3A_1088, %parallel_loop3A_1090 : vector<16xf32>
      %parallel_loop3A_1092 = arith.mulf %parallel_loop3A_1091, %parallel_loop3A_1065 : vector<16xf32>
      %parallel_loop3A_1093 = arith.constant -0.499999553 : f32
      %parallel_loop3A_1094 = vector.broadcast %parallel_loop3A_1093 : f32 to vector<16xf32>
      %parallel_loop3A_1095 = arith.addf %parallel_loop3A_1092, %parallel_loop3A_1094 : vector<16xf32>
      %parallel_loop3A_1096 = arith.mulf %parallel_loop3A_1095, %parallel_loop3A_1065 : vector<16xf32>
      %parallel_loop3A_1097 = arith.constant 0.99999988 : f32
      %parallel_loop3A_1098 = vector.broadcast %parallel_loop3A_1097 : f32 to vector<16xf32>
      %parallel_loop3A_1099 = arith.addf %parallel_loop3A_1096, %parallel_loop3A_1098 : vector<16xf32>
      %parallel_loop3A_1100 = arith.mulf %parallel_loop3A_1099, %parallel_loop3A_1065 : vector<16xf32>
      %parallel_loop3A_1101 = arith.constant -7.78871134E-10 : f32
      %parallel_loop3A_1102 = vector.broadcast %parallel_loop3A_1101 : f32 to vector<16xf32>
      %parallel_loop3A_1103 = arith.addf %parallel_loop3A_1100, %parallel_loop3A_1102 : vector<16xf32>
      %parallel_loop3A_1104 = arith.sitofp %parallel_loop3A_1057 : vector<16xi32> to vector<16xf32>
      %parallel_loop3A_1105 = arith.constant 0.693147182 : f32
      %parallel_loop3A_1106 = vector.broadcast %parallel_loop3A_1105 : f32 to vector<16xf32>
      %parallel_loop3A_1107 = arith.mulf %parallel_loop3A_1104, %parallel_loop3A_1106 : vector<16xf32>
      %parallel_loop3A_1108 = arith.addf %parallel_loop3A_1107, %parallel_loop3A_1103 : vector<16xf32>
      %parallel_loop3A_1109 = arith.constant 1.000000e+00 : f32
      %parallel_loop3A_1110 = vector.broadcast %parallel_loop3A_1109 : f32 to vector<16xf32>
      %parallel_loop3A_1111 = arith.divf %parallel_loop3A_1110, %parallel_loop3A_1050 : vector<16xf32>
      %parallel_loop3A_1112 = arith.mulf %get3A_57, %parallel_loop3A_198 : vector<16xf32>
      %parallel_loop3A_1113 = arith.addf %parallel_loop3A_197, %parallel_loop3A_1112 : vector<16xf32>
      %parallel_loop3A_1114 = arith.mulf %get3A_57, %parallel_loop3A_202 : vector<16xf32>
      %parallel_loop3A_1115 = arith.addf %parallel_loop3A_201, %parallel_loop3A_1114 : vector<16xf32>
      %parallel_loop3A_1116 = arith.mulf %get3A_57, %parallel_loop3A_206 : vector<16xf32>
      %parallel_loop3A_1117 = arith.addf %parallel_loop3A_183, %parallel_loop3A_1116 : vector<16xf32>
      %parallel_loop3A_1118 = arith.mulf %parallel_loop3A_1115, %parallel_loop3A_1111 : vector<16xf32>
      %parallel_loop3A_1119 = arith.mulf %parallel_loop3A_1117, %parallel_loop3A_1111 : vector<16xf32>
      %parallel_loop3A_1120 = arith.mulf %parallel_loop3A_1118, %parallel_loop3A_1118 : vector<16xf32>
      %parallel_loop3A_1121 = arith.mulf %parallel_loop3A_1120, %parallel_loop3A_213 : vector<16xf32>
      %parallel_loop3A_1122 = arith.mulf %parallel_loop3A_1119, %parallel_loop3A_1119 : vector<16xf32>
      %parallel_loop3A_1123 = arith.mulf %parallel_loop3A_1122, %parallel_loop3A_216 : vector<16xf32>
      %parallel_loop3A_1124 = arith.addf %parallel_loop3A_1121, %parallel_loop3A_1123 : vector<16xf32>
      %parallel_loop3A_1125 = arith.mulf %parallel_loop3A_119, %parallel_loop3A_137 : vector<16xf32>
      %parallel_loop3A_1126 = arith.mulf %parallel_loop3A_1113, %parallel_loop3A_1111 : vector<16xf32>
      %parallel_loop3A_1127 = arith.mulf %parallel_loop3A_1126, %parallel_loop3A_210 : vector<16xf32>
      %parallel_loop3A_1128 = arith.addf %parallel_loop3A_1108, %parallel_loop3A_1127 : vector<16xf32>
      %parallel_loop3A_1129 = arith.subf %parallel_loop3A_1128, %parallel_loop3A_1124 : vector<16xf32>
      %parallel_loop3A_1130 = arith.mulf %parallel_loop3A_1125, %parallel_loop3A_1129 : vector<16xf32>
      %parallel_loop3A_1131 = arith.addf %parallel_loop3A_1048, %parallel_loop3A_1130 : vector<16xf32>
      %parallel_loop3A_1132 = arith.mulf %get3A_59, %parallel_loop3A_194 : vector<16xf32>
      %parallel_loop3A_1133 = arith.subf %parallel_loop3A_193, %parallel_loop3A_1132 : vector<16xf32>
      %parallel_loop3A_1134 = tpu.bitcast %parallel_loop3A_1133 : vector<16xf32> -> vector<16xi32>
      %parallel_loop3A_1135 = arith.constant 1060306944 : i32
      %parallel_loop3A_1136 = vector.broadcast %parallel_loop3A_1135 : i32 to vector<16xi32>
      %parallel_loop3A_1137 = arith.subi %parallel_loop3A_1134, %parallel_loop3A_1136 : vector<16xi32>
      %parallel_loop3A_1138 = arith.constant 23 : i32
      %parallel_loop3A_1139 = vector.broadcast %parallel_loop3A_1138 : i32 to vector<16xi32>
      %parallel_loop3A_1140 = arith.shrsi %parallel_loop3A_1137, %parallel_loop3A_1139 : vector<16xi32>
      %parallel_loop3A_1141 = arith.constant -8388608 : i32
      %parallel_loop3A_1142 = vector.broadcast %parallel_loop3A_1141 : i32 to vector<16xi32>
      %parallel_loop3A_1143 = arith.andi %parallel_loop3A_1137, %parallel_loop3A_1142 : vector<16xi32>
      %parallel_loop3A_1144 = arith.subi %parallel_loop3A_1134, %parallel_loop3A_1143 : vector<16xi32>
      %parallel_loop3A_1145 = tpu.bitcast %parallel_loop3A_1144 : vector<16xi32> -> vector<16xf32>
      %parallel_loop3A_1146 = arith.constant 1.000000e+00 : f32
      %parallel_loop3A_1147 = vector.broadcast %parallel_loop3A_1146 : f32 to vector<16xf32>
      %parallel_loop3A_1148 = arith.subf %parallel_loop3A_1145, %parallel_loop3A_1147 : vector<16xf32>
      %parallel_loop3A_1149 = arith.constant 0.0927427262 : f32
      %parallel_loop3A_1150 = vector.broadcast %parallel_loop3A_1149 : f32 to vector<16xf32>
      %parallel_loop3A_1151 = arith.mulf %parallel_loop3A_1150, %parallel_loop3A_1148 : vector<16xf32>
      %parallel_loop3A_1152 = arith.constant -0.147077695 : f32
      %parallel_loop3A_1153 = vector.broadcast %parallel_loop3A_1152 : f32 to vector<16xf32>
      %parallel_loop3A_1154 = arith.addf %parallel_loop3A_1151, %parallel_loop3A_1153 : vector<16xf32>
      %parallel_loop3A_1155 = arith.mulf %parallel_loop3A_1154, %parallel_loop3A_1148 : vector<16xf32>
      %parallel_loop3A_1156 = arith.constant 0.149321571 : f32
      %parallel_loop3A_1157 = vector.broadcast %parallel_loop3A_1156 : f32 to vector<16xf32>
      %parallel_loop3A_1158 = arith.addf %parallel_loop3A_1155, %parallel_loop3A_1157 : vector<16xf32>
      %parallel_loop3A_1159 = arith.mulf %parallel_loop3A_1158, %parallel_loop3A_1148 : vector<16xf32>
      %parallel_loop3A_1160 = arith.constant -1.651150e-01 : f32
      %parallel_loop3A_1161 = vector.broadcast %parallel_loop3A_1160 : f32 to vector<16xf32>
      %parallel_loop3A_1162 = arith.addf %parallel_loop3A_1159, %parallel_loop3A_1161 : vector<16xf32>
      %parallel_loop3A_1163 = arith.mulf %parallel_loop3A_1162, %parallel_loop3A_1148 : vector<16xf32>
      %parallel_loop3A_1164 = arith.constant 0.199501306 : f32
      %parallel_loop3A_1165 = vector.broadcast %parallel_loop3A_1164 : f32 to vector<16xf32>
      %parallel_loop3A_1166 = arith.addf %parallel_loop3A_1163, %parallel_loop3A_1165 : vector<16xf32>
      %parallel_loop3A_1167 = arith.mulf %parallel_loop3A_1166, %parallel_loop3A_1148 : vector<16xf32>
      %parallel_loop3A_1168 = arith.constant -0.250043482 : f32
      %parallel_loop3A_1169 = vector.broadcast %parallel_loop3A_1168 : f32 to vector<16xf32>
      %parallel_loop3A_1170 = arith.addf %parallel_loop3A_1167, %parallel_loop3A_1169 : vector<16xf32>
      %parallel_loop3A_1171 = arith.mulf %parallel_loop3A_1170, %parallel_loop3A_1148 : vector<16xf32>
      %parallel_loop3A_1172 = arith.constant 0.333346516 : f32
      %parallel_loop3A_1173 = vector.broadcast %parallel_loop3A_1172 : f32 to vector<16xf32>
      %parallel_loop3A_1174 = arith.addf %parallel_loop3A_1171, %parallel_loop3A_1173 : vector<16xf32>
      %parallel_loop3A_1175 = arith.mulf %parallel_loop3A_1174, %parallel_loop3A_1148 : vector<16xf32>
      %parallel_loop3A_1176 = arith.constant -0.499999553 : f32
      %parallel_loop3A_1177 = vector.broadcast %parallel_loop3A_1176 : f32 to vector<16xf32>
      %parallel_loop3A_1178 = arith.addf %parallel_loop3A_1175, %parallel_loop3A_1177 : vector<16xf32>
      %parallel_loop3A_1179 = arith.mulf %parallel_loop3A_1178, %parallel_loop3A_1148 : vector<16xf32>
      %parallel_loop3A_1180 = arith.constant 0.99999988 : f32
      %parallel_loop3A_1181 = vector.broadcast %parallel_loop3A_1180 : f32 to vector<16xf32>
      %parallel_loop3A_1182 = arith.addf %parallel_loop3A_1179, %parallel_loop3A_1181 : vector<16xf32>
      %parallel_loop3A_1183 = arith.mulf %parallel_loop3A_1182, %parallel_loop3A_1148 : vector<16xf32>
      %parallel_loop3A_1184 = arith.constant -7.78871134E-10 : f32
      %parallel_loop3A_1185 = vector.broadcast %parallel_loop3A_1184 : f32 to vector<16xf32>
      %parallel_loop3A_1186 = arith.addf %parallel_loop3A_1183, %parallel_loop3A_1185 : vector<16xf32>
      %parallel_loop3A_1187 = arith.sitofp %parallel_loop3A_1140 : vector<16xi32> to vector<16xf32>
      %parallel_loop3A_1188 = arith.constant 0.693147182 : f32
      %parallel_loop3A_1189 = vector.broadcast %parallel_loop3A_1188 : f32 to vector<16xf32>
      %parallel_loop3A_1190 = arith.mulf %parallel_loop3A_1187, %parallel_loop3A_1189 : vector<16xf32>
      %parallel_loop3A_1191 = arith.addf %parallel_loop3A_1190, %parallel_loop3A_1186 : vector<16xf32>
      %parallel_loop3A_1192 = arith.constant 1.000000e+00 : f32
      %parallel_loop3A_1193 = vector.broadcast %parallel_loop3A_1192 : f32 to vector<16xf32>
      %parallel_loop3A_1194 = arith.divf %parallel_loop3A_1193, %parallel_loop3A_1133 : vector<16xf32>
      %parallel_loop3A_1195 = arith.mulf %get3A_59, %parallel_loop3A_198 : vector<16xf32>
      %parallel_loop3A_1196 = arith.addf %parallel_loop3A_197, %parallel_loop3A_1195 : vector<16xf32>
      %parallel_loop3A_1197 = arith.mulf %get3A_59, %parallel_loop3A_202 : vector<16xf32>
      %parallel_loop3A_1198 = arith.addf %parallel_loop3A_201, %parallel_loop3A_1197 : vector<16xf32>
      %parallel_loop3A_1199 = arith.mulf %get3A_59, %parallel_loop3A_206 : vector<16xf32>
      %parallel_loop3A_1200 = arith.addf %parallel_loop3A_183, %parallel_loop3A_1199 : vector<16xf32>
      %parallel_loop3A_1201 = arith.mulf %parallel_loop3A_1198, %parallel_loop3A_1194 : vector<16xf32>
      %parallel_loop3A_1202 = arith.mulf %parallel_loop3A_1200, %parallel_loop3A_1194 : vector<16xf32>
      %parallel_loop3A_1203 = arith.mulf %parallel_loop3A_1201, %parallel_loop3A_1201 : vector<16xf32>
      %parallel_loop3A_1204 = arith.mulf %parallel_loop3A_1203, %parallel_loop3A_213 : vector<16xf32>
      %parallel_loop3A_1205 = arith.mulf %parallel_loop3A_1202, %parallel_loop3A_1202 : vector<16xf32>
      %parallel_loop3A_1206 = arith.mulf %parallel_loop3A_1205, %parallel_loop3A_216 : vector<16xf32>
      %parallel_loop3A_1207 = arith.addf %parallel_loop3A_1204, %parallel_loop3A_1206 : vector<16xf32>
      %parallel_loop3A_1208 = arith.mulf %parallel_loop3A_119, %parallel_loop3A_140 : vector<16xf32>
      %parallel_loop3A_1209 = arith.mulf %parallel_loop3A_1196, %parallel_loop3A_1194 : vector<16xf32>
      %parallel_loop3A_1210 = arith.mulf %parallel_loop3A_1209, %parallel_loop3A_210 : vector<16xf32>
      %parallel_loop3A_1211 = arith.addf %parallel_loop3A_1191, %parallel_loop3A_1210 : vector<16xf32>
      %parallel_loop3A_1212 = arith.subf %parallel_loop3A_1211, %parallel_loop3A_1207 : vector<16xf32>
      %parallel_loop3A_1213 = arith.mulf %parallel_loop3A_1208, %parallel_loop3A_1212 : vector<16xf32>
      %parallel_loop3A_1214 = arith.addf %parallel_loop3A_1131, %parallel_loop3A_1213 : vector<16xf32>
      %parallel_loop3A_1215 = arith.constant 16 : i32
      %parallel_loop3A_1216 = arith.muli %parallel_loop3A_86, %parallel_loop3A_1215 : i32
      %parallel_loop3A_1217 = arith.subi %sub3A_62, %parallel_loop3A_1216 : i32
      %parallel_loop3A_1218 = vector.broadcast %parallel_loop3A_1217 : i32 to vector<16xi32>
      %parallel_loop3A_1219 = arith.cmpi slt, %iota3A, %parallel_loop3A_1218 : vector<16xi32>
      %parallel_loop3A_1220 = arith.constant 0.000000e+00 : f32
      %parallel_loop3A_1221 = vector.broadcast %parallel_loop3A_1220 : f32 to vector<16xf32>
      %parallel_loop3A_1222 = arith.select %parallel_loop3A_1219, %parallel_loop3A_1214, %parallel_loop3A_1221 : vector<16xi1>, vector<16xf32>
      %parallel_loop3A_1223 = arith.addf %parallel_loop3A_87, %parallel_loop3A_1222 : vector<16xf32>
      scf.yield %parallel_loop3A_1223 : vector<16xf32>
    } {sc.loop_unroll_factor = 6 : i64, sc.parallel_access}
    %mul3A_67 = arith.constant 3136 : i32
    %mul3A_68 = arith.muli %add3A, %mul3A_67 : i32
    %sub3A_69 = arith.constant 100000 : i32
    %sub3A_70 = arith.subi %sub3A_69, %mul3A_68 : i32
    %parallel_loop3A_71 = arith.constant 0 : i32
    %parallel_loop3A_72 = arith.constant 196 : i32
    %parallel_loop3A_73 = arith.constant 1 : i32
    %parallel_loop3A_74 = scf.for %parallel_loop3A_86 = %parallel_loop3A_71 to %parallel_loop3A_72 step %parallel_loop3A_73 iter_args(%parallel_loop3A_87 = %parallel_loop3A_66) -> (vector<16xf32>)  : i32 {
      %parallel_loop3A_88 = arith.constant 16 : i32
      %parallel_loop3A_89 = arith.muli %parallel_loop3A_86, %parallel_loop3A_88 : i32
      %parallel_loop3A_90 = arith.index_cast %parallel_loop3A_89 : i32 to index
      %parallel_loop3A_91 = tpu.vector_load %arg15[%parallel_loop3A_90] {strides = array<i32>} : memref<3136xi32, #tpu.memory_space<vmem>>, vector<16xi32>,
      %parallel_loop3A_92 = arith.constant 16 : i32
      %parallel_loop3A_93 = arith.muli %parallel_loop3A_86, %parallel_loop3A_92 : i32
      %parallel_loop3A_94 = arith.index_cast %parallel_loop3A_93 : i32 to index
      %parallel_loop3A_95 = tpu.vector_load %arg16[%parallel_loop3A_94] {strides = array<i32>} : memref<3136xi32, #tpu.memory_space<vmem>>, vector<16xi32>,
      %parallel_loop3A_96 = arith.constant 0 : i32
      %parallel_loop3A_97 = vector.broadcast %parallel_loop3A_96 : i32 to vector<16xi32>
      %parallel_loop3A_98 = tpu.vector_load_idx %arg11[%parallel_loop3A_97, %parallel_loop3A_91] : memref<21x2000xf32, #tpu.memory_space<vmem>>[vector<16xi32>, vector<16xi32>], vector<16xf32>,
      %parallel_loop3A_99 = arith.constant 1 : i32
      %parallel_loop3A_100 = vector.broadcast %parallel_loop3A_99 : i32 to vector<16xi32>
      %parallel_loop3A_101 = tpu.vector_load_idx %arg11[%parallel_loop3A_100, %parallel_loop3A_91] : memref<21x2000xf32, #tpu.memory_space<vmem>>[vector<16xi32>, vector<16xi32>], vector<16xf32>,
      %parallel_loop3A_102 = arith.constant 2 : i32
      %parallel_loop3A_103 = vector.broadcast %parallel_loop3A_102 : i32 to vector<16xi32>
      %parallel_loop3A_104 = tpu.vector_load_idx %arg11[%parallel_loop3A_103, %parallel_loop3A_91] : memref<21x2000xf32, #tpu.memory_space<vmem>>[vector<16xi32>, vector<16xi32>], vector<16xf32>,
      %parallel_loop3A_105 = arith.constant 3 : i32
      %parallel_loop3A_106 = vector.broadcast %parallel_loop3A_105 : i32 to vector<16xi32>
      %parallel_loop3A_107 = tpu.vector_load_idx %arg11[%parallel_loop3A_106, %parallel_loop3A_91] : memref<21x2000xf32, #tpu.memory_space<vmem>>[vector<16xi32>, vector<16xi32>], vector<16xf32>,
      %parallel_loop3A_108 = arith.constant 8 : i32
      %parallel_loop3A_109 = vector.broadcast %parallel_loop3A_108 : i32 to vector<16xi32>
      %parallel_loop3A_110 = tpu.vector_load_idx %arg11[%parallel_loop3A_109, %parallel_loop3A_95] : memref<21x2000xf32, #tpu.memory_space<vmem>>[vector<16xi32>, vector<16xi32>], vector<16xf32>,
      %parallel_loop3A_111 = arith.constant 9 : i32
      %parallel_loop3A_112 = vector.broadcast %parallel_loop3A_111 : i32 to vector<16xi32>
      %parallel_loop3A_113 = tpu.vector_load_idx %arg11[%parallel_loop3A_112, %parallel_loop3A_95] : memref<21x2000xf32, #tpu.memory_space<vmem>>[vector<16xi32>, vector<16xi32>], vector<16xf32>,
      %parallel_loop3A_114 = arith.constant 10 : i32
      %parallel_loop3A_115 = vector.broadcast %parallel_loop3A_114 : i32 to vector<16xi32>
      %parallel_loop3A_116 = tpu.vector_load_idx %arg11[%parallel_loop3A_115, %parallel_loop3A_95] : memref<21x2000xf32, #tpu.memory_space<vmem>>[vector<16xi32>, vector<16xi32>], vector<16xf32>,
      %parallel_loop3A_117 = arith.constant 11 : i32
      %parallel_loop3A_118 = vector.broadcast %parallel_loop3A_117 : i32 to vector<16xi32>
      %parallel_loop3A_119 = tpu.vector_load_idx %arg11[%parallel_loop3A_118, %parallel_loop3A_95] : memref<21x2000xf32, #tpu.memory_space<vmem>>[vector<16xi32>, vector<16xi32>], vector<16xf32>,
      %parallel_loop3A_120 = arith.constant 12 : i32
      %parallel_loop3A_121 = vector.broadcast %parallel_loop3A_120 : i32 to vector<16xi32>
      %parallel_loop3A_122 = tpu.vector_load_idx %arg11[%parallel_loop3A_121, %parallel_loop3A_95] : memref<21x2000xf32, #tpu.memory_space<vmem>>[vector<16xi32>, vector<16xi32>], vector<16xf32>,
      %parallel_loop3A_123 = arith.constant 13 : i32
      %parallel_loop3A_124 = vector.broadcast %parallel_loop3A_123 : i32 to vector<16xi32>
      %parallel_loop3A_125 = tpu.vector_load_idx %arg11[%parallel_loop3A_124, %parallel_loop3A_95] : memref<21x2000xf32, #tpu.memory_space<vmem>>[vector<16xi32>, vector<16xi32>], vector<16xf32>,
      %parallel_loop3A_126 = arith.constant 14 : i32
      %parallel_loop3A_127 = vector.broadcast %parallel_loop3A_126 : i32 to vector<16xi32>
      %parallel_loop3A_128 = tpu.vector_load_idx %arg11[%parallel_loop3A_127, %parallel_loop3A_95] : memref<21x2000xf32, #tpu.memory_space<vmem>>[vector<16xi32>, vector<16xi32>], vector<16xf32>,
      %parallel_loop3A_129 = arith.constant 15 : i32
      %parallel_loop3A_130 = vector.broadcast %parallel_loop3A_129 : i32 to vector<16xi32>
      %parallel_loop3A_131 = tpu.vector_load_idx %arg11[%parallel_loop3A_130, %parallel_loop3A_91] : memref<21x2000xf32, #tpu.memory_space<vmem>>[vector<16xi32>, vector<16xi32>], vector<16xf32>,
      %parallel_loop3A_132 = arith.constant 16 : i32
      %parallel_loop3A_133 = vector.broadcast %parallel_loop3A_132 : i32 to vector<16xi32>
      %parallel_loop3A_134 = tpu.vector_load_idx %arg11[%parallel_loop3A_133, %parallel_loop3A_91] : memref<21x2000xf32, #tpu.memory_space<vmem>>[vector<16xi32>, vector<16xi32>], vector<16xf32>,
      %parallel_loop3A_135 = arith.constant 17 : i32
      %parallel_loop3A_136 = vector.broadcast %parallel_loop3A_135 : i32 to vector<16xi32>
      %parallel_loop3A_137 = tpu.vector_load_idx %arg11[%parallel_loop3A_136, %parallel_loop3A_91] : memref<21x2000xf32, #tpu.memory_space<vmem>>[vector<16xi32>, vector<16xi32>], vector<16xf32>,
      %parallel_loop3A_138 = arith.addf %get3A_35, %parallel_loop3A_98 : vector<16xf32>
      %parallel_loop3A_139 = arith.addf %parallel_loop3A_138, %parallel_loop3A_110 : vector<16xf32>
      %parallel_loop3A_140 = arith.addf %parallel_loop3A_139, %parallel_loop3A_101 : vector<16xf32>
      %parallel_loop3A_141 = arith.addf %parallel_loop3A_140, %parallel_loop3A_113 : vector<16xf32>
      %parallel_loop3A_142 = math.absf %parallel_loop3A_141 : vector<16xf32>
      %parallel_loop3A_143 = arith.constant 0.000000e+00 : f32
      %parallel_loop3A_144 = vector.broadcast %parallel_loop3A_143 : f32 to vector<16xf32>
      %parallel_loop3A_145 = arith.subf %parallel_loop3A_144, %parallel_loop3A_142 : vector<16xf32>
      %parallel_loop3A_146 = math.exp %parallel_loop3A_145 : vector<16xf32>
      %parallel_loop3A_147 = arith.constant 1.000000e+00 : f32
      %parallel_loop3A_148 = vector.broadcast %parallel_loop3A_147 : f32 to vector<16xf32>
      %parallel_loop3A_149 = arith.addf %parallel_loop3A_148, %parallel_loop3A_146 : vector<16xf32>
      %parallel_loop3A_150 = arith.constant 1.000000e+00 : f32
      %parallel_loop3A_151 = vector.broadcast %parallel_loop3A_150 : f32 to vector<16xf32>
      %parallel_loop3A_152 = arith.divf %parallel_loop3A_151, %parallel_loop3A_149 : vector<16xf32>
      %parallel_loop3A_153 = arith.constant 0.000000e+00 : f32
      %parallel_loop3A_154 = vector.broadcast %parallel_loop3A_153 : f32 to vector<16xf32>
      %parallel_loop3A_155 = arith.cmpf oge, %parallel_loop3A_141, %parallel_loop3A_154 : vector<16xf32>
      %parallel_loop3A_156 = arith.mulf %parallel_loop3A_146, %parallel_loop3A_152 : vector<16xf32>
      %parallel_loop3A_157 = arith.select %parallel_loop3A_155, %parallel_loop3A_152, %parallel_loop3A_156 : vector<16xi1>, vector<16xf32>
      %parallel_loop3A_158 = arith.constant 0.000000e+00 : f32
      %parallel_loop3A_159 = vector.broadcast %parallel_loop3A_158 : f32 to vector<16xf32>
      %parallel_loop3A_160 = arith.minimumf %parallel_loop3A_141, %parallel_loop3A_159 : vector<16xf32>
      %parallel_loop3A_161 = arith.constant 1.000000e+00 : f32
      %parallel_loop3A_162 = vector.broadcast %parallel_loop3A_161 : f32 to vector<16xf32>
      %parallel_loop3A_163 = arith.addf %parallel_loop3A_162, %parallel_loop3A_146 : vector<16xf32>
      %parallel_loop3A_164 = tpu.bitcast %parallel_loop3A_163 : vector<16xf32> -> vector<16xi32>
      %parallel_loop3A_165 = arith.constant 1060306944 : i32
      %parallel_loop3A_166 = vector.broadcast %parallel_loop3A_165 : i32 to vector<16xi32>
      %parallel_loop3A_167 = arith.subi %parallel_loop3A_164, %parallel_loop3A_166 : vector<16xi32>
      %parallel_loop3A_168 = arith.constant 23 : i32
      %parallel_loop3A_169 = vector.broadcast %parallel_loop3A_168 : i32 to vector<16xi32>
      %parallel_loop3A_170 = arith.shrsi %parallel_loop3A_167, %parallel_loop3A_169 : vector<16xi32>
      %parallel_loop3A_171 = arith.constant -8388608 : i32
      %parallel_loop3A_172 = vector.broadcast %parallel_loop3A_171 : i32 to vector<16xi32>
      %parallel_loop3A_173 = arith.andi %parallel_loop3A_167, %parallel_loop3A_172 : vector<16xi32>
      %parallel_loop3A_174 = arith.subi %parallel_loop3A_164, %parallel_loop3A_173 : vector<16xi32>
      %parallel_loop3A_175 = tpu.bitcast %parallel_loop3A_174 : vector<16xi32> -> vector<16xf32>
      %parallel_loop3A_176 = arith.constant 1.000000e+00 : f32
      %parallel_loop3A_177 = vector.broadcast %parallel_loop3A_176 : f32 to vector<16xf32>
      %parallel_loop3A_178 = arith.subf %parallel_loop3A_175, %parallel_loop3A_177 : vector<16xf32>
      %parallel_loop3A_179 = arith.constant 0.0927427262 : f32
      %parallel_loop3A_180 = vector.broadcast %parallel_loop3A_179 : f32 to vector<16xf32>
      %parallel_loop3A_181 = arith.mulf %parallel_loop3A_180, %parallel_loop3A_178 : vector<16xf32>
      %parallel_loop3A_182 = arith.constant -0.147077695 : f32
      %parallel_loop3A_183 = vector.broadcast %parallel_loop3A_182 : f32 to vector<16xf32>
      %parallel_loop3A_184 = arith.addf %parallel_loop3A_181, %parallel_loop3A_183 : vector<16xf32>
      %parallel_loop3A_185 = arith.mulf %parallel_loop3A_184, %parallel_loop3A_178 : vector<16xf32>
      %parallel_loop3A_186 = arith.constant 0.149321571 : f32
      %parallel_loop3A_187 = vector.broadcast %parallel_loop3A_186 : f32 to vector<16xf32>
      %parallel_loop3A_188 = arith.addf %parallel_loop3A_185, %parallel_loop3A_187 : vector<16xf32>
      %parallel_loop3A_189 = arith.mulf %parallel_loop3A_188, %parallel_loop3A_178 : vector<16xf32>
      %parallel_loop3A_190 = arith.constant -1.651150e-01 : f32
      %parallel_loop3A_191 = vector.broadcast %parallel_loop3A_190 : f32 to vector<16xf32>
      %parallel_loop3A_192 = arith.addf %parallel_loop3A_189, %parallel_loop3A_191 : vector<16xf32>
      %parallel_loop3A_193 = arith.mulf %parallel_loop3A_192, %parallel_loop3A_178 : vector<16xf32>
      %parallel_loop3A_194 = arith.constant 0.199501306 : f32
      %parallel_loop3A_195 = vector.broadcast %parallel_loop3A_194 : f32 to vector<16xf32>
      %parallel_loop3A_196 = arith.addf %parallel_loop3A_193, %parallel_loop3A_195 : vector<16xf32>
      %parallel_loop3A_197 = arith.mulf %parallel_loop3A_196, %parallel_loop3A_178 : vector<16xf32>
      %parallel_loop3A_198 = arith.constant -0.250043482 : f32
      %parallel_loop3A_199 = vector.broadcast %parallel_loop3A_198 : f32 to vector<16xf32>
      %parallel_loop3A_200 = arith.addf %parallel_loop3A_197, %parallel_loop3A_199 : vector<16xf32>
      %parallel_loop3A_201 = arith.mulf %parallel_loop3A_200, %parallel_loop3A_178 : vector<16xf32>
      %parallel_loop3A_202 = arith.constant 0.333346516 : f32
      %parallel_loop3A_203 = vector.broadcast %parallel_loop3A_202 : f32 to vector<16xf32>
      %parallel_loop3A_204 = arith.addf %parallel_loop3A_201, %parallel_loop3A_203 : vector<16xf32>
      %parallel_loop3A_205 = arith.mulf %parallel_loop3A_204, %parallel_loop3A_178 : vector<16xf32>
      %parallel_loop3A_206 = arith.constant -0.499999553 : f32
      %parallel_loop3A_207 = vector.broadcast %parallel_loop3A_206 : f32 to vector<16xf32>
      %parallel_loop3A_208 = arith.addf %parallel_loop3A_205, %parallel_loop3A_207 : vector<16xf32>
      %parallel_loop3A_209 = arith.mulf %parallel_loop3A_208, %parallel_loop3A_178 : vector<16xf32>
      %parallel_loop3A_210 = arith.constant 0.99999988 : f32
      %parallel_loop3A_211 = vector.broadcast %parallel_loop3A_210 : f32 to vector<16xf32>
      %parallel_loop3A_212 = arith.addf %parallel_loop3A_209, %parallel_loop3A_211 : vector<16xf32>
      %parallel_loop3A_213 = arith.mulf %parallel_loop3A_212, %parallel_loop3A_178 : vector<16xf32>
      %parallel_loop3A_214 = arith.constant -7.78871134E-10 : f32
      %parallel_loop3A_215 = vector.broadcast %parallel_loop3A_214 : f32 to vector<16xf32>
      %parallel_loop3A_216 = arith.addf %parallel_loop3A_213, %parallel_loop3A_215 : vector<16xf32>
      %parallel_loop3A_217 = arith.sitofp %parallel_loop3A_170 : vector<16xi32> to vector<16xf32>
      %parallel_loop3A_218 = arith.constant 0.693147182 : f32
      %parallel_loop3A_219 = vector.broadcast %parallel_loop3A_218 : f32 to vector<16xf32>
      %parallel_loop3A_220 = arith.mulf %parallel_loop3A_217, %parallel_loop3A_219 : vector<16xf32>
      %parallel_loop3A_221 = arith.addf %parallel_loop3A_220, %parallel_loop3A_216 : vector<16xf32>
      %parallel_loop3A_222 = arith.subf %parallel_loop3A_160, %parallel_loop3A_221 : vector<16xf32>
      %parallel_loop3A_223 = arith.constant 0.000000e+00 : f32
      %parallel_loop3A_224 = vector.broadcast %parallel_loop3A_223 : f32 to vector<16xf32>
      %parallel_loop3A_225 = arith.subf %parallel_loop3A_224, %parallel_loop3A_157 : vector<16xf32>
      %parallel_loop3A_226 = arith.constant 1.000000e+00 : f32
      %parallel_loop3A_227 = vector.broadcast %parallel_loop3A_226 : f32 to vector<16xf32>
      %parallel_loop3A_228 = arith.subf %parallel_loop3A_227, %parallel_loop3A_157 : vector<16xf32>
      %parallel_loop3A_229 = arith.mulf %parallel_loop3A_225, %parallel_loop3A_228 : vector<16xf32>
      %parallel_loop3A_230 = arith.addf %parallel_loop3A_104, %parallel_loop3A_107 : vector<16xf32>
      %parallel_loop3A_231 = arith.addf %parallel_loop3A_230, %parallel_loop3A_116 : vector<16xf32>
      %parallel_loop3A_232 = arith.addf %parallel_loop3A_231, %parallel_loop3A_119 : vector<16xf32>
      %parallel_loop3A_233 = arith.mulf %parallel_loop3A_131, %parallel_loop3A_122 : vector<16xf32>
      %parallel_loop3A_234 = arith.mulf %parallel_loop3A_134, %parallel_loop3A_125 : vector<16xf32>
      %parallel_loop3A_235 = arith.addf %parallel_loop3A_233, %parallel_loop3A_234 : vector<16xf32>
      %parallel_loop3A_236 = arith.mulf %parallel_loop3A_137, %parallel_loop3A_128 : vector<16xf32>
      %parallel_loop3A_237 = arith.addf %parallel_loop3A_235, %parallel_loop3A_236 : vector<16xf32>
      %parallel_loop3A_238 = arith.addf %parallel_loop3A_237, %parallel_loop3A_222 : vector<16xf32>
      %parallel_loop3A_239 = arith.constant 5.000000e-01 : f32
      %parallel_loop3A_240 = vector.broadcast %parallel_loop3A_239 : f32 to vector<16xf32>
      %parallel_loop3A_241 = arith.mulf %parallel_loop3A_240, %parallel_loop3A_229 : vector<16xf32>
      %parallel_loop3A_242 = arith.mulf %parallel_loop3A_241, %parallel_loop3A_232 : vector<16xf32>
      %parallel_loop3A_243 = arith.addf %parallel_loop3A_238, %parallel_loop3A_242 : vector<16xf32>
      %parallel_loop3A_244 = arith.constant 16 : i32
      %parallel_loop3A_245 = arith.muli %parallel_loop3A_86, %parallel_loop3A_244 : i32
      %parallel_loop3A_246 = arith.subi %sub3A_70, %parallel_loop3A_245 : i32
      %parallel_loop3A_247 = vector.broadcast %parallel_loop3A_246 : i32 to vector<16xi32>
      %parallel_loop3A_248 = arith.cmpi slt, %iota3A, %parallel_loop3A_247 : vector<16xi32>
      %parallel_loop3A_249 = arith.constant 0.000000e+00 : f32
      %parallel_loop3A_250 = vector.broadcast %parallel_loop3A_249 : f32 to vector<16xf32>
      %parallel_loop3A_251 = arith.select %parallel_loop3A_248, %parallel_loop3A_243, %parallel_loop3A_250 : vector<16xi1>, vector<16xf32>
      %parallel_loop3A_252 = arith.addf %parallel_loop3A_87, %parallel_loop3A_251 : vector<16xf32>
      scf.yield %parallel_loop3A_252 : vector<16xf32>
    } {sc.loop_unroll_factor = 4 : i64, sc.parallel_access}
    %mul3A_75 = arith.constant 3136 : i32
    %mul3A_76 = arith.muli %add3A, %mul3A_75 : i32
    %sub3A_77 = arith.constant 100000 : i32
    %sub3A_78 = arith.subi %sub3A_77, %mul3A_76 : i32
    %parallel_loop3A_79 = arith.constant 0 : i32
    %parallel_loop3A_80 = arith.constant 196 : i32
    %parallel_loop3A_81 = arith.constant 1 : i32
    %parallel_loop3A_82 = scf.for %parallel_loop3A_86 = %parallel_loop3A_79 to %parallel_loop3A_80 step %parallel_loop3A_81 iter_args(%parallel_loop3A_87 = %parallel_loop3A_74) -> (vector<16xf32>)  : i32 {
      %parallel_loop3A_88 = arith.constant 16 : i32
      %parallel_loop3A_89 = arith.muli %parallel_loop3A_86, %parallel_loop3A_88 : i32
      %parallel_loop3A_90 = arith.index_cast %parallel_loop3A_89 : i32 to index
      %parallel_loop3A_91 = tpu.vector_load %arg17[%parallel_loop3A_90] {strides = array<i32>} : memref<3136xi32, #tpu.memory_space<vmem>>, vector<16xi32>,
      %parallel_loop3A_92 = arith.constant 16 : i32
      %parallel_loop3A_93 = arith.muli %parallel_loop3A_86, %parallel_loop3A_92 : i32
      %parallel_loop3A_94 = arith.index_cast %parallel_loop3A_93 : i32 to index
      %parallel_loop3A_95 = tpu.vector_load %arg18[%parallel_loop3A_94] {strides = array<i32>} : memref<3136xi32, #tpu.memory_space<vmem>>, vector<16xi32>,
      %parallel_loop3A_96 = arith.constant 0 : i32
      %parallel_loop3A_97 = vector.broadcast %parallel_loop3A_96 : i32 to vector<16xi32>
      %parallel_loop3A_98 = tpu.vector_load_idx %arg11[%parallel_loop3A_97, %parallel_loop3A_91] : memref<21x2000xf32, #tpu.memory_space<vmem>>[vector<16xi32>, vector<16xi32>], vector<16xf32>,
      %parallel_loop3A_99 = arith.constant 1 : i32
      %parallel_loop3A_100 = vector.broadcast %parallel_loop3A_99 : i32 to vector<16xi32>
      %parallel_loop3A_101 = tpu.vector_load_idx %arg11[%parallel_loop3A_100, %parallel_loop3A_91] : memref<21x2000xf32, #tpu.memory_space<vmem>>[vector<16xi32>, vector<16xi32>], vector<16xf32>,
      %parallel_loop3A_102 = arith.constant 2 : i32
      %parallel_loop3A_103 = vector.broadcast %parallel_loop3A_102 : i32 to vector<16xi32>
      %parallel_loop3A_104 = tpu.vector_load_idx %arg11[%parallel_loop3A_103, %parallel_loop3A_91] : memref<21x2000xf32, #tpu.memory_space<vmem>>[vector<16xi32>, vector<16xi32>], vector<16xf32>,
      %parallel_loop3A_105 = arith.constant 3 : i32
      %parallel_loop3A_106 = vector.broadcast %parallel_loop3A_105 : i32 to vector<16xi32>
      %parallel_loop3A_107 = tpu.vector_load_idx %arg11[%parallel_loop3A_106, %parallel_loop3A_91] : memref<21x2000xf32, #tpu.memory_space<vmem>>[vector<16xi32>, vector<16xi32>], vector<16xf32>,
      %parallel_loop3A_108 = arith.constant 8 : i32
      %parallel_loop3A_109 = vector.broadcast %parallel_loop3A_108 : i32 to vector<16xi32>
      %parallel_loop3A_110 = tpu.vector_load_idx %arg11[%parallel_loop3A_109, %parallel_loop3A_95] : memref<21x2000xf32, #tpu.memory_space<vmem>>[vector<16xi32>, vector<16xi32>], vector<16xf32>,
      %parallel_loop3A_111 = arith.constant 9 : i32
      %parallel_loop3A_112 = vector.broadcast %parallel_loop3A_111 : i32 to vector<16xi32>
      %parallel_loop3A_113 = tpu.vector_load_idx %arg11[%parallel_loop3A_112, %parallel_loop3A_95] : memref<21x2000xf32, #tpu.memory_space<vmem>>[vector<16xi32>, vector<16xi32>], vector<16xf32>,
      %parallel_loop3A_114 = arith.constant 10 : i32
      %parallel_loop3A_115 = vector.broadcast %parallel_loop3A_114 : i32 to vector<16xi32>
      %parallel_loop3A_116 = tpu.vector_load_idx %arg11[%parallel_loop3A_115, %parallel_loop3A_95] : memref<21x2000xf32, #tpu.memory_space<vmem>>[vector<16xi32>, vector<16xi32>], vector<16xf32>,
      %parallel_loop3A_117 = arith.constant 11 : i32
      %parallel_loop3A_118 = vector.broadcast %parallel_loop3A_117 : i32 to vector<16xi32>
      %parallel_loop3A_119 = tpu.vector_load_idx %arg11[%parallel_loop3A_118, %parallel_loop3A_95] : memref<21x2000xf32, #tpu.memory_space<vmem>>[vector<16xi32>, vector<16xi32>], vector<16xf32>,
      %parallel_loop3A_120 = arith.constant 12 : i32
      %parallel_loop3A_121 = vector.broadcast %parallel_loop3A_120 : i32 to vector<16xi32>
      %parallel_loop3A_122 = tpu.vector_load_idx %arg11[%parallel_loop3A_121, %parallel_loop3A_95] : memref<21x2000xf32, #tpu.memory_space<vmem>>[vector<16xi32>, vector<16xi32>], vector<16xf32>,
      %parallel_loop3A_123 = arith.constant 13 : i32
      %parallel_loop3A_124 = vector.broadcast %parallel_loop3A_123 : i32 to vector<16xi32>
      %parallel_loop3A_125 = tpu.vector_load_idx %arg11[%parallel_loop3A_124, %parallel_loop3A_95] : memref<21x2000xf32, #tpu.memory_space<vmem>>[vector<16xi32>, vector<16xi32>], vector<16xf32>,
      %parallel_loop3A_126 = arith.constant 14 : i32
      %parallel_loop3A_127 = vector.broadcast %parallel_loop3A_126 : i32 to vector<16xi32>
      %parallel_loop3A_128 = tpu.vector_load_idx %arg11[%parallel_loop3A_127, %parallel_loop3A_95] : memref<21x2000xf32, #tpu.memory_space<vmem>>[vector<16xi32>, vector<16xi32>], vector<16xf32>,
      %parallel_loop3A_129 = arith.constant 18 : i32
      %parallel_loop3A_130 = vector.broadcast %parallel_loop3A_129 : i32 to vector<16xi32>
      %parallel_loop3A_131 = tpu.vector_load_idx %arg11[%parallel_loop3A_130, %parallel_loop3A_91] : memref<21x2000xf32, #tpu.memory_space<vmem>>[vector<16xi32>, vector<16xi32>], vector<16xf32>,
      %parallel_loop3A_132 = arith.constant 19 : i32
      %parallel_loop3A_133 = vector.broadcast %parallel_loop3A_132 : i32 to vector<16xi32>
      %parallel_loop3A_134 = tpu.vector_load_idx %arg11[%parallel_loop3A_133, %parallel_loop3A_91] : memref<21x2000xf32, #tpu.memory_space<vmem>>[vector<16xi32>, vector<16xi32>], vector<16xf32>,
      %parallel_loop3A_135 = arith.constant 20 : i32
      %parallel_loop3A_136 = vector.broadcast %parallel_loop3A_135 : i32 to vector<16xi32>
      %parallel_loop3A_137 = tpu.vector_load_idx %arg11[%parallel_loop3A_136, %parallel_loop3A_91] : memref<21x2000xf32, #tpu.memory_space<vmem>>[vector<16xi32>, vector<16xi32>], vector<16xf32>,
      %parallel_loop3A_138 = arith.addf %get3A_35, %parallel_loop3A_98 : vector<16xf32>
      %parallel_loop3A_139 = arith.addf %parallel_loop3A_138, %parallel_loop3A_110 : vector<16xf32>
      %parallel_loop3A_140 = arith.subf %parallel_loop3A_139, %parallel_loop3A_101 : vector<16xf32>
      %parallel_loop3A_141 = arith.subf %parallel_loop3A_140, %parallel_loop3A_113 : vector<16xf32>
      %parallel_loop3A_142 = math.absf %parallel_loop3A_141 : vector<16xf32>
      %parallel_loop3A_143 = arith.constant 0.000000e+00 : f32
      %parallel_loop3A_144 = vector.broadcast %parallel_loop3A_143 : f32 to vector<16xf32>
      %parallel_loop3A_145 = arith.subf %parallel_loop3A_144, %parallel_loop3A_142 : vector<16xf32>
      %parallel_loop3A_146 = math.exp %parallel_loop3A_145 : vector<16xf32>
      %parallel_loop3A_147 = arith.constant 1.000000e+00 : f32
      %parallel_loop3A_148 = vector.broadcast %parallel_loop3A_147 : f32 to vector<16xf32>
      %parallel_loop3A_149 = arith.addf %parallel_loop3A_148, %parallel_loop3A_146 : vector<16xf32>
      %parallel_loop3A_150 = arith.constant 1.000000e+00 : f32
      %parallel_loop3A_151 = vector.broadcast %parallel_loop3A_150 : f32 to vector<16xf32>
      %parallel_loop3A_152 = arith.divf %parallel_loop3A_151, %parallel_loop3A_149 : vector<16xf32>
      %parallel_loop3A_153 = arith.constant 0.000000e+00 : f32
      %parallel_loop3A_154 = vector.broadcast %parallel_loop3A_153 : f32 to vector<16xf32>
      %parallel_loop3A_155 = arith.cmpf oge, %parallel_loop3A_141, %parallel_loop3A_154 : vector<16xf32>
      %parallel_loop3A_156 = arith.mulf %parallel_loop3A_146, %parallel_loop3A_152 : vector<16xf32>
      %parallel_loop3A_157 = arith.select %parallel_loop3A_155, %parallel_loop3A_152, %parallel_loop3A_156 : vector<16xi1>, vector<16xf32>
      %parallel_loop3A_158 = arith.constant 0.000000e+00 : f32
      %parallel_loop3A_159 = vector.broadcast %parallel_loop3A_158 : f32 to vector<16xf32>
      %parallel_loop3A_160 = arith.minimumf %parallel_loop3A_141, %parallel_loop3A_159 : vector<16xf32>
      %parallel_loop3A_161 = arith.constant 1.000000e+00 : f32
      %parallel_loop3A_162 = vector.broadcast %parallel_loop3A_161 : f32 to vector<16xf32>
      %parallel_loop3A_163 = arith.addf %parallel_loop3A_162, %parallel_loop3A_146 : vector<16xf32>
      %parallel_loop3A_164 = tpu.bitcast %parallel_loop3A_163 : vector<16xf32> -> vector<16xi32>
      %parallel_loop3A_165 = arith.constant 1060306944 : i32
      %parallel_loop3A_166 = vector.broadcast %parallel_loop3A_165 : i32 to vector<16xi32>
      %parallel_loop3A_167 = arith.subi %parallel_loop3A_164, %parallel_loop3A_166 : vector<16xi32>
      %parallel_loop3A_168 = arith.constant 23 : i32
      %parallel_loop3A_169 = vector.broadcast %parallel_loop3A_168 : i32 to vector<16xi32>
      %parallel_loop3A_170 = arith.shrsi %parallel_loop3A_167, %parallel_loop3A_169 : vector<16xi32>
      %parallel_loop3A_171 = arith.constant -8388608 : i32
      %parallel_loop3A_172 = vector.broadcast %parallel_loop3A_171 : i32 to vector<16xi32>
      %parallel_loop3A_173 = arith.andi %parallel_loop3A_167, %parallel_loop3A_172 : vector<16xi32>
      %parallel_loop3A_174 = arith.subi %parallel_loop3A_164, %parallel_loop3A_173 : vector<16xi32>
      %parallel_loop3A_175 = tpu.bitcast %parallel_loop3A_174 : vector<16xi32> -> vector<16xf32>
      %parallel_loop3A_176 = arith.constant 1.000000e+00 : f32
      %parallel_loop3A_177 = vector.broadcast %parallel_loop3A_176 : f32 to vector<16xf32>
      %parallel_loop3A_178 = arith.subf %parallel_loop3A_175, %parallel_loop3A_177 : vector<16xf32>
      %parallel_loop3A_179 = arith.constant 0.0927427262 : f32
      %parallel_loop3A_180 = vector.broadcast %parallel_loop3A_179 : f32 to vector<16xf32>
      %parallel_loop3A_181 = arith.mulf %parallel_loop3A_180, %parallel_loop3A_178 : vector<16xf32>
      %parallel_loop3A_182 = arith.constant -0.147077695 : f32
      %parallel_loop3A_183 = vector.broadcast %parallel_loop3A_182 : f32 to vector<16xf32>
      %parallel_loop3A_184 = arith.addf %parallel_loop3A_181, %parallel_loop3A_183 : vector<16xf32>
      %parallel_loop3A_185 = arith.mulf %parallel_loop3A_184, %parallel_loop3A_178 : vector<16xf32>
      %parallel_loop3A_186 = arith.constant 0.149321571 : f32
      %parallel_loop3A_187 = vector.broadcast %parallel_loop3A_186 : f32 to vector<16xf32>
      %parallel_loop3A_188 = arith.addf %parallel_loop3A_185, %parallel_loop3A_187 : vector<16xf32>
      %parallel_loop3A_189 = arith.mulf %parallel_loop3A_188, %parallel_loop3A_178 : vector<16xf32>
      %parallel_loop3A_190 = arith.constant -1.651150e-01 : f32
      %parallel_loop3A_191 = vector.broadcast %parallel_loop3A_190 : f32 to vector<16xf32>
      %parallel_loop3A_192 = arith.addf %parallel_loop3A_189, %parallel_loop3A_191 : vector<16xf32>
      %parallel_loop3A_193 = arith.mulf %parallel_loop3A_192, %parallel_loop3A_178 : vector<16xf32>
      %parallel_loop3A_194 = arith.constant 0.199501306 : f32
      %parallel_loop3A_195 = vector.broadcast %parallel_loop3A_194 : f32 to vector<16xf32>
      %parallel_loop3A_196 = arith.addf %parallel_loop3A_193, %parallel_loop3A_195 : vector<16xf32>
      %parallel_loop3A_197 = arith.mulf %parallel_loop3A_196, %parallel_loop3A_178 : vector<16xf32>
      %parallel_loop3A_198 = arith.constant -0.250043482 : f32
      %parallel_loop3A_199 = vector.broadcast %parallel_loop3A_198 : f32 to vector<16xf32>
      %parallel_loop3A_200 = arith.addf %parallel_loop3A_197, %parallel_loop3A_199 : vector<16xf32>
      %parallel_loop3A_201 = arith.mulf %parallel_loop3A_200, %parallel_loop3A_178 : vector<16xf32>
      %parallel_loop3A_202 = arith.constant 0.333346516 : f32
      %parallel_loop3A_203 = vector.broadcast %parallel_loop3A_202 : f32 to vector<16xf32>
      %parallel_loop3A_204 = arith.addf %parallel_loop3A_201, %parallel_loop3A_203 : vector<16xf32>
      %parallel_loop3A_205 = arith.mulf %parallel_loop3A_204, %parallel_loop3A_178 : vector<16xf32>
      %parallel_loop3A_206 = arith.constant -0.499999553 : f32
      %parallel_loop3A_207 = vector.broadcast %parallel_loop3A_206 : f32 to vector<16xf32>
      %parallel_loop3A_208 = arith.addf %parallel_loop3A_205, %parallel_loop3A_207 : vector<16xf32>
      %parallel_loop3A_209 = arith.mulf %parallel_loop3A_208, %parallel_loop3A_178 : vector<16xf32>
      %parallel_loop3A_210 = arith.constant 0.99999988 : f32
      %parallel_loop3A_211 = vector.broadcast %parallel_loop3A_210 : f32 to vector<16xf32>
      %parallel_loop3A_212 = arith.addf %parallel_loop3A_209, %parallel_loop3A_211 : vector<16xf32>
      %parallel_loop3A_213 = arith.mulf %parallel_loop3A_212, %parallel_loop3A_178 : vector<16xf32>
      %parallel_loop3A_214 = arith.constant -7.78871134E-10 : f32
      %parallel_loop3A_215 = vector.broadcast %parallel_loop3A_214 : f32 to vector<16xf32>
      %parallel_loop3A_216 = arith.addf %parallel_loop3A_213, %parallel_loop3A_215 : vector<16xf32>
      %parallel_loop3A_217 = arith.sitofp %parallel_loop3A_170 : vector<16xi32> to vector<16xf32>
      %parallel_loop3A_218 = arith.constant 0.693147182 : f32
      %parallel_loop3A_219 = vector.broadcast %parallel_loop3A_218 : f32 to vector<16xf32>
      %parallel_loop3A_220 = arith.mulf %parallel_loop3A_217, %parallel_loop3A_219 : vector<16xf32>
      %parallel_loop3A_221 = arith.addf %parallel_loop3A_220, %parallel_loop3A_216 : vector<16xf32>
      %parallel_loop3A_222 = arith.subf %parallel_loop3A_160, %parallel_loop3A_221 : vector<16xf32>
      %parallel_loop3A_223 = arith.constant 0.000000e+00 : f32
      %parallel_loop3A_224 = vector.broadcast %parallel_loop3A_223 : f32 to vector<16xf32>
      %parallel_loop3A_225 = arith.subf %parallel_loop3A_224, %parallel_loop3A_157 : vector<16xf32>
      %parallel_loop3A_226 = arith.constant 1.000000e+00 : f32
      %parallel_loop3A_227 = vector.broadcast %parallel_loop3A_226 : f32 to vector<16xf32>
      %parallel_loop3A_228 = arith.subf %parallel_loop3A_227, %parallel_loop3A_157 : vector<16xf32>
      %parallel_loop3A_229 = arith.mulf %parallel_loop3A_225, %parallel_loop3A_228 : vector<16xf32>
      %parallel_loop3A_230 = arith.addf %parallel_loop3A_104, %parallel_loop3A_107 : vector<16xf32>
      %parallel_loop3A_231 = arith.addf %parallel_loop3A_230, %parallel_loop3A_116 : vector<16xf32>
      %parallel_loop3A_232 = arith.addf %parallel_loop3A_231, %parallel_loop3A_119 : vector<16xf32>
      %parallel_loop3A_233 = arith.mulf %parallel_loop3A_131, %parallel_loop3A_122 : vector<16xf32>
      %parallel_loop3A_234 = arith.mulf %parallel_loop3A_134, %parallel_loop3A_125 : vector<16xf32>
      %parallel_loop3A_235 = arith.addf %parallel_loop3A_233, %parallel_loop3A_234 : vector<16xf32>
      %parallel_loop3A_236 = arith.mulf %parallel_loop3A_137, %parallel_loop3A_128 : vector<16xf32>
      %parallel_loop3A_237 = arith.addf %parallel_loop3A_235, %parallel_loop3A_236 : vector<16xf32>
      %parallel_loop3A_238 = arith.addf %parallel_loop3A_237, %parallel_loop3A_222 : vector<16xf32>
      %parallel_loop3A_239 = arith.constant 5.000000e-01 : f32
      %parallel_loop3A_240 = vector.broadcast %parallel_loop3A_239 : f32 to vector<16xf32>
      %parallel_loop3A_241 = arith.mulf %parallel_loop3A_240, %parallel_loop3A_229 : vector<16xf32>
      %parallel_loop3A_242 = arith.mulf %parallel_loop3A_241, %parallel_loop3A_232 : vector<16xf32>
      %parallel_loop3A_243 = arith.addf %parallel_loop3A_238, %parallel_loop3A_242 : vector<16xf32>
      %parallel_loop3A_244 = arith.constant 16 : i32
      %parallel_loop3A_245 = arith.muli %parallel_loop3A_86, %parallel_loop3A_244 : i32
      %parallel_loop3A_246 = arith.subi %sub3A_78, %parallel_loop3A_245 : i32
      %parallel_loop3A_247 = vector.broadcast %parallel_loop3A_246 : i32 to vector<16xi32>
      %parallel_loop3A_248 = arith.cmpi slt, %iota3A, %parallel_loop3A_247 : vector<16xi32>
      %parallel_loop3A_249 = arith.constant 0.000000e+00 : f32
      %parallel_loop3A_250 = vector.broadcast %parallel_loop3A_249 : f32 to vector<16xf32>
      %parallel_loop3A_251 = arith.select %parallel_loop3A_248, %parallel_loop3A_243, %parallel_loop3A_250 : vector<16xi1>, vector<16xf32>
      %parallel_loop3A_252 = arith.addf %parallel_loop3A_87, %parallel_loop3A_251 : vector<16xf32>
      scf.yield %parallel_loop3A_252 : vector<16xf32>
    } {sc.loop_unroll_factor = 4 : i64, sc.parallel_access}
    %swap3A = arith.constant 0 : index
    %swap3A_83 = tpu.vector_load %arg19[%swap3A] {strides = array<i32>} : memref<16xf32, #tpu.memory_space<vmem>>, vector<16xf32>,
    tpu.vector_store %arg19[%swap3A], %parallel_loop3A_82 {strides = array<i32>} : memref<16xf32, #tpu.memory_space<vmem>>, vector<16xf32>,
    %mul3A_84 = arith.constant 16 : i32
    %mul3A_85 = arith.muli %add3A, %mul3A_84 : i32
    "tpu.region"() ({
      %run_scoped3A = tpu.sem_alloc : memref<!tpu.dma_semaphore, #tpu.memory_space<semaphore_mem>>
      %dma_start3A_86 = tpu.memref_slice %arg10[%mul3A_85] : memref<512xf32, #tpu.memory_space<hbm>> -> memref<16xf32, #tpu.memory_space<hbm>>
      %dma_start3A_87 = tpu.memref_slice %arg10[%mul3A_85] : memref<512xf32, #tpu.memory_space<hbm>> -> memref<16xf32, #tpu.memory_space<hbm>>
      tpu.enqueue_dma source(%arg19 : memref<16xf32, #tpu.memory_space<vmem>>) target(%dma_start3A_87 : memref<16xf32, #tpu.memory_space<hbm>>) target_semaphore(%run_scoped3A : memref<!tpu.dma_semaphore, #tpu.memory_space<semaphore_mem>>)
      %dma_wait3A_88 = tpu.memref_slice %arg10[%mul3A_85] : memref<512xf32, #tpu.memory_space<hbm>> -> memref<16xf32, #tpu.memory_space<hbm>>
      %dma_wait3A_89 = tpu.memref_slice %arg10[%mul3A_85] : memref<512xf32, #tpu.memory_space<hbm>> -> memref<16xf32, #tpu.memory_space<hbm>>
      tpu.wait_dma2 semaphore(%run_scoped3A : memref<!tpu.dma_semaphore, #tpu.memory_space<semaphore_mem>>) src(%arg19 : memref<16xf32, #tpu.memory_space<vmem>>) dst(%dma_wait3A_89 : memref<16xf32, #tpu.memory_space<hbm>>)
      tpu.yield
    }) : () -> ()
    return
  }
}

module attributes {stable_mosaic.version = 14 : i64} {
  func.func @_tc_prep(%arg0: memref<8x2000xf32, #tpu.memory_space<vmem>>, %arg1: memref<3x2000xf32, #tpu.memory_space<vmem>>, %arg2: memref<2x2000xf32, #tpu.memory_space<vmem>>, %arg3: memref<40xf32, #tpu.memory_space<smem>>, %arg4: memref<21x2000xf32, #tpu.memory_space<vmem>>, %arg5: memref<1xf32, #tpu.memory_space<smem>>) attributes {dimension_semantics = [], scalar_prefetch = 0 : i64, scratch_operands = 0 : i64, tpu.core_type = #tpu.core_type<tc>} {
    %get3A = arith.constant 0 : index
    %get3A_0 = arith.constant 0 : index
    %get3A_1 = vector.load %arg0[%get3A, %get3A_0] : memref<8x2000xf32, #tpu.memory_space<vmem>>, vector<8x2000xf32>
    %slice3A = vector.extract_strided_slice %get3A_1 {offsets = [0, 0], sizes = [1, 2000], strides = [1, 1]} : vector<8x2000xf32> to vector<1x2000xf32>
    %slice3A_2 = vector.extract_strided_slice %get3A_1 {offsets = [1, 0], sizes = [1, 2000], strides = [1, 1]} : vector<8x2000xf32> to vector<1x2000xf32>
    %slice3A_3 = vector.extract_strided_slice %get3A_1 {offsets = [2, 0], sizes = [1, 2000], strides = [1, 1]} : vector<8x2000xf32> to vector<1x2000xf32>
    %slice3A_4 = vector.extract_strided_slice %get3A_1 {offsets = [3, 0], sizes = [1, 2000], strides = [1, 1]} : vector<8x2000xf32> to vector<1x2000xf32>
    %slice3A_5 = vector.extract_strided_slice %get3A_1 {offsets = [4, 0], sizes = [1, 2000], strides = [1, 1]} : vector<8x2000xf32> to vector<1x2000xf32>
    %slice3A_6 = vector.extract_strided_slice %get3A_1 {offsets = [5, 0], sizes = [1, 2000], strides = [1, 1]} : vector<8x2000xf32> to vector<1x2000xf32>
    %slice3A_7 = vector.extract_strided_slice %get3A_1 {offsets = [6, 0], sizes = [1, 2000], strides = [1, 1]} : vector<8x2000xf32> to vector<1x2000xf32>
    %slice3A_8 = vector.extract_strided_slice %get3A_1 {offsets = [7, 0], sizes = [1, 2000], strides = [1, 1]} : vector<8x2000xf32> to vector<1x2000xf32>
    %exp3A = math.exp %slice3A_2 : vector<1x2000xf32>
    %exp3A_9 = math.exp %slice3A_4 : vector<1x2000xf32>
    %exp3A_10 = math.exp %slice3A_6 : vector<1x2000xf32>
    %exp3A_11 = math.exp %slice3A_8 : vector<1x2000xf32>
    %broadcast_in_dim3A = arith.constant 0.000000e+00 : f32
    %broadcast_in_dim3A_12 = vector.broadcast %broadcast_in_dim3A : f32 to vector<1x2000xf32>
    %get3A_13 = arith.constant 0 : index
    %get3A_14 = arith.constant 0 : index
    %get3A_15 = vector.load %arg1[%get3A_13, %get3A_14] : memref<3x2000xf32, #tpu.memory_space<vmem>>, vector<3x2000xf32>
    %concatenate3A = tpu.concatenate %get3A_15, %broadcast_in_dim3A_12 in 0 : vector<3x2000xf32>, vector<1x2000xf32> -> vector<4x2000xf32>
    %reduce_max3A = arith.constant dense<0xFF800000> : vector<2000xf32>
    %reduce_max3A_16 = vector.multi_reduction <maximumf>, %concatenate3A, %reduce_max3A [0] : vector<4x2000xf32> to vector<2000xf32>
    %broadcast_in_dim3A_17 = vector.shape_cast %reduce_max3A_16 : vector<2000xf32> to vector<1x2000xf32>
    %sub3A = vector.broadcast %broadcast_in_dim3A_17 : vector<1x2000xf32> to vector<4x2000xf32>
    %sub3A_18 = arith.subf %concatenate3A, %sub3A : vector<4x2000xf32>
    %exp3A_19 = math.exp %sub3A_18 : vector<4x2000xf32>
    %reduce_sum3A = arith.constant dense<0.000000e+00> : vector<2000xf32>
    %reduce_sum3A_20 = vector.multi_reduction <add>, %exp3A_19, %reduce_sum3A [0] : vector<4x2000xf32> to vector<2000xf32>
    %broadcast_in_dim3A_21 = vector.shape_cast %reduce_sum3A_20 : vector<2000xf32> to vector<1x2000xf32>
    %div3A = vector.broadcast %broadcast_in_dim3A_21 : vector<1x2000xf32> to vector<4x2000xf32>
    %div3A_22 = arith.divf %exp3A_19, %div3A : vector<4x2000xf32>
    %sub3A_23 = vector.broadcast %broadcast_in_dim3A_17 : vector<1x2000xf32> to vector<4x2000xf32>
    %sub3A_24 = arith.subf %concatenate3A, %sub3A_23 : vector<4x2000xf32>
    %log3A = math.log %broadcast_in_dim3A_21 : vector<1x2000xf32>
    %sub3A_25 = vector.broadcast %log3A : vector<1x2000xf32> to vector<4x2000xf32>
    %sub3A_26 = arith.subf %sub3A_24, %sub3A_25 : vector<4x2000xf32>
    %mul3A = arith.mulf %div3A_22, %sub3A_26 : vector<4x2000xf32>
    %reduce_sum3A_27 = vector.shape_cast %mul3A : vector<4x2000xf32> to vector<1x4x2000xf32>
    %reduce_sum3A_28 = arith.constant dense<0.000000e+00> : vector<1xf32>
    %reduce_sum3A_29 = vector.multi_reduction <add>, %reduce_sum3A_27, %reduce_sum3A_28 [1, 2] : vector<1x4x2000xf32> to vector<1xf32>
    %reduce_sum3A_30 = vector.shape_cast %reduce_sum3A_29 : vector<1xf32> to vector<1x1x1xf32>
    %reduce_sum3A_31 = vector.extract %reduce_sum3A_30[0, 0, 0] : f32 from vector<1x1x1xf32>
    %get3A_32 = arith.constant 0 : index
    %get3A_33 = arith.constant 0 : index
    %get3A_34 = vector.load %arg2[%get3A_32, %get3A_33] : memref<2x2000xf32, #tpu.memory_space<vmem>>, vector<2x2000xf32>
    %concatenate3A_35 = tpu.concatenate %get3A_34, %broadcast_in_dim3A_12 in 0 : vector<2x2000xf32>, vector<1x2000xf32> -> vector<3x2000xf32>
    %reduce_max3A_36 = arith.constant dense<0xFF800000> : vector<2000xf32>
    %reduce_max3A_37 = vector.multi_reduction <maximumf>, %concatenate3A_35, %reduce_max3A_36 [0] : vector<3x2000xf32> to vector<2000xf32>
    %broadcast_in_dim3A_38 = vector.shape_cast %reduce_max3A_37 : vector<2000xf32> to vector<1x2000xf32>
    %sub3A_39 = vector.broadcast %broadcast_in_dim3A_38 : vector<1x2000xf32> to vector<3x2000xf32>
    %sub3A_40 = arith.subf %concatenate3A_35, %sub3A_39 : vector<3x2000xf32>
    %exp3A_41 = math.exp %sub3A_40 : vector<3x2000xf32>
    %reduce_sum3A_42 = arith.constant dense<0.000000e+00> : vector<2000xf32>
    %reduce_sum3A_43 = vector.multi_reduction <add>, %exp3A_41, %reduce_sum3A_42 [0] : vector<3x2000xf32> to vector<2000xf32>
    %broadcast_in_dim3A_44 = vector.shape_cast %reduce_sum3A_43 : vector<2000xf32> to vector<1x2000xf32>
    %div3A_45 = vector.broadcast %broadcast_in_dim3A_44 : vector<1x2000xf32> to vector<3x2000xf32>
    %div3A_46 = arith.divf %exp3A_41, %div3A_45 : vector<3x2000xf32>
    %sub3A_47 = vector.broadcast %broadcast_in_dim3A_38 : vector<1x2000xf32> to vector<3x2000xf32>
    %sub3A_48 = arith.subf %concatenate3A_35, %sub3A_47 : vector<3x2000xf32>
    %log3A_49 = math.log %broadcast_in_dim3A_44 : vector<1x2000xf32>
    %sub3A_50 = vector.broadcast %log3A_49 : vector<1x2000xf32> to vector<3x2000xf32>
    %sub3A_51 = arith.subf %sub3A_48, %sub3A_50 : vector<3x2000xf32>
    %mul3A_52 = arith.mulf %div3A_46, %sub3A_51 : vector<3x2000xf32>
    %reduce_sum3A_53 = vector.shape_cast %mul3A_52 : vector<3x2000xf32> to vector<1x3x2000xf32>
    %reduce_sum3A_54 = arith.constant dense<0.000000e+00> : vector<1xf32>
    %reduce_sum3A_55 = vector.multi_reduction <add>, %reduce_sum3A_53, %reduce_sum3A_54 [1, 2] : vector<1x3x2000xf32> to vector<1xf32>
    %reduce_sum3A_56 = vector.shape_cast %reduce_sum3A_55 : vector<1xf32> to vector<1x1x1xf32>
    %reduce_sum3A_57 = vector.extract %reduce_sum3A_56[0, 0, 0] : f32 from vector<1x1x1xf32>
    %reduce_sum3A_58 = vector.shape_cast %slice3A_2 : vector<1x2000xf32> to vector<1x1x2000xf32>
    %reduce_sum3A_59 = arith.constant dense<0.000000e+00> : vector<1xf32>
    %reduce_sum3A_60 = vector.multi_reduction <add>, %reduce_sum3A_58, %reduce_sum3A_59 [1, 2] : vector<1x1x2000xf32> to vector<1xf32>
    %reduce_sum3A_61 = vector.shape_cast %reduce_sum3A_60 : vector<1xf32> to vector<1x1x1xf32>
    %reduce_sum3A_62 = vector.extract %reduce_sum3A_61[0, 0, 0] : f32 from vector<1x1x1xf32>
    %reduce_sum3A_63 = vector.shape_cast %slice3A_4 : vector<1x2000xf32> to vector<1x1x2000xf32>
    %reduce_sum3A_64 = arith.constant dense<0.000000e+00> : vector<1xf32>
    %reduce_sum3A_65 = vector.multi_reduction <add>, %reduce_sum3A_63, %reduce_sum3A_64 [1, 2] : vector<1x1x2000xf32> to vector<1xf32>
    %reduce_sum3A_66 = vector.shape_cast %reduce_sum3A_65 : vector<1xf32> to vector<1x1x1xf32>
    %reduce_sum3A_67 = vector.extract %reduce_sum3A_66[0, 0, 0] : f32 from vector<1x1x1xf32>
    %add3A = arith.addf %reduce_sum3A_62, %reduce_sum3A_67 : f32
    %reduce_sum3A_68 = vector.shape_cast %slice3A_6 : vector<1x2000xf32> to vector<1x1x2000xf32>
    %reduce_sum3A_69 = arith.constant dense<0.000000e+00> : vector<1xf32>
    %reduce_sum3A_70 = vector.multi_reduction <add>, %reduce_sum3A_68, %reduce_sum3A_69 [1, 2] : vector<1x1x2000xf32> to vector<1xf32>
    %reduce_sum3A_71 = vector.shape_cast %reduce_sum3A_70 : vector<1xf32> to vector<1x1x1xf32>
    %reduce_sum3A_72 = vector.extract %reduce_sum3A_71[0, 0, 0] : f32 from vector<1x1x1xf32>
    %add3A_73 = arith.addf %add3A, %reduce_sum3A_72 : f32
    %reduce_sum3A_74 = vector.shape_cast %slice3A_8 : vector<1x2000xf32> to vector<1x1x2000xf32>
    %reduce_sum3A_75 = arith.constant dense<0.000000e+00> : vector<1xf32>
    %reduce_sum3A_76 = vector.multi_reduction <add>, %reduce_sum3A_74, %reduce_sum3A_75 [1, 2] : vector<1x1x2000xf32> to vector<1xf32>
    %reduce_sum3A_77 = vector.shape_cast %reduce_sum3A_76 : vector<1xf32> to vector<1x1x1xf32>
    %reduce_sum3A_78 = vector.extract %reduce_sum3A_77[0, 0, 0] : f32 from vector<1x1x1xf32>
    %add3A_79 = arith.addf %add3A_73, %reduce_sum3A_78 : f32
    %mul3A_80 = arith.constant 5.000000e-01 : f32
    %mul3A_81 = arith.mulf %mul3A_80, %add3A_79 : f32
    %add3A_82 = arith.constant 11351.5078 : f32
    %add3A_83 = arith.addf %add3A_82, %mul3A_81 : f32
    %sub3A_84 = arith.subf %add3A_83, %reduce_sum3A_31 : f32
    %sub3A_85 = arith.subf %sub3A_84, %reduce_sum3A_57 : f32
    %get3A_86 = arith.constant 1 : index
    %get3A_87 = memref.load %arg3[%get3A_86] : memref<40xf32, #tpu.memory_space<smem>>
    %add3A_88 = arith.constant 1.83787704 : f32
    %add3A_89 = arith.addf %add3A_88, %get3A_87 : f32
    %mul3A_90 = arith.constant -1.000000e+03 : f32
    %mul3A_91 = arith.mulf %mul3A_90, %add3A_89 : f32
    %get3A_92 = arith.constant 5 : index
    %get3A_93 = memref.load %arg3[%get3A_92] : memref<40xf32, #tpu.memory_space<smem>>
    %mul3A_94 = arith.mulf %slice3A, %slice3A : vector<1x2000xf32>
    %add3A_95 = arith.addf %exp3A, %mul3A_94 : vector<1x2000xf32>
    %reduce_sum3A_96 = vector.shape_cast %add3A_95 : vector<1x2000xf32> to vector<1x1x2000xf32>
    %reduce_sum3A_97 = arith.constant dense<0.000000e+00> : vector<1xf32>
    %reduce_sum3A_98 = vector.multi_reduction <add>, %reduce_sum3A_96, %reduce_sum3A_97 [1, 2] : vector<1x1x2000xf32> to vector<1xf32>
    %reduce_sum3A_99 = vector.shape_cast %reduce_sum3A_98 : vector<1xf32> to vector<1x1x1xf32>
    %reduce_sum3A_100 = vector.extract %reduce_sum3A_99[0, 0, 0] : f32 from vector<1x1x1xf32>
    %mul3A_101 = arith.mulf %get3A_93, %reduce_sum3A_100 : f32
    %sub3A_102 = arith.subf %mul3A_91, %mul3A_101 : f32
    %get3A_103 = arith.constant 2 : index
    %get3A_104 = memref.load %arg3[%get3A_103] : memref<40xf32, #tpu.memory_space<smem>>
    %add3A_105 = arith.constant 1.83787704 : f32
    %add3A_106 = arith.addf %add3A_105, %get3A_104 : f32
    %mul3A_107 = arith.constant -1.000000e+03 : f32
    %mul3A_108 = arith.mulf %mul3A_107, %add3A_106 : f32
    %get3A_109 = arith.constant 6 : index
    %get3A_110 = memref.load %arg3[%get3A_109] : memref<40xf32, #tpu.memory_space<smem>>
    %mul3A_111 = arith.mulf %slice3A_3, %slice3A_3 : vector<1x2000xf32>
    %add3A_112 = arith.addf %exp3A_9, %mul3A_111 : vector<1x2000xf32>
    %reduce_sum3A_113 = vector.shape_cast %add3A_112 : vector<1x2000xf32> to vector<1x1x2000xf32>
    %reduce_sum3A_114 = arith.constant dense<0.000000e+00> : vector<1xf32>
    %reduce_sum3A_115 = vector.multi_reduction <add>, %reduce_sum3A_113, %reduce_sum3A_114 [1, 2] : vector<1x1x2000xf32> to vector<1xf32>
    %reduce_sum3A_116 = vector.shape_cast %reduce_sum3A_115 : vector<1xf32> to vector<1x1x1xf32>
    %reduce_sum3A_117 = vector.extract %reduce_sum3A_116[0, 0, 0] : f32 from vector<1x1x1xf32>
    %mul3A_118 = arith.mulf %get3A_110, %reduce_sum3A_117 : f32
    %sub3A_119 = arith.subf %mul3A_108, %mul3A_118 : f32
    %get3A_120 = arith.constant 3 : index
    %get3A_121 = memref.load %arg3[%get3A_120] : memref<40xf32, #tpu.memory_space<smem>>
    %add3A_122 = arith.constant 1.83787704 : f32
    %add3A_123 = arith.addf %add3A_122, %get3A_121 : f32
    %mul3A_124 = arith.constant -1.000000e+03 : f32
    %mul3A_125 = arith.mulf %mul3A_124, %add3A_123 : f32
    %get3A_126 = arith.constant 7 : index
    %get3A_127 = memref.load %arg3[%get3A_126] : memref<40xf32, #tpu.memory_space<smem>>
    %mul3A_128 = arith.mulf %slice3A_5, %slice3A_5 : vector<1x2000xf32>
    %add3A_129 = arith.addf %exp3A_10, %mul3A_128 : vector<1x2000xf32>
    %reduce_sum3A_130 = vector.shape_cast %add3A_129 : vector<1x2000xf32> to vector<1x1x2000xf32>
    %reduce_sum3A_131 = arith.constant dense<0.000000e+00> : vector<1xf32>
    %reduce_sum3A_132 = vector.multi_reduction <add>, %reduce_sum3A_130, %reduce_sum3A_131 [1, 2] : vector<1x1x2000xf32> to vector<1xf32>
    %reduce_sum3A_133 = vector.shape_cast %reduce_sum3A_132 : vector<1xf32> to vector<1x1x1xf32>
    %reduce_sum3A_134 = vector.extract %reduce_sum3A_133[0, 0, 0] : f32 from vector<1x1x1xf32>
    %mul3A_135 = arith.mulf %get3A_127, %reduce_sum3A_134 : f32
    %sub3A_136 = arith.subf %mul3A_125, %mul3A_135 : f32
    %get3A_137 = arith.constant 4 : index
    %get3A_138 = memref.load %arg3[%get3A_137] : memref<40xf32, #tpu.memory_space<smem>>
    %add3A_139 = arith.constant 1.83787704 : f32
    %add3A_140 = arith.addf %add3A_139, %get3A_138 : f32
    %mul3A_141 = arith.constant -1.000000e+03 : f32
    %mul3A_142 = arith.mulf %mul3A_141, %add3A_140 : f32
    %get3A_143 = arith.constant 8 : index
    %get3A_144 = memref.load %arg3[%get3A_143] : memref<40xf32, #tpu.memory_space<smem>>
    %mul3A_145 = arith.mulf %slice3A_7, %slice3A_7 : vector<1x2000xf32>
    %add3A_146 = arith.addf %exp3A_11, %mul3A_145 : vector<1x2000xf32>
    %reduce_sum3A_147 = vector.shape_cast %add3A_146 : vector<1x2000xf32> to vector<1x1x2000xf32>
    %reduce_sum3A_148 = arith.constant dense<0.000000e+00> : vector<1xf32>
    %reduce_sum3A_149 = vector.multi_reduction <add>, %reduce_sum3A_147, %reduce_sum3A_148 [1, 2] : vector<1x1x2000xf32> to vector<1xf32>
    %reduce_sum3A_150 = vector.shape_cast %reduce_sum3A_149 : vector<1xf32> to vector<1x1x1xf32>
    %reduce_sum3A_151 = vector.extract %reduce_sum3A_150[0, 0, 0] : f32 from vector<1x1x1xf32>
    %mul3A_152 = arith.mulf %get3A_144, %reduce_sum3A_151 : f32
    %sub3A_153 = arith.subf %mul3A_142, %mul3A_152 : f32
    %slice3A_154 = vector.extract_strided_slice %div3A_22 {offsets = [0, 0], sizes = [1, 2000], strides = [1, 1]} : vector<4x2000xf32> to vector<1x2000xf32>
    %reduce_sum3A_155 = vector.shape_cast %slice3A_154 : vector<1x2000xf32> to vector<1x1x2000xf32>
    %reduce_sum3A_156 = arith.constant dense<0.000000e+00> : vector<1xf32>
    %reduce_sum3A_157 = vector.multi_reduction <add>, %reduce_sum3A_155, %reduce_sum3A_156 [1, 2] : vector<1x1x2000xf32> to vector<1xf32>
    %reduce_sum3A_158 = vector.shape_cast %reduce_sum3A_157 : vector<1xf32> to vector<1x1x1xf32>
    %reduce_sum3A_159 = vector.extract %reduce_sum3A_158[0, 0, 0] : f32 from vector<1x1x1xf32>
    %get3A_160 = arith.constant 33 : index
    %get3A_161 = memref.load %arg3[%get3A_160] : memref<40xf32, #tpu.memory_space<smem>>
    %mul3A_162 = arith.mulf %reduce_sum3A_159, %get3A_161 : f32
    %add3A_163 = arith.constant 0.000000e+00 : f32
    %add3A_164 = arith.addf %add3A_163, %mul3A_162 : f32
    %slice3A_165 = vector.extract_strided_slice %div3A_22 {offsets = [1, 0], sizes = [1, 2000], strides = [1, 1]} : vector<4x2000xf32> to vector<1x2000xf32>
    %reduce_sum3A_166 = vector.shape_cast %slice3A_165 : vector<1x2000xf32> to vector<1x1x2000xf32>
    %reduce_sum3A_167 = arith.constant dense<0.000000e+00> : vector<1xf32>
    %reduce_sum3A_168 = vector.multi_reduction <add>, %reduce_sum3A_166, %reduce_sum3A_167 [1, 2] : vector<1x1x2000xf32> to vector<1xf32>
    %reduce_sum3A_169 = vector.shape_cast %reduce_sum3A_168 : vector<1xf32> to vector<1x1x1xf32>
    %reduce_sum3A_170 = vector.extract %reduce_sum3A_169[0, 0, 0] : f32 from vector<1x1x1xf32>
    %get3A_171 = arith.constant 34 : index
    %get3A_172 = memref.load %arg3[%get3A_171] : memref<40xf32, #tpu.memory_space<smem>>
    %mul3A_173 = arith.mulf %reduce_sum3A_170, %get3A_172 : f32
    %add3A_174 = arith.addf %add3A_164, %mul3A_173 : f32
    %slice3A_175 = vector.extract_strided_slice %div3A_22 {offsets = [2, 0], sizes = [1, 2000], strides = [1, 1]} : vector<4x2000xf32> to vector<1x2000xf32>
    %reduce_sum3A_176 = vector.shape_cast %slice3A_175 : vector<1x2000xf32> to vector<1x1x2000xf32>
    %reduce_sum3A_177 = arith.constant dense<0.000000e+00> : vector<1xf32>
    %reduce_sum3A_178 = vector.multi_reduction <add>, %reduce_sum3A_176, %reduce_sum3A_177 [1, 2] : vector<1x1x2000xf32> to vector<1xf32>
    %reduce_sum3A_179 = vector.shape_cast %reduce_sum3A_178 : vector<1xf32> to vector<1x1x1xf32>
    %reduce_sum3A_180 = vector.extract %reduce_sum3A_179[0, 0, 0] : f32 from vector<1x1x1xf32>
    %get3A_181 = arith.constant 35 : index
    %get3A_182 = memref.load %arg3[%get3A_181] : memref<40xf32, #tpu.memory_space<smem>>
    %mul3A_183 = arith.mulf %reduce_sum3A_180, %get3A_182 : f32
    %add3A_184 = arith.addf %add3A_174, %mul3A_183 : f32
    %slice3A_185 = vector.extract_strided_slice %div3A_22 {offsets = [3, 0], sizes = [1, 2000], strides = [1, 1]} : vector<4x2000xf32> to vector<1x2000xf32>
    %reduce_sum3A_186 = vector.shape_cast %slice3A_185 : vector<1x2000xf32> to vector<1x1x2000xf32>
    %reduce_sum3A_187 = arith.constant dense<0.000000e+00> : vector<1xf32>
    %reduce_sum3A_188 = vector.multi_reduction <add>, %reduce_sum3A_186, %reduce_sum3A_187 [1, 2] : vector<1x1x2000xf32> to vector<1xf32>
    %reduce_sum3A_189 = vector.shape_cast %reduce_sum3A_188 : vector<1xf32> to vector<1x1x1xf32>
    %reduce_sum3A_190 = vector.extract %reduce_sum3A_189[0, 0, 0] : f32 from vector<1x1x1xf32>
    %get3A_191 = arith.constant 36 : index
    %get3A_192 = memref.load %arg3[%get3A_191] : memref<40xf32, #tpu.memory_space<smem>>
    %mul3A_193 = arith.mulf %reduce_sum3A_190, %get3A_192 : f32
    %add3A_194 = arith.addf %add3A_184, %mul3A_193 : f32
    %slice3A_195 = vector.extract_strided_slice %div3A_46 {offsets = [0, 0], sizes = [1, 2000], strides = [1, 1]} : vector<3x2000xf32> to vector<1x2000xf32>
    %reduce_sum3A_196 = vector.shape_cast %slice3A_195 : vector<1x2000xf32> to vector<1x1x2000xf32>
    %reduce_sum3A_197 = arith.constant dense<0.000000e+00> : vector<1xf32>
    %reduce_sum3A_198 = vector.multi_reduction <add>, %reduce_sum3A_196, %reduce_sum3A_197 [1, 2] : vector<1x1x2000xf32> to vector<1xf32>
    %reduce_sum3A_199 = vector.shape_cast %reduce_sum3A_198 : vector<1xf32> to vector<1x1x1xf32>
    %reduce_sum3A_200 = vector.extract %reduce_sum3A_199[0, 0, 0] : f32 from vector<1x1x1xf32>
    %get3A_201 = arith.constant 37 : index
    %get3A_202 = memref.load %arg3[%get3A_201] : memref<40xf32, #tpu.memory_space<smem>>
    %mul3A_203 = arith.mulf %reduce_sum3A_200, %get3A_202 : f32
    %add3A_204 = arith.constant 0.000000e+00 : f32
    %add3A_205 = arith.addf %add3A_204, %mul3A_203 : f32
    %slice3A_206 = vector.extract_strided_slice %div3A_46 {offsets = [1, 0], sizes = [1, 2000], strides = [1, 1]} : vector<3x2000xf32> to vector<1x2000xf32>
    %reduce_sum3A_207 = vector.shape_cast %slice3A_206 : vector<1x2000xf32> to vector<1x1x2000xf32>
    %reduce_sum3A_208 = arith.constant dense<0.000000e+00> : vector<1xf32>
    %reduce_sum3A_209 = vector.multi_reduction <add>, %reduce_sum3A_207, %reduce_sum3A_208 [1, 2] : vector<1x1x2000xf32> to vector<1xf32>
    %reduce_sum3A_210 = vector.shape_cast %reduce_sum3A_209 : vector<1xf32> to vector<1x1x1xf32>
    %reduce_sum3A_211 = vector.extract %reduce_sum3A_210[0, 0, 0] : f32 from vector<1x1x1xf32>
    %get3A_212 = arith.constant 38 : index
    %get3A_213 = memref.load %arg3[%get3A_212] : memref<40xf32, #tpu.memory_space<smem>>
    %mul3A_214 = arith.mulf %reduce_sum3A_211, %get3A_213 : f32
    %add3A_215 = arith.addf %add3A_205, %mul3A_214 : f32
    %slice3A_216 = vector.extract_strided_slice %div3A_46 {offsets = [2, 0], sizes = [1, 2000], strides = [1, 1]} : vector<3x2000xf32> to vector<1x2000xf32>
    %reduce_sum3A_217 = vector.shape_cast %slice3A_216 : vector<1x2000xf32> to vector<1x1x2000xf32>
    %reduce_sum3A_218 = arith.constant dense<0.000000e+00> : vector<1xf32>
    %reduce_sum3A_219 = vector.multi_reduction <add>, %reduce_sum3A_217, %reduce_sum3A_218 [1, 2] : vector<1x1x2000xf32> to vector<1xf32>
    %reduce_sum3A_220 = vector.shape_cast %reduce_sum3A_219 : vector<1xf32> to vector<1x1x1xf32>
    %reduce_sum3A_221 = vector.extract %reduce_sum3A_220[0, 0, 0] : f32 from vector<1x1x1xf32>
    %get3A_222 = arith.constant 39 : index
    %get3A_223 = memref.load %arg3[%get3A_222] : memref<40xf32, #tpu.memory_space<smem>>
    %mul3A_224 = arith.mulf %reduce_sum3A_221, %get3A_223 : f32
    %add3A_225 = arith.addf %add3A_215, %mul3A_224 : f32
    %slice3A_226 = vector.extract_strided_slice %div3A_22 {offsets = [0, 0], sizes = [1, 2000], strides = [1, 1]} : vector<4x2000xf32> to vector<1x2000xf32>
    %get3A_227 = arith.constant 9 : index
    %get3A_228 = memref.load %arg3[%get3A_227] : memref<40xf32, #tpu.memory_space<smem>>
    %mul3A_229 = vector.broadcast %get3A_228 : f32 to vector<1x2000xf32>
    %mul3A_230 = arith.mulf %slice3A_226, %mul3A_229 : vector<1x2000xf32>
    %add3A_231 = arith.constant 0.000000e+00 : f32
    %add3A_232 = vector.broadcast %add3A_231 : f32 to vector<1x2000xf32>
    %add3A_233 = arith.addf %add3A_232, %mul3A_230 : vector<1x2000xf32>
    %slice3A_234 = vector.extract_strided_slice %div3A_22 {offsets = [1, 0], sizes = [1, 2000], strides = [1, 1]} : vector<4x2000xf32> to vector<1x2000xf32>
    %get3A_235 = arith.constant 12 : index
    %get3A_236 = memref.load %arg3[%get3A_235] : memref<40xf32, #tpu.memory_space<smem>>
    %mul3A_237 = vector.broadcast %get3A_236 : f32 to vector<1x2000xf32>
    %mul3A_238 = arith.mulf %slice3A_234, %mul3A_237 : vector<1x2000xf32>
    %add3A_239 = arith.addf %add3A_233, %mul3A_238 : vector<1x2000xf32>
    %slice3A_240 = vector.extract_strided_slice %div3A_22 {offsets = [2, 0], sizes = [1, 2000], strides = [1, 1]} : vector<4x2000xf32> to vector<1x2000xf32>
    %get3A_241 = arith.constant 15 : index
    %get3A_242 = memref.load %arg3[%get3A_241] : memref<40xf32, #tpu.memory_space<smem>>
    %mul3A_243 = vector.broadcast %get3A_242 : f32 to vector<1x2000xf32>
    %mul3A_244 = arith.mulf %slice3A_240, %mul3A_243 : vector<1x2000xf32>
    %add3A_245 = arith.addf %add3A_239, %mul3A_244 : vector<1x2000xf32>
    %slice3A_246 = vector.extract_strided_slice %div3A_22 {offsets = [3, 0], sizes = [1, 2000], strides = [1, 1]} : vector<4x2000xf32> to vector<1x2000xf32>
    %get3A_247 = arith.constant 18 : index
    %get3A_248 = memref.load %arg3[%get3A_247] : memref<40xf32, #tpu.memory_space<smem>>
    %mul3A_249 = vector.broadcast %get3A_248 : f32 to vector<1x2000xf32>
    %mul3A_250 = arith.mulf %slice3A_246, %mul3A_249 : vector<1x2000xf32>
    %add3A_251 = arith.addf %add3A_245, %mul3A_250 : vector<1x2000xf32>
    %slice3A_252 = vector.extract_strided_slice %div3A_22 {offsets = [0, 0], sizes = [1, 2000], strides = [1, 1]} : vector<4x2000xf32> to vector<1x2000xf32>
    %get3A_253 = arith.constant 10 : index
    %get3A_254 = memref.load %arg3[%get3A_253] : memref<40xf32, #tpu.memory_space<smem>>
    %mul3A_255 = vector.broadcast %get3A_254 : f32 to vector<1x2000xf32>
    %mul3A_256 = arith.mulf %slice3A_252, %mul3A_255 : vector<1x2000xf32>
    %add3A_257 = arith.constant 0.000000e+00 : f32
    %add3A_258 = vector.broadcast %add3A_257 : f32 to vector<1x2000xf32>
    %add3A_259 = arith.addf %add3A_258, %mul3A_256 : vector<1x2000xf32>
    %slice3A_260 = vector.extract_strided_slice %div3A_22 {offsets = [1, 0], sizes = [1, 2000], strides = [1, 1]} : vector<4x2000xf32> to vector<1x2000xf32>
    %get3A_261 = arith.constant 13 : index
    %get3A_262 = memref.load %arg3[%get3A_261] : memref<40xf32, #tpu.memory_space<smem>>
    %mul3A_263 = vector.broadcast %get3A_262 : f32 to vector<1x2000xf32>
    %mul3A_264 = arith.mulf %slice3A_260, %mul3A_263 : vector<1x2000xf32>
    %add3A_265 = arith.addf %add3A_259, %mul3A_264 : vector<1x2000xf32>
    %slice3A_266 = vector.extract_strided_slice %div3A_22 {offsets = [2, 0], sizes = [1, 2000], strides = [1, 1]} : vector<4x2000xf32> to vector<1x2000xf32>
    %get3A_267 = arith.constant 16 : index
    %get3A_268 = memref.load %arg3[%get3A_267] : memref<40xf32, #tpu.memory_space<smem>>
    %mul3A_269 = vector.broadcast %get3A_268 : f32 to vector<1x2000xf32>
    %mul3A_270 = arith.mulf %slice3A_266, %mul3A_269 : vector<1x2000xf32>
    %add3A_271 = arith.addf %add3A_265, %mul3A_270 : vector<1x2000xf32>
    %slice3A_272 = vector.extract_strided_slice %div3A_22 {offsets = [3, 0], sizes = [1, 2000], strides = [1, 1]} : vector<4x2000xf32> to vector<1x2000xf32>
    %get3A_273 = arith.constant 19 : index
    %get3A_274 = memref.load %arg3[%get3A_273] : memref<40xf32, #tpu.memory_space<smem>>
    %mul3A_275 = vector.broadcast %get3A_274 : f32 to vector<1x2000xf32>
    %mul3A_276 = arith.mulf %slice3A_272, %mul3A_275 : vector<1x2000xf32>
    %add3A_277 = arith.addf %add3A_271, %mul3A_276 : vector<1x2000xf32>
    %slice3A_278 = vector.extract_strided_slice %div3A_22 {offsets = [0, 0], sizes = [1, 2000], strides = [1, 1]} : vector<4x2000xf32> to vector<1x2000xf32>
    %get3A_279 = arith.constant 11 : index
    %get3A_280 = memref.load %arg3[%get3A_279] : memref<40xf32, #tpu.memory_space<smem>>
    %mul3A_281 = vector.broadcast %get3A_280 : f32 to vector<1x2000xf32>
    %mul3A_282 = arith.mulf %slice3A_278, %mul3A_281 : vector<1x2000xf32>
    %add3A_283 = arith.constant 0.000000e+00 : f32
    %add3A_284 = vector.broadcast %add3A_283 : f32 to vector<1x2000xf32>
    %add3A_285 = arith.addf %add3A_284, %mul3A_282 : vector<1x2000xf32>
    %slice3A_286 = vector.extract_strided_slice %div3A_22 {offsets = [1, 0], sizes = [1, 2000], strides = [1, 1]} : vector<4x2000xf32> to vector<1x2000xf32>
    %get3A_287 = arith.constant 14 : index
    %get3A_288 = memref.load %arg3[%get3A_287] : memref<40xf32, #tpu.memory_space<smem>>
    %mul3A_289 = vector.broadcast %get3A_288 : f32 to vector<1x2000xf32>
    %mul3A_290 = arith.mulf %slice3A_286, %mul3A_289 : vector<1x2000xf32>
    %add3A_291 = arith.addf %add3A_285, %mul3A_290 : vector<1x2000xf32>
    %slice3A_292 = vector.extract_strided_slice %div3A_22 {offsets = [2, 0], sizes = [1, 2000], strides = [1, 1]} : vector<4x2000xf32> to vector<1x2000xf32>
    %get3A_293 = arith.constant 17 : index
    %get3A_294 = memref.load %arg3[%get3A_293] : memref<40xf32, #tpu.memory_space<smem>>
    %mul3A_295 = vector.broadcast %get3A_294 : f32 to vector<1x2000xf32>
    %mul3A_296 = arith.mulf %slice3A_292, %mul3A_295 : vector<1x2000xf32>
    %add3A_297 = arith.addf %add3A_291, %mul3A_296 : vector<1x2000xf32>
    %slice3A_298 = vector.extract_strided_slice %div3A_22 {offsets = [3, 0], sizes = [1, 2000], strides = [1, 1]} : vector<4x2000xf32> to vector<1x2000xf32>
    %get3A_299 = arith.constant 20 : index
    %get3A_300 = memref.load %arg3[%get3A_299] : memref<40xf32, #tpu.memory_space<smem>>
    %mul3A_301 = vector.broadcast %get3A_300 : f32 to vector<1x2000xf32>
    %mul3A_302 = arith.mulf %slice3A_298, %mul3A_301 : vector<1x2000xf32>
    %add3A_303 = arith.addf %add3A_297, %mul3A_302 : vector<1x2000xf32>
    %slice3A_304 = vector.extract_strided_slice %div3A_22 {offsets = [0, 0], sizes = [1, 2000], strides = [1, 1]} : vector<4x2000xf32> to vector<1x2000xf32>
    %get3A_305 = arith.constant 21 : index
    %get3A_306 = memref.load %arg3[%get3A_305] : memref<40xf32, #tpu.memory_space<smem>>
    %mul3A_307 = vector.broadcast %get3A_306 : f32 to vector<1x2000xf32>
    %mul3A_308 = arith.mulf %slice3A_304, %mul3A_307 : vector<1x2000xf32>
    %add3A_309 = arith.constant 0.000000e+00 : f32
    %add3A_310 = vector.broadcast %add3A_309 : f32 to vector<1x2000xf32>
    %add3A_311 = arith.addf %add3A_310, %mul3A_308 : vector<1x2000xf32>
    %slice3A_312 = vector.extract_strided_slice %div3A_22 {offsets = [1, 0], sizes = [1, 2000], strides = [1, 1]} : vector<4x2000xf32> to vector<1x2000xf32>
    %get3A_313 = arith.constant 24 : index
    %get3A_314 = memref.load %arg3[%get3A_313] : memref<40xf32, #tpu.memory_space<smem>>
    %mul3A_315 = vector.broadcast %get3A_314 : f32 to vector<1x2000xf32>
    %mul3A_316 = arith.mulf %slice3A_312, %mul3A_315 : vector<1x2000xf32>
    %add3A_317 = arith.addf %add3A_311, %mul3A_316 : vector<1x2000xf32>
    %slice3A_318 = vector.extract_strided_slice %div3A_22 {offsets = [2, 0], sizes = [1, 2000], strides = [1, 1]} : vector<4x2000xf32> to vector<1x2000xf32>
    %get3A_319 = arith.constant 27 : index
    %get3A_320 = memref.load %arg3[%get3A_319] : memref<40xf32, #tpu.memory_space<smem>>
    %mul3A_321 = vector.broadcast %get3A_320 : f32 to vector<1x2000xf32>
    %mul3A_322 = arith.mulf %slice3A_318, %mul3A_321 : vector<1x2000xf32>
    %add3A_323 = arith.addf %add3A_317, %mul3A_322 : vector<1x2000xf32>
    %slice3A_324 = vector.extract_strided_slice %div3A_22 {offsets = [3, 0], sizes = [1, 2000], strides = [1, 1]} : vector<4x2000xf32> to vector<1x2000xf32>
    %get3A_325 = arith.constant 30 : index
    %get3A_326 = memref.load %arg3[%get3A_325] : memref<40xf32, #tpu.memory_space<smem>>
    %mul3A_327 = vector.broadcast %get3A_326 : f32 to vector<1x2000xf32>
    %mul3A_328 = arith.mulf %slice3A_324, %mul3A_327 : vector<1x2000xf32>
    %add3A_329 = arith.addf %add3A_323, %mul3A_328 : vector<1x2000xf32>
    %slice3A_330 = vector.extract_strided_slice %div3A_22 {offsets = [0, 0], sizes = [1, 2000], strides = [1, 1]} : vector<4x2000xf32> to vector<1x2000xf32>
    %get3A_331 = arith.constant 22 : index
    %get3A_332 = memref.load %arg3[%get3A_331] : memref<40xf32, #tpu.memory_space<smem>>
    %mul3A_333 = vector.broadcast %get3A_332 : f32 to vector<1x2000xf32>
    %mul3A_334 = arith.mulf %slice3A_330, %mul3A_333 : vector<1x2000xf32>
    %add3A_335 = arith.constant 0.000000e+00 : f32
    %add3A_336 = vector.broadcast %add3A_335 : f32 to vector<1x2000xf32>
    %add3A_337 = arith.addf %add3A_336, %mul3A_334 : vector<1x2000xf32>
    %slice3A_338 = vector.extract_strided_slice %div3A_22 {offsets = [1, 0], sizes = [1, 2000], strides = [1, 1]} : vector<4x2000xf32> to vector<1x2000xf32>
    %get3A_339 = arith.constant 25 : index
    %get3A_340 = memref.load %arg3[%get3A_339] : memref<40xf32, #tpu.memory_space<smem>>
    %mul3A_341 = vector.broadcast %get3A_340 : f32 to vector<1x2000xf32>
    %mul3A_342 = arith.mulf %slice3A_338, %mul3A_341 : vector<1x2000xf32>
    %add3A_343 = arith.addf %add3A_337, %mul3A_342 : vector<1x2000xf32>
    %slice3A_344 = vector.extract_strided_slice %div3A_22 {offsets = [2, 0], sizes = [1, 2000], strides = [1, 1]} : vector<4x2000xf32> to vector<1x2000xf32>
    %get3A_345 = arith.constant 28 : index
    %get3A_346 = memref.load %arg3[%get3A_345] : memref<40xf32, #tpu.memory_space<smem>>
    %mul3A_347 = vector.broadcast %get3A_346 : f32 to vector<1x2000xf32>
    %mul3A_348 = arith.mulf %slice3A_344, %mul3A_347 : vector<1x2000xf32>
    %add3A_349 = arith.addf %add3A_343, %mul3A_348 : vector<1x2000xf32>
    %slice3A_350 = vector.extract_strided_slice %div3A_22 {offsets = [3, 0], sizes = [1, 2000], strides = [1, 1]} : vector<4x2000xf32> to vector<1x2000xf32>
    %get3A_351 = arith.constant 31 : index
    %get3A_352 = memref.load %arg3[%get3A_351] : memref<40xf32, #tpu.memory_space<smem>>
    %mul3A_353 = vector.broadcast %get3A_352 : f32 to vector<1x2000xf32>
    %mul3A_354 = arith.mulf %slice3A_350, %mul3A_353 : vector<1x2000xf32>
    %add3A_355 = arith.addf %add3A_349, %mul3A_354 : vector<1x2000xf32>
    %slice3A_356 = vector.extract_strided_slice %div3A_22 {offsets = [0, 0], sizes = [1, 2000], strides = [1, 1]} : vector<4x2000xf32> to vector<1x2000xf32>
    %get3A_357 = arith.constant 23 : index
    %get3A_358 = memref.load %arg3[%get3A_357] : memref<40xf32, #tpu.memory_space<smem>>
    %mul3A_359 = vector.broadcast %get3A_358 : f32 to vector<1x2000xf32>
    %mul3A_360 = arith.mulf %slice3A_356, %mul3A_359 : vector<1x2000xf32>
    %add3A_361 = arith.constant 0.000000e+00 : f32
    %add3A_362 = vector.broadcast %add3A_361 : f32 to vector<1x2000xf32>
    %add3A_363 = arith.addf %add3A_362, %mul3A_360 : vector<1x2000xf32>
    %slice3A_364 = vector.extract_strided_slice %div3A_22 {offsets = [1, 0], sizes = [1, 2000], strides = [1, 1]} : vector<4x2000xf32> to vector<1x2000xf32>
    %get3A_365 = arith.constant 26 : index
    %get3A_366 = memref.load %arg3[%get3A_365] : memref<40xf32, #tpu.memory_space<smem>>
    %mul3A_367 = vector.broadcast %get3A_366 : f32 to vector<1x2000xf32>
    %mul3A_368 = arith.mulf %slice3A_364, %mul3A_367 : vector<1x2000xf32>
    %add3A_369 = arith.addf %add3A_363, %mul3A_368 : vector<1x2000xf32>
    %slice3A_370 = vector.extract_strided_slice %div3A_22 {offsets = [2, 0], sizes = [1, 2000], strides = [1, 1]} : vector<4x2000xf32> to vector<1x2000xf32>
    %get3A_371 = arith.constant 29 : index
    %get3A_372 = memref.load %arg3[%get3A_371] : memref<40xf32, #tpu.memory_space<smem>>
    %mul3A_373 = vector.broadcast %get3A_372 : f32 to vector<1x2000xf32>
    %mul3A_374 = arith.mulf %slice3A_370, %mul3A_373 : vector<1x2000xf32>
    %add3A_375 = arith.addf %add3A_369, %mul3A_374 : vector<1x2000xf32>
    %slice3A_376 = vector.extract_strided_slice %div3A_22 {offsets = [3, 0], sizes = [1, 2000], strides = [1, 1]} : vector<4x2000xf32> to vector<1x2000xf32>
    %get3A_377 = arith.constant 32 : index
    %get3A_378 = memref.load %arg3[%get3A_377] : memref<40xf32, #tpu.memory_space<smem>>
    %mul3A_379 = vector.broadcast %get3A_378 : f32 to vector<1x2000xf32>
    %mul3A_380 = arith.mulf %slice3A_376, %mul3A_379 : vector<1x2000xf32>
    %add3A_381 = arith.addf %add3A_375, %mul3A_380 : vector<1x2000xf32>
    %concatenate3A_382 = tpu.concatenate %slice3A, %slice3A_3, %exp3A, %exp3A_9, %div3A_22, %slice3A_5, %slice3A_7, %exp3A_10, %exp3A_11, %div3A_46, %add3A_251, %add3A_277, %add3A_303, %add3A_329, %add3A_355, %add3A_381 in 0 : vector<1x2000xf32>, vector<1x2000xf32>, vector<1x2000xf32>, vector<1x2000xf32>, vector<4x2000xf32>, vector<1x2000xf32>, vector<1x2000xf32>, vector<1x2000xf32>, vector<1x2000xf32>, vector<3x2000xf32>, vector<1x2000xf32>, vector<1x2000xf32>, vector<1x2000xf32>, vector<1x2000xf32>, vector<1x2000xf32>, vector<1x2000xf32> -> vector<21x2000xf32>
    %swap3A = arith.constant 0 : index
    %swap3A_383 = arith.constant 0 : index
    %swap3A_384 = vector.load %arg4[%swap3A, %swap3A_383] : memref<21x2000xf32, #tpu.memory_space<vmem>>, vector<21x2000xf32>
    tpu.vector_store %arg4[%swap3A, %swap3A_383], %concatenate3A_382 {strides = array<i32>} : memref<21x2000xf32, #tpu.memory_space<vmem>>, vector<21x2000xf32>,
    %add3A_385 = arith.addf %sub3A_85, %sub3A_102 : f32
    %add3A_386 = arith.addf %add3A_385, %sub3A_119 : f32
    %add3A_387 = arith.addf %add3A_386, %sub3A_136 : f32
    %add3A_388 = arith.addf %add3A_387, %sub3A_153 : f32
    %add3A_389 = arith.addf %add3A_388, %add3A_194 : f32
    %add3A_390 = arith.addf %add3A_389, %add3A_225 : f32
    %swap3A_391 = arith.constant 0 : index
    %swap3A_392 = memref.load %arg5[%swap3A_391] : memref<1xf32, #tpu.memory_space<smem>>
    memref.store %add3A_390, %arg5[%swap3A_391] : memref<1xf32, #tpu.memory_space<smem>>
    return
  }
}

</mosaic_0001>

<sc_bundles>
// kernel: kernel.4.cloned.1.call-start
scs
__scs_entry_jumppad:
0x0: {  	(pc) =	sbr.rel $0x88, $3  }
0x1: {  	(tag) =	ssettag $0x0;
	lr =	simm.s32 $0x1  }
0x2: {  	[smem:$0x3F99] =	sst lr;
	_ =	strace $0xD0000000  }
0x3: {  	_ = 	snop  }
0x4: {  	_ = 	snop  }
0x5: {  	_ = 	snop  }
0x6: {  	_ = 	snop  }
0x7: {  	_ = 	snop  }
__scs_overlays_trampoline_lowered:
0x8: {  	[smem:$0x3FA8] =	sst s0  }
0x9: {  	[smem:$0x3FA9] =	sst s1  }
0xa: {  	[smem:$0x3FAA] =	sst s2  }
0xb: {  	[smem:$0x3FAB] =	sst s3  }
0xc: {  	[smem:$0x3FAC] =	sst s4  }
0xd: {  	[smem:$0x3FAD] =	sst s5  }
0xe: {  	[smem:$0x3FAE] =	sst s6  }
0xf: {  	[smem:$0x3FAF] =	sst s7  }
0x10: {  	[smem:$0x3FB0] =	sst s8  }
0x11: {  	[smem:$0x3FB1] =	sst s9;
	s0 =	simm.s32 @!p0 $0x0  }
0x12: {  	s1 =	sld [smem:$0x3F97];
	s0 =	simm.s32 @p0 $0x1  }
0x13: {  	[smem:$0x3FB2] =	sst s0;
	s0 =	simm.s32 @!p1 $0x0  }
0x14: {  	s2 =	sld [smem:$0x3F96];
	s0 =	simm.s32 @p1 $0x1  }
0x15: {  	[smem:$0x3FB3] =	sst s0;
	s0 =	simm.s32 @!p2 $0x0  }
0x16: {  	s3 =	sld [smem:$0x3FDB];
	s0 =	simm.s32 @p2 $0x1  }
0x17: {  	s4 =	simm.s32 $0x1BF5;
	[smem:$0x3FB5] =	sst s0  }
0x18: {  	s0 =	sld [smem:$0x3F98];
	_ =	swait.ge [sflag:s4], $0x0  }
0x19: {  	s7 =	sld [smem:$0x3F99]  }
0x1a: {  	s8 =	sadd.s32 $0xFFFFE003, lr  }
0x1b: {  	s9 =	sadd.s32 $0xFFFFFEF7, lr;
	s5 =	simm.s32 $0xFFFFFFFF;
	p2 =	slt.u32 s8, $0xFFFFF086  }
0x1c: {  	p1 =	slt.u32 s9, $0xF7A;
	s5 =	simm.s32 @!p2 $0x0  }
0x1d: {  	s5 =	simm.s32 @p1 $0x1;
	p0 =	seq.s32 s7, s2  }
0x1e: {  	s7 =	smul.u32 @!p0 $0xF7A, s2;
	p2 =	seq.s32 @!p0 s5, $0x0  }
0x1f: {  	s9 =	smul.u32 $0xF7A, s1;
	s8 =	simm.s32 @!p0 $0x1BF5;
	p2 =	por !p2, p0  }
0x20: {  	[sflag:s8] =	ssyncset.s32 @!p0 $0xFFFFF086;
	s6 =	sadd.s32 @!p0 s3, s7;
	s7 =	simm.s32 @!p0 $0x108  }
0x21: {  	s3 =	sadd.s32 s3, s9;
	s6 =	sadd.s32 @!p0 $0x88, s6;
	s7 =	simm.s32 @p2 $0x1082  }
0x22: {  	[simem:s7], [sflag:s8] =	dma.local @!p0 [hbm:s6], $0xF7A  }
0x23: {  	s9 =	sor.u32 $0xD0000000, s2;
	s6 =	simm.s32 $0x108;
	_ =	swait.ge @!p0 [sflag:s8], $0x0  }
0x24: {  	s3 =	sadd.s32 $0x88, s3;
	s6 =	simm.s32 @!p1 $0x1082;
	[sflag:s4] =	ssyncset.s32 $0xFFFFF086  }
0x25: {  	[simem:s6], [sflag:s4] =	dma.local [hbm:s3], $0xF7A  }
0x26: {  	[smem:$0x3F99] =	sst s1;
	(tag) =	ssettag s2;
	_ =	strace s9  }
0x27: {  	s1 =	sld [smem:$0x3FA9]  }
0x28: {  	s2 =	sld [smem:$0x3FAA]  }
0x29: {  	s4 =	sld [smem:$0x3FAC]  }
0x2a: {  	p0 =	seq.s32 s5, $0x0;
	s5 =	sld [smem:$0x3FAD]  }
0x2b: {  	s6 =	sld [smem:$0x3FAE]  }
0x2c: {  	s7 =	sld [smem:$0x3FAF]  }
0x2d: {  	s3 =	simm.s32 $0x108;
	s8 =	sld [smem:$0x3FB0]  }
0x2e: {  	s3 =	simm.s32 @!p0 $0x1082;
	s9 =	sld [smem:$0x3FB1]  }
0x2f: {  	lr =	sadd.s32 s0, s3;
	s0 =	sld [smem:$0x3FA8]  }
0x30: {  	s3 =	sld [smem:$0x3FAB]  }
0x31: {  	[smem:$0x3FB4] =	sst s10  }
0x32: {  	s10 =	sld [smem:$0x3FB2];
	_ =	sdelay $0x3  }
0x33: {  	p0 =	seq.s32 s10, $0x1;
	s10 =	sld [smem:$0x3FB4];
	_ =	sdelay $0x3  }
0x34: {  	[smem:$0x3FB4] =	sst s10  }
0x35: {  	s10 =	sld [smem:$0x3FB3];
	_ =	sdelay $0x3  }
0x36: {  	p1 =	seq.s32 s10, $0x1;
	s10 =	sld [smem:$0x3FB4];
	_ =	sdelay $0x3  }
0x37: {  	[smem:$0x3FB4] =	sst s10  }
0x38: {  	s10 =	sld [smem:$0x3FB5]  }
0x39: {  	_ = 	snop;
	(pc) =	sbr.ind lr, $3  }
0x3a: {  	_ = 	snop  }
0x3b: {  	_ = 	snop  }
0x3c: {  	p2 =	seq.s32 s10, $0x1;
	s10 =	sld [smem:$0x3FB4]  }
0x3d: {  	_ =	shalt  }
0x3e: {  	_ =	shalt  }
0x3f: {  	_ =	shalt  }
0x40: {  	_ =	shalt  }
0x41: {  	_ =	shalt  }
0x42: {  	_ =	shalt  }
0x43: {  	_ =	shalt  }
0x44: {  	_ =	shalt  }
0x45: {  	_ =	shalt  }
0x46: {  	_ =	shalt  }
0x47: {  	_ =	shalt  }
0x48: {  	_ =	shalt  }
0x49: {  	_ =	shalt  }
0x4a: {  	_ =	shalt  }
0x4b: {  	_ =	shalt  }
0x4c: {  	_ =	shalt  }
0x4d: {  	_ =	shalt  }
0x4e: {  	_ =	shalt  }
0x4f: {  	_ =	shalt  }
0x50: {  	_ =	shalt  }
0x51: {  	_ =	shalt  }
0x52: {  	_ =	shalt  }
0x53: {  	_ =	shalt  }
0x54: {  	_ =	shalt  }
0x55: {  	_ =	shalt  }
0x56: {  	_ =	shalt  }
0x57: {  	_ =	shalt  }
0x58: {  	_ =	shalt  }
0x59: {  	_ =	shalt  }
0x5a: {  	_ =	shalt  }
0x5b: {  	_ =	shalt  }
0x5c: {  	_ =	shalt  }
0x5d: {  	_ =	shalt  }
0x5e: {  	_ =	shalt  }
0x5f: {  	_ =	shalt  }
0x60: {  	_ =	shalt  }
0x61: {  	_ =	shalt  }
0x62: {  	_ =	shalt  }
0x63: {  	_ =	shalt  }
0x64: {  	_ =	shalt  }
0x65: {  	_ =	shalt  }
0x66: {  	_ =	shalt  }
0x67: {  	_ =	shalt  }
0x68: {  	_ =	shalt  }
0x69: {  	_ =	shalt  }
0x6a: {  	_ =	shalt  }
0x6b: {  	_ =	shalt  }
0x6c: {  	_ =	shalt  }
0x6d: {  	_ =	shalt  }
0x6e: {  	_ =	shalt  }
0x6f: {  	_ =	shalt  }
0x70: {  	_ =	shalt  }
0x71: {  	_ =	shalt  }
0x72: {  	_ =	shalt  }
0x73: {  	_ =	shalt  }
0x74: {  	_ =	shalt  }
0x75: {  	_ =	shalt  }
0x76: {  	_ =	shalt  }
0x77: {  	_ =	shalt  }
0x78: {  	_ =	shalt  }
0x79: {  	_ =	shalt  }
0x7a: {  	_ =	shalt  }
0x7b: {  	_ =	shalt  }
0x7c: {  	_ =	shalt  }
0x7d: {  	_ =	shalt  }
0x7e: {  	_ =	shalt  }
0x7f: {  	_ =	shalt  }
0x80: {  	_ =	shalt  }
0x81: {  	_ =	shalt  }
0x82: {  	_ =	shalt  }
0x83: {  	_ =	shalt  }
0x84: {  	_ =	shalt  }
0x85: {  	_ =	shalt  }
0x86: {  	_ =	shalt  }
0x87: {  	_ =	shalt  }
.Lfunc_end0:
.L_simem_size_0:
called_computation_lowered:
.L_overlay_start_0:
0x88: {  	s2 =	sld [smem:$0x3FD9]  }
0x89: {  	s3 =	sld [smem:$0x3FFE];
	_ =	sdelay $0x1  }
0x8a: {  	s1 =	srdreg.scid  }
0x8b: {  	s0 =	sand.u32 $0x1, s1  }
0x8c: {  	s16 =	sshll.u32 s0, $0xA;
	s2 =	sadd.s32 s3, s2  }
0x8d: {  	s2 =	sadd.s32 s2, s16  }
0x8e: {  	[smem:$0x3FC0] =	sst s2  }
0x8f: {  	_ = 	snop  }
0x90: {  	(tm) =	ssettm $0x1  }
0x91: {  	s17 =	sld [smem:$0x3FFB];
	_ =	sdelay $0x3  }
0x92: {  	_ =	strace s17  }
0x93: {  	s2 =	sld [smem:$0x3FFC];
	_ =	sdelay $0x3  }
0x94: {  	_ =	strace s2  }
0x95: {  	s2 =	sld [smem:$0x3FFD];
	_ =	sdelay $0x3  }
0x96: {  	_ =	strace s2  }
0x97: {  	_ =	strace $0x8FFFFFFF  }
0x98: {  	s18 =	sld [smem:$0x3FDB];
	_ =	sdelay $0x1  }
0x99: {  	s19 =	simm.s32 $_scs_section_size  }
0x9a: {  	s4 =	simm.s32 $_size__tile_overlayer_lowered;
	s5 =	simm.s32 $_tile_overlayer_lowered  }
0x9b: {  	s22 =	simm.s32 $0x1BFF;
	s21 =	sshll.u32 s5, $0x1;
	s2 =	sadd.s32 s19, s18  }
0x9c: {  	s6 =	simm.s32 $0x0;
	s20 =	sshll.u32 s4, $0x1;
	s4 =	sadd.s32 s21, s2  }
0x9d: {  	[timem:s6], [sflag:s22] =	dma.local [hbm:s4], s20  }
0x9e: {  	_ =	swait.ge [sflag:s22], s20  }
0x9f: {  	s3 =	ssub.s32 $0x0, s20;
	[sflag:s22] =	ssyncset.done $0x0  }
0xa0: {  	[sflag:s22] =	ssyncadd.s32 s3;
	_ =	sdelay $0x1  }
0xa1: {  	s23 =	simm.s32 $0x1B8B  }
0xa2: {  	_ =	swait.ge [sflag:s23], $0x1  }
0xa3: {  	[sflag:s23] =	ssyncset.done $0x0  }
0xa4: {  	s25 =	simm.s32 $0x1B8E;
	s24 =	sld [smem:$0x3FFE];
	[sflag:s23] =	ssyncadd.s32 $0xFFFFFFFF  }
0xa5: {  	s26 =	simm.s32 $execute0_lowered;
	[smem:$0x3FD2] =	sst s25  }
0xa6: {  	s4 =	sshll.u32 s26, $0x1;
	_ =	strace $0x80000046;
	[dreg:$0x1] =	wrdreg $0xFFFFFFFF  }
0xa7: {  	s28 =	simm.s32 $_size_execute0_lowered;
	s2 =	sadd.s32 s2, s4;
	[dreg:$0x0] =	wrdreg $0x0  }
0xa8: {  	s4 =	sshll.u32 s28, $0x1;
	[dreg:$0x2] =	wrdreg s2  }
0xa9: {  	[dreg:$0x3] =	wrdreg s4  }
0xaa: {  	[dreg:$0x4] =	wrdreg $0xC0  }
0xab: {  	_ =	task [dreg:s6], $0x5FFFF  }
0xac: {  	[dreg:$0x1] =	wrdreg $0xFFFFFFFF  }
0xad: {  	[dreg:$0x0] =	wrdreg $0x60  }
0xae: {  	[dreg:$0x2] =	wrdreg s24  }
0xaf: {  	[dreg:$0x3] =	wrdreg $0x9  }
0xb0: {  	_ =	task.clear_ibuf [dreg:s6], $0x4FFFF;
	_ =	strace $0x90000046  }
0xb1: {  	s29 =	simm.s32 $0x9;
	_ =	strace $0x80000048  }
0xb2: {  	_ =	swait.ge [sflag:s29], $0x1  }
0xb3: {  	[sflag:s29] =	ssyncadd.s32 $0xFFFFFFFF  }
0xb4: {  	_ =	strace $0x90000048  }
0xb5: {  	_ =	sfence  }
0xb6: {  	s30 =	sld [smem:$0x0];
	_ =	sdelay $0x2  }
0xb7: {  	s31 =	sshll.u32 s1, $0xD;
	s1 =	sshrl.u32 s1, $0x2  }
0xb8: {  	s3 =	sand.u32 $0x4000, s31;
	s1 =	sadd.s32 s1, s30  }
0xb9: {  	s0 =	sor.u32 s3, s0;
	s1 =	sshll.u32 s1, $0x11  }
0xba: {  	s0 =	sor.u32 s1, s0  }
0xbb: {  	s0 =	sadd.s32 $0x8F2B, s0  }
0xbc: {  	[sflag:s0] =	ssyncadd.remote.s32 $0x1  }
0xbd: {  	_ =	sfence.sel $0xFFFF  }
0xbe: {  	[dreg:$0x0] =	wrdreg $0xFFFFFFFF;
	(pc) =	sbr.abs _section_cstart, $3  }
0xbf: {  	[dreg:$0x1] =	wrdreg $0xFFFFFFFF  }
0xc0: {  	_ =	task.clear_ibuf [dreg:s6], $0x2FFFF;
	_ =	strace $0x9FFFFFFF  }
0xc1: {  	(tm) =	ssettm $0x7FFFFFFF  }
tec
execute0_lowered:
.L_overlay_start_1:
0x0: {  	(tag) =	ssettag $0x1  }
0x1: {  	s0 =	srdreg.scid  }
0x2: {  	s11 =	stileid.u32;
	s2 =	rddreg [dreg:$0x0]  }
0x3: {  	s3 =	simm.s32 $0x0;
	s20 =	simm.s32 $0x17480;
	s21 =	simm.s32 $0x180C0  }
0x4: {  	s22 =	simm.s32 $0x18D00;
	s23 =	simm.s32 $0x1;
	s14 =	smul.u32 $0xC360, s11  }
0x5: {  	s24 =	simm.s32 $0x19940;
	s0 =	sand.u32 $0x1, s0;
	s15 =	smul.u32 $0x1880, s11  }
0x6: {  	s25 =	simm.s32 $0x2;
	s1 =	sshll.u32 s11, $0x1;
	s13 =	smul.u32 $0x61B0, s0  }
0x7: {  	s1 =	sor.u32 s0, s1;
	s30 =	ssub.s32 $0x2, s0;
	s0 =	smul.u32 $0xC40, s0  }
0x8: {  	s26 =	simm.s32 $0x0;
	[smem:$0x7FF] =	sst s3;
	s5 =	smul.u32 $0xC40, s1  }
0x9: {  	s4 =	sadd.s32 $0xCA00, s2;
	s6 =	smul.u32 $0x61B0, s1;
	s1 =	sshll.u32 s1, $0x1  }
0xa: {  	_ =	strace $0x80000047;
	s31 =	sshrl.u32 s30, $0x1;
	s1 =	sadd.s32 s1, s2  }
0xb: {  	s12 =	ssub.s32 s30, s31;
	s13 =	sadd.s32 s14, s13;
	s0 =	sadd.s32 s15, s0  }
0xc: {  	s5 =	sshrl.u32 s5, $0x3;
	s29 =	sshrl.u32 s6, $0x3;
	s11 =	sadd.s32 $0x3F000, s1  }
0xd: {  	s12 =	smax.u32 s12, $0x1;
	s1 =	ssub.s32 $0xC34B0, s13;
	s14 =	ssub.s32 $0xBD380, s13  }
0xe: {  	s0 =	ssub.s32 $0x18670, s0;
	s10 =	sadd.s32 s5, s2;
	s7 =	sadd.s32 s29, s2  }
0xf: {  	s5 =	sadd.s32 $0xE000, s7;
	s6 =	sadd.s32 $0x26800, s7;
	s7 =	sadd.s32 $0x200, s10  }
0x10: {  	v0 =	vlaneseq.u32;
	s8 =	sadd.s32 $0x3400, s10;
	s9 =	sadd.s32 $0x6600, s10;
	s10 =	sadd.s32 $0x9800, s10  }
.LBB2_1:
0x11: {  	[tilespmem:s3], [sflag:$0x1] =	stream.linear.gather [hbm4b:s4+s3], $0xA410, $0x38;
	[tilespmem:$0x19950] =	vst v63  }
0x12: {  	s13 =	simm.s32 $0xA410  }
0x13: {  	[tilespmem:s13], [sflag:$0x1] =	stream.linear.gather [hbm4b:s2+s3], $0xD0, $0x38;
	[tilespmem:$0x19950] =	vst v63  }
0x14: {  	s18 =	simm.s32 $0xA4E0  }
0x15: {  	[tilespmem:s18], [sflag:$0x1] =	stream.linear.gather [hbm4b:s5+s3], $0x61B0, $0x38;
	[tilespmem:$0x19950] =	vst v63  }
0x16: {  	s19 =	simm.s32 $0x10690  }
0x17: {  	[tilespmem:s19], [sflag:$0x1] =	stream.linear.gather [hbm4b:s6+s3], $0x61B0, $0x38;
	[tilespmem:$0x19950] =	vst v63  }
0x18: {  	s28 =	simm.s32 $0x16840  }
0x19: {  	[tilespmem:s28], [sflag:$0x1] =	stream.linear.gather [hbm4b:s7+s3], $0xC40, $0x38;
	[tilespmem:$0x19950] =	vst v63  }
0x1a: {  	_ = 	snop  }
0x1b: {  	[tilespmem:s20], [sflag:$0x1] =	stream.linear.gather [hbm4b:s8+s3], $0xC40, $0x38;
	[tilespmem:$0x19950] =	vst v63  }
0x1c: {  	_ = 	snop  }
0x1d: {  	[tilespmem:s21], [sflag:$0x1] =	stream.linear.gather [hbm4b:s9+s3], $0xC40, $0x38;
	[tilespmem:$0x19950] =	vst v63  }
0x1e: {  	_ = 	snop  }
0x1f: {  	[tilespmem:s22], [sflag:$0x1] =	stream.linear.gather [hbm4b:s10+s3], $0xC40, $0x38;
	[tilespmem:$0x19950] =	vst v63  }
0x20: {  	_ =	swait.ge [sflag:s23], $0xA410  }
0x21: {  	[sflag:s23] =	ssyncset.done $0x0  }
0x22: {  	[sflag:s23] =	ssyncadd.s32 $0xFFFF5BF0  }
0x23: {  	_ =	swait.ge [sflag:s23], $0xD0  }
0x24: {  	[sflag:s23] =	ssyncset.done $0x0  }
0x25: {  	[sflag:s23] =	ssyncadd.s32 $0xFFFFFF30  }
0x26: {  	_ =	swait.ge [sflag:s23], $0x61B0  }
0x27: {  	[sflag:s23] =	ssyncset.done $0x0  }
0x28: {  	[sflag:s23] =	ssyncadd.s32 $0xFFFF9E50  }
0x29: {  	_ =	swait.ge [sflag:s23], $0x61B0  }
0x2a: {  	[sflag:s23] =	ssyncset.done $0x0  }
0x2b: {  	[sflag:s23] =	ssyncadd.s32 $0xFFFF9E50  }
0x2c: {  	_ =	swait.ge [sflag:s23], $0xC40  }
0x2d: {  	[sflag:s23] =	ssyncset.done $0x0  }
0x2e: {  	[sflag:s23] =	ssyncadd.s32 $0xFFFFF3C0  }
0x2f: {  	_ =	swait.ge [sflag:s23], $0xC40  }
0x30: {  	[sflag:s23] =	ssyncset.done $0x0  }
0x31: {  	[sflag:s23] =	ssyncadd.s32 $0xFFFFF3C0  }
0x32: {  	_ =	swait.ge [sflag:s23], $0xC40  }
0x33: {  	[sflag:s23] =	ssyncset.done $0x0  }
0x34: {  	[sflag:s23] =	ssyncadd.s32 $0xFFFFF3C0  }
0x35: {  	_ =	swait.ge [sflag:s23], $0xC40  }
0x36: {  	[sflag:s23] =	ssyncset.done $0x0  }
0x37: {  	[sflag:s23] =	ssyncadd.s32 $0xFFFFF3C0  }
0x38: {  	v1 =	vld [tilespmem:$0xA410]  }
0x39: {  	v2 =	vld [tilespmem:$0xA420]  }
0x3a: {  	v3 =	vld [tilespmem:$0xA430]  }
0x3b: {  	v4 =	vld [tilespmem:$0xA440]  }
0x3c: {  	v5 =	vld [tilespmem:$0xA450]  }
0x3d: {  	v6 =	vld [tilespmem:$0xA460]  }
0x3e: {  	v7 =	vld [tilespmem:$0xA470]  }
0x3f: {  	v8 =	vld [tilespmem:$0xA480]  }
0x40: {  	v9 =	vld [tilespmem:$0xA490]  }
0x41: {  	v10 =	vld [tilespmem:$0xA4A0]  }
0x42: {  	v11 =	vld [tilespmem:$0xA4B0]  }
0x43: {  	s29 =	simm.s32 $0xFFFFFFFA;
	v12 =	vld [tilespmem:$0xA4C0]  }
0x44: {  	v14 =	vimm.f32 $0.0e+00;
	s30 =	simm.s32 $0xA510;
	s31 =	simm.s32 $0x106C0;
	s13 =	smov.u32 s1;
	v13 =	vld [tilespmem:$0xA4D0]  }
.LBB2_2:
0x45: {  	v29 =	vld [tilespmem:s31+$0xFFFFFFD0]  }
0x46: {  	v17 =	vld [tilespmem:s30+$0xFFFFFFD0];
	_ =	sdelay $0x3  }
0x47: {  	v15 =	vadd.s32 $0x3E80, v29  }
0x48: {  	v16 =	vadd.s32 $0x7D0, v17  }
0x49: {  	v18 =	vadd.s32 $0x4650, v29  }
0x4a: {  	s28 =	simm.s32 $0x0  }
0x4b: {  	v19 =	vld.idx.msk [tilespmem:v17+s28+$0x0], $0xffff  }
0x4c: {  	v15 =	vld.idx.msk [tilespmem:v15+s28+$0x0], $0xffff  }
0x4d: {  	v16 =	vld.idx.msk [tilespmem:v16+s28+$0x0], $0xffff  }
0x4e: {  	v18 =	vld.idx.msk [tilespmem:v18+s28+$0x0], $0xffff;
	_ =	sdelay $0x2  }
0x4f: {  	v15 =	vadd.f32 v15, v19;
	_ =	sdelay $0x1  }
0x50: {  	v16 =	vadd.f32 v18, v16;
	v15 =	vadd.f32 v15, v1;
	_ =	sdelay $0x1  }
0x51: {  	v18 =	vadd.f32 v16, v15;
	_ =	sdelay $0x1  }
0x52: {  	v18 =	vsub.f32 $0.0e+00, v18;
	_ =	sdelay $0x1  }
0x53: {  	v18 =	vmul.f32 $1.442695020e+00, v18;
	_ =	sdelay $0x1  }
0x54: {  	(erf) = vpow2.f32 v18;
	_ =	sdelay $0x6  }
0x55: {  	v15 =	vsub.f32 v16, v15;
	_ =	sdelay $0x1  }
0x56: {  	v15 =	vadd.f32 $0.0e+00, v15;
	v51 =	vpop (erf)  }
0x57: {  	v16 =	vadd.f32 $1.000000000e+00, v51  }
0x58: {  	v15 =	vmul.f32 $1.442695020e+00, v15  }
0x59: {  	(erf) = vrcp.f32 v16  }
0x5a: {  	(erf) = vpow2.f32 v15;
	_ =	sdelay $0x7  }
0x5b: {  	v16 =	vpop (erf)  }
0x5c: {  	v15 =	vpop (erf)  }
0x5d: {  	v15 =	vadd.f32 $1.000000000e+00, v15;
	_ =	sdelay $0x1  }
0x5e: {  	(erf) = vrcp.f32 v15;
	_ =	sdelay $0x8  }
0x5f: {  	v15 =	vpop (erf)  }
0x60: {  	v27 =	vsub.f32 v16, v15;
	_ =	sdelay $0x1  }
0x61: {  	v26 =	vsub.f32 $1.000000000e+00, v15;
	v52 =	vmul.f32 v27, v2  }
0x62: {  	v20 =	vmul.f32 v27, v3  }
0x63: {  	v21 =	vadd.s32 $0xFA0, v17;
	v18 =	vsub.f32 v26, v52  }
0x64: {  	v22 =	vadd.s32 $0x4E20, v29;
	v28 =	vsub.f32 v26, v20  }
0x65: {  	v24 =	vadd.s32 $0xC0CD0000, v18  }
0x66: {  	v31 =	vadd.s32 $0xC0CD0000, v28;
	v53 =	vand.u32 $0xFF800000, v24  }
0x67: {  	v23 =	vand.u32 $0xFF800000, v31;
	v19 =	vsub.s32 v18, v53  }
0x68: {  	v30 =	vadd.s32 $0x55F0, v29;
	v21 =	vld.idx.msk [tilespmem:v21+s28+$0x0], $0xffff;
	v23 =	vsub.s32 v28, v23;
	v25 =	vadd.f32 $-1.000000000e+00, v19  }
0x69: {  	v54 =	vadd.s32 $0x1770, v17;
	v22 =	vld.idx.msk [tilespmem:v22+s28+$0x0], $0xffff;
	v32 =	vadd.f32 $-1.000000000e+00, v23  }
0x6a: {  	v36 =	vsub.f32 $1.000000000e+00, v16;
	v37 =	vadd.f32 v16, v16;
	v19 =	vmul.f32 $9.274272620e-02, v25  }
0x6b: {  	v33 =	vadd.s32 $0x1F40, v17;
	v39 =	vadd.s32 $0x6590, v29;
	v23 =	vmul.f32 $9.274272620e-02, v32  }
0x6c: {  	v57 =	vmul.f32 v36, v16;
	v59 =	vsub.f32 $1.000000000e+00, v37;
	v19 =	vadd.f32 $-1.470776950e-01, v19  }
0x6d: {  	v34 =	vld.idx.msk [tilespmem:v30+s28+$0x0], $0xffff;
	v30 =	vadd.s32 $0x2710, v17;
	v35 =	vadd.f32 v15, v15;
	v23 =	vadd.f32 $-1.470776950e-01, v23  }
0x6e: {  	v21 =	vadd.f32 v22, v21;
	v36 =	vmul.f32 v59, v57;
	v19 =	vmul.f32 v19, v25  }
0x6f: {  	v15 =	vmul.f32 v26, v15;
	v55 =	vsub.f32 $1.000000000e+00, v35;
	v20 =	vld.idx.msk [tilespmem:v54+s28+$0x0], $0xffff;
	v23 =	vmul.f32 v23, v32  }
0x70: {  	v35 =	vadd.s32 $0x5DC0, v29;
	v40 =	vmul.f32 v27, v4;
	v19 =	vadd.f32 $1.493215710e-01, v19  }
0x71: {  	v29 =	vadd.s32 $0x6D60, v29;
	v38 =	vmul.f32 v55, v15;
	v56 =	vadd.f32 $1.493215710e-01, v23  }
0x72: {  	v22 =	vsub.f32 v15, v57;
	v41 =	vadd.f32 v15, v57;
	v19 =	vmul.f32 v19, v25  }
0x73: {  	v40 =	vsub.f32 v26, v40;
	v54 =	vmul.f32 v27, v5;
	v60 =	vmul.f32 v56, v32  }
0x74: {  	(erf) = vrcp.f32 v18;
	v34 =	vadd.f32 v34, v20;
	v19 =	vadd.f32 $-1.651149990e-01, v19  }
0x75: {  	v44 =	vmul.f32 v22, v2;
	v46 =	vmul.f32 v22, v3;
	v37 =	vadd.f32 $-1.651149990e-01, v60  }
0x76: {  	v24 =	vshra.s32 v24, $0x17;
	v42 =	vadd.f32 v34, v21;
	v19 =	vmul.f32 v19, v25  }
0x77: {  	(erf) = vrcp.f32 v28;
	v31 =	vshra.s32 v31, $0x17;
	v37 =	vmul.f32 v37, v32  }
0x78: {  	v18 =	vmul.f32 $5.000000000e-01, v42;
	v42 =	vadd.s32 $0xC0CD0000, v40;
	v19 =	vadd.f32 $1.995013060e-01, v19  }
0x79: {  	v48 =	vcvt.s32.f32 v24;
	v62 =	vand.u32 $0xFF800000, v42;
	v37 =	vadd.f32 $1.995013060e-01, v37  }
0x7a: {  	v24 =	vsub.f32 v38, v36;
	v47 =	vsub.s32 v40, v62;
	v19 =	vmul.f32 v19, v25  }
0x7b: {  	v31 =	vcvt.s32.f32 v31;
	v63 =	vmul.f32 v37, v32;
	v37 =	vadd.f32 $-1.000000000e+00, v47  }
0x7c: {  	(erf) = vrcp.f32 v40;
	v20 =	vmul.f32 $5.000000000e-01, v21;
	v19 =	vadd.f32 $-2.500434820e-01, v19  }
0x7d: {  	v21 =	vmul.f32 $5.000000000e-01, v34;
	v34 =	vadd.f32 $-2.500434820e-01, v63;
	v50 =	vmul.f32 $9.274272620e-02, v37  }
0x7e: {  	v16 =	vsub.f32 $0.0e+00, v38;
	v45 =	vmul.f32 v24, v2;
	v58 =	vmul.f32 v19, v25  }
0x7f: {  	v19 =	vsub.f32 $0.0e+00, v15;
	v34 =	vmul.f32 v34, v32;
	v38 =	vadd.f32 $-1.470776950e-01, v50  }
0x80: {  	v31 =	vmul.f32 $6.931471820e-01, v31;
	v45 =	vadd.f32 v45, v16;
	v23 =	vadd.f32 $3.333465160e-01, v58  }
0x81: {  	v52 =	vpop (erf);
	v51 =	vadd.f32 v44, v19;
	v34 =	vadd.f32 $3.333465160e-01, v34;
	v38 =	vmul.f32 v38, v37  }
0x82: {  	v44 =	vmul.f32 v45, v52;
	v46 =	vadd.f32 v46, v19;
	v43 =	vmul.f32 v23, v25  }
0x83: {  	v47 =	vpop (erf);
	v23 =	vsub.f32 $0.0e+00, v41;
	v34 =	vmul.f32 v34, v32;
	v53 =	vadd.f32 $1.493215710e-01, v38  }
0x84: {  	v38 =	vsub.f32 v26, v54;
	v55 =	vmul.f32 v44, v18;
	v58 =	vmul.f32 v46, v47  }
0x85: {  	v61 =	vadd.f32 $-4.999995530e-01, v43;
	v49 =	vmul.f32 v23, v2;
	v43 =	vmul.f32 $6.931471820e-01, v48  }
0x86: {  	v34 =	vadd.f32 $-4.999995530e-01, v34;
	v28 =	vmul.f32 v53, v37;
	v44 =	vadd.s32 $0xC0CD0000, v38  }
0x87: {  	v57 =	vmul.f32 v23, v3;
	v48 =	vmul.f32 v24, v3;
	v56 =	vand.u32 $0xFF800000, v44  }
0x88: {  	v41 =	vmul.f32 v61, v25;
	v36 =	vadd.f32 v49, v15;
	v45 =	vsub.s32 v38, v56  }
0x89: {  	v34 =	vmul.f32 v34, v32;
	v28 =	vadd.f32 $-1.651149990e-01, v28;
	v45 =	vadd.f32 $-1.000000000e+00, v45  }
0x8a: {  	(erf) = vrcp.f32 v38;
	v41 =	vadd.f32 $9.999998800e-01, v41;
	v36 =	vmul.f32 v36, v52  }
0x8b: {  	v34 =	vadd.f32 $9.999998800e-01, v34;
	v28 =	vmul.f32 v28, v37;
	v49 =	vmul.f32 $9.274272620e-02, v45  }
0x8c: {  	v60 =	vadd.f32 v48, v16;
	v25 =	vmul.f32 v41, v25;
	v41 =	vmul.f32 v51, v52  }
0x8d: {  	v36 =	vmul.f32 v36, v36;
	v32 =	vmul.f32 v34, v32;
	v28 =	vadd.f32 $1.995013060e-01, v28  }
0x8e: {  	v34 =	vadd.f32 v57, v15;
	v52 =	vmul.f32 v27, v6;
	v57 =	vmul.f32 v22, v4  }
0x8f: {  	v49 =	vadd.f32 $-1.470776950e-01, v49;
	v41 =	vmul.f32 v41, v41;
	v36 =	vmul.f32 v36, v21  }
0x90: {  	v25 =	vadd.f32 $-7.788711340e-10, v25;
	v59 =	vmul.f32 v28, v37;
	v34 =	vmul.f32 v34, v47  }
0x91: {  	v28 =	vld.idx.msk [tilespmem:v35+s28+$0x0], $0xffff;
	v32 =	vadd.f32 $-7.788711340e-10, v32;
	v35 =	vmul.f32 v60, v47;
	v60 =	vmul.f32 v24, v4  }
0x92: {  	v33 =	vld.idx.msk [tilespmem:v33+s28+$0x0], $0xffff;
	v61 =	vmul.f32 v49, v45;
	v41 =	vmul.f32 v41, v20;
	v25 =	vadd.f32 v25, v43  }
0x93: {  	v46 =	vadd.f32 $-2.500434820e-01, v59;
	v34 =	vmul.f32 v34, v34;
	v31 =	vadd.f32 v32, v31  }
0x94: {  	v35 =	vmul.f32 v35, v18;
	v63 =	vadd.f32 $1.493215710e-01, v61;
	v36 =	vadd.f32 v36, v41  }
0x95: {  	v30 =	vld.idx.msk [tilespmem:v30+s28+$0x0], $0xffff;
	v41 =	vmul.f32 v58, v58;
	v43 =	vadd.f32 v25, v55;
	v46 =	vmul.f32 v46, v37  }
0x96: {  	v34 =	vmul.f32 v34, v21;
	v31 =	vadd.f32 v31, v35;
	v35 =	vsub.f32 v26, v52  }
0x97: {  	v55 =	vshra.s32 v42, $0x17;
	v58 =	vmul.f32 v23, v4;
	v49 =	vmul.f32 v28, v33  }
0x98: {  	v25 =	vld.idx.msk [tilespmem:v39+s28+$0x0], $0xffff;
	v42 =	vadd.f32 v57, v19;
	v39 =	vmul.f32 v63, v45;
	v40 =	vcvt.s32.f32 v55  }
0x99: {  	v59 =	vpop (erf);
	v62 =	vmul.f32 v41, v20;
	v48 =	vadd.f32 $3.333465160e-01, v46;
	v36 =	vsub.f32 v43, v36  }
0x9a: {  	v29 =	vld.idx.msk [tilespmem:v29+s28+$0x0], $0xffff;
	v42 =	vmul.f32 v42, v59;
	v46 =	vadd.f32 v60, v16;
	v60 =	vmul.f32 v28, v30  }
0x9b: {  	(erf) = vrcp.f32 v35;
	v51 =	vadd.f32 $-1.651149990e-01, v39;
	v39 =	vadd.s32 $0xC0CD0000, v35  }
0x9c: {  	v40 =	vmul.f32 $6.931471820e-01, v40;
	v32 =	vadd.f32 v34, v62;
	v50 =	vmul.f32 v48, v37  }
0x9d: {  	v36 =	vmul.f32 v36, v49;
	v56 =	vand.u32 $0xFF800000, v39;
	v42 =	vmul.f32 v42, v42  }
0x9e: {  	v46 =	vmul.f32 v46, v59;
	v48 =	vshra.s32 v44, $0x17;
	v53 =	vmul.f32 v25, v33  }
0x9f: {  	v54 =	vmul.f32 v51, v45;
	v41 =	vsub.s32 v35, v56;
	v33 =	vmul.f32 v29, v33  }
0xa0: {  	v51 =	vmul.f32 v23, v5;
	v34 =	vadd.f32 $-4.999995530e-01, v50;
	v41 =	vadd.f32 $-1.000000000e+00, v41  }
0xa1: {  	v31 =	vsub.f32 v31, v32;
	v42 =	vmul.f32 v42, v20;
	v50 =	vmul.f32 v22, v5  }
0xa2: {  	v32 =	vadd.f32 $1.995013060e-01, v54;
	v34 =	vmul.f32 v34, v37;
	v61 =	vmul.f32 $9.274272620e-02, v41  }
0xa3: {  	v31 =	vmul.f32 v31, v53;
	v44 =	vadd.f32 v50, v19;
	v53 =	vmul.f32 v24, v5  }
0xa4: {  	v52 =	vpop (erf);
	v32 =	vmul.f32 v32, v45;
	v34 =	vadd.f32 $9.999998800e-01, v34;
	v47 =	vadd.f32 $-1.470776950e-01, v61  }
0xa5: {  	v50 =	vmul.f32 v22, v6;
	v44 =	vmul.f32 v44, v52  }
0xa6: {  	v32 =	vadd.f32 $-2.500434820e-01, v32;
	v34 =	vmul.f32 v34, v37;
	v63 =	vmul.f32 v47, v41  }
0xa7: {  	v37 =	vadd.f32 v58, v15;
	v47 =	vmul.f32 v27, v7;
	v44 =	vmul.f32 v44, v44  }
0xa8: {  	v36 =	vadd.f32 $0.0e+00, v36;
	v58 =	vmul.f32 v27, v8;
	v32 =	vmul.f32 v32, v45  }
0xa9: {  	v34 =	vadd.f32 $-7.788711340e-10, v34;
	v37 =	vmul.f32 v37, v59;
	v38 =	vsub.f32 v26, v47  }
0xaa: {  	v47 =	vadd.f32 v53, v16;
	v44 =	vmul.f32 v44, v20;
	v53 =	vmul.f32 v27, v9  }
0xab: {  	v32 =	vadd.f32 $3.333465160e-01, v32;
	v62 =	vmul.f32 v37, v37;
	v34 =	vadd.f32 v34, v40  }
0xac: {  	v37 =	vadd.f32 $1.493215710e-01, v63;
	v40 =	vmul.f32 v46, v18;
	v57 =	vmul.f32 v47, v52  }
0xad: {  	(erf) = vrcp.f32 v38;
	v32 =	vmul.f32 v32, v45  }
0xae: {  	v31 =	vadd.f32 v36, v31;
	v36 =	vmul.f32 v62, v21;
	v37 =	vmul.f32 v37, v41  }
0xaf: {  	v34 =	vadd.f32 v34, v40;
	v40 =	vadd.s32 $0xC0CD0000, v38;
	v32 =	vadd.f32 $-4.999995530e-01, v32  }
0xb0: {  	v49 =	vand.u32 $0xFF800000, v40;
	v40 =	vshra.s32 v40, $0x17;
	v36 =	vadd.f32 v36, v42  }
0xb1: {  	v37 =	vadd.f32 $-1.651149990e-01, v37;
	v43 =	vsub.s32 v38, v49;
	v42 =	vcvt.s32.f32 v48  }
0xb2: {  	v49 =	vshra.s32 v39, $0x17;
	v39 =	vadd.f32 v50, v19;
	v32 =	vmul.f32 v32, v45  }
0xb3: {  	v50 =	vmul.f32 v22, v7;
	v40 =	vcvt.s32.f32 v40;
	v43 =	vadd.f32 $-1.000000000e+00, v43  }
0xb4: {  	v37 =	vmul.f32 v37, v41;
	v42 =	vmul.f32 $6.931471820e-01, v42;
	v32 =	vadd.f32 $9.999998800e-01, v32  }
0xb5: {  	v34 =	vsub.f32 v34, v36;
	v40 =	vmul.f32 $6.931471820e-01, v40;
	v54 =	vmul.f32 $9.274272620e-02, v43  }
0xb6: {  	v37 =	vadd.f32 $1.995013060e-01, v37;
	v32 =	vmul.f32 v32, v45;
	v45 =	vadd.f32 v51, v15  }
0xb7: {  	v33 =	vmul.f32 v34, v33;
	v48 =	vadd.f32 $-1.470776950e-01, v54;
	v51 =	vmul.f32 v23, v6  }
0xb8: {  	v50 =	vadd.f32 v50, v19;
	v37 =	vmul.f32 v37, v41;
	v45 =	vmul.f32 v45, v52  }
0xb9: {  	v54 =	vmul.f32 v24, v6;
	v32 =	vadd.f32 $-7.788711340e-10, v32;
	v56 =	vmul.f32 v48, v43;
	v52 =	vpop (erf)  }
0xba: {  	v37 =	vadd.f32 $-2.500434820e-01, v37;
	v39 =	vmul.f32 v39, v52;
	v55 =	vmul.f32 v45, v45  }
0xbb: {  	v32 =	vadd.f32 v32, v42;
	v45 =	vadd.f32 $1.493215710e-01, v56;
	v42 =	vmul.f32 v57, v18  }
0xbc: {  	v31 =	vadd.f32 v31, v33;
	v37 =	vmul.f32 v37, v41;
	v36 =	vmul.f32 v55, v21  }
0xbd: {  	v59 =	vmul.f32 v45, v43;
	v45 =	vsub.f32 v26, v58;
	v32 =	vadd.f32 v32, v42  }
0xbe: {  	v57 =	vmul.f32 v23, v7;
	v37 =	vadd.f32 $3.333465160e-01, v37;
	v36 =	vadd.f32 v36, v44  }
0xbf: {  	v39 =	vmul.f32 v39, v39;
	v34 =	vadd.f32 $-1.651149990e-01, v59;
	v44 =	vadd.s32 $0xC0CD0000, v45  }
0xc0: {  	v37 =	vmul.f32 v37, v41;
	v62 =	vand.u32 $0xFF800000, v44;
	v32 =	vsub.f32 v32, v36  }
0xc1: {  	v39 =	vmul.f32 v39, v20;
	v34 =	vmul.f32 v34, v43;
	v63 =	vsub.s32 v45, v62  }
0xc2: {  	v61 =	vadd.f32 $-4.999995530e-01, v37;
	v35 =	vadd.f32 $-1.000000000e+00, v63;
	v46 =	vmul.f32 v32, v60  }
0xc3: {  	(erf) = vrcp.f32 v45;
	v45 =	vmul.f32 v22, v8;
	v34 =	vadd.f32 $1.995013060e-01, v34  }
0xc4: {  	v36 =	vmul.f32 v61, v41;
	v47 =	vmul.f32 $9.274272620e-02, v35;
	v31 =	vadd.f32 v31, v46  }
0xc5: {  	v48 =	vmul.f32 v34, v43;
	v34 =	vcvt.s32.f32 v49;
	v46 =	vsub.f32 v26, v53  }
0xc6: {  	v63 =	vmul.f32 v27, v10;
	v36 =	vadd.f32 $9.999998800e-01, v36;
	v37 =	vadd.f32 $-1.470776950e-01, v47  }
0xc7: {  	v47 =	vadd.f32 v54, v16;
	v33 =	vadd.f32 $-2.500434820e-01, v48;
	v34 =	vmul.f32 $6.931471820e-01, v34  }
0xc8: {  	v38 =	vadd.s32 $0xC0CD0000, v46;
	(erf) = vrcp.f32 v46;
	v36 =	vmul.f32 v36, v41  }
0xc9: {  	v37 =	vmul.f32 v37, v35;
	v41 =	vadd.f32 v51, v15;
	v55 =	vand.u32 $0xFF800000, v38  }
0xca: {  	v42 =	vmul.f32 v47, v52;
	v51 =	vpop (erf);
	v38 =	vshra.s32 v38, $0x17;
	v33 =	vmul.f32 v33, v43  }
0xcb: {  	v48 =	vsub.s32 v46, v55;
	v58 =	vmul.f32 v50, v51;
	v38 =	vcvt.s32.f32 v38  }
0xcc: {  	v41 =	vmul.f32 v41, v52;
	v47 =	vadd.f32 $-1.000000000e+00, v48;
	v48 =	vmul.f32 v25, v30  }
0xcd: {  	v37 =	vadd.f32 $1.493215710e-01, v37;
	v42 =	vmul.f32 v42, v18;
	v52 =	vmul.f32 v24, v7  }
0xce: {  	v30 =	vmul.f32 v29, v30;
	v33 =	vadd.f32 $3.333465160e-01, v33;
	v38 =	vmul.f32 $6.931471820e-01, v38  }
0xcf: {  	v36 =	vadd.f32 $-7.788711340e-10, v36;
	v37 =	vmul.f32 v37, v35;
	v41 =	vmul.f32 v41, v41  }
0xd0: {  	v56 =	vmul.f32 $9.274272620e-02, v47;
	v33 =	vmul.f32 v33, v43  }
0xd1: {  	v34 =	vadd.f32 v36, v34;
	v59 =	vadd.f32 v52, v16;
	v36 =	vmul.f32 v58, v58  }
0xd2: {  	v58 =	vmul.f32 v27, v11;
	v37 =	vadd.f32 $-1.651149990e-01, v37;
	v33 =	vadd.f32 $-4.999995530e-01, v33  }
0xd3: {  	v41 =	vmul.f32 v41, v21;
	v49 =	vadd.f32 $-1.470776950e-01, v56;
	v60 =	vmul.f32 v59, v51  }
0xd4: {  	v44 =	vshra.s32 v44, $0x17;
	v37 =	vmul.f32 v37, v35;
	v33 =	vmul.f32 v33, v43  }
0xd5: {  	v36 =	vmul.f32 v36, v20;
	v34 =	vadd.f32 v34, v42;
	v49 =	vmul.f32 v49, v47  }
0xd6: {  	v59 =	vmul.f32 v22, v9;
	v37 =	vadd.f32 $1.995013060e-01, v37;
	v33 =	vadd.f32 $9.999998800e-01, v33  }
0xd7: {  	v39 =	vadd.f32 v41, v39;
	v41 =	vmul.f32 v60, v18;
	v49 =	vadd.f32 $1.493215710e-01, v49  }
0xd8: {  	v37 =	vmul.f32 v37, v35;
	v33 =	vmul.f32 v33, v43;
	v43 =	vadd.f32 v57, v15  }
0xd9: {  	v60 =	vmul.f32 v23, v9;
	v34 =	vsub.f32 v34, v39;
	v39 =	vsub.f32 v26, v63  }
0xda: {  	v49 =	vmul.f32 v49, v47;
	v37 =	vadd.f32 $-2.500434820e-01, v37;
	v43 =	vmul.f32 v43, v51  }
0xdb: {  	v34 =	vmul.f32 v34, v48;
	v48 =	vmul.f32 v23, v8;
	v33 =	vadd.f32 $-7.788711340e-10, v33  }
0xdc: {  	v32 =	vadd.s32 $0x2EE0, v17;
	v37 =	vmul.f32 v37, v35;
	v43 =	vmul.f32 v43, v43  }
0xdd: {  	(erf) = vrcp.f32 v39;
	v61 =	vadd.f32 $-1.651149990e-01, v49;
	v33 =	vadd.f32 v33, v40  }
0xde: {  	v31 =	vadd.f32 v31, v34;
	v37 =	vadd.f32 $3.333465160e-01, v37;
	v43 =	vmul.f32 v43, v21  }
0xdf: {  	v40 =	vmul.f32 v61, v47;
	v33 =	vadd.f32 v33, v41;
	v41 =	vadd.f32 v48, v15  }
0xe0: {  	v50 =	vpop (erf);
	v51 =	vmul.f32 v24, v8;
	v37 =	vmul.f32 v37, v35;
	v36 =	vadd.f32 v43, v36  }
0xe1: {  	v61 =	vadd.f32 v60, v15;
	v62 =	vadd.f32 $1.995013060e-01, v40;
	v52 =	vmul.f32 v41, v50  }
0xe2: {  	v40 =	vadd.s32 $0xC0CD0000, v39;
	v37 =	vadd.f32 $-4.999995530e-01, v37;
	v33 =	vsub.f32 v33, v36  }
0xe3: {  	v43 =	vmul.f32 v62, v47;
	v36 =	vadd.f32 v45, v19;
	v34 =	vmul.f32 v52, v52  }
0xe4: {  	v49 =	vand.u32 $0xFF800000, v40;
	v37 =	vmul.f32 v37, v35;
	v30 =	vmul.f32 v33, v30  }
0xe5: {  	v33 =	vcvt.s32.f32 v44;
	v36 =	vmul.f32 v36, v50;
	v44 =	vadd.f32 v51, v16  }
0xe6: {  	v63 =	vpop (erf);
	v54 =	vmul.f32 v34, v21;
	v42 =	vadd.f32 $9.999998800e-01, v37;
	v37 =	vadd.f32 $-2.500434820e-01, v43  }
0xe7: {  	v43 =	vadd.f32 v59, v19;
	v59 =	vmul.f32 v61, v63;
	v33 =	vmul.f32 $6.931471820e-01, v33  }
0xe8: {  	v35 =	vmul.f32 v42, v35;
	v37 =	vmul.f32 v37, v47;
	v42 =	vsub.s32 v39, v49  }
0xe9: {  	v36 =	vmul.f32 v36, v36;
	v45 =	vadd.f32 v31, v30;
	v42 =	vadd.f32 $-1.000000000e+00, v42  }
0xea: {  	v56 =	vmul.f32 v44, v50;
	v30 =	vld [tilespmem:s31+$0xFFFFFFE0];
	v43 =	vmul.f32 v43, v63;
	v37 =	vadd.f32 $3.333465160e-01, v37  }
0xeb: {  	v31 =	vadd.s32 $0x36B0, v17;
	v36 =	vmul.f32 v36, v20;
	v53 =	vmul.f32 $9.274272620e-02, v42  }
0xec: {  	v17 =	vld [tilespmem:s30+$0xFFFFFFE0];
	v35 =	vadd.f32 $-7.788711340e-10, v35;
	v43 =	vmul.f32 v43, v43;
	v37 =	vmul.f32 v37, v47  }
0xed: {  	v36 =	vadd.f32 v54, v36;
	v54 =	vmul.f32 v27, v12;
	v41 =	vadd.f32 $-1.470776950e-01, v53  }
0xee: {  	v27 =	vmul.f32 v27, v13;
	v35 =	vadd.f32 v35, v33;
	v37 =	vadd.f32 $-4.999995530e-01, v37  }
0xef: {  	v62 =	vadd.s32 $0x3E80, v30;
	v55 =	vmul.f32 v41, v42;
	v41 =	vmul.f32 v56, v18  }
0xf0: {  	v43 =	vmul.f32 v43, v20;
	v27 =	vsub.f32 v26, v27;
	v37 =	vmul.f32 v37, v47  }
0xf1: {  	v56 =	vadd.s32 $0x7D0, v17;
	v34 =	vadd.f32 $1.493215710e-01, v55;
	v35 =	vadd.f32 v35, v41  }
0xf2: {  	v41 =	vmul.f32 v59, v59;
	v57 =	vadd.f32 $9.999998800e-01, v37;
	v37 =	vsub.f32 v26, v58  }
0xf3: {  	v32 =	vld.idx.msk [tilespmem:v32+s28+$0x0], $0xffff;
	v58 =	vmul.f32 v24, v9;
	v34 =	vmul.f32 v34, v42;
	v35 =	vsub.f32 v35, v36  }
0xf4: {  	v61 =	vmul.f32 v41, v21;
	v44 =	vmul.f32 v57, v47;
	v33 =	vadd.s32 $0xC0CD0000, v37  }
0xf5: {  	v31 =	vld.idx.msk [tilespmem:v31+s28+$0x0], $0xffff;
	v57 =	vadd.s32 $0x4650, v30;
	v52 =	vadd.f32 v58, v16;
	(erf) = vrcp.f32 v37  }
0xf6: {  	v34 =	vadd.f32 $-1.651149990e-01, v34;
	v55 =	vand.u32 $0xFF800000, v33;
	v36 =	vadd.f32 v61, v43  }
0xf7: {  	v47 =	vld.idx.msk [tilespmem:v62+s28+$0x0], $0xffff;
	v33 =	vshra.s32 v33, $0x17;
	v49 =	vsub.s32 v37, v55;
	v62 =	vmul.f32 v52, v63  }
0xf8: {  	v44 =	vadd.f32 $-7.788711340e-10, v44;
	v52 =	vmul.f32 v28, v32;
	v55 =	vmul.f32 v25, v32  }
0xf9: {  	v60 =	vld.idx.msk [tilespmem:v17+s28+$0x0], $0xffff;
	v33 =	vcvt.s32.f32 v33;
	v34 =	vmul.f32 v34, v42;
	v49 =	vadd.f32 $-1.000000000e+00, v49  }
0xfa: {  	v50 =	vld.idx.msk [tilespmem:v56+s28+$0x0], $0xffff;
	v25 =	vmul.f32 v25, v31;
	v38 =	vadd.f32 v44, v38;
	v41 =	vmul.f32 v62, v18  }
0xfb: {  	v35 =	vmul.f32 v35, v52;
	v34 =	vadd.f32 $1.995013060e-01, v34;
	v53 =	vmul.f32 $9.274272620e-02, v49;
	v51 =	vld.idx.msk [tilespmem:v57+s28+$0x0], $0xffff  }
0xfc: {  	v52 =	vshra.s32 v40, $0x17;
	v33 =	vmul.f32 $6.931471820e-01, v33;
	v57 =	vsub.f32 v26, v54  }
0xfd: {  	v26 =	vcvt.s32.f32 v52;
	v34 =	vmul.f32 v34, v42;
	v53 =	vadd.f32 $-1.470776950e-01, v53  }
0xfe: {  	v38 =	vadd.f32 v38, v41;
	v41 =	vadd.s32 $0xC0CD0000, v57;
	(erf) = vrcp.f32 v57  }
0xff: {  	v34 =	vadd.f32 $-2.500434820e-01, v34;
	v63 =	vmul.f32 v53, v49;
	v53 =	vadd.f32 v47, v60  }
0x100: {  	(erf) = vrcp.f32 v27;
	v60 =	vand.u32 $0xFF800000, v41;
	v47 =	vadd.f32 v51, v50  }
0x101: {  	v61 =	vsub.s32 v57, v60;
	v34 =	vmul.f32 v34, v42;
	v43 =	vadd.f32 v53, v1  }
0x102: {  	v57 =	vmul.f32 v24, v10;
	v44 =	vadd.f32 $1.493215710e-01, v63;
	v63 =	vsub.f32 v38, v36  }
0x103: {  	v53 =	vmul.f32 v22, v10;
	v34 =	vadd.f32 $3.333465160e-01, v34;
	v58 =	vadd.f32 v47, v43  }
0x104: {  	v56 =	vmul.f32 v44, v49;
	v44 =	vadd.f32 $-1.000000000e+00, v61;
	v38 =	vmul.f32 v63, v55  }
0x105: {  	v39 =	vadd.f32 v53, v19;
	v55 =	vmul.f32 $6.931471820e-01, v26;
	v46 =	vsub.f32 $0.0e+00, v58  }
0x106: {  	v43 =	vsub.f32 v47, v43;
	v59 =	vadd.f32 $-1.651149990e-01, v56;
	v51 =	vmul.f32 $9.274272620e-02, v44  }
0x107: {  	v47 =	vadd.f32 v57, v16;
	v34 =	vmul.f32 v34, v42;
	v62 =	vmul.f32 $1.442695020e+00, v46  }
0x108: {  	v63 =	vmul.f32 v29, v32;
	v46 =	vmul.f32 v59, v49;
	v37 =	vadd.f32 $-1.470776950e-01, v51  }
0x109: {  	v57 =	vmul.f32 v24, v11;
	v34 =	vadd.f32 $-4.999995530e-01, v34;
	(erf) = vpow2.f32 v62  }
0x10a: {  	v54 =	vpop (erf);
	v56 =	vmul.f32 v23, v10;
	v36 =	vadd.f32 $1.995013060e-01, v46;
	v37 =	vmul.f32 v37, v44  }
0x10b: {  	v39 =	vmul.f32 v39, v54;
	v43 =	vadd.f32 $0.0e+00, v43;
	v34 =	vmul.f32 v34, v42  }
0x10c: {  	v58 =	vadd.f32 v56, v15;
	v36 =	vmul.f32 v36, v49;
	v37 =	vadd.f32 $1.493215710e-01, v37  }
0x10d: {  	v40 =	vmul.f32 v47, v54;
	v39 =	vmul.f32 v39, v39;
	v34 =	vadd.f32 $9.999998800e-01, v34  }
0x10e: {  	v48 =	vmul.f32 v58, v54;
	v36 =	vadd.f32 $-2.500434820e-01, v36;
	v37 =	vmul.f32 v37, v44  }
0x10f: {  	v35 =	vadd.f32 v45, v35;
	v45 =	vpop (erf);
	v43 =	vmul.f32 $1.442695020e+00, v43;
	v34 =	vmul.f32 v34, v42  }
0x110: {  	v46 =	vpop (erf);
	v60 =	vmul.f32 v48, v48;
	v36 =	vmul.f32 v36, v49;
	v37 =	vadd.f32 $-1.651149990e-01, v37  }
0x111: {  	v40 =	vmul.f32 v40, v18;
	v39 =	vmul.f32 v39, v20;
	v26 =	vpop (erf);
	v34 =	vadd.f32 $-7.788711340e-10, v34  }
0x112: {  	v42 =	vmul.f32 v60, v21;
	v36 =	vadd.f32 $3.333465160e-01, v36;
	v37 =	vmul.f32 v37, v44;
	v59 =	vpop (erf)  }
0x113: {  	v34 =	vadd.f32 v34, v55;
	v55 =	vmul.f32 v23, v11;
	v50 =	vadd.f32 $1.000000000e+00, v59  }
0x114: {  	v54 =	vmul.f32 v22, v11;
	v36 =	vmul.f32 v36, v49;
	v37 =	vadd.f32 $1.995013060e-01, v37  }
0x115: {  	v62 =	vadd.f32 v42, v39;
	v42 =	vadd.f32 v55, v15;
	(erf) = vrcp.f32 v50  }
0x116: {  	v36 =	vadd.f32 $-4.999995530e-01, v36;
	v37 =	vmul.f32 v37, v44;
	v50 =	vadd.f32 v34, v40  }
0x117: {  	v40 =	vadd.f32 v54, v19;
	(erf) = vpow2.f32 v43;
	v43 =	vadd.s32 $0xC0CD0000, v27  }
0x118: {  	v58 =	vadd.f32 v57, v16;
	v42 =	vmul.f32 v42, v45;
	v61 =	vand.u32 $0xFF800000, v43  }
0x119: {  	v36 =	vmul.f32 v36, v49;
	v52 =	vadd.f32 $-2.500434820e-01, v37;
	v40 =	vmul.f32 v40, v45  }
0x11a: {  	v42 =	vmul.f32 v42, v42;
	v45 =	vmul.f32 v58, v45;
	v27 =	vsub.s32 v27, v61  }
0x11b: {  	v47 =	vadd.f32 $-1.000000000e+00, v27;
	v51 =	vadd.f32 $9.999998800e-01, v36;
	v36 =	vmul.f32 v52, v44  }
0x11c: {  	v40 =	vmul.f32 v40, v40;
	v59 =	vmul.f32 v42, v21  }
0x11d: {  	v27 =	vsub.f32 v50, v62;
	v60 =	vmul.f32 v45, v18;
	v53 =	vmul.f32 $9.274272620e-02, v47  }
0x11e: {  	v35 =	vadd.f32 v35, v38;
	v34 =	vmul.f32 v51, v49;
	v40 =	vmul.f32 v40, v20  }
0x11f: {  	v38 =	vadd.s32 $0x1770, v17;
	v61 =	vmul.f32 v27, v63;
	v63 =	vmul.f32 v28, v31  }
0x120: {  	v49 =	vmul.f32 v22, v12;
	v51 =	vmul.f32 v23, v12;
	v37 =	vadd.f32 $-1.470776950e-01, v53;
	v32 =	vpop (erf)  }
0x121: {  	v36 =	vadd.f32 $3.333465160e-01, v36;
	v22 =	vmul.f32 v22, v13;
	v23 =	vmul.f32 v23, v13;
	v56 =	vpop (erf)  }
0x122: {  	v31 =	vmul.f32 v29, v31;
	v37 =	vmul.f32 v37, v47;
	v48 =	vadd.f32 $1.000000000e+00, v56  }
0x123: {  	v36 =	vmul.f32 v36, v44;
	v34 =	vadd.f32 $-7.788711340e-10, v34;
	v62 =	vadd.f32 v59, v40  }
0x124: {  	v42 =	vadd.f32 v51, v15;
	v37 =	vadd.f32 $1.493215710e-01, v37;
	(erf) = vrcp.f32 v48  }
0x125: {  	v53 =	vmul.f32 v24, v12;
	v35 =	vadd.f32 v35, v61;
	v15 =	vadd.f32 v23, v15  }
0x126: {  	v24 =	vmul.f32 v24, v13;
	v36 =	vadd.f32 $-4.999995530e-01, v36;
	v37 =	vmul.f32 v37, v47  }
0x127: {  	v33 =	vadd.f32 v34, v33;
	v54 =	vadd.f32 v53, v16;
	v42 =	vmul.f32 v42, v46  }
0x128: {  	v15 =	vmul.f32 v15, v26;
	v16 =	vadd.f32 v24, v16;
	v37 =	vadd.f32 $-1.651149990e-01, v37  }
0x129: {  	v51 =	vadd.f32 v32, v32;
	v36 =	vmul.f32 v36, v44;
	v42 =	vmul.f32 v42, v42  }
0x12a: {  	v33 =	vadd.f32 v33, v60;
	v15 =	vmul.f32 v15, v15;
	v37 =	vmul.f32 v37, v47  }
0x12b: {  	v16 =	vmul.f32 v16, v26;
	v48 =	vshra.s32 v41, $0x17;
	v36 =	vadd.f32 $9.999998800e-01, v36  }
0x12c: {  	v41 =	vcvt.s32.f32 v48;
	v42 =	vmul.f32 v42, v21;
	v45 =	vadd.f32 $1.995013060e-01, v37  }
0x12d: {  	v33 =	vsub.f32 v33, v62;
	v15 =	vmul.f32 v15, v21;
	v44 =	vmul.f32 v36, v44;
	v39 =	vpop (erf)  }
0x12e: {  	v16 =	vmul.f32 v16, v18;
	v36 =	vmul.f32 v45, v47;
	v28 =	vsub.f32 v32, v39  }
0x12f: {  	v41 =	vmul.f32 $6.931471820e-01, v41;
	v50 =	vadd.f32 $-7.788711340e-10, v44;
	v37 =	vadd.f32 v49, v19  }
0x130: {  	v27 =	vsub.f32 $1.000000000e+00, v39;
	v36 =	vadd.f32 $-2.500434820e-01, v36;
	v52 =	vmul.f32 v28, v2  }
0x131: {  	v40 =	vadd.f32 v50, v41;
	v41 =	vmul.f32 v54, v46;
	v37 =	vmul.f32 v37, v46  }
0x132: {  	v33 =	vmul.f32 v33, v63;
	v36 =	vmul.f32 v36, v47;
	v44 =	vsub.f32 v27, v52  }
0x133: {  	v62 =	vshra.s32 v43, $0x17;
	v41 =	vmul.f32 v41, v18;
	v37 =	vmul.f32 v37, v37  }
0x134: {  	v19 =	vadd.f32 v22, v19;
	v36 =	vadd.f32 $3.333465160e-01, v36;
	v45 =	vadd.s32 $0xC0CD0000, v44  }
0x135: {  	v58 =	vadd.f32 v40, v41;
	v37 =	vmul.f32 v37, v20;
	v55 =	vand.u32 $0xFF800000, v45  }
0x136: {  	v41 =	vadd.s32 $0x55F0, v30;
	v36 =	vmul.f32 v36, v47;
	v46 =	vsub.s32 v44, v55  }
0x137: {  	v57 =	vadd.f32 v42, v37;
	v37 =	vcvt.s32.f32 v62;
	v46 =	vadd.f32 $-1.000000000e+00, v46  }
0x138: {  	v19 =	vmul.f32 v19, v26;
	v40 =	vadd.s32 $0x4E20, v30;
	v56 =	vadd.f32 $-4.999995530e-01, v36  }
0x139: {  	v36 =	vmul.f32 $6.931471820e-01, v37;
	v37 =	vadd.s32 $0xFA0, v17;
	v59 =	vmul.f32 $9.274272620e-02, v46  }
0x13a: {  	v48 =	vsub.f32 $1.000000000e+00, v32;
	v19 =	vmul.f32 v19, v19;
	v34 =	vmul.f32 v56, v47  }
0x13b: {  	v24 =	vld.idx.msk [tilespmem:v38+s28+$0x0], $0xffff;
	v33 =	vadd.f32 v35, v33;
	v18 =	vmul.f32 v27, v39;
	v61 =	vadd.f32 $-1.470776950e-01, v59  }
0x13c: {  	v19 =	vmul.f32 v19, v20;
	v21 =	vld.idx.msk [tilespmem:v41+s28+$0x0], $0xffff;
	v60 =	vsub.f32 v58, v57;
	v34 =	vadd.f32 $9.999998800e-01, v34  }
0x13d: {  	v26 =	vsub.f32 $1.000000000e+00, v51;
	v42 =	vmul.f32 v28, v3;
	v20 =	vld.idx.msk [tilespmem:v40+s28+$0x0], $0xffff;
	v63 =	vmul.f32 v61, v46  }
0x13e: {  	v49 =	vadd.f32 v39, v39;
	v25 =	vmul.f32 v60, v25;
	v43 =	vld.idx.msk [tilespmem:v37+s28+$0x0], $0xffff;
	v34 =	vmul.f32 v34, v47  }
0x13f: {  	v15 =	vadd.f32 v15, v19;
	v61 =	vmul.f32 v28, v4;
	v22 =	vadd.f32 $1.493215710e-01, v63  }
0x140: {  	(erf) = vrcp.f32 v44;
	v33 =	vadd.f32 v33, v25;
	v34 =	vadd.f32 $-7.788711340e-10, v34  }
0x141: {  	v56 =	vadd.f32 v21, v24;
	v38 =	vsub.f32 v27, v61;
	v22 =	vmul.f32 v22, v46  }
0x142: {  	v37 =	vadd.s32 $0x1F40, v17;
	v23 =	vadd.f32 v34, v36;
	v34 =	vsub.f32 v27, v42  }
0x143: {  	v53 =	vadd.f32 v20, v43;
	v42 =	vadd.s32 $0xC0CD0000, v38;
	v22 =	vadd.f32 $-1.651149990e-01, v22  }
0x144: {  	v16 =	vadd.f32 v23, v16;
	v35 =	vadd.s32 $0xC0CD0000, v34;
	v23 =	vsub.f32 $1.000000000e+00, v49  }
0x145: {  	v62 =	vadd.f32 v56, v53;
	v24 =	vmul.f32 $5.000000000e-01, v53;
	v52 =	vand.u32 $0xFF800000, v35  }
0x146: {  	(erf) = vrcp.f32 v34;
	v22 =	vmul.f32 v22, v46;
	v29 =	vsub.s32 v34, v52  }
0x147: {  	v53 =	vshra.s32 v45, $0x17;
	(erf) = vrcp.f32 v38;
	v36 =	vadd.f32 $-1.000000000e+00, v29  }
0x148: {  	v54 =	vmul.f32 v23, v18;
	v23 =	vsub.f32 $0.0e+00, v18;
	v47 =	vadd.f32 $1.995013060e-01, v22  }
0x149: {  	v15 =	vsub.f32 v16, v15;
	v22 =	vmul.f32 v48, v32;
	v58 =	vmul.f32 $9.274272620e-02, v36  }
0x14a: {  	v19 =	vsub.f32 $0.0e+00, v54;
	v48 =	vand.u32 $0xFF800000, v42;
	v50 =	vmul.f32 v47, v46  }
0x14b: {  	v15 =	vmul.f32 v15, v31;
	v57 =	vmul.f32 v26, v22;
	v60 =	vadd.f32 $-1.470776950e-01, v58  }
0x14c: {  	v42 =	vshra.s32 v42, $0x17;
	v49 =	vsub.s32 v38, v48;
	v25 =	vadd.f32 $-2.500434820e-01, v50  }
0x14d: {  	v42 =	vcvt.s32.f32 v42;
	v21 =	vsub.f32 v54, v57;
	v20 =	vmul.f32 v60, v36  }
0x14e: {  	v43 =	vadd.f32 $-1.000000000e+00, v49;
	v55 =	vmul.f32 v25, v46;
	v25 =	vsub.f32 v18, v22  }
0x14f: {  	v42 =	vmul.f32 $6.931471820e-01, v42;
	v57 =	vmul.f32 v21, v2;
	v47 =	vadd.f32 $1.493215710e-01, v20  }
0x150: {  	v59 =	vadd.f32 $3.333465160e-01, v55;
	v51 =	vmul.f32 v25, v2;
	v55 =	vmul.f32 $9.274272620e-02, v43  }
0x151: {  	v22 =	vadd.f32 v18, v22;
	v20 =	vmul.f32 $5.000000000e-01, v62;
	v41 =	vmul.f32 v47, v36  }
0x152: {  	v26 =	vmul.f32 v59, v46;
	v32 =	vadd.f32 v51, v23;
	v45 =	vadd.f32 $-1.470776950e-01, v55  }
0x153: {  	v51 =	vmul.f32 v28, v5;
	v52 =	vadd.f32 $-1.651149990e-01, v41;
	v41 =	vcvt.s32.f32 v53  }
0x154: {  	v63 =	vadd.f32 $-4.999995530e-01, v26;
	v26 =	vsub.f32 $0.0e+00, v22;
	v22 =	vmul.f32 $5.000000000e-01, v56  }
0x155: {  	v16 =	vld.idx.msk [tilespmem:v37+s28+$0x0], $0xffff;
	v56 =	vpop (erf);
	v60 =	vmul.f32 v45, v43;
	v37 =	vsub.f32 v27, v51;
	v51 =	vmul.f32 v28, v6  }
0x156: {  	v61 =	vadd.f32 v57, v19;
	v32 =	vmul.f32 v32, v56;
	v41 =	vmul.f32 $6.931471820e-01, v41  }
0x157: {  	v40 =	vmul.f32 v63, v46;
	v54 =	vmul.f32 v26, v2  }
0x158: {  	v45 =	vmul.f32 v61, v56;
	(erf) = vrcp.f32 v37  }
0x159: {  	v50 =	vadd.f32 $9.999998800e-01, v40;
	v40 =	vmul.f32 v52, v36;
	v44 =	vadd.f32 v54, v18  }
0x15a: {  	v39 =	vadd.s32 $0x5DC0, v30;
	v32 =	vmul.f32 v32, v32;
	v45 =	vmul.f32 v45, v20  }
0x15b: {  	v29 =	vmul.f32 v50, v46;
	v40 =	vadd.f32 $1.995013060e-01, v40;
	v59 =	vmul.f32 v44, v56  }
0x15c: {  	v54 =	vadd.s32 $0x6590, v30;
	v32 =	vmul.f32 v32, v24;
	v44 =	vadd.f32 $1.493215710e-01, v60  }
0x15d: {  	v58 =	vadd.f32 $-7.788711340e-10, v29;
	v40 =	vmul.f32 v40, v36;
	v29 =	vmul.f32 v59, v59  }
0x15e: {  	v56 =	vshra.s32 v35, $0x17;
	v44 =	vmul.f32 v44, v43;
	v59 =	vmul.f32 v26, v3  }
0x15f: {  	v40 =	vadd.f32 $-2.500434820e-01, v40;
	v62 =	vmul.f32 v29, v22;
	v63 =	vadd.f32 v58, v41  }
0x160: {  	v47 =	vadd.f32 $-1.651149990e-01, v44;
	v58 =	vmul.f32 v25, v3;
	v44 =	vadd.f32 v59, v18  }
0x161: {  	v40 =	vmul.f32 v40, v36;
	v46 =	vadd.f32 v62, v32;
	v48 =	vadd.f32 v63, v45  }
0x162: {  	v60 =	vpop (erf);
	v29 =	vld.idx.msk [tilespmem:v39+s28+$0x0], $0xffff;
	v50 =	vmul.f32 v47, v43;
	v32 =	vadd.f32 v33, v15;
	v33 =	vadd.s32 $0xC0CD0000, v37  }
0x163: {  	v41 =	vadd.f32 v58, v23;
	v62 =	vmul.f32 v21, v3;
	v44 =	vmul.f32 v44, v60  }
0x164: {  	v58 =	vmul.f32 v21, v4;
	v57 =	vand.u32 $0xFF800000, v33;
	v33 =	vshra.s32 v33, $0x17  }
0x165: {  	v49 =	vadd.f32 $3.333465160e-01, v40;
	v15 =	vsub.f32 v48, v46;
	v41 =	vmul.f32 v41, v60  }
0x166: {  	v34 =	vadd.f32 $1.995013060e-01, v50;
	v44 =	vmul.f32 v44, v44;
	v33 =	vcvt.s32.f32 v33  }
0x167: {  	v40 =	vadd.s32 $0x6D60, v30;
	v53 =	vmul.f32 v29, v16;
	v52 =	vmul.f32 v49, v36  }
0x168: {  	v35 =	vsub.s32 v37, v57;
	v41 =	vmul.f32 v41, v41;
	v49 =	vmul.f32 v44, v22  }
0x169: {  	v35 =	vadd.f32 $-1.000000000e+00, v35;
	v33 =	vmul.f32 $6.931471820e-01, v33;
	v31 =	vmul.f32 v15, v53  }
0x16a: {  	v48 =	vadd.f32 v62, v19;
	v15 =	vmul.f32 v34, v43;
	v34 =	vcvt.s32.f32 v56  }
0x16b: {  	v62 =	vadd.f32 v58, v19;
	v61 =	vmul.f32 $9.274272620e-02, v35;
	v56 =	vmul.f32 v26, v4  }
0x16c: {  	v55 =	vadd.f32 $-4.999995530e-01, v52;
	v41 =	vmul.f32 v41, v24;
	v15 =	vadd.f32 $-2.500434820e-01, v15  }
0x16d: {  	v34 =	vmul.f32 $6.931471820e-01, v34;
	v45 =	vadd.f32 $-1.470776950e-01, v61;
	v47 =	vadd.f32 v56, v18  }
0x16e: {  	v56 =	vmul.f32 v28, v7;
	v30 =	vmul.f32 v55, v36;
	v38 =	vadd.f32 v49, v41  }
0x16f: {  	v41 =	vsub.f32 v27, v51;
	v15 =	vmul.f32 v15, v43;
	v45 =	vmul.f32 v45, v35  }
0x170: {  	v37 =	vsub.f32 v27, v56;
	v56 =	vmul.f32 v25, v6;
	v30 =	vadd.f32 $9.999998800e-01, v30  }
0x171: {  	(erf) = vrcp.f32 v41;
	v15 =	vadd.f32 $3.333465160e-01, v15;
	v50 =	vadd.f32 $1.493215710e-01, v45  }
0x172: {  	v45 =	vadd.s32 $0xC0CD0000, v41;
	(erf) = vrcp.f32 v37;
	v30 =	vmul.f32 v30, v36  }
0x173: {  	v57 =	vpop (erf);
	v36 =	vmul.f32 v48, v60;
	v55 =	vand.u32 $0xFF800000, v45;
	v15 =	vmul.f32 v15, v43  }
0x174: {  	v48 =	vmul.f32 v62, v57;
	v45 =	vshra.s32 v45, $0x17;
	v52 =	vmul.f32 v50, v35  }
0x175: {  	v46 =	vsub.s32 v41, v55;
	v63 =	vadd.f32 $-7.788711340e-10, v30;
	v30 =	vld.idx.msk [tilespmem:v54+s28+$0x0], $0xffff;
	v15 =	vadd.f32 $-4.999995530e-01, v15  }
0x176: {  	v50 =	vmul.f32 v21, v5;
	v45 =	vcvt.s32.f32 v45;
	v39 =	vadd.f32 $-1.651149990e-01, v52  }
0x177: {  	v36 =	vmul.f32 v36, v20;
	v34 =	vadd.f32 v63, v34;
	v15 =	vmul.f32 v15, v43  }
0x178: {  	v54 =	vmul.f32 v25, v4;
	v46 =	vadd.f32 $-1.000000000e+00, v46;
	v39 =	vmul.f32 v39, v35  }
0x179: {  	v45 =	vmul.f32 $6.931471820e-01, v45;
	v34 =	vadd.f32 v34, v36;
	v15 =	vadd.f32 $9.999998800e-01, v15  }
0x17a: {  	v60 =	vmul.f32 $9.274272620e-02, v46;
	v53 =	vmul.f32 v30, v16;
	v39 =	vadd.f32 $1.995013060e-01, v39  }
0x17b: {  	v34 =	vsub.f32 v34, v38;
	v15 =	vmul.f32 v15, v43;
	v43 =	vadd.f32 v54, v23  }
0x17c: {  	v38 =	vmul.f32 v48, v20;
	v39 =	vmul.f32 v39, v35  }
0x17d: {  	v34 =	vmul.f32 v34, v53;
	v59 =	vmul.f32 v43, v57  }
0x17e: {  	v61 =	vadd.f32 $-7.788711340e-10, v15;
	v15 =	vmul.f32 v47, v57;
	v43 =	vadd.f32 $-1.470776950e-01, v60  }
0x17f: {  	v39 =	vadd.f32 $-2.500434820e-01, v39;
	v60 =	vmul.f32 v25, v5;
	v36 =	vmul.f32 v59, v59  }
0x180: {  	v31 =	vadd.f32 $0.0e+00, v31;
	v63 =	vmul.f32 v15, v15;
	v51 =	vmul.f32 v43, v46  }
0x181: {  	v42 =	vadd.f32 v61, v42;
	v39 =	vmul.f32 v39, v35;
	v61 =	vmul.f32 v26, v5  }
0x182: {  	v57 =	vadd.s32 $0x2710, v17;
	v36 =	vmul.f32 v36, v24;
	v52 =	vmul.f32 v63, v22  }
0x183: {  	v15 =	vld.idx.msk [tilespmem:v40+s28+$0x0], $0xffff;
	v40 =	vadd.f32 $1.493215710e-01, v51;
	v53 =	vadd.f32 v42, v38;
	v42 =	vadd.s32 $0xC0CD0000, v37  }
0x184: {  	v39 =	vadd.f32 $3.333465160e-01, v39;
	v38 =	vadd.f32 v60, v23;
	v62 =	vand.u32 $0xFF800000, v42  }
0x185: {  	v42 =	vshra.s32 v42, $0x17;
	v36 =	vadd.f32 v52, v36;
	v54 =	vmul.f32 v40, v46  }
0x186: {  	v39 =	vmul.f32 v39, v35;
	v63 =	vpop (erf);
	v43 =	vsub.s32 v37, v62;
	v52 =	vmul.f32 v28, v8  }
0x187: {  	v40 =	vld.idx.msk [tilespmem:v57+s28+$0x0], $0xffff;
	v57 =	vmul.f32 v26, v6;
	v47 =	vmul.f32 v38, v63;
	v38 =	vadd.f32 $-1.000000000e+00, v43  }
0x188: {  	v42 =	vcvt.s32.f32 v42;
	v43 =	vadd.f32 v50, v19;
	v36 =	vsub.f32 v53, v36  }
0x189: {  	v16 =	vmul.f32 v15, v16;
	v55 =	vadd.f32 $-1.651149990e-01, v54;
	v58 =	vadd.f32 $-4.999995530e-01, v39  }
0x18a: {  	v39 =	vadd.f32 v61, v18;
	v61 =	vmul.f32 v21, v6;
	v48 =	vmul.f32 v47, v47  }
0x18b: {  	v49 =	vmul.f32 $9.274272620e-02, v38;
	v53 =	vmul.f32 v43, v63  }
0x18c: {  	s15 =	sadd.s32 $0x50, s13;
	v31 =	vadd.f32 v31, v34;
	v16 =	vmul.f32 v36, v16;
	v59 =	vmul.f32 v55, v46  }
0x18d: {  	v43 =	vmov s15;
	v34 =	vmul.f32 v58, v35;
	v39 =	vmul.f32 v39, v63  }
0x18e: {  	v63 =	vadd.f32 v61, v19;
	v61 =	vmul.f32 v26, v7;
	v36 =	vadd.f32 $1.995013060e-01, v59  }
0x18f: {  	v34 =	vadd.f32 $9.999998800e-01, v34;
	v16 =	vadd.f32 v31, v16;
	v39 =	vmul.f32 v39, v39  }
0x190: {  	v31 =	vmul.f32 v48, v24;
	v48 =	vadd.f32 v57, v18;
	v36 =	vmul.f32 v36, v46  }
0x191: {  	v60 =	vpop (erf);
	v54 =	vmul.f32 v29, v40;
	v34 =	vmul.f32 v34, v35;
	v35 =	vadd.f32 $-1.470776950e-01, v49  }
0x192: {  	v39 =	vmul.f32 v39, v22;
	v62 =	vmul.f32 v48, v60;
	v36 =	vadd.f32 $-2.500434820e-01, v36  }
0x193: {  	v34 =	vadd.f32 $-7.788711340e-10, v34;
	v51 =	vmul.f32 v35, v38;
	v35 =	vsub.f32 v27, v52  }
0x194: {  	v58 =	vadd.f32 v56, v23;
	v49 =	vmul.f32 v63, v60;
	v36 =	vmul.f32 v36, v46  }
0x195: {  	v33 =	vadd.f32 v34, v33;
	v34 =	vadd.f32 $1.493215710e-01, v51;
	v41 =	vadd.s32 $0xC0CD0000, v35  }
0x196: {  	v63 =	vmul.f32 v21, v7;
	v55 =	vand.u32 $0xFF800000, v41;
	v36 =	vadd.f32 $3.333465160e-01, v36  }
0x197: {  	v31 =	vadd.f32 v39, v31;
	v34 =	vmul.f32 v34, v38;
	v44 =	vsub.s32 v35, v55  }
0x198: {  	v39 =	vmul.f32 v53, v20;
	v44 =	vadd.f32 $-1.000000000e+00, v44;
	v36 =	vmul.f32 v36, v46  }
0x199: {  	v51 =	vmul.f32 v28, v9;
	(erf) = vrcp.f32 v35;
	v34 =	vadd.f32 $-1.651149990e-01, v34  }
0x19a: {  	v41 =	vshra.s32 v41, $0x17;
	v59 =	vmul.f32 $9.274272620e-02, v44;
	v36 =	vadd.f32 $-4.999995530e-01, v36  }
0x19b: {  	v33 =	vadd.f32 v33, v39;
	v39 =	vmul.f32 v62, v62;
	v34 =	vmul.f32 v34, v38  }
0x19c: {  	v41 =	vcvt.s32.f32 v41;
	v47 =	vadd.f32 $-1.470776950e-01, v59;
	v36 =	vmul.f32 v36, v46  }
0x19d: {  	v31 =	vsub.f32 v33, v31;
	v39 =	vmul.f32 v39, v22;
	v34 =	vadd.f32 $1.995013060e-01, v34  }
0x19e: {  	v33 =	vmul.f32 v49, v20;
	v47 =	vmul.f32 v47, v44;
	v36 =	vadd.f32 $9.999998800e-01, v36  }
0x19f: {  	v48 =	vadd.f32 v63, v19;
	v41 =	vmul.f32 $6.931471820e-01, v41;
	v34 =	vmul.f32 v34, v38  }
0x1a0: {  	v47 =	vadd.f32 $1.493215710e-01, v47;
	v36 =	vmul.f32 v36, v46;
	v46 =	vmul.f32 v58, v60  }
0x1a1: {  	v31 =	vmul.f32 v31, v54;
	v54 =	vmul.f32 v30, v40;
	v34 =	vadd.f32 $-2.500434820e-01, v34  }
0x1a2: {  	v50 =	vmul.f32 v47, v44;
	v36 =	vadd.f32 $-7.788711340e-10, v36;
	v46 =	vmul.f32 v46, v46  }
0x1a3: {  	v40 =	vmul.f32 v15, v40;
	v16 =	vadd.f32 v16, v31;
	v34 =	vmul.f32 v34, v38  }
0x1a4: {  	v52 =	vadd.f32 $-1.651149990e-01, v50;
	v46 =	vmul.f32 v46, v24;
	v36 =	vadd.f32 v36, v45  }
0x1a5: {  	v59 =	vmul.f32 v25, v7;
	v34 =	vadd.f32 $3.333465160e-01, v34;
	v45 =	vsub.f32 v27, v51  }
0x1a6: {  	v51 =	vmul.f32 $6.931471820e-01, v42;
	v53 =	vmul.f32 v52, v44;
	v39 =	vadd.f32 v39, v46  }
0x1a7: {  	v33 =	vadd.f32 v36, v33;
	v34 =	vmul.f32 v34, v38;
	v37 =	vadd.s32 $0xC0CD0000, v45  }
0x1a8: {  	v46 =	vadd.f32 v61, v18;
	(erf) = vrcp.f32 v45;
	v55 =	vand.u32 $0xFF800000, v37  }
0x1a9: {  	v62 =	vpop (erf);
	v36 =	vadd.f32 $1.995013060e-01, v53;
	v37 =	vshra.s32 v37, $0x17;
	v33 =	vsub.f32 v33, v39  }
0x1aa: {  	v34 =	vadd.f32 $-4.999995530e-01, v34;
	v46 =	vmul.f32 v46, v62;
	v37 =	vcvt.s32.f32 v37  }
0x1ab: {  	v39 =	vsub.s32 v45, v55;
	v58 =	vmul.f32 v36, v44;
	v56 =	vmul.f32 v33, v54  }
0x1ac: {  	v39 =	vadd.f32 $-1.000000000e+00, v39;
	v57 =	vmul.f32 v34, v38;
	v46 =	vmul.f32 v46, v46  }
0x1ad: {  	v54 =	vmul.f32 v28, v10;
	v37 =	vmul.f32 $6.931471820e-01, v37;
	v34 =	vadd.f32 $-2.500434820e-01, v58  }
0x1ae: {  	v60 =	vmul.f32 $9.274272620e-02, v39;
	v36 =	vadd.f32 v16, v56;
	v33 =	vadd.f32 $9.999998800e-01, v57  }
0x1af: {  	v16 =	vadd.f32 v59, v23;
	v52 =	vmul.f32 v46, v22;
	v34 =	vmul.f32 v34, v44  }
0x1b0: {  	v56 =	vmul.f32 v25, v8;
	v57 =	vmul.f32 v26, v8;
	v31 =	vadd.f32 $-1.470776950e-01, v60  }
0x1b1: {  	v59 =	vmul.f32 v21, v8;
	v33 =	vmul.f32 v33, v38;
	v34 =	vadd.f32 $3.333465160e-01, v34  }
0x1b2: {  	v47 =	vadd.s32 $0x2EE0, v17;
	v16 =	vmul.f32 v16, v62;
	v31 =	vmul.f32 v31, v39  }
0x1b3: {  	v38 =	vmul.f32 v48, v62;
	v42 =	vadd.f32 v57, v18;
	v34 =	vmul.f32 v34, v44  }
0x1b4: {  	v58 =	vpop (erf);
	v48 =	vadd.f32 v59, v19;
	v16 =	vmul.f32 v16, v16;
	v31 =	vadd.f32 $1.493215710e-01, v31  }
0x1b5: {  	v53 =	vmul.f32 v38, v20;
	v42 =	vmul.f32 v42, v58;
	v34 =	vadd.f32 $-4.999995530e-01, v34  }
0x1b6: {  	v33 =	vadd.f32 $-7.788711340e-10, v33;
	v46 =	vmul.f32 v48, v58;
	v31 =	vmul.f32 v31, v39  }
0x1b7: {  	v38 =	vsub.f32 v27, v54;
	v54 =	vmul.f32 v28, v11;
	v34 =	vmul.f32 v34, v44  }
0x1b8: {  	v16 =	vmul.f32 v16, v24;
	v33 =	vadd.f32 v33, v51;
	v31 =	vadd.f32 $-1.651149990e-01, v31  }
0x1b9: {  	v42 =	vmul.f32 v42, v42;
	v46 =	vmul.f32 v46, v20;
	v55 =	vadd.f32 $9.999998800e-01, v34  }
0x1ba: {  	v16 =	vadd.f32 v52, v16;
	v35 =	vadd.f32 v33, v53;
	v31 =	vmul.f32 v31, v39  }
0x1bb: {  	(erf) = vrcp.f32 v38;
	v33 =	vmul.f32 v55, v44;
	v44 =	vadd.s32 $0xC0CD0000, v38  }
0x1bc: {  	v16 =	vsub.f32 v35, v16;
	v31 =	vadd.f32 $1.995013060e-01, v31;
	v60 =	vand.u32 $0xFF800000, v44  }
0x1bd: {  	v42 =	vmul.f32 v42, v22;
	v34 =	vadd.f32 v56, v23;
	v49 =	vsub.s32 v38, v60  }
0x1be: {  	v40 =	vmul.f32 v16, v40;
	v16 =	vld [tilespmem:s30+$0xFFFFFFF0];
	v31 =	vmul.f32 v31, v39;
	v49 =	vadd.f32 $-1.000000000e+00, v49  }
0x1bf: {  	vm0 =	vgt.s32 v43, v0;
	v34 =	vmul.f32 v34, v58;
	v58 =	vmul.f32 v26, v9  }
0x1c0: {  	v61 =	vadd.f32 $-7.788711340e-10, v33;
	v33 =	vld.idx.msk [tilespmem:v47+s28+$0x0], $0xffff;
	v31 =	vadd.f32 $-2.500434820e-01, v31;
	v62 =	vmul.f32 $9.274272620e-02, v49  }
0x1c1: {  	v17 =	vadd.s32 $0x36B0, v17;
	v55 =	vmul.f32 v25, v9;
	v34 =	vmul.f32 v34, v34  }
0x1c2: {  	v45 =	vadd.f32 v58, v18;
	v31 =	vmul.f32 v31, v39;
	v63 =	vadd.f32 $-1.470776950e-01, v62  }
0x1c3: {  	v34 =	vmul.f32 v34, v24;
	v41 =	vadd.f32 v61, v41;
	v57 =	vadd.s32 $0x7D0, v16;
	v60 =	vpop (erf)  }
0x1c4: {  	v45 =	vmul.f32 v45, v60;
	v31 =	vadd.f32 $3.333465160e-01, v31;
	v48 =	vmul.f32 v63, v49  }
0x1c5: {  	v34 =	vadd.f32 v42, v34;
	v41 =	vadd.f32 v41, v46;
	v51 =	vmul.f32 v29, v33  }
0x1c6: {  	v58 =	vmul.f32 v30, v33;
	v31 =	vmul.f32 v31, v39;
	v35 =	vadd.f32 $1.493215710e-01, v48  }
0x1c7: {  	v33 =	vmul.f32 v15, v33;
	v41 =	vsub.f32 v41, v34;
	v34 =	vnsel vm0, $0x0, v32  }
0x1c8: {  	v50 =	vadd.f32 $-4.999995530e-01, v31;
	v31 =	vld [tilespmem:s31+$0xFFFFFFF0];
	v52 =	vmul.f32 v35, v49;
	v35 =	vadd.f32 v36, v40  }
0x1c9: {  	v36 =	vmul.f32 v41, v51;
	v41 =	vsub.f32 v27, v54;
	v40 =	vadd.f32 v55, v23  }
0x1ca: {  	v63 =	vmul.f32 v21, v9;
	v55 =	vshra.s32 v44, $0x17;
	v42 =	vmul.f32 v50, v39  }
0x1cb: {  	v32 =	vadd.f32 $-1.651149990e-01, v52;
	v47 =	vadd.s32 $0xC0CD0000, v41;
	v40 =	vmul.f32 v40, v60  }
0x1cc: {  	v52 =	vadd.f32 v63, v19;
	(erf) = vrcp.f32 v41;
	v53 =	vadd.f32 $9.999998800e-01, v42  }
0x1cd: {  	v61 =	vand.u32 $0xFF800000, v47;
	v56 =	vadd.s32 $0x3E80, v31;
	v32 =	vmul.f32 v32, v49  }
0x1ce: {  	v59 =	vadd.s32 $0x4650, v31;
	v50 =	vsub.s32 v41, v61;
	v40 =	vmul.f32 v40, v40  }
0x1cf: {  	v48 =	vmul.f32 v52, v60;
	v60 =	vmul.f32 v28, v12;
	v50 =	vadd.f32 $-1.000000000e+00, v50  }
0x1d0: {  	v35 =	vadd.f32 v35, v36;
	v28 =	vmul.f32 v28, v13;
	v39 =	vmul.f32 v53, v39  }
0x1d1: {  	v43 =	vld.idx.msk [tilespmem:v57+s28+$0x0], $0xffff;
	v32 =	vadd.f32 $1.995013060e-01, v32;
	v63 =	vsub.f32 v27, v60;
	v57 =	vmul.f32 $9.274272620e-02, v50  }
0x1d2: {  	v62 =	vld.idx.msk [tilespmem:v16+s28+$0x0], $0xffff;
	v40 =	vmul.f32 v40, v24;
	v27 =	vsub.f32 v27, v28;
	v39 =	vadd.f32 $-7.788711340e-10, v39  }
0x1d3: {  	v32 =	vmul.f32 v32, v49;
	v42 =	vld.idx.msk [tilespmem:v56+s28+$0x0], $0xffff;
	v56 =	vmul.f32 v45, v45;
	v45 =	vadd.f32 $-1.470776950e-01, v57  }
0x1d4: {  	v60 =	vmul.f32 v21, v10;
	v46 =	vld.idx.msk [tilespmem:v59+s28+$0x0], $0xffff;
	v37 =	vadd.f32 v39, v37;
	v59 =	vmul.f32 v48, v20  }
0x1d5: {  	v32 =	vadd.f32 $-2.500434820e-01, v32;
	v39 =	vmul.f32 v56, v22;
	v45 =	vmul.f32 v45, v50  }
0x1d6: {  	v37 =	vadd.f32 v37, v59;
	v56 =	vmul.f32 v25, v10;
	v59 =	vmul.f32 v26, v10  }
0x1d7: {  	v32 =	vmul.f32 v32, v49;
	v39 =	vadd.f32 v39, v40;
	v45 =	vadd.f32 $1.493215710e-01, v45  }
0x1d8: {  	(erf) = vrcp.f32 v63;
	v38 =	vadd.f32 v56, v23;
	v44 =	vadd.f32 v59, v18  }
0x1d9: {  	(erf) = vrcp.f32 v27;
	v42 =	vadd.f32 v42, v62;
	v32 =	vadd.f32 $3.333465160e-01, v32  }
0x1da: {  	v43 =	vadd.f32 v46, v43;
	v62 =	vmul.f32 v45, v50;
	v37 =	vsub.f32 v37, v39  }
0x1db: {  	v39 =	vadd.s32 $0xC0CD0000, v63;
	v45 =	vadd.f32 v60, v19;
	v42 =	vadd.f32 v42, v1  }
0x1dc: {  	v60 =	vmul.f32 v25, v11;
	v32 =	vmul.f32 v32, v49;
	v57 =	vand.u32 $0xFF800000, v39  }
0x1dd: {  	v53 =	vadd.f32 $-1.651149990e-01, v62;
	v36 =	vmul.f32 v37, v58;
	v61 =	vadd.f32 v43, v42  }
0x1de: {  	v37 =	vcvt.s32.f32 v55;
	v40 =	vsub.s32 v63, v57;
	v58 =	vpop (erf);
	v32 =	vadd.f32 $-4.999995530e-01, v32  }
0x1df: {  	v38 =	vmul.f32 v38, v58;
	v44 =	vmul.f32 v44, v58;
	v52 =	vsub.f32 $0.0e+00, v61  }
0x1e0: {  	v40 =	vadd.f32 $-1.000000000e+00, v40;
	v41 =	vmul.f32 v45, v58;
	v28 =	vmul.f32 v53, v50  }
0x1e1: {  	v42 =	vsub.f32 v43, v42;
	v37 =	vmul.f32 $6.931471820e-01, v37;
	v54 =	vmul.f32 $1.442695020e+00, v52  }
0x1e2: {  	v58 =	vshra.s32 v47, $0x17;
	v32 =	vmul.f32 v32, v49;
	v61 =	vmul.f32 $9.274272620e-02, v40  }
0x1e3: {  	v38 =	vmul.f32 v38, v38;
	v28 =	vadd.f32 $1.995013060e-01, v28;
	(erf) = vpow2.f32 v54  }
0x1e4: {  	v55 =	vmul.f32 v44, v44;
	v57 =	vmul.f32 v41, v20;
	v32 =	vadd.f32 $9.999998800e-01, v32  }
0x1e5: {  	v41 =	vcvt.s32.f32 v58;
	v48 =	vadd.f32 $-1.470776950e-01, v61;
	v28 =	vmul.f32 v28, v50  }
0x1e6: {  	v42 =	vadd.f32 $0.0e+00, v42;
	v61 =	vmul.f32 v26, v11;
	v32 =	vmul.f32 v32, v49  }
0x1e7: {  	v54 =	vmul.f32 v48, v40;
	v48 =	vadd.s32 $0xC0CD0000, v27;
	v28 =	vadd.f32 $-2.500434820e-01, v28  }
0x1e8: {  	v38 =	vmul.f32 v38, v24;
	v56 =	vand.u32 $0xFF800000, v48;
	v32 =	vadd.f32 $-7.788711340e-10, v32  }
0x1e9: {  	v46 =	vpop (erf);
	v47 =	vadd.f32 v61, v18;
	v27 =	vsub.s32 v27, v56;
	v62 =	vmul.f32 v28, v50  }
0x1ea: {  	v42 =	vmul.f32 $1.442695020e+00, v42;
	v49 =	vpop (erf);
	v44 =	vadd.f32 $-1.000000000e+00, v27;
	v32 =	vadd.f32 v32, v37  }
0x1eb: {  	v41 =	vmul.f32 $6.931471820e-01, v41;
	v37 =	vadd.f32 $1.493215710e-01, v54;
	v28 =	vpop (erf);
	v43 =	vadd.f32 $3.333465160e-01, v62  }
0x1ec: {  	v47 =	vmul.f32 v47, v46;
	v59 =	vmul.f32 $9.274272620e-02, v44;
	v63 =	vpop (erf)  }
0x1ed: {  	v37 =	vmul.f32 v37, v40;
	v43 =	vmul.f32 v43, v50;
	v51 =	vadd.f32 $1.000000000e+00, v63  }
0x1ee: {  	v47 =	vmul.f32 v47, v47;
	v27 =	vadd.f32 v32, v57;
	v32 =	vld.idx.msk [tilespmem:v17+s28+$0x0], $0xffff;
	v45 =	vadd.f32 $-1.470776950e-01, v59  }
0x1ef: {  	v37 =	vadd.f32 $-1.651149990e-01, v37;
	v43 =	vadd.f32 $-4.999995530e-01, v43;
	(erf) = vrcp.f32 v51  }
0x1f0: {  	v14 =	vadd.f32 v34, v14;
	v45 =	vmul.f32 v45, v44;
	(erf) = vpow2.f32 v42  }
0x1f1: {  	v35 =	vadd.f32 v35, v36;
	v37 =	vmul.f32 v37, v40;
	v43 =	vmul.f32 v43, v50  }
0x1f2: {  	v63 =	vmul.f32 v21, v11;
	v45 =	vadd.f32 $1.493215710e-01, v45;
	v42 =	vmul.f32 v55, v22  }
0x1f3: {  	v29 =	vmul.f32 v29, v32;
	v62 =	vadd.f32 $1.995013060e-01, v37;
	v43 =	vadd.f32 $9.999998800e-01, v43  }
0x1f4: {  	v30 =	vmul.f32 v30, v32;
	v45 =	vmul.f32 v45, v44;
	v38 =	vadd.f32 v42, v38  }
0x1f5: {  	v43 =	vmul.f32 v43, v50;
	v42 =	vadd.f32 v60, v23;
	v50 =	vmul.f32 v62, v40  }
0x1f6: {  	v15 =	vmul.f32 v15, v32;
	v51 =	vadd.f32 v63, v19;
	v59 =	vadd.f32 $-1.651149990e-01, v45  }
0x1f7: {  	v60 =	vmul.f32 v47, v22;
	v42 =	vmul.f32 v42, v46;
	v50 =	vadd.f32 $-2.500434820e-01, v50  }
0x1f8: {  	v43 =	vadd.f32 $-7.788711340e-10, v43;
	v46 =	vmul.f32 v51, v46;
	v63 =	vmul.f32 v59, v44;
	v37 =	vpop (erf)  }
0x1f9: {  	v27 =	vsub.f32 v27, v38;
	v59 =	vmul.f32 v26, v12;
	v42 =	vmul.f32 v42, v42;
	v56 =	vpop (erf)  }
0x1fa: {  	v26 =	vmul.f32 v26, v13;
	v50 =	vmul.f32 v50, v40;
	v52 =	vadd.f32 $1.000000000e+00, v56  }
0x1fb: {  	v57 =	vadd.f32 v43, v41;
	v61 =	vmul.f32 v46, v20;
	v58 =	vmul.f32 v42, v24  }
0x1fc: {  	v62 =	vadd.f32 $3.333465160e-01, v50;
	v50 =	vadd.f32 $1.995013060e-01, v63;
	(erf) = vrcp.f32 v52  }
0x1fd: {  	v27 =	vmul.f32 v27, v33;
	v17 =	vadd.f32 v57, v61;
	v41 =	vadd.f32 v60, v58  }
0x1fe: {  	v55 =	vshra.s32 v39, $0x17;
	v47 =	vmul.f32 v62, v40;
	v53 =	vmul.f32 v50, v44  }
0x1ff: {  	v56 =	vmul.f32 v25, v12;
	v60 =	vmul.f32 v21, v12;
	v17 =	vsub.f32 v17, v41  }
0x200: {  	v25 =	vmul.f32 v25, v13;
	v51 =	vadd.f32 $-4.999995530e-01, v47;
	v52 =	vadd.f32 v35, v27  }
0x201: {  	v21 =	vmul.f32 v21, v13;
	v57 =	vadd.f32 $-2.500434820e-01, v53;
	v36 =	vadd.f32 v56, v23  }
0x202: {  	v35 =	vcvt.s32.f32 v55;
	v42 =	vadd.f32 v60, v19;
	v23 =	vadd.f32 v25, v23  }
0x203: {  	v55 =	vadd.s32 $0xFA0, v16;
	v17 =	vmul.f32 v17, v29;
	v54 =	vmul.f32 v51, v40  }
0x204: {  	v19 =	vadd.f32 v21, v19;
	v39 =	vmul.f32 v57, v44;
	v35 =	vmul.f32 $6.931471820e-01, v35  }
0x205: {  	v60 =	vadd.s32 $0x1770, v16;
	v36 =	vmul.f32 v36, v49;
	v42 =	vmul.f32 v42, v49;
	v38 =	vpop (erf)  }
0x206: {  	v51 =	vshra.s32 v48, $0x17;
	v23 =	vmul.f32 v23, v28;
	v29 =	vsub.f32 v37, v38  }
0x207: {  	v57 =	vadd.s32 $0x4E20, v31;
	v19 =	vmul.f32 v19, v28;
	v53 =	vcvt.s32.f32 v51  }
0x208: {  	v33 =	vadd.f32 $9.999998800e-01, v54;
	v27 =	vsub.f32 $1.000000000e+00, v38;
	v58 =	vmul.f32 v29, v2  }
0x209: {  	v39 =	vadd.f32 $3.333465160e-01, v39;
	v36 =	vmul.f32 v36, v36;
	v50 =	vmul.f32 v42, v20  }
0x20a: {  	v23 =	vmul.f32 v23, v23;
	v19 =	vmul.f32 v19, v20;
	v41 =	vsub.f32 v27, v58  }
0x20b: {  	v33 =	vmul.f32 v33, v40;
	v40 =	vadd.f32 v59, v18;
	v39 =	vmul.f32 v39, v44  }
0x20c: {  	v36 =	vmul.f32 v36, v24;
	v18 =	vadd.f32 v26, v18;
	v43 =	vadd.s32 $0xC0CD0000, v41  }
0x20d: {  	v23 =	vmul.f32 v23, v24;
	v26 =	vadd.s32 $0x1F40, v16;
	v61 =	vand.u32 $0xFF800000, v43  }
0x20e: {  	v40 =	vmul.f32 v40, v49;
	v39 =	vadd.f32 $-4.999995530e-01, v39;
	v45 =	vsub.s32 v41, v61  }
0x20f: {  	v62 =	vadd.f32 $-7.788711340e-10, v33;
	v18 =	vmul.f32 v18, v28;
	v45 =	vadd.f32 $-1.000000000e+00, v45  }
0x210: {  	v33 =	vadd.f32 v52, v17;
	v40 =	vmul.f32 v40, v40;
	v63 =	vmul.f32 v39, v44  }
0x211: {  	v35 =	vadd.f32 v62, v35;
	v18 =	vmul.f32 v18, v18;
	v47 =	vmul.f32 $9.274272620e-02, v45  }
0x212: {  	v49 =	vmul.f32 v40, v22;
	v17 =	vadd.f32 $9.999998800e-01, v63;
	v58 =	vmul.f32 v29, v3  }
0x213: {  	v35 =	vadd.f32 v35, v50;
	v18 =	vmul.f32 v18, v22;
	v34 =	vadd.f32 $-1.470776950e-01, v47  }
0x214: {  	v40 =	vadd.s32 $0x5DC0, v31;
	v17 =	vmul.f32 v17, v44;
	v39 =	vsub.f32 v27, v58  }
0x215: {  	v36 =	vadd.f32 v49, v36;
	v61 =	vadd.s32 $0x55F0, v31;
	v52 =	vmul.f32 v34, v45  }
0x216: {  	v62 =	vld.idx.msk [tilespmem:v55+s28+$0x0], $0xffff;
	v44 =	vadd.s32 $0x6590, v31;
	v17 =	vadd.f32 $-7.788711340e-10, v17;
	v28 =	vadd.s32 $0xC0CD0000, v39  }
0x217: {  	v63 =	vld.idx.msk [tilespmem:v57+s28+$0x0], $0xffff;
	v43 =	vshra.s32 v43, $0x17;
	v47 =	vand.u32 $0xFF800000, v28;
	v54 =	vadd.f32 $1.493215710e-01, v52  }
0x218: {  	(erf) = vrcp.f32 v41;
	v43 =	vcvt.s32.f32 v43;
	v48 =	vsub.s32 v39, v47  }
0x219: {  	v49 =	vld.idx.msk [tilespmem:v60+s28+$0x0], $0xffff;
	(erf) = vrcp.f32 v39;
	v42 =	vadd.f32 $-1.000000000e+00, v48;
	v56 =	vmul.f32 v54, v45  }
0x21a: {  	v43 =	vmul.f32 $6.931471820e-01, v43;
	v51 =	vld.idx.msk [tilespmem:v61+s28+$0x0], $0xffff;
	v28 =	vshra.s32 v28, $0x17;
	v34 =	vsub.f32 v35, v36  }
0x21b: {  	v35 =	vmul.f32 $6.931471820e-01, v53;
	v20 =	vmul.f32 $9.274272620e-02, v42;
	v59 =	vadd.f32 $-1.651149990e-01, v56  }
0x21c: {  	v61 =	vmul.f32 v29, v4;
	v28 =	vcvt.s32.f32 v28;
	v53 =	vadd.f32 v63, v62  }
0x21d: {  	v17 =	vadd.f32 v17, v35;
	v20 =	vadd.f32 $-1.470776950e-01, v20;
	v21 =	vmul.f32 v59, v45  }
0x21e: {  	v35 =	vadd.f32 v18, v23;
	v52 =	vsub.f32 $1.000000000e+00, v37;
	v30 =	vmul.f32 v34, v30  }
0x21f: {  	v57 =	vadd.f32 v51, v49;
	v59 =	vmul.f32 v20, v42;
	v21 =	vadd.f32 $1.995013060e-01, v21  }
0x220: {  	v28 =	vmul.f32 $6.931471820e-01, v28;
	v36 =	vadd.f32 v17, v19;
	v54 =	vadd.f32 v37, v37  }
0x221: {  	v30 =	vadd.f32 v33, v30;
	v23 =	vadd.f32 $1.493215710e-01, v59;
	v50 =	vmul.f32 v21, v45  }
0x222: {  	v19 =	vmul.f32 v52, v37;
	v22 =	vsub.f32 $1.000000000e+00, v54;
	v56 =	vadd.f32 v38, v38  }
0x223: {  	v51 =	vadd.f32 v57, v53;
	v62 =	vmul.f32 v23, v42;
	v18 =	vadd.f32 $-2.500434820e-01, v50  }
0x224: {  	v33 =	vsub.f32 v36, v35;
	v60 =	vmul.f32 v22, v19;
	v25 =	vsub.f32 $1.000000000e+00, v56  }
0x225: {  	v41 =	vadd.f32 $-1.651149990e-01, v62;
	v55 =	vmul.f32 v18, v45;
	v18 =	vmul.f32 v27, v38  }
0x226: {  	v15 =	vmul.f32 v33, v15;
	v21 =	vmul.f32 $5.000000000e-01, v57;
	v38 =	vsub.f32 v27, v61  }
0x227: {  	v41 =	vmul.f32 v41, v42;
	v58 =	vadd.f32 $3.333465160e-01, v55;
	v20 =	vsub.f32 $0.0e+00, v18  }
0x228: {  	v22 =	vsub.f32 v18, v19;
	v19 =	vadd.f32 v18, v19;
	v63 =	vmul.f32 v25, v18  }
0x229: {  	v47 =	vadd.s32 $0xC0CD0000, v38;
	v41 =	vadd.f32 $1.995013060e-01, v41;
	(erf) = vrcp.f32 v38  }
0x22a: {  	v17 =	vmul.f32 v58, v45;
	v23 =	vsub.f32 $0.0e+00, v19;
	v19 =	vmul.f32 $5.000000000e-01, v53  }
0x22b: {  	v53 =	vand.u32 $0xFF800000, v47;
	v55 =	vmul.f32 v22, v2;
	v41 =	vmul.f32 v41, v42  }
0x22c: {  	v47 =	vshra.s32 v47, $0x17;
	v54 =	vsub.s32 v38, v53;
	v17 =	vadd.f32 $-4.999995530e-01, v17  }
0x22d: {  	v47 =	vcvt.s32.f32 v47;
	v48 =	vadd.f32 $-1.000000000e+00, v54;
	v37 =	vadd.f32 v55, v20  }
0x22e: {  	v57 =	vpop (erf);
	v58 =	vmul.f32 v23, v2;
	v41 =	vadd.f32 $-2.500434820e-01, v41;
	v52 =	vmul.f32 v17, v45  }
0x22f: {  	v39 =	vadd.s32 $0x6D60, v31;
	v56 =	vmul.f32 $9.274272620e-02, v48;
	v37 =	vmul.f32 v37, v57  }
0x230: {  	v55 =	vmul.f32 v29, v5;
	v41 =	vmul.f32 v41, v42;
	v25 =	vadd.f32 $9.999998800e-01, v52  }
0x231: {  	v17 =	vmul.f32 $5.000000000e-01, v51;
	v49 =	vadd.f32 $-1.470776950e-01, v56;
	v37 =	vmul.f32 v37, v37  }
0x232: {  	v41 =	vadd.f32 $3.333465160e-01, v41;
	v45 =	vmul.f32 v25, v45;
	v25 =	vsub.f32 v63, v60  }
0x233: {  	v56 =	vmul.f32 v22, v3;
	v60 =	vadd.f32 v58, v18;
	v61 =	vmul.f32 v49, v48  }
0x234: {  	v24 =	vsub.f32 $0.0e+00, v63;
	v41 =	vmul.f32 v41, v42;
	v59 =	vmul.f32 v25, v2  }
0x235: {  	v45 =	vadd.f32 $-7.788711340e-10, v45;
	v52 =	vmul.f32 v60, v57;
	v46 =	vadd.f32 $1.493215710e-01, v61  }
0x236: {  	v37 =	vmul.f32 v37, v19;
	v41 =	vadd.f32 $-4.999995530e-01, v41;
	v62 =	vadd.f32 v59, v24  }
0x237: {  	v49 =	vld.idx.msk [tilespmem:v26+s28+$0x0], $0xffff;
	v63 =	vmul.f32 v52, v52;
	v53 =	vmul.f32 v46, v48;
	v43 =	vadd.f32 v45, v43  }
0x238: {  	v26 =	vld.idx.msk [tilespmem:v40+s28+$0x0], $0xffff;
	v41 =	vmul.f32 v41, v42;
	v46 =	vadd.f32 v56, v20;
	v52 =	vmul.f32 v62, v57  }
0x239: {  	v56 =	vmul.f32 v22, v4;
	v54 =	vmul.f32 v63, v21;
	v40 =	vadd.f32 $-1.651149990e-01, v53  }
0x23a: {  	v57 =	vmul.f32 v23, v3;
	v41 =	vadd.f32 $9.999998800e-01, v41;
	v31 =	vmul.f32 v52, v17  }
0x23b: {  	v59 =	vpop (erf);
	v63 =	vmul.f32 v25, v3;
	v37 =	vadd.f32 v54, v37;
	v40 =	vmul.f32 v40, v48  }
0x23c: {  	v60 =	vmul.f32 v46, v59;
	v50 =	vadd.f32 v57, v18;
	v31 =	vadd.f32 v43, v31  }
0x23d: {  	v45 =	vmul.f32 v26, v49;
	v43 =	vsub.f32 v27, v55;
	v40 =	vadd.f32 $1.995013060e-01, v40  }
0x23e: {  	v41 =	vmul.f32 v41, v42;
	v57 =	vadd.f32 v63, v24;
	v61 =	vmul.f32 v60, v60  }
0x23f: {  	v50 =	vmul.f32 v50, v59;
	v51 =	vadd.s32 $0xC0CD0000, v43;
	v40 =	vmul.f32 v40, v48  }
0x240: {  	v41 =	vadd.f32 $-7.788711340e-10, v41;
	v59 =	vmul.f32 v57, v59;
	v58 =	vand.u32 $0xFF800000, v51  }
0x241: {  	v54 =	vmul.f32 v61, v19;
	v52 =	vsub.s32 v43, v58;
	v40 =	vadd.f32 $-2.500434820e-01, v40  }
0x242: {  	v37 =	vsub.f32 v31, v37;
	v50 =	vmul.f32 v50, v50;
	v46 =	vadd.f32 $-1.000000000e+00, v52  }
0x243: {  	v31 =	vld.idx.msk [tilespmem:v44+s28+$0x0], $0xffff;
	v28 =	vadd.f32 v41, v28;
	v38 =	vmul.f32 v59, v17;
	v40 =	vmul.f32 v40, v48  }
0x244: {  	v50 =	vmul.f32 v50, v21;
	v62 =	vmul.f32 $9.274272620e-02, v46  }
0x245: {  	v57 =	vmul.f32 v23, v4;
	v38 =	vadd.f32 v28, v38;
	v40 =	vadd.f32 $3.333465160e-01, v40  }
0x246: {  	v55 =	vmul.f32 v25, v4;
	v44 =	vadd.f32 v50, v54;
	v42 =	vadd.f32 $-1.470776950e-01, v62  }
0x247: {  	v53 =	vadd.f32 v57, v18;
	v58 =	vmul.f32 v29, v6;
	v40 =	vmul.f32 v40, v48  }
0x248: {  	v50 =	vmul.f32 v31, v49;
	v38 =	vsub.f32 v38, v44;
	v42 =	vmul.f32 v42, v46  }
0x249: {  	(erf) = vrcp.f32 v43;
	v37 =	vmul.f32 v37, v45;
	v40 =	vadd.f32 $-4.999995530e-01, v40  }
0x24a: {  	v38 =	vmul.f32 v38, v50;
	v60 =	vadd.f32 $1.493215710e-01, v42;
	v42 =	vsub.f32 v27, v58  }
0x24b: {  	v55 =	vadd.f32 v55, v24;
	v50 =	vmul.f32 v22, v5;
	v40 =	vmul.f32 v40, v48  }
0x24c: {  	v58 =	vadd.f32 v56, v20;
	v41 =	vmul.f32 v60, v46;
	v45 =	vadd.s32 $0xC0CD0000, v42  }
0x24d: {  	(erf) = vrcp.f32 v42;
	v61 =	vand.u32 $0xFF800000, v45;
	v40 =	vadd.f32 $9.999998800e-01, v40  }
0x24e: {  	v45 =	vshra.s32 v45, $0x17;
	v63 =	vsub.s32 v42, v61;
	v61 =	vmul.f32 $6.931471820e-01, v47  }
0x24f: {  	v62 =	vadd.f32 $-1.651149990e-01, v41;
	v60 =	vpop (erf);
	v45 =	vcvt.s32.f32 v45;
	v40 =	vmul.f32 v40, v48  }
0x250: {  	v41 =	vadd.f32 $-1.000000000e+00, v63;
	v48 =	vmul.f32 v58, v60;
	v53 =	vmul.f32 v53, v60  }
0x251: {  	v54 =	vmul.f32 v55, v60;
	v28 =	vmul.f32 v62, v46  }
0x252: {  	v37 =	vadd.f32 $0.0e+00, v37;
	v45 =	vmul.f32 $6.931471820e-01, v45;
	v59 =	vmul.f32 $9.274272620e-02, v41  }
0x253: {  	v62 =	vmul.f32 v53, v53;
	v53 =	vmul.f32 v23, v5;
	v28 =	vadd.f32 $1.995013060e-01, v28  }
0x254: {  	v40 =	vadd.f32 $-7.788711340e-10, v40;
	v48 =	vmul.f32 v48, v48;
	v58 =	vmul.f32 v54, v17  }
0x255: {  	v52 =	vadd.f32 $-1.470776950e-01, v59;
	v43 =	vadd.f32 v53, v18;
	v56 =	vmul.f32 v28, v46  }
0x256: {  	v55 =	vpop (erf);
	v48 =	vmul.f32 v48, v19;
	v28 =	vld.idx.msk [tilespmem:v39+s28+$0x0], $0xffff;
	v39 =	vadd.f32 v40, v61;
	v61 =	vmul.f32 v29, v7  }
0x257: {  	v52 =	vmul.f32 v52, v41;
	v43 =	vmul.f32 v43, v55;
	v63 =	vadd.f32 $-2.500434820e-01, v56  }
0x258: {  	v56 =	vmul.f32 v62, v21;
	v39 =	vadd.f32 v39, v58;
	v62 =	vadd.f32 v37, v38  }
0x259: {  	v38 =	vadd.f32 v50, v20;
	v58 =	vmul.f32 v25, v5;
	v52 =	vadd.f32 $1.493215710e-01, v52  }
0x25a: {  	v43 =	vmul.f32 v43, v43;
	v57 =	vmul.f32 v63, v46;
	v44 =	vadd.f32 v56, v48  }
0x25b: {  	v38 =	vmul.f32 v38, v55;
	v52 =	vmul.f32 v52, v41  }
0x25c: {  	v59 =	vmul.f32 v28, v49;
	v47 =	vadd.f32 $3.333465160e-01, v57;
	v39 =	vsub.f32 v39, v44  }
0x25d: {  	v43 =	vmul.f32 v43, v21;
	v38 =	vmul.f32 v38, v38;
	v60 =	vadd.f32 $-1.651149990e-01, v52  }
0x25e: {  	v54 =	vadd.s32 $0x2710, v16;
	v47 =	vmul.f32 v47, v46;
	v44 =	vmul.f32 v39, v59  }
0x25f: {  	v38 =	vmul.f32 v38, v19;
	v40 =	vmul.f32 v60, v41  }
0x260: {  	v56 =	vshra.s32 v51, $0x17;
	v63 =	vadd.f32 $-4.999995530e-01, v47;
	v34 =	vadd.f32 v62, v44  }
0x261: {  	v60 =	vmul.f32 v29, v8;
	v38 =	vadd.f32 v43, v38;
	v47 =	vadd.f32 $1.995013060e-01, v40  }
0x262: {  	v62 =	vmul.f32 v23, v6;
	v40 =	vsub.f32 v27, v61;
	v61 =	vmul.f32 v22, v6  }
0x263: {  	v44 =	vld.idx.msk [tilespmem:v54+s28+$0x0], $0xffff;
	v43 =	vsub.f32 v27, v60;
	v48 =	vmul.f32 v63, v46;
	v49 =	vmul.f32 v47, v41  }
0x264: {  	v37 =	vadd.s32 $0xC0CD0000, v40;
	v47 =	vcvt.s32.f32 v56;
	v56 =	vmul.f32 v25, v6  }
0x265: {  	(erf) = vrcp.f32 v40;
	v35 =	vadd.f32 $9.999998800e-01, v48;
	v52 =	vand.u32 $0xFF800000, v37  }
0x266: {  	v37 =	vshra.s32 v37, $0x17;
	(erf) = vrcp.f32 v43;
	v36 =	vadd.f32 $-2.500434820e-01, v49  }
0x267: {  	v39 =	vsub.s32 v40, v52;
	v49 =	vadd.f32 v58, v24;
	v47 =	vmul.f32 $6.931471820e-01, v47  }
0x268: {  	v52 =	vmul.f32 v31, v44;
	v37 =	vcvt.s32.f32 v37;
	v39 =	vadd.f32 $-1.000000000e+00, v39  }
0x269: {  	v50 =	vadd.f32 v56, v24;
	v35 =	vmul.f32 v35, v46;
	v36 =	vmul.f32 v36, v41  }
0x26a: {  	v63 =	vpop (erf);
	v46 =	vmul.f32 v49, v55;
	v57 =	vmul.f32 $9.274272620e-02, v39  }
0x26b: {  	v49 =	vmul.f32 v50, v63;
	v50 =	vmul.f32 v29, v9;
	v36 =	vadd.f32 $3.333465160e-01, v36  }
0x26c: {  	v37 =	vmul.f32 $6.931471820e-01, v37;
	v35 =	vadd.f32 $-7.788711340e-10, v35;
	v48 =	vadd.f32 $-1.470776950e-01, v57  }
0x26d: {  	v33 =	vadd.f32 v30, v15;
	v46 =	vmul.f32 v46, v17;
	v36 =	vmul.f32 v36, v41  }
0x26e: {  	v60 =	vmul.f32 v49, v17;
	v35 =	vadd.f32 v35, v47;
	v59 =	vmul.f32 v48, v39  }
0x26f: {  	v40 =	vsub.f32 v27, v50;
	v47 =	vmul.f32 v26, v44;
	v36 =	vadd.f32 $-4.999995530e-01, v36  }
0x270: {  	v44 =	vmul.f32 v28, v44;
	v35 =	vadd.f32 v35, v46;
	v42 =	vadd.f32 $1.493215710e-01, v59  }
0x271: {  	v46 =	vadd.f32 v61, v20;
	v48 =	vadd.s32 $0xC0CD0000, v43;
	v36 =	vmul.f32 v36, v41  }
0x272: {  	(erf) = vrcp.f32 v40;
	v57 =	vand.u32 $0xFF800000, v48;
	v42 =	vmul.f32 v42, v39  }
0x273: {  	v46 =	vmul.f32 v46, v63;
	v51 =	vsub.s32 v43, v57;
	v36 =	vadd.f32 $9.999998800e-01, v36  }
0x274: {  	v35 =	vsub.f32 v35, v38;
	v38 =	vadd.s32 $0xC0CD0000, v40;
	v42 =	vadd.f32 $-1.651149990e-01, v42  }
0x275: {  	v51 =	vadd.f32 $-1.000000000e+00, v51;
	v36 =	vmul.f32 v36, v41;
	v41 =	vadd.f32 v62, v18  }
0x276: {  	v56 =	vand.u32 $0xFF800000, v38;
	v46 =	vmul.f32 v46, v46;
	v42 =	vmul.f32 v42, v39  }
0x277: {  	v38 =	vshra.s32 v38, $0x17;
	v58 =	vmul.f32 $9.274272620e-02, v51;
	v41 =	vmul.f32 v41, v63  }
0x278: {  	v35 =	vmul.f32 v35, v47;
	v30 =	vsub.s32 v40, v56;
	v42 =	vadd.f32 $1.995013060e-01, v42  }
0x279: {  	v38 =	vcvt.s32.f32 v38;
	v59 =	vadd.f32 $-1.470776950e-01, v58;
	v41 =	vmul.f32 v41, v41  }
0x27a: {  	v46 =	vmul.f32 v46, v19;
	v36 =	vadd.f32 $-7.788711340e-10, v36;
	v42 =	vmul.f32 v42, v39  }
0x27b: {  	v56 =	vshra.s32 v48, $0x17;
	v62 =	vmul.f32 v59, v51;
	v41 =	vmul.f32 v41, v21  }
0x27c: {  	v47 =	vcvt.s32.f32 v56;
	v36 =	vadd.f32 v36, v45;
	v42 =	vadd.f32 $-2.500434820e-01, v42  }
0x27d: {  	v38 =	vmul.f32 $6.931471820e-01, v38;
	v61 =	vadd.f32 v41, v46;
	v41 =	vadd.f32 $1.493215710e-01, v62  }
0x27e: {  	v58 =	vmul.f32 v22, v7;
	v63 =	vadd.f32 v36, v60;
	v42 =	vmul.f32 v42, v39  }
0x27f: {  	v34 =	vadd.f32 v34, v35;
	v47 =	vmul.f32 $6.931471820e-01, v47;
	v53 =	vmul.f32 v41, v51  }
0x280: {  	v59 =	vmul.f32 v23, v7;
	v32 =	vsub.f32 v63, v61;
	v49 =	vadd.f32 $3.333465160e-01, v42  }
0x281: {  	v35 =	vadd.f32 v58, v20;
	v63 =	vmul.f32 v29, v10;
	v55 =	vadd.f32 $-1.651149990e-01, v53  }
0x282: {  	v32 =	vmul.f32 v32, v52;
	v61 =	vpop (erf);
	v36 =	vmul.f32 v49, v39  }
0x283: {  	v30 =	vadd.f32 $-1.000000000e+00, v30;
	v35 =	vmul.f32 v35, v61;
	v57 =	vmul.f32 v55, v51  }
0x284: {  	v62 =	vmul.f32 v25, v7;
	v46 =	vsub.f32 v27, v63;
	v54 =	vadd.f32 $-4.999995530e-01, v36  }
0x285: {  	v41 =	vadd.f32 v34, v32;
	v35 =	vmul.f32 v35, v35;
	v32 =	vadd.f32 $1.995013060e-01, v57  }
0x286: {  	v58 =	vmul.f32 v25, v8;
	v45 =	vadd.f32 v62, v24;
	v15 =	vmul.f32 v54, v39  }
0x287: {  	v49 =	vmul.f32 v35, v19;
	v35 =	vadd.s32 $0xC0CD0000, v46;
	v32 =	vmul.f32 v32, v51  }
0x288: {  	v60 =	vmul.f32 $9.274272620e-02, v30;
	v50 =	vand.u32 $0xFF800000, v35;
	v15 =	vadd.f32 $9.999998800e-01, v15  }
0x289: {  	v42 =	vmul.f32 v45, v61;
	v43 =	vsub.s32 v46, v50;
	v32 =	vadd.f32 $-2.500434820e-01, v32  }
0x28a: {  	v43 =	vadd.f32 $-1.000000000e+00, v43;
	v15 =	vmul.f32 v15, v39;
	v39 =	vadd.f32 $-1.470776950e-01, v60  }
0x28b: {  	v55 =	vmul.f32 v23, v8;
	v36 =	vadd.f32 v59, v18;
	v32 =	vmul.f32 v32, v51  }
0x28c: {  	v53 =	vmul.f32 $9.274272620e-02, v43;
	v39 =	vmul.f32 v39, v30  }
0x28d: {  	v52 =	vmul.f32 v42, v17;
	v36 =	vmul.f32 v36, v61;
	v32 =	vadd.f32 $3.333465160e-01, v32  }
0x28e: {  	v54 =	vmul.f32 v22, v8;
	v42 =	vadd.f32 $-1.470776950e-01, v53;
	v39 =	vadd.f32 $1.493215710e-01, v39  }
0x28f: {  	v45 =	vadd.f32 v55, v18;
	v36 =	vmul.f32 v36, v36;
	v32 =	vmul.f32 v32, v51  }
0x290: {  	v34 =	vadd.s32 $0x2EE0, v16;
	v57 =	vpop (erf);
	v42 =	vmul.f32 v42, v43;
	v39 =	vmul.f32 v39, v30  }
0x291: {  	v45 =	vmul.f32 v45, v57;
	v15 =	vadd.f32 $-7.788711340e-10, v15;
	v32 =	vadd.f32 $-4.999995530e-01, v32  }
0x292: {  	v36 =	vmul.f32 v36, v21;
	v42 =	vadd.f32 $1.493215710e-01, v42;
	v39 =	vadd.f32 $-1.651149990e-01, v39  }
0x293: {  	v15 =	vadd.f32 v15, v37;
	v37 =	vadd.f32 v54, v20;
	v32 =	vmul.f32 v32, v51  }
0x294: {  	v36 =	vadd.f32 v36, v49;
	v42 =	vmul.f32 v42, v43;
	v39 =	vmul.f32 v39, v30  }
0x295: {  	v15 =	vadd.f32 v15, v52;
	v37 =	vmul.f32 v37, v57;
	v32 =	vadd.f32 $9.999998800e-01, v32  }
0x296: {  	v34 =	vld.idx.msk [tilespmem:v34+s28+$0x0], $0xffff;
	v45 =	vmul.f32 v45, v45;
	v42 =	vadd.f32 $-1.651149990e-01, v42;
	v39 =	vadd.f32 $1.995013060e-01, v39  }
0x297: {  	v62 =	vadd.f32 v58, v24;
	v60 =	vmul.f32 v37, v37;
	v32 =	vmul.f32 v32, v51  }
0x298: {  	v36 =	vsub.f32 v15, v36;
	v15 =	vld [tilespmem:s30+$0x0];
	v42 =	vmul.f32 v42, v43;
	v39 =	vmul.f32 v39, v30  }
0x299: {  	v45 =	vmul.f32 v45, v21;
	v63 =	vmul.f32 v60, v19;
	v59 =	vadd.f32 $-7.788711340e-10, v32;
	v32 =	vld [tilespmem:s31+$0x0]  }
0x29a: {  	v36 =	vmul.f32 v36, v44;
	v53 =	vadd.f32 $1.995013060e-01, v42;
	v39 =	vadd.f32 $-2.500434820e-01, v39  }
0x29b: {  	(erf) = vrcp.f32 v46;
	v54 =	vmul.f32 v26, v34;
	v45 =	vadd.f32 v45, v63  }
0x29c: {  	v36 =	vadd.f32 v41, v36;
	v40 =	vmul.f32 v53, v43;
	v61 =	vmul.f32 v39, v30  }
0x29d: {  	v56 =	vadd.s32 $0x7D0, v15;
	v39 =	vmul.f32 v62, v57;
	v57 =	vmul.f32 v22, v9  }
0x29e: {  	v62 =	vmul.f32 v23, v9;
	v40 =	vadd.f32 $-2.500434820e-01, v40;
	v55 =	vadd.s32 $0x3E80, v32  }
0x29f: {  	v52 =	vadd.f32 v59, v47;
	v37 =	vadd.f32 $3.333465160e-01, v61;
	v39 =	vmul.f32 v39, v17  }
0x2a0: {  	v59 =	vadd.f32 v57, v20;
	v50 =	vadd.f32 v62, v18;
	v40 =	vmul.f32 v40, v43  }
0x2a1: {  	v58 =	vadd.s32 $0x4650, v32;
	v37 =	vmul.f32 v37, v30;
	v39 =	vadd.f32 v52, v39;
	v61 =	vpop (erf)  }
0x2a2: {  	v63 =	vmul.f32 v59, v61;
	v40 =	vadd.f32 $3.333465160e-01, v40;
	v50 =	vmul.f32 v50, v61  }
0x2a3: {  	v59 =	vmul.f32 v29, v12;
	v37 =	vadd.f32 $-4.999995530e-01, v37;
	v44 =	vld.idx.msk [tilespmem:v55+s28+$0x0], $0xffff;
	v55 =	vmul.f32 v25, v9  }
0x2a4: {  	v39 =	vsub.f32 v39, v45;
	v41 =	vmul.f32 v63, v63;
	v40 =	vmul.f32 v40, v43  }
0x2a5: {  	v45 =	vld.idx.msk [tilespmem:v56+s28+$0x0], $0xffff;
	v56 =	vmul.f32 v50, v50;
	v46 =	vsub.f32 v27, v59;
	v59 =	vmul.f32 v22, v10  }
0x2a6: {  	v37 =	vmul.f32 v37, v30;
	v39 =	vmul.f32 v39, v54  }
0x2a7: {  	v16 =	vadd.s32 $0x36B0, v16;
	v60 =	vld.idx.msk [tilespmem:v15+s28+$0x0], $0xffff;
	v54 =	vmul.f32 v29, v11;
	v29 =	vmul.f32 v29, v13  }
0x2a8: {  	v48 =	vld.idx.msk [tilespmem:v58+s28+$0x0], $0xffff;
	v51 =	vadd.f32 v55, v24;
	v41 =	vmul.f32 v41, v19;
	v40 =	vadd.f32 $-4.999995530e-01, v40  }
0x2a9: {  	v47 =	vmul.f32 v56, v21;
	v37 =	vadd.f32 $9.999998800e-01, v37;
	v42 =	vsub.f32 v27, v54  }
0x2aa: {  	v29 =	vsub.f32 v27, v29;
	v36 =	vadd.f32 v36, v39;
	v58 =	vmul.f32 v51, v61  }
0x2ab: {  	s16 =	sadd.s32 $0x40, s13;
	v40 =	vmul.f32 v40, v43;
	v55 =	vadd.f32 v47, v41;
	v41 =	vadd.s32 $0xC0CD0000, v46  }
0x2ac: {  	v37 =	vmul.f32 v37, v30;
	v30 =	vmov s16;
	v52 =	vadd.s32 $0xC0CD0000, v42  }
0x2ad: {  	v44 =	vadd.f32 v44, v60;
	v45 =	vadd.f32 v48, v45;
	(erf) = vrcp.f32 v42  }
0x2ae: {  	v57 =	vand.u32 $0xFF800000, v52;
	(erf) = vrcp.f32 v46;
	v56 =	vmul.f32 v58, v17  }
0x2af: {  	v58 =	vadd.f32 $9.999998800e-01, v40;
	v40 =	vmul.f32 v31, v34;
	vm11 =	vgt.s32 v30, v0  }
0x2b0: {  	v50 =	vsub.s32 v42, v57;
	v44 =	vadd.f32 v44, v1;
	v37 =	vadd.f32 $-7.788711340e-10, v37  }
0x2b1: {  	(erf) = vrcp.f32 v29;
	v57 =	vshra.s32 v35, $0x17;
	v33 =	vnsel vm11, $0x0, v33  }
0x2b2: {  	v49 =	vadd.f32 $-1.000000000e+00, v50;
	v27 =	vcvt.s32.f32 v57;
	v60 =	vadd.f32 v45, v44  }
0x2b3: {  	v35 =	vmul.f32 v58, v43;
	v37 =	vadd.f32 v37, v38;
	v44 =	vsub.f32 v45, v44  }
0x2b4: {  	v61 =	vmul.f32 $9.274272620e-02, v49;
	v42 =	vmul.f32 $6.931471820e-01, v27;
	v27 =	vadd.f32 v59, v20  }
0x2b5: {  	v62 =	vsub.f32 $0.0e+00, v60;
	v37 =	vadd.f32 v37, v56;
	v60 =	vand.u32 $0xFF800000, v41  }
0x2b6: {  	v44 =	vadd.f32 $0.0e+00, v44;
	v41 =	vshra.s32 v41, $0x17;
	v63 =	vadd.f32 $-1.470776950e-01, v61  }
0x2b7: {  	v43 =	vsub.s32 v46, v60;
	v41 =	vcvt.s32.f32 v41;
	v53 =	vmul.f32 $1.442695020e+00, v62  }
0x2b8: {  	v62 =	vmul.f32 v23, v10;
	v43 =	vadd.f32 $-1.000000000e+00, v43;
	v44 =	vmul.f32 $1.442695020e+00, v44  }
0x2b9: {  	v35 =	vadd.f32 $-7.788711340e-10, v35;
	v54 =	vmul.f32 v63, v49;
	v63 =	vmul.f32 v25, v10  }
0x2ba: {  	v37 =	vsub.f32 v37, v55;
	(erf) = vpow2.f32 v53;
	v57 =	vmul.f32 $9.274272620e-02, v43  }
0x2bb: {  	v61 =	vpop (erf);
	v41 =	vmul.f32 $6.931471820e-01, v41;
	v48 =	vadd.f32 v62, v18;
	v38 =	vadd.f32 $1.493215710e-01, v54  }
0x2bc: {  	v56 =	vmul.f32 v27, v61;
	v37 =	vmul.f32 v37, v40;
	v45 =	vadd.f32 $-1.470776950e-01, v57  }
0x2bd: {  	v46 =	vadd.f32 v63, v24;
	v63 =	vmul.f32 v28, v34;
	v38 =	vmul.f32 v38, v49  }
0x2be: {  	v35 =	vadd.f32 v35, v42;
	v48 =	vmul.f32 v48, v61;
	v45 =	vmul.f32 v45, v43  }
0x2bf: {  	v59 =	vmul.f32 v46, v61;
	v46 =	vadd.s32 $0xC0CD0000, v29;
	v38 =	vadd.f32 $-1.651149990e-01, v38  }
0x2c0: {  	v50 =	vpop (erf);
	v39 =	vmul.f32 v56, v56;
	v61 =	vand.u32 $0xFF800000, v46;
	v45 =	vadd.f32 $1.493215710e-01, v45  }
0x2c1: {  	v51 =	vpop (erf);
	v48 =	vmul.f32 v48, v48;
	v29 =	vsub.s32 v29, v61;
	v38 =	vmul.f32 v38, v49  }
0x2c2: {  	v27 =	vpop (erf);
	v56 =	vmul.f32 v22, v11;
	v40 =	vadd.f32 $-1.000000000e+00, v29;
	v45 =	vmul.f32 v45, v43  }
0x2c3: {  	v39 =	vmul.f32 v39, v19;
	v60 =	vmul.f32 v48, v21;
	v38 =	vadd.f32 $1.995013060e-01, v38;
	v58 =	vpop (erf)  }
0x2c4: {  	v48 =	vmul.f32 $9.274272620e-02, v40;
	v53 =	vadd.f32 $1.000000000e+00, v58;
	v62 =	vadd.f32 $-1.651149990e-01, v45  }
0x2c5: {  	v36 =	vadd.f32 v36, v37;
	v58 =	vmul.f32 v23, v11;
	v38 =	vmul.f32 v38, v49  }
0x2c6: {  	v39 =	vadd.f32 v60, v39;
	(erf) = vrcp.f32 v53;
	v47 =	vmul.f32 v62, v43  }
0x2c7: {  	v42 =	vadd.f32 v58, v18;
	v38 =	vadd.f32 $-2.500434820e-01, v38;
	(erf) = vpow2.f32 v44  }
0x2c8: {  	v44 =	vmul.f32 v59, v17;
	v59 =	vmul.f32 v25, v11;
	v53 =	vadd.f32 $1.995013060e-01, v47  }
0x2c9: {  	v55 =	vadd.f32 $-1.470776950e-01, v48;
	v42 =	vmul.f32 v42, v50;
	v38 =	vmul.f32 v38, v49  }
0x2ca: {  	v35 =	vadd.f32 v35, v44;
	v44 =	vadd.f32 v59, v24;
	v34 =	vmul.f32 v53, v43  }
0x2cb: {  	v42 =	vmul.f32 v42, v42;
	v53 =	vmul.f32 v22, v12;
	v38 =	vadd.f32 $3.333465160e-01, v38  }
0x2cc: {  	v22 =	vmul.f32 v22, v13;
	v45 =	vsub.f32 v35, v39;
	v39 =	vmul.f32 v55, v40  }
0x2cd: {  	v48 =	vmul.f32 v44, v50;
	v34 =	vadd.f32 $-2.500434820e-01, v34;
	v38 =	vmul.f32 v38, v49  }
0x2ce: {  	v57 =	vshra.s32 v52, $0x17;
	v55 =	vmul.f32 v25, v12;
	v29 =	vmul.f32 v45, v63  }
0x2cf: {  	v39 =	vadd.f32 $1.493215710e-01, v39;
	v34 =	vmul.f32 v34, v43;
	v38 =	vadd.f32 $-4.999995530e-01, v38  }
0x2d0: {  	v25 =	vmul.f32 v25, v13;
	v35 =	vpop (erf);
	v36 =	vadd.f32 v36, v29;
	v29 =	vadd.f32 v56, v20  }
0x2d1: {  	v63 =	vmul.f32 v42, v21;
	v54 =	vpop (erf);
	v34 =	vadd.f32 $3.333465160e-01, v34;
	v38 =	vmul.f32 v38, v49  }
0x2d2: {  	v39 =	vmul.f32 v39, v40;
	v37 =	vadd.f32 $1.000000000e+00, v54;
	v29 =	vmul.f32 v29, v50  }
0x2d3: {  	v54 =	vmul.f32 v23, v12;
	v60 =	vmul.f32 v34, v43;
	v38 =	vadd.f32 $9.999998800e-01, v38  }
0x2d4: {  	v39 =	vadd.f32 $-1.651149990e-01, v39;
	(erf) = vrcp.f32 v37;
	v37 =	vcvt.s32.f32 v57  }
0x2d5: {  	v14 =	vadd.f32 v33, v14;
	v34 =	vld.idx.msk [tilespmem:v16+s28+$0x0], $0xffff;
	v29 =	vmul.f32 v29, v29;
	v38 =	vmul.f32 v38, v49  }
0x2d6: {  	v62 =	vmul.f32 v39, v40;
	v39 =	vmul.f32 v48, v17;
	v48 =	vadd.f32 v55, v24  }
0x2d7: {  	v37 =	vmul.f32 $6.931471820e-01, v37;
	v49 =	vadd.f32 $-4.999995530e-01, v60;
	v38 =	vadd.f32 $-7.788711340e-10, v38  }
0x2d8: {  	v23 =	vmul.f32 v23, v13;
	v24 =	vadd.f32 v25, v24;
	v29 =	vmul.f32 v29, v19  }
0x2d9: {  	v48 =	vmul.f32 v48, v51;
	v42 =	vmul.f32 v49, v43;
	v61 =	vadd.f32 v38, v37  }
0x2da: {  	v26 =	vmul.f32 v26, v34;
	v37 =	vadd.f32 $1.995013060e-01, v62;
	v38 =	vadd.f32 v63, v29  }
0x2db: {  	v58 =	vmul.f32 v48, v17;
	v52 =	vadd.f32 $9.999998800e-01, v42;
	v42 =	vadd.f32 v53, v20  }
0x2dc: {  	v63 =	vshra.s32 v46, $0x17;
	v20 =	vadd.f32 v22, v20;
	v53 =	vadd.s32 $0x55F0, v32  }
0x2dd: {  	v37 =	vmul.f32 v37, v40;
	v16 =	vadd.f32 v61, v39;
	v39 =	vmul.f32 v52, v43;
	v44 =	vpop (erf)  }
0x2de: {  	v43 =	vadd.f32 v54, v18;
	v42 =	vmul.f32 v42, v51;
	v30 =	vsub.f32 v35, v44  }
0x2df: {  	v61 =	vmul.f32 v31, v34;
	v18 =	vadd.f32 v23, v18;
	v20 =	vmul.f32 v20, v27  }
0x2e0: {  	v52 =	vadd.s32 $0x4E20, v32;
	v29 =	vsub.f32 $1.000000000e+00, v44;
	v50 =	vmul.f32 v30, v2  }
0x2e1: {  	v34 =	vmul.f32 v28, v34;
	v37 =	vadd.f32 $-2.500434820e-01, v37;
	v43 =	vmul.f32 v43, v51  }
0x2e2: {  	v42 =	vmul.f32 v42, v42;
	v39 =	vadd.f32 $-7.788711340e-10, v39;
	v45 =	vsub.f32 v29, v50  }
0x2e3: {  	v16 =	vsub.f32 v16, v38;
	v51 =	vadd.s32 $0x1770, v15;
	v18 =	vmul.f32 v18, v27  }
0x2e4: {  	v20 =	vmul.f32 v20, v20;
	v37 =	vmul.f32 v37, v40;
	v47 =	vadd.s32 $0xC0CD0000, v45  }
0x2e5: {  	v43 =	vmul.f32 v43, v43;
	v42 =	vmul.f32 v42, v19;
	v56 =	vand.u32 $0xFF800000, v47  }
0x2e6: {  	v39 =	vadd.f32 v39, v41;
	v16 =	vmul.f32 v16, v26;
	v49 =	vsub.s32 v45, v56  }
0x2e7: {  	v48 =	vmul.f32 v30, v3;
	v18 =	vmul.f32 v18, v18;
	v49 =	vadd.f32 $-1.000000000e+00, v49  }
0x2e8: {  	v20 =	vmul.f32 v20, v19;
	v41 =	vmul.f32 v24, v27;
	v37 =	vadd.f32 $3.333465160e-01, v37  }
0x2e9: {  	v43 =	vmul.f32 v43, v21;
	v39 =	vadd.f32 v39, v58;
	v57 =	vmul.f32 $9.274272620e-02, v49  }
0x2ea: {  	v16 =	vadd.f32 v36, v16;
	v36 =	vsub.f32 v29, v48;
	v17 =	vmul.f32 v41, v17  }
0x2eb: {  	v37 =	vmul.f32 v37, v40;
	v59 =	vadd.f32 v43, v42;
	v50 =	vadd.f32 $-1.470776950e-01, v57  }
0x2ec: {  	v42 =	vcvt.s32.f32 v63;
	v63 =	vadd.f32 v35, v35;
	(erf) = vrcp.f32 v45  }
0x2ed: {  	(erf) = vrcp.f32 v36;
	v37 =	vadd.f32 $-4.999995530e-01, v37;
	v60 =	vmul.f32 v50, v49  }
0x2ee: {  	v38 =	vsub.f32 v39, v59;
	v33 =	vmul.f32 $6.931471820e-01, v42;
	v39 =	vmul.f32 v18, v21  }
0x2ef: {  	v42 =	vadd.s32 $0x1F40, v15;
	v37 =	vmul.f32 v37, v40;
	v62 =	vadd.f32 $1.493215710e-01, v60  }
0x2f0: {  	v21 =	vmul.f32 v29, v44;
	v26 =	vmul.f32 v38, v61;
	v61 =	vsub.f32 $1.000000000e+00, v35  }
0x2f1: {  	v38 =	vadd.s32 $0xC0CD0000, v36;
	v37 =	vadd.f32 $9.999998800e-01, v37;
	v31 =	vmul.f32 v62, v49  }
0x2f2: {  	v39 =	vadd.f32 v39, v20;
	v35 =	vmul.f32 v61, v35;
	v50 =	vadd.s32 $0xFA0, v15  }
0x2f3: {  	v54 =	vand.u32 $0xFF800000, v38;
	v57 =	vld.idx.msk [tilespmem:v51+s28+$0x0], $0xffff;
	v37 =	vmul.f32 v37, v40;
	v31 =	vadd.f32 $-1.651149990e-01, v31  }
0x2f4: {  	v38 =	vshra.s32 v38, $0x17;
	v16 =	vadd.f32 v16, v26;
	v60 =	vld.idx.msk [tilespmem:v53+s28+$0x0], $0xffff;
	v53 =	vadd.f32 v21, v35  }
0x2f5: {  	v38 =	vcvt.s32.f32 v38;
	v43 =	vadd.f32 $-7.788711340e-10, v37;
	v46 =	vmul.f32 v31, v49  }
0x2f6: {  	v58 =	vld.idx.msk [tilespmem:v52+s28+$0x0], $0xffff;
	v56 =	vsub.s32 v36, v54;
	v62 =	vadd.f32 v44, v44;
	v27 =	vsub.f32 $0.0e+00, v53  }
0x2f7: {  	v40 =	vadd.f32 $-1.000000000e+00, v56;
	v38 =	vmul.f32 $6.931471820e-01, v38;
	v22 =	vld.idx.msk [tilespmem:v50+s28+$0x0], $0xffff;
	v26 =	vadd.f32 $1.995013060e-01, v46  }
0x2f8: {  	v33 =	vadd.f32 v43, v33;
	v25 =	vsub.f32 $1.000000000e+00, v62;
	v62 =	vmul.f32 v27, v2  }
0x2f9: {  	v53 =	vmul.f32 v27, v3;
	v23 =	vadd.f32 v60, v57;
	v26 =	vmul.f32 v26, v49  }
0x2fa: {  	v31 =	vadd.s32 $0x5DC0, v32;
	v25 =	vmul.f32 v25, v21;
	v45 =	vadd.f32 v62, v21  }
0x2fb: {  	v46 =	vsub.f32 $1.000000000e+00, v63;
	v55 =	vadd.f32 $-2.500434820e-01, v26;
	v26 =	vmul.f32 $9.274272620e-02, v40  }
0x2fc: {  	v22 =	vadd.f32 v58, v22;
	v19 =	vsub.f32 $0.0e+00, v25;
	v58 =	vmul.f32 v30, v4;
	v63 =	vpop (erf)  }
0x2fd: {  	v45 =	vmul.f32 v45, v63;
	v59 =	vmul.f32 v55, v49;
	v26 =	vadd.f32 $-1.470776950e-01, v26  }
0x2fe: {  	v50 =	vmul.f32 v46, v35;
	v54 =	vadd.f32 v23, v22;
	v22 =	vmul.f32 $5.000000000e-01, v22  }
0x2ff: {  	v23 =	vmul.f32 $5.000000000e-01, v23;
	v43 =	vadd.f32 $3.333465160e-01, v59;
	v26 =	vmul.f32 v26, v40  }
0x300: {  	v44 =	vsub.f32 v29, v58;
	v45 =	vmul.f32 v45, v45;
	v18 =	vmul.f32 $5.000000000e-01, v54  }
0x301: {  	v20 =	vld.idx.msk [tilespmem:v42+s28+$0x0], $0xffff;
	v25 =	vsub.f32 v25, v50;
	v48 =	vmul.f32 v43, v49;
	v52 =	vadd.f32 $1.493215710e-01, v26  }
0x302: {  	v31 =	vld.idx.msk [tilespmem:v31+s28+$0x0], $0xffff;
	(erf) = vrcp.f32 v44;
	v45 =	vmul.f32 v45, v23;
	v26 =	vsub.f32 v21, v35  }
0x303: {  	v59 =	vshra.s32 v47, $0x17;
	v51 =	vadd.f32 $-4.999995530e-01, v48;
	v56 =	vmul.f32 v52, v40  }
0x304: {  	v24 =	vsub.f32 $0.0e+00, v21;
	v61 =	vcvt.s32.f32 v59;
	v60 =	vmul.f32 v26, v2  }
0x305: {  	v54 =	vmul.f32 v25, v2;
	v55 =	vmul.f32 v51, v49;
	v35 =	vadd.f32 $-1.651149990e-01, v56  }
0x306: {  	v47 =	vadd.s32 $0xC0CD0000, v44;
	v37 =	vmul.f32 $6.931471820e-01, v61;
	v46 =	vadd.f32 v60, v24  }
0x307: {  	v48 =	vmul.f32 v31, v20;
	v57 =	vadd.f32 $9.999998800e-01, v55;
	v35 =	vmul.f32 v35, v40  }
0x308: {  	v52 =	vmul.f32 v26, v3;
	v55 =	vand.u32 $0xFF800000, v47;
	v46 =	vmul.f32 v46, v63  }
0x309: {  	v50 =	vsub.s32 v44, v55;
	v43 =	vmul.f32 v57, v49;
	v35 =	vadd.f32 $1.995013060e-01, v35  }
0x30a: {  	v50 =	vadd.f32 $-1.000000000e+00, v50;
	v49 =	vadd.f32 v54, v19;
	v46 =	vmul.f32 v46, v46  }
0x30b: {  	v54 =	vadd.f32 v52, v24;
	v52 =	vmul.f32 v26, v4;
	v35 =	vmul.f32 v35, v40  }
0x30c: {  	v17 =	vadd.f32 v33, v17;
	v56 =	vmul.f32 $9.274272620e-02, v50;
	v58 =	vmul.f32 v49, v63  }
0x30d: {  	v57 =	vadd.f32 $-7.788711340e-10, v43;
	v46 =	vmul.f32 v46, v22;
	v63 =	vmul.f32 v30, v5  }
0x30e: {  	v44 =	vadd.f32 v52, v24;
	v52 =	vmul.f32 v27, v5;
	v35 =	vadd.f32 $-2.500434820e-01, v35  }
0x30f: {  	v59 =	vadd.f32 $-1.470776950e-01, v56;
	v37 =	vadd.f32 v57, v37;
	v60 =	vmul.f32 v58, v18  }
0x310: {  	v61 =	vadd.f32 v45, v46;
	v36 =	vsub.f32 v29, v63;
	v35 =	vmul.f32 v35, v40  }
0x311: {  	v46 =	vadd.f32 v53, v21;
	v57 =	vmul.f32 v25, v3;
	v62 =	vmul.f32 v59, v50  }
0x312: {  	v37 =	vadd.f32 v37, v60;
	v42 =	vadd.s32 $0xC0CD0000, v36;
	v35 =	vadd.f32 $3.333465160e-01, v35  }
0x313: {  	v56 =	vpop (erf);
	(erf) = vrcp.f32 v36;
	v49 =	vand.u32 $0xFF800000, v42;
	v45 =	vadd.f32 $1.493215710e-01, v62  }
0x314: {  	v58 =	vmul.f32 v46, v56;
	v51 =	vsub.s32 v36, v49;
	v35 =	vmul.f32 v35, v40  }
0x315: {  	v46 =	vmul.f32 v30, v6;
	v41 =	vadd.f32 $-1.000000000e+00, v51;
	v28 =	vmul.f32 v45, v50  }
0x316: {  	v42 =	vshra.s32 v42, $0x17;
	v62 =	vadd.f32 v57, v19;
	v35 =	vadd.f32 $-4.999995530e-01, v35  }
0x317: {  	v57 =	vmul.f32 v25, v4;
	v55 =	vmul.f32 $9.274272620e-02, v41;
	v28 =	vadd.f32 $-1.651149990e-01, v28  }
0x318: {  	v37 =	vsub.f32 v37, v61;
	v42 =	vcvt.s32.f32 v42;
	v35 =	vmul.f32 v35, v40  }
0x319: {  	v33 =	vmul.f32 v58, v58;
	v45 =	vadd.f32 $-1.470776950e-01, v55;
	v28 =	vmul.f32 v28, v50  }
0x31a: {  	v37 =	vmul.f32 v37, v48;
	v42 =	vmul.f32 $6.931471820e-01, v42;
	v35 =	vadd.f32 $9.999998800e-01, v35  }
0x31b: {  	v33 =	vmul.f32 v33, v23;
	v61 =	vmul.f32 v45, v41;
	v28 =	vadd.f32 $1.995013060e-01, v28  }
0x31c: {  	v43 =	vadd.s32 $0x6590, v32;
	v45 =	vmul.f32 v62, v56;
	v35 =	vmul.f32 v35, v40  }
0x31d: {  	v53 =	vshra.s32 v47, $0x17;
	v40 =	vmul.f32 v54, v56;
	v28 =	vmul.f32 v28, v50;
	v56 =	vpop (erf)  }
0x31e: {  	v54 =	vmul.f32 v27, v4;
	v44 =	vmul.f32 v44, v56;
	v59 =	vadd.f32 $-7.788711340e-10, v35  }
0x31f: {  	v60 =	vmul.f32 v40, v40;
	v28 =	vadd.f32 $-2.500434820e-01, v28;
	v40 =	vadd.f32 $1.493215710e-01, v61  }
0x320: {  	v35 =	vsub.f32 v17, v39;
	v39 =	vmul.f32 v45, v18;
	v45 =	vcvt.s32.f32 v53  }
0x321: {  	v32 =	vadd.s32 $0x6D60, v32;
	v17 =	vld.idx.msk [tilespmem:v43+s28+$0x0], $0xffff;
	v61 =	vmul.f32 v30, v7;
	v28 =	vmul.f32 v28, v50  }
0x322: {  	v37 =	vadd.f32 $0.0e+00, v37;
	v63 =	vmul.f32 v60, v22;
	v40 =	vmul.f32 v40, v41  }
0x323: {  	v44 =	vmul.f32 v44, v44;
	v38 =	vadd.f32 v59, v38;
	v28 =	vadd.f32 $3.333465160e-01, v28  }
0x324: {  	v45 =	vmul.f32 $6.931471820e-01, v45;
	v33 =	vadd.f32 v33, v63;
	v40 =	vadd.f32 $-1.651149990e-01, v40  }
0x325: {  	v44 =	vmul.f32 v44, v22;
	v38 =	vadd.f32 v38, v39;
	v39 =	vsub.f32 v29, v46  }
0x326: {  	v46 =	vadd.f32 v54, v21;
	v48 =	vmul.f32 v17, v20;
	v28 =	vmul.f32 v28, v50  }
0x327: {  	v40 =	vmul.f32 v40, v41;
	v33 =	vsub.f32 v38, v33;
	v38 =	vadd.s32 $0xC0CD0000, v39  }
0x328: {  	v46 =	vmul.f32 v46, v56;
	(erf) = vrcp.f32 v39;
	v49 =	vand.u32 $0xFF800000, v38  }
0x329: {  	v38 =	vshra.s32 v38, $0x17;
	v28 =	vadd.f32 $-4.999995530e-01, v28;
	v40 =	vadd.f32 $1.995013060e-01, v40  }
0x32a: {  	v33 =	vmul.f32 v33, v48;
	v51 =	vsub.s32 v39, v49;
	v46 =	vmul.f32 v46, v46  }
0x32b: {  	v38 =	vcvt.s32.f32 v38;
	v43 =	vadd.f32 $-1.000000000e+00, v51;
	v40 =	vmul.f32 v40, v41  }
0x32c: {  	v51 =	vmul.f32 v26, v5;
	v28 =	vmul.f32 v28, v50;
	v33 =	vadd.f32 v37, v33  }
0x32d: {  	v37 =	vadd.f32 v57, v19;
	v55 =	vmul.f32 $9.274272620e-02, v43;
	v40 =	vadd.f32 $-2.500434820e-01, v40  }
0x32e: {  	v46 =	vmul.f32 v46, v23;
	v57 =	vmul.f32 v30, v8;
	v28 =	vadd.f32 $9.999998800e-01, v28  }
0x32f: {  	v38 =	vmul.f32 $6.931471820e-01, v38;
	v47 =	vadd.f32 $-1.470776950e-01, v55;
	v40 =	vmul.f32 v40, v41  }
0x330: {  	v63 =	vadd.s32 $0x2710, v15;
	v37 =	vmul.f32 v37, v56;
	v28 =	vmul.f32 v28, v50  }
0x331: {  	v44 =	vadd.f32 v46, v44;
	v47 =	vmul.f32 v47, v43;
	v40 =	vadd.f32 $3.333465160e-01, v40  }
0x332: {  	v46 =	vadd.f32 v52, v21;
	v52 =	vmul.f32 v30, v10;
	v58 =	vadd.f32 $-7.788711340e-10, v28;
	v28 =	vld.idx.msk [tilespmem:v32+s28+$0x0], $0xffff  }
0x333: {  	v54 =	vpop (erf);
	v37 =	vmul.f32 v37, v18;
	v47 =	vadd.f32 $1.493215710e-01, v47;
	v40 =	vmul.f32 v40, v41  }
0x334: {  	v55 =	vmul.f32 v46, v54;
	v46 =	vsub.f32 v29, v57;
	v45 =	vadd.f32 v58, v45  }
0x335: {  	v58 =	vmul.f32 v25, v5;
	v60 =	vmul.f32 v47, v43;
	v59 =	vadd.f32 $-4.999995530e-01, v40  }
0x336: {  	v47 =	vld.idx.msk [tilespmem:v63+s28+$0x0], $0xffff;
	v63 =	vmul.f32 v26, v6;
	v40 =	vsub.f32 v29, v61;
	v37 =	vadd.f32 v45, v37  }
0x337: {  	v62 =	vadd.f32 $-1.651149990e-01, v60;
	v20 =	vmul.f32 v28, v20;
	v32 =	vmul.f32 v59, v41  }
0x338: {  	v45 =	vadd.s32 $0xC0CD0000, v40;
	v37 =	vsub.f32 v37, v44;
	v44 =	vadd.f32 v51, v24  }
0x339: {  	(erf) = vrcp.f32 v40;
	v36 =	vmul.f32 v62, v43;
	v49 =	vand.u32 $0xFF800000, v45  }
0x33a: {  	(erf) = vrcp.f32 v46;
	v32 =	vadd.f32 $9.999998800e-01, v32;
	v20 =	vmul.f32 v37, v20  }
0x33b: {  	v50 =	vsub.s32 v40, v49;
	v44 =	vmul.f32 v44, v54;
	v49 =	vmul.f32 v31, v47  }
0x33c: {  	v36 =	vadd.f32 $1.995013060e-01, v36;
	v32 =	vmul.f32 v32, v41;
	v41 =	vadd.f32 $-1.000000000e+00, v50  }
0x33d: {  	v20 =	vadd.f32 v33, v20;
	v44 =	vmul.f32 v44, v44;
	v33 =	vmul.f32 v55, v55  }
0x33e: {  	v45 =	vshra.s32 v45, $0x17;
	v55 =	vmul.f32 v27, v6;
	v36 =	vmul.f32 v36, v43  }
0x33f: {  	v32 =	vadd.f32 $-7.788711340e-10, v32;
	v53 =	vmul.f32 $9.274272620e-02, v41;
	v59 =	vmul.f32 v44, v22  }
0x340: {  	v44 =	vadd.s32 $0xC0CD0000, v46;
	v33 =	vmul.f32 v33, v23;
	v36 =	vadd.f32 $-2.500434820e-01, v36  }
0x341: {  	v60 =	vand.u32 $0xFF800000, v44;
	v44 =	vshra.s32 v44, $0x17;
	v48 =	vadd.f32 $-1.470776950e-01, v53  }
0x342: {  	v51 =	vadd.f32 v55, v21;
	v32 =	vadd.f32 v32, v42;
	v44 =	vcvt.s32.f32 v44  }
0x343: {  	v57 =	vpop (erf);
	v61 =	vsub.s32 v46, v60;
	v36 =	vmul.f32 v36, v43;
	v56 =	vmul.f32 v48, v41  }
0x344: {  	v60 =	vmul.f32 v51, v57;
	v46 =	vmul.f32 v17, v47;
	v48 =	vadd.f32 v58, v19  }
0x345: {  	v44 =	vmul.f32 $6.931471820e-01, v44;
	v36 =	vadd.f32 $3.333465160e-01, v36;
	v42 =	vadd.f32 $1.493215710e-01, v56  }
0x346: {  	v37 =	vmul.f32 v48, v54;
	v48 =	vadd.f32 $-1.000000000e+00, v61;
	v61 =	vmul.f32 v25, v6  }
0x347: {  	v33 =	vadd.f32 v33, v59;
	v36 =	vmul.f32 v36, v43;
	v42 =	vmul.f32 v42, v41  }
0x348: {  	v37 =	vmul.f32 v37, v18;
	v54 =	vmul.f32 $9.274272620e-02, v48;
	v51 =	vadd.f32 v61, v19  }
0x349: {  	v61 =	vcvt.s32.f32 v45;
	v36 =	vadd.f32 $-4.999995530e-01, v36;
	v42 =	vadd.f32 $-1.651149990e-01, v42  }
0x34a: {  	v56 =	vadd.f32 $-1.470776950e-01, v54;
	v32 =	vadd.f32 v32, v37;
	v53 =	vmul.f32 v51, v57  }
0x34b: {  	v36 =	vmul.f32 v36, v43;
	v62 =	vmul.f32 v42, v41;
	v42 =	vadd.f32 v63, v24  }
0x34c: {  	v59 =	vmul.f32 v56, v48;
	v32 =	vsub.f32 v32, v33;
	v63 =	vmul.f32 v30, v9  }
0x34d: {  	v55 =	vmul.f32 v53, v18;
	v36 =	vadd.f32 $9.999998800e-01, v36;
	v58 =	vmul.f32 v42, v57  }
0x34e: {  	v39 =	vadd.f32 $1.995013060e-01, v62;
	v62 =	vmul.f32 v60, v60;
	v32 =	vmul.f32 v32, v49  }
0x34f: {  	v42 =	vadd.f32 $1.493215710e-01, v59;
	v59 =	vmul.f32 v26, v7;
	v60 =	vmul.f32 v27, v7  }
0x350: {  	v36 =	vmul.f32 v36, v43;
	v43 =	vsub.f32 v29, v63;
	v39 =	vmul.f32 v39, v41  }
0x351: {  	v63 =	vmul.f32 v25, v7;
	v42 =	vmul.f32 v42, v48;
	v20 =	vadd.f32 v20, v32  }
0x352: {  	v37 =	vmul.f32 v58, v58;
	v49 =	vadd.f32 v60, v21;
	v39 =	vadd.f32 $-2.500434820e-01, v39  }
0x353: {  	v33 =	vmul.f32 v62, v23;
	v36 =	vadd.f32 $-7.788711340e-10, v36;
	v42 =	vadd.f32 $-1.651149990e-01, v42  }
0x354: {  	v50 =	vadd.f32 v63, v19;
	(erf) = vrcp.f32 v43;
	v39 =	vmul.f32 v39, v41  }
0x355: {  	v37 =	vmul.f32 v37, v22;
	v54 =	vmul.f32 v42, v48;
	v42 =	vadd.s32 $0xC0CD0000, v43  }
0x356: {  	v62 =	vpop (erf);
	v36 =	vadd.f32 v36, v38;
	v56 =	vand.u32 $0xFF800000, v42;
	v39 =	vadd.f32 $3.333465160e-01, v39  }
0x357: {  	v49 =	vmul.f32 v49, v62;
	v40 =	vadd.f32 $1.995013060e-01, v54;
	v38 =	vsub.s32 v43, v56  }
0x358: {  	v33 =	vadd.f32 v33, v37;
	v37 =	vadd.f32 $-1.000000000e+00, v38;
	v39 =	vmul.f32 v39, v41  }
0x359: {  	v45 =	vmul.f32 v50, v62;
	v36 =	vadd.f32 v36, v55;
	v40 =	vmul.f32 v40, v48  }
0x35a: {  	v49 =	vmul.f32 v49, v49;
	v57 =	vmul.f32 $9.274272620e-02, v37;
	v39 =	vadd.f32 $-4.999995530e-01, v39  }
0x35b: {  	v51 =	vmul.f32 v45, v18;
	v55 =	vmul.f32 v27, v8;
	v40 =	vadd.f32 $-2.500434820e-01, v40  }
0x35c: {  	v32 =	vsub.f32 v36, v33;
	v33 =	vadd.f32 $-1.470776950e-01, v57;
	v39 =	vmul.f32 v39, v41  }
0x35d: {  	v45 =	vsub.f32 v29, v52;
	v54 =	vmul.f32 v26, v8;
	v40 =	vmul.f32 v40, v48  }
0x35e: {  	v33 =	vmul.f32 v33, v37;
	v58 =	vadd.f32 $9.999998800e-01, v39;
	v39 =	vadd.f32 v59, v24  }
0x35f: {  	v38 =	vadd.s32 $0x2EE0, v15;
	v50 =	vmul.f32 v49, v23;
	v40 =	vadd.f32 $3.333465160e-01, v40  }
0x360: {  	(erf) = vrcp.f32 v45;
	v33 =	vadd.f32 $1.493215710e-01, v33;
	v39 =	vmul.f32 v39, v62  }
0x361: {  	v49 =	vadd.s32 $0xC0CD0000, v45;
	v36 =	vmul.f32 v58, v41;
	v40 =	vmul.f32 v40, v48  }
0x362: {  	v56 =	vand.u32 $0xFF800000, v49;
	v33 =	vmul.f32 v33, v37;
	v39 =	vmul.f32 v39, v39  }
0x363: {  	v41 =	vmul.f32 $6.931471820e-01, v61;
	v36 =	vadd.f32 $-7.788711340e-10, v36;
	v40 =	vadd.f32 $-4.999995530e-01, v40  }
0x364: {  	v58 =	vmul.f32 v25, v8;
	v33 =	vadd.f32 $-1.651149990e-01, v33;
	v39 =	vmul.f32 v39, v22  }
0x365: {  	v32 =	vmul.f32 v32, v46;
	v36 =	vadd.f32 v36, v41;
	v40 =	vmul.f32 v40, v48  }
0x366: {  	v61 =	vadd.f32 v58, v19;
	v33 =	vmul.f32 v33, v37;
	v39 =	vadd.f32 v50, v39  }
0x367: {  	v41 =	vadd.f32 v36, v51;
	v53 =	vadd.f32 $9.999998800e-01, v40;
	v40 =	vmul.f32 v28, v47  }
0x368: {  	v47 =	vadd.f32 v54, v24;
	v50 =	vsub.s32 v45, v56;
	v33 =	vadd.f32 $1.995013060e-01, v33  }
0x369: {  	v57 =	vpop (erf);
	v50 =	vadd.f32 $-1.000000000e+00, v50;
	v36 =	vmul.f32 v53, v48;
	v48 =	vadd.f32 v55, v21  }
0x36a: {  	v47 =	vmul.f32 v47, v57;
	v56 =	vsub.f32 v41, v39;
	v33 =	vmul.f32 v33, v37  }
0x36b: {  	v62 =	vmul.f32 $9.274272620e-02, v50;
	v59 =	vadd.f32 $-7.788711340e-10, v36;
	v60 =	vmul.f32 v48, v57  }
0x36c: {  	v47 =	vmul.f32 v47, v47;
	v48 =	vmul.f32 v61, v57;
	v33 =	vadd.f32 $-2.500434820e-01, v33  }
0x36d: {  	v36 =	vld.idx.msk [tilespmem:v38+s28+$0x0], $0xffff;
	v38 =	vmul.f32 v56, v40;
	v55 =	vadd.f32 $-1.470776950e-01, v62;
	v63 =	vmul.f32 v60, v60  }
0x36e: {  	v47 =	vmul.f32 v47, v22;
	v33 =	vmul.f32 v33, v37  }
0x36f: {  	v58 =	vadd.f32 v59, v44;
	v59 =	vmul.f32 v48, v18;
	v60 =	vmul.f32 v55, v50  }
0x370: {  	v48 =	vadd.f32 v20, v32;
	v57 =	vmul.f32 v63, v23;
	v33 =	vadd.f32 $3.333465160e-01, v33  }
0x371: {  	v32 =	vmul.f32 v35, v34;
	v55 =	vmul.f32 v30, v11;
	v63 =	vadd.f32 $1.493215710e-01, v60  }
0x372: {  	v20 =	vld [tilespmem:s30+$0x10];
	v62 =	vadd.f32 v58, v59;
	v39 =	vadd.f32 v57, v47;
	v33 =	vmul.f32 v33, v37  }
0x373: {  	v54 =	vshra.s32 v42, $0x17;
	v59 =	vmul.f32 v27, v9;
	v52 =	vmul.f32 v63, v50  }
0x374: {  	v51 =	vmul.f32 v31, v36;
	v39 =	vsub.f32 v62, v39;
	v61 =	vadd.f32 $-4.999995530e-01, v33;
	v33 =	vld [tilespmem:s31+$0x10]  }
0x375: {  	v34 =	vadd.f32 v48, v38;
	v57 =	vmul.f32 v26, v9;
	v40 =	vadd.f32 $-1.651149990e-01, v52  }
0x376: {  	v44 =	vadd.f32 v59, v21;
	v63 =	vmul.f32 v25, v9;
	v38 =	vmul.f32 v39, v51  }
0x377: {  	v58 =	vadd.s32 $0x7D0, v20;
	v46 =	vmul.f32 v61, v37;
	v40 =	vmul.f32 v40, v50  }
0x378: {  	v42 =	vadd.f32 v57, v24;
	v39 =	vcvt.s32.f32 v54;
	v54 =	vmul.f32 v17, v36  }
0x379: {  	v53 =	vadd.f32 $9.999998800e-01, v46;
	v40 =	vadd.f32 $1.995013060e-01, v40;
	v56 =	vadd.s32 $0x3E80, v33  }
0x37a: {  	v36 =	vmul.f32 v28, v36;
	v39 =	vmul.f32 $6.931471820e-01, v39;
	v60 =	vadd.s32 $0x4650, v33  }
0x37b: {  	v61 =	vpop (erf);
	v35 =	vmul.f32 v53, v37;
	v37 =	vsub.f32 v29, v55;
	v40 =	vmul.f32 v40, v50  }
0x37c: {  	v48 =	vld.idx.msk [tilespmem:v20+s28+$0x0], $0xffff;
	v34 =	vadd.f32 v34, v38;
	v42 =	vmul.f32 v42, v61;
	v44 =	vmul.f32 v44, v61  }
0x37d: {  	v43 =	vld.idx.msk [tilespmem:v58+s28+$0x0], $0xffff;
	v35 =	vadd.f32 $-7.788711340e-10, v35;
	v47 =	vadd.s32 $0xC0CD0000, v37;
	v40 =	vadd.f32 $-2.500434820e-01, v40  }
0x37e: {  	v57 =	vmul.f32 v44, v44;
	(erf) = vrcp.f32 v37;
	v62 =	vand.u32 $0xFF800000, v47;
	v41 =	vld.idx.msk [tilespmem:v56+s28+$0x0], $0xffff  }
0x37f: {  	v52 =	vsub.s32 v37, v62;
	v46 =	vld.idx.msk [tilespmem:v60+s28+$0x0], $0xffff;
	v35 =	vadd.f32 v35, v39;
	v58 =	vmul.f32 v40, v50  }
0x380: {  	v56 =	vmul.f32 v42, v42;
	v60 =	vadd.f32 v63, v19;
	v52 =	vadd.f32 $-1.000000000e+00, v52  }
0x381: {  	v62 =	vmul.f32 v30, v12;
	v30 =	vmul.f32 v30, v13;
	v39 =	vadd.f32 $3.333465160e-01, v58  }
0x382: {  	v42 =	vmul.f32 v57, v23;
	v57 =	vshra.s32 v49, $0x17;
	v59 =	vmul.f32 $9.274272620e-02, v52  }
0x383: {  	v30 =	vsub.f32 v29, v30;
	v39 =	vmul.f32 v39, v50;
	v41 =	vadd.f32 v41, v48  }
0x384: {  	v44 =	vmul.f32 v60, v61;
	v40 =	vadd.f32 $-1.470776950e-01, v59;
	v43 =	vadd.f32 v46, v43  }
0x385: {  	v38 =	vmul.f32 v56, v22;
	v39 =	vadd.f32 $-4.999995530e-01, v39;
	v41 =	vadd.f32 v41, v1  }
0x386: {  	v61 =	vmul.f32 v44, v18;
	v44 =	vsub.f32 v29, v62;
	v40 =	vmul.f32 v40, v52  }
0x387: {  	v38 =	vadd.f32 v42, v38;
	v51 =	vmul.f32 v39, v50;
	v46 =	vadd.f32 v43, v41  }
0x388: {  	(erf) = vrcp.f32 v44;
	v40 =	vadd.f32 $1.493215710e-01, v40;
	v41 =	vsub.f32 v43, v41  }
0x389: {  	(erf) = vrcp.f32 v30;
	v55 =	vadd.f32 $9.999998800e-01, v51;
	v63 =	vsub.f32 $0.0e+00, v46  }
0x38a: {  	v39 =	vcvt.s32.f32 v57;
	v40 =	vmul.f32 v40, v52;
	v46 =	vadd.f32 v35, v61  }
0x38b: {  	v41 =	vadd.f32 $0.0e+00, v41;
	v59 =	vmul.f32 v55, v50;
	v48 =	vmul.f32 $1.442695020e+00, v63  }
0x38c: {  	v53 =	vadd.f32 $-1.651149990e-01, v40;
	v29 =	vsub.f32 v46, v38;
	v38 =	vadd.s32 $0xC0CD0000, v44  }
0x38d: {  	v61 =	vmul.f32 v26, v10;
	v41 =	vmul.f32 $1.442695020e+00, v41;
	v58 =	vand.u32 $0xFF800000, v38  }
0x38e: {  	v62 =	vadd.f32 $-7.788711340e-10, v59;
	(erf) = vpow2.f32 v48;
	v56 =	vmul.f32 v53, v52  }
0x38f: {  	v29 =	vmul.f32 v29, v54;
	v60 =	vsub.s32 v44, v58;
	v53 =	vmul.f32 $6.931471820e-01, v39  }
0x390: {  	v54 =	vadd.f32 v61, v24;
	v58 =	vmul.f32 v25, v10;
	v44 =	vadd.f32 $-1.000000000e+00, v60  }
0x391: {  	v63 =	vpop (erf);
	v37 =	vadd.f32 $1.995013060e-01, v56;
	v35 =	vadd.f32 v34, v29;
	v56 =	vmul.f32 v27, v10  }
0x392: {  	v39 =	vmul.f32 v54, v63;
	v43 =	vadd.f32 v58, v19;
	v55 =	vmul.f32 $9.274272620e-02, v44  }
0x393: {  	v54 =	vmul.f32 v26, v11;
	v51 =	vmul.f32 v37, v52;
	v46 =	vadd.f32 v56, v21  }
0x394: {  	v39 =	vmul.f32 v39, v39;
	v42 =	vmul.f32 v43, v63;
	v45 =	vadd.f32 $-1.470776950e-01, v55  }
0x395: {  	v40 =	vpop (erf);
	v56 =	vmul.f32 v27, v11;
	v57 =	vadd.f32 $-2.500434820e-01, v51;
	v46 =	vmul.f32 v46, v63  }
0x396: {  	v49 =	vpop (erf);
	v34 =	vadd.f32 v62, v53;
	v39 =	vmul.f32 v39, v22;
	v45 =	vmul.f32 v45, v44  }
0x397: {  	v53 =	vshra.s32 v47, $0x17;
	v29 =	vpop (erf);
	v48 =	vmul.f32 v57, v52;
	v60 =	vmul.f32 v46, v46  }
0x398: {  	v42 =	vmul.f32 v42, v18;
	v57 =	vmul.f32 v25, v11;
	v59 =	vpop (erf);
	v45 =	vadd.f32 $1.493215710e-01, v45  }
0x399: {  	v50 =	vadd.f32 $1.000000000e+00, v59;
	v48 =	vadd.f32 $3.333465160e-01, v48;
	v37 =	vmul.f32 v60, v23  }
0x39a: {  	v58 =	vadd.f32 v57, v19;
	v57 =	vmul.f32 v25, v12;
	v61 =	vmul.f32 v45, v44  }
0x39b: {  	v45 =	vadd.s32 $0xC0CD0000, v30;
	(erf) = vrcp.f32 v50;
	v48 =	vmul.f32 v48, v52  }
0x39c: {  	v37 =	vadd.f32 v37, v39;
	(erf) = vpow2.f32 v41;
	v41 =	vadd.f32 $-1.651149990e-01, v61  }
0x39d: {  	v63 =	vand.u32 $0xFF800000, v45;
	v62 =	vadd.f32 $-4.999995530e-01, v48;
	v48 =	vadd.f32 v34, v42  }
0x39e: {  	v25 =	vmul.f32 v25, v13;
	v30 =	vsub.s32 v30, v63;
	v46 =	vmul.f32 v41, v44  }
0x39f: {  	v41 =	vadd.f32 $-1.000000000e+00, v30;
	v43 =	vmul.f32 v62, v52;
	v30 =	vsub.f32 v48, v37  }
0x3a0: {  	v37 =	vcvt.s32.f32 v53;
	v48 =	vadd.f32 v56, v21;
	v53 =	vmul.f32 v26, v12  }
0x3a1: {  	v26 =	vmul.f32 v26, v13;
	v39 =	vadd.f32 $1.995013060e-01, v46;
	v51 =	vmul.f32 $9.274272620e-02, v41  }
0x3a2: {  	v46 =	vadd.f32 v54, v24;
	v54 =	vmul.f32 v27, v12;
	v27 =	vmul.f32 v27, v13  }
0x3a3: {  	v15 =	vadd.s32 $0x36B0, v15;
	v37 =	vmul.f32 $6.931471820e-01, v37;
	v48 =	vmul.f32 v48, v40  }
0x3a4: {  	v50 =	vadd.f32 $9.999998800e-01, v43;
	v36 =	vmul.f32 v30, v36;
	v39 =	vmul.f32 v39, v44  }
0x3a5: {  	v42 =	vadd.f32 $-1.470776950e-01, v51;
	v46 =	vmul.f32 v46, v40;
	v40 =	vmul.f32 v58, v40  }
0x3a6: {  	v56 =	vadd.f32 v54, v21;
	v21 =	vadd.f32 v27, v21;
	v43 =	vmul.f32 v50, v52  }
0x3a7: {  	v59 =	vmul.f32 v48, v48;
	v48 =	vshra.s32 v38, $0x17;
	v42 =	vmul.f32 v42, v41  }
0x3a8: {  	v50 =	vld.idx.msk [tilespmem:v15+s28+$0x0], $0xffff;
	v34 =	vpop (erf);
	v39 =	vadd.f32 $-2.500434820e-01, v39;
	v15 =	vmul.f32 v46, v46;
	v40 =	vmul.f32 v40, v18  }
0x3a9: {  	v21 =	vmul.f32 v21, v29;
	v55 =	vpop (erf);
	v43 =	vadd.f32 $-7.788711340e-10, v43;
	v60 =	vmul.f32 v59, v23  }
0x3aa: {  	v47 =	vadd.f32 $1.000000000e+00, v55;
	v39 =	vmul.f32 v39, v44;
	v42 =	vadd.f32 $1.493215710e-01, v42  }
0x3ab: {  	v15 =	vmul.f32 v15, v22;
	v21 =	vmul.f32 v21, v21;
	v37 =	vadd.f32 v43, v37  }
0x3ac: {  	v43 =	vadd.f32 v53, v24;
	(erf) = vrcp.f32 v47;
	v42 =	vmul.f32 v42, v41  }
0x3ad: {  	v39 =	vadd.f32 $3.333465160e-01, v39;
	v15 =	vadd.f32 v60, v15;
	v63 =	vmul.f32 v31, v50  }
0x3ae: {  	v17 =	vmul.f32 v17, v50;
	v47 =	vadd.f32 v37, v40;
	v42 =	vadd.f32 $-1.651149990e-01, v42  }
0x3af: {  	v35 =	vadd.f32 v35, v36;
	v37 =	vcvt.s32.f32 v48;
	v39 =	vmul.f32 v39, v44  }
0x3b0: {  	v43 =	vmul.f32 v43, v49;
	v15 =	vsub.f32 v47, v15;
	v62 =	vmul.f32 v42, v41  }
0x3b1: {  	v21 =	vmul.f32 v21, v23;
	v47 =	vadd.f32 v57, v19;
	v61 =	vadd.f32 $-4.999995530e-01, v39  }
0x3b2: {  	v37 =	vmul.f32 $6.931471820e-01, v37;
	v43 =	vmul.f32 v43, v43;
	v51 =	vadd.f32 $1.995013060e-01, v62  }
0x3b3: {  	v24 =	vadd.f32 v26, v24;
	v47 =	vmul.f32 v47, v49;
	v30 =	vmul.f32 v61, v44  }
0x3b4: {  	v19 =	vadd.f32 v25, v19;
	v59 =	vmul.f32 v43, v22;
	v38 =	vmul.f32 v51, v41  }
0x3b5: {  	v63 =	vmul.f32 v15, v63;
	v15 =	vadd.f32 v16, v32;
	v52 =	vadd.f32 $9.999998800e-01, v30;
	v39 =	vpop (erf)  }
0x3b6: {  	v19 =	vmul.f32 v19, v29;
	v31 =	vsub.f32 v34, v39;
	v38 =	vadd.f32 $-2.500434820e-01, v38  }
0x3b7: {  	v32 =	vadd.s32 $0x5DC0, v33;
	v40 =	vmul.f32 v52, v44;
	v44 =	vmul.f32 v56, v49  }
0x3b8: {  	v30 =	vsub.f32 $1.000000000e+00, v39;
	v55 =	vmul.f32 v31, v2;
	v38 =	vmul.f32 v38, v41  }
0x3b9: {  	v61 =	vmul.f32 v47, v18;
	v40 =	vadd.f32 $-7.788711340e-10, v40;
	v44 =	vmul.f32 v44, v44  }
0x3ba: {  	v18 =	vmul.f32 v19, v18;
	v46 =	vsub.f32 v30, v55;
	v38 =	vadd.f32 $3.333465160e-01, v38  }
0x3bb: {  	v37 =	vadd.f32 v40, v37;
	v60 =	vmul.f32 v44, v23;
	v55 =	vshra.s32 v45, $0x17  }
0x3bc: {  	v45 =	vsub.f32 $1.000000000e+00, v34;
	v48 =	vadd.s32 $0xC0CD0000, v46;
	v38 =	vmul.f32 v38, v41  }
0x3bd: {  	v40 =	vadd.f32 v60, v59;
	v37 =	vadd.f32 v37, v61;
	v59 =	vmul.f32 v24, v29  }
0x3be: {  	v27 =	vmul.f32 v45, v34;
	v58 =	vand.u32 $0xFF800000, v48;
	v38 =	vadd.f32 $-4.999995530e-01, v38  }
0x3bf: {  	(erf) = vrcp.f32 v46;
	v51 =	vsub.s32 v46, v58;
	v52 =	vsub.f32 v37, v40  }
0x3c0: {  	v37 =	vcvt.s32.f32 v55;
	v49 =	vadd.f32 $-1.000000000e+00, v51;
	v38 =	vmul.f32 v38, v41  }
0x3c1: {  	v40 =	vadd.s32 $0x4E20, v33;
	v51 =	vadd.f32 v35, v63;
	v17 =	vmul.f32 v52, v17  }
0x3c2: {  	v63 =	vadd.s32 $0x1770, v20;
	v62 =	vmul.f32 $9.274272620e-02, v49;
	v53 =	vadd.f32 $9.999998800e-01, v38  }
0x3c3: {  	v57 =	vmul.f32 $6.931471820e-01, v37;
	v16 =	vadd.f32 v51, v17;
	v17 =	vmul.f32 v59, v59  }
0x3c4: {  	v38 =	vmul.f32 v31, v3;
	v47 =	vadd.f32 $-1.470776950e-01, v62;
	v35 =	vmul.f32 v53, v41  }
0x3c5: {  	v51 =	vadd.f32 v34, v34;
	v62 =	vadd.s32 $0xFA0, v20;
	v17 =	vmul.f32 v17, v22  }
0x3c6: {  	v53 =	vadd.f32 v39, v39;
	v54 =	vmul.f32 v47, v49;
	v56 =	vadd.f32 $-7.788711340e-10, v35  }
0x3c7: {  	v34 =	vadd.s32 $0x1F40, v20;
	v35 =	vsub.f32 v30, v38;
	v17 =	vadd.f32 v21, v17  }
0x3c8: {  	v22 =	vmul.f32 v30, v39;
	v23 =	vsub.f32 $1.000000000e+00, v53;
	v36 =	vadd.f32 $1.493215710e-01, v54  }
0x3c9: {  	v41 =	vadd.s32 $0x55F0, v33;
	v54 =	vsub.f32 $1.000000000e+00, v51;
	v60 =	vadd.f32 v56, v57  }
0x3ca: {  	v37 =	vadd.s32 $0xC0CD0000, v35;
	v39 =	vmul.f32 v23, v22;
	v58 =	vmul.f32 v36, v49  }
0x3cb: {  	v42 =	vld.idx.msk [tilespmem:v62+s28+$0x0], $0xffff;
	v62 =	vadd.f32 v22, v27;
	(erf) = vrcp.f32 v35;
	v47 =	vand.u32 $0xFF800000, v37  }
0x3cc: {  	v44 =	vld.idx.msk [tilespmem:v63+s28+$0x0], $0xffff;
	v36 =	vmul.f32 v28, v50;
	v28 =	vsub.s32 v35, v47;
	v61 =	vadd.f32 $-1.651149990e-01, v58  }
0x3cd: {  	v50 =	vld.idx.msk [tilespmem:v40+s28+$0x0], $0xffff;
	v57 =	vmul.f32 v54, v27;
	v37 =	vshra.s32 v37, $0x17;
	v38 =	vadd.f32 $-1.000000000e+00, v28  }
0x3ce: {  	v52 =	vld.idx.msk [tilespmem:v41+s28+$0x0], $0xffff;
	v18 =	vadd.f32 v60, v18;
	v37 =	vcvt.s32.f32 v37;
	v26 =	vmul.f32 v61, v49  }
0x3cf: {  	v23 =	vsub.f32 v39, v57;
	v28 =	vsub.f32 v22, v27;
	v55 =	vmul.f32 $9.274272620e-02, v38  }
0x3d0: {  	v54 =	vshra.s32 v48, $0x17;
	v27 =	vsub.f32 $0.0e+00, v62;
	v26 =	vadd.f32 $1.995013060e-01, v26  }
0x3d1: {  	v37 =	vmul.f32 $6.931471820e-01, v37;
	v61 =	vmul.f32 v31, v4;
	v58 =	vadd.f32 $-1.470776950e-01, v55  }
0x3d2: {  	v17 =	vsub.f32 v18, v17;
	v53 =	vmul.f32 v28, v2;
	v43 =	vmul.f32 v26, v49  }
0x3d3: {  	v29 =	vadd.f32 v50, v42;
	v19 =	vadd.f32 v52, v44;
	v60 =	vmul.f32 v58, v38  }
0x3d4: {  	v44 =	vcvt.s32.f32 v54;
	v17 =	vmul.f32 v17, v36;
	v25 =	vadd.f32 $-2.500434820e-01, v43  }
0x3d5: {  	v40 =	vsub.f32 v30, v61;
	v55 =	vmul.f32 v27, v2;
	v24 =	vadd.f32 $1.493215710e-01, v60  }
0x3d6: {  	v63 =	vadd.f32 v19, v29;
	v44 =	vmul.f32 $6.931471820e-01, v44;
	v25 =	vmul.f32 v25, v49  }
0x3d7: {  	v42 =	vadd.s32 $0xC0CD0000, v40;
	(erf) = vrcp.f32 v40;
	v24 =	vmul.f32 v24, v38  }
0x3d8: {  	v47 =	vand.u32 $0xFF800000, v42;
	v42 =	vshra.s32 v42, $0x17;
	v56 =	vadd.f32 $3.333465160e-01, v25  }
0x3d9: {  	v51 =	vsub.s32 v40, v47;
	v42 =	vcvt.s32.f32 v42;
	v50 =	vadd.f32 $-1.651149990e-01, v24  }
0x3da: {  	v25 =	vmul.f32 $5.000000000e-01, v29;
	v29 =	vsub.f32 $0.0e+00, v22;
	v59 =	vmul.f32 v56, v49  }
0x3db: {  	v41 =	vadd.f32 $-1.000000000e+00, v51;
	v42 =	vmul.f32 $6.931471820e-01, v42;
	v43 =	vmul.f32 v50, v38  }
0x3dc: {  	v24 =	vmul.f32 $5.000000000e-01, v19;
	v57 =	vadd.f32 v53, v29;
	v21 =	vadd.f32 $-4.999995530e-01, v59  }
0x3dd: {  	v58 =	vpop (erf);
	v56 =	vmul.f32 $9.274272620e-02, v41;
	v43 =	vadd.f32 $1.995013060e-01, v43;
	v59 =	vmul.f32 v23, v2  }
0x3de: {  	v26 =	vsub.f32 $0.0e+00, v39;
	v60 =	vmul.f32 v57, v58;
	v45 =	vmul.f32 v21, v49  }
0x3df: {  	v16 =	vadd.f32 v16, v17;
	v57 =	vmul.f32 v28, v3;
	v43 =	vmul.f32 v43, v38  }
0x3e0: {  	v21 =	vmul.f32 $5.000000000e-01, v63;
	v61 =	vadd.f32 v59, v26;
	v46 =	vadd.f32 $9.999998800e-01, v45  }
0x3e1: {  	v39 =	vmul.f32 v60, v60;
	v45 =	vadd.f32 v55, v22;
	v43 =	vadd.f32 $-2.500434820e-01, v43  }
0x3e2: {  	v62 =	vmul.f32 v61, v58;
	v52 =	vmul.f32 v46, v49;
	v46 =	vadd.f32 $-1.470776950e-01, v56  }
0x3e3: {  	v32 =	vld.idx.msk [tilespmem:v32+s28+$0x0], $0xffff;
	v53 =	vadd.s32 $0x6590, v33;
	v39 =	vmul.f32 v39, v25;
	v45 =	vmul.f32 v45, v58  }
0x3e4: {  	v34 =	vld.idx.msk [tilespmem:v34+s28+$0x0], $0xffff;
	v33 =	vadd.s32 $0x6D60, v33;
	v43 =	vmul.f32 v43, v38;
	v46 =	vmul.f32 v46, v41  }
0x3e5: {  	v60 =	vadd.f32 v57, v29;
	v18 =	vmul.f32 v62, v21;
	v49 =	vmul.f32 v31, v5  }
0x3e6: {  	v58 =	vmul.f32 v27, v3;
	v62 =	vmul.f32 v23, v3;
	v46 =	vadd.f32 $1.493215710e-01, v46  }
0x3e7: {  	v19 =	vadd.f32 $-7.788711340e-10, v52;
	v45 =	vmul.f32 v45, v45;
	v43 =	vadd.f32 $3.333465160e-01, v43  }
0x3e8: {  	v36 =	vsub.f32 v30, v49;
	v47 =	vadd.f32 v62, v26;
	v63 =	vmul.f32 v46, v41  }
0x3e9: {  	v61 =	vpop (erf);
	v52 =	vmul.f32 v32, v34;
	v19 =	vadd.f32 v19, v44;
	v45 =	vmul.f32 v45, v24  }
0x3ea: {  	v50 =	vmul.f32 v43, v38;
	v44 =	vmul.f32 v47, v61;
	v48 =	vadd.f32 $-1.651149990e-01, v63  }
0x3eb: {  	(erf) = vrcp.f32 v36;
	v39 =	vadd.f32 v45, v39;
	v18 =	vadd.f32 v19, v18  }
0x3ec: {  	v19 =	vadd.f32 $-4.999995530e-01, v50;
	v45 =	vadd.f32 v58, v22;
	v51 =	vmul.f32 v48, v41  }
0x3ed: {  	v44 =	vmul.f32 v44, v21;
	v18 =	vsub.f32 v18, v39;
	v39 =	vadd.s32 $0xC0CD0000, v36  }
0x3ee: {  	v58 =	vmul.f32 v23, v4;
	v54 =	vand.u32 $0xFF800000, v39;
	v35 =	vadd.f32 $1.995013060e-01, v51  }
0x3ef: {  	v50 =	vmul.f32 v31, v7;
	v19 =	vmul.f32 v19, v38;
	v56 =	vsub.s32 v36, v54  }
0x3f0: {  	v45 =	vmul.f32 v45, v61;
	v55 =	vmul.f32 v35, v41;
	v35 =	vadd.f32 $-1.000000000e+00, v56  }
0x3f1: {  	v39 =	vshra.s32 v39, $0x17;
	v17 =	vmul.f32 v18, v52;
	v19 =	vadd.f32 $9.999998800e-01, v19  }
0x3f2: {  	v39 =	vcvt.s32.f32 v39;
	v18 =	vadd.f32 $-2.500434820e-01, v55;
	v59 =	vmul.f32 $9.274272620e-02, v35  }
0x3f3: {  	v48 =	vadd.f32 v58, v26;
	v19 =	vmul.f32 v19, v38;
	v38 =	vmul.f32 v60, v61  }
0x3f4: {  	v57 =	vpop (erf);
	v51 =	vmul.f32 v45, v45;
	v18 =	vmul.f32 v18, v41;
	v46 =	vadd.f32 $-1.470776950e-01, v59  }
0x3f5: {  	v17 =	vadd.f32 $0.0e+00, v17;
	v47 =	vmul.f32 v48, v57;
	v39 =	vmul.f32 $6.931471820e-01, v39  }
0x3f6: {  	v38 =	vmul.f32 v38, v38;
	v18 =	vadd.f32 $3.333465160e-01, v18;
	v46 =	vmul.f32 v46, v35  }
0x3f7: {  	v63 =	vadd.f32 $-7.788711340e-10, v19;
	v19 =	vld.idx.msk [tilespmem:v53+s28+$0x0], $0xffff;
	v43 =	vmul.f32 v51, v24;
	v53 =	vmul.f32 v31, v6  }
0x3f8: {  	v38 =	vmul.f32 v38, v25;
	v18 =	vmul.f32 v18, v41;
	v52 =	vadd.f32 $1.493215710e-01, v46  }
0x3f9: {  	v56 =	vmul.f32 v27, v4;
	v37 =	vadd.f32 v63, v37;
	v55 =	vmul.f32 v28, v4  }
0x3fa: {  	v38 =	vadd.f32 v43, v38;
	v18 =	vadd.f32 $-4.999995530e-01, v18;
	v40 =	vmul.f32 v52, v35  }
0x3fb: {  	v47 =	vmul.f32 v47, v21;
	v37 =	vadd.f32 v37, v44;
	v43 =	vsub.f32 v30, v53  }
0x3fc: {  	v44 =	vadd.f32 v55, v29;
	v18 =	vmul.f32 v18, v41;
	v40 =	vadd.f32 $-1.651149990e-01, v40  }
0x3fd: {  	v55 =	vmul.f32 v28, v5;
	v54 =	vmul.f32 v19, v34;
	v46 =	vadd.s32 $0xC0CD0000, v43  }
0x3fe: {  	v59 =	vand.u32 $0xFF800000, v46;
	v18 =	vadd.f32 $9.999998800e-01, v18;
	v40 =	vmul.f32 v40, v35  }
0x3ff: {  	v44 =	vmul.f32 v44, v57;
	v37 =	vsub.f32 v37, v38;
	v49 =	vsub.s32 v43, v59  }
0x400: {  	v18 =	vmul.f32 v18, v41;
	v40 =	vadd.f32 $1.995013060e-01, v40;
	v41 =	vadd.f32 v56, v22  }
0x401: {  	(erf) = vrcp.f32 v43;
	v44 =	vmul.f32 v44, v44;
	v49 =	vadd.f32 $-1.000000000e+00, v49  }
0x402: {  	v51 =	vadd.s32 $0x2710, v20;
	v40 =	vmul.f32 v40, v35;
	v41 =	vmul.f32 v41, v57  }
0x403: {  	v37 =	vmul.f32 v37, v54;
	v61 =	vmul.f32 $9.274272620e-02, v49;
	v62 =	vadd.f32 $-7.788711340e-10, v18;
	v18 =	vld.idx.msk [tilespmem:v33+s28+$0x0], $0xffff  }
0x404: {  	v44 =	vmul.f32 v44, v25;
	v40 =	vadd.f32 $-2.500434820e-01, v40;
	v60 =	vmul.f32 v41, v41  }
0x405: {  	v41 =	vadd.f32 $-1.470776950e-01, v61;
	v42 =	vadd.f32 v62, v42;
	v62 =	vmul.f32 v23, v5  }
0x406: {  	v37 =	vadd.f32 v17, v37;
	v40 =	vmul.f32 v40, v35;
	v63 =	vmul.f32 v60, v24  }
0x407: {  	v48 =	vmul.f32 v41, v49;
	v38 =	vadd.f32 v42, v47;
	v41 =	vsub.f32 v30, v50  }
0x408: {  	v60 =	vmul.f32 v27, v5;
	v52 =	vmul.f32 v18, v34;
	v40 =	vadd.f32 $3.333465160e-01, v40  }
0x409: {  	v42 =	vld.idx.msk [tilespmem:v51+s28+$0x0], $0xffff;
	v33 =	vadd.f32 v63, v44;
	v36 =	vadd.f32 $1.493215710e-01, v48;
	v63 =	vmul.f32 v31, v8  }
0x40a: {  	v44 =	vadd.f32 v60, v22;
	v60 =	vmul.f32 v31, v9;
	(erf) = vrcp.f32 v41  }
0x40b: {  	v59 =	vpop (erf);
	v40 =	vmul.f32 v40, v35;
	v33 =	vsub.f32 v38, v33;
	v38 =	vadd.s32 $0xC0CD0000, v41  }
0x40c: {  	v53 =	vmul.f32 v36, v49;
	v44 =	vmul.f32 v44, v59;
	v56 =	vand.u32 $0xFF800000, v38  }
0x40d: {  	v38 =	vshra.s32 v38, $0x17;
	v40 =	vadd.f32 $-4.999995530e-01, v40;
	v33 =	vmul.f32 v33, v52  }
0x40e: {  	v34 =	vadd.f32 $-1.651149990e-01, v53;
	v44 =	vmul.f32 v44, v44;
	v52 =	vmul.f32 v32, v42  }
0x40f: {  	v58 =	vsub.s32 v41, v56;
	v56 =	vmul.f32 v28, v6;
	v38 =	vcvt.s32.f32 v38  }
0x410: {  	v36 =	vadd.f32 $-1.000000000e+00, v58;
	v58 =	vmul.f32 v27, v6;
	v54 =	vmul.f32 v40, v35  }
0x411: {  	v40 =	vadd.f32 v55, v29;
	v34 =	vmul.f32 v34, v49;
	v48 =	vmul.f32 v44, v24  }
0x412: {  	v55 =	vshra.s32 v46, $0x17;
	v44 =	vadd.f32 v56, v29;
	v56 =	vmul.f32 v19, v42  }
0x413: {  	v47 =	vadd.f32 v62, v26;
	v38 =	vmul.f32 $6.931471820e-01, v38;
	v43 =	vcvt.s32.f32 v55  }
0x414: {  	v42 =	vmul.f32 v18, v42;
	v61 =	vmul.f32 $9.274272620e-02, v36;
	v57 =	vadd.f32 $9.999998800e-01, v54  }
0x415: {  	v40 =	vmul.f32 v40, v59;
	v34 =	vadd.f32 $1.995013060e-01, v34;
	v43 =	vmul.f32 $6.931471820e-01, v43  }
0x416: {  	v45 =	vadd.f32 $-1.470776950e-01, v61;
	v61 =	vmul.f32 v23, v6;
	v17 =	vmul.f32 v57, v35  }
0x417: {  	v33 =	vadd.f32 v37, v33;
	v40 =	vmul.f32 v40, v40;
	v34 =	vmul.f32 v34, v49  }
0x418: {  	v35 =	vmul.f32 v47, v59;
	v59 =	vpop (erf);
	v47 =	vadd.f32 v58, v22;
	v45 =	vmul.f32 v45, v36  }
0x419: {  	v44 =	vmul.f32 v44, v59;
	v40 =	vmul.f32 v40, v25;
	v34 =	vadd.f32 $-2.500434820e-01, v34  }
0x41a: {  	v17 =	vadd.f32 $-7.788711340e-10, v17;
	v35 =	vmul.f32 v35, v21;
	v47 =	vmul.f32 v47, v59  }
0x41b: {  	v45 =	vadd.f32 $1.493215710e-01, v45;
	v44 =	vmul.f32 v44, v44;
	v34 =	vmul.f32 v34, v49  }
0x41c: {  	v17 =	vadd.f32 v17, v39;
	v39 =	vadd.f32 v48, v40;
	v47 =	vmul.f32 v47, v47  }
0x41d: {  	v50 =	vmul.f32 v45, v36;
	v45 =	vsub.f32 v30, v63;
	v44 =	vmul.f32 v44, v25  }
0x41e: {  	v34 =	vadd.f32 $3.333465160e-01, v34;
	v17 =	vadd.f32 v17, v35;
	v47 =	vmul.f32 v47, v24  }
0x41f: {  	v51 =	vadd.f32 $-1.651149990e-01, v50;
	v40 =	vadd.s32 $0xC0CD0000, v45;
	(erf) = vrcp.f32 v45  }
0x420: {  	v34 =	vmul.f32 v34, v49;
	v53 =	vand.u32 $0xFF800000, v40;
	v40 =	vshra.s32 v40, $0x17  }
0x421: {  	v39 =	vsub.f32 v17, v39;
	v54 =	vsub.s32 v45, v53;
	v40 =	vcvt.s32.f32 v40  }
0x422: {  	v35 =	vmul.f32 v51, v36;
	v34 =	vadd.f32 $-4.999995530e-01, v34;
	v37 =	vadd.f32 $-1.000000000e+00, v54  }
0x423: {  	v63 =	vadd.f32 v47, v44;
	v39 =	vmul.f32 v39, v52;
	v40 =	vmul.f32 $6.931471820e-01, v40  }
0x424: {  	v35 =	vadd.f32 $1.995013060e-01, v35;
	v34 =	vmul.f32 v34, v49;
	v57 =	vmul.f32 $9.274272620e-02, v37  }
0x425: {  	v33 =	vadd.f32 v33, v39;
	v39 =	vsub.f32 v30, v60;
	v60 =	vmul.f32 v27, v7  }
0x426: {  	v35 =	vmul.f32 v35, v36;
	v34 =	vadd.f32 $9.999998800e-01, v34;
	v46 =	vadd.f32 $-1.470776950e-01, v57  }
0x427: {  	v41 =	vadd.s32 $0xC0CD0000, v39;
	v57 =	vmul.f32 v28, v7;
	(erf) = vrcp.f32 v39  }
0x428: {  	v35 =	vadd.f32 $-2.500434820e-01, v35;
	v62 =	vand.u32 $0xFF800000, v41;
	v41 =	vshra.s32 v41, $0x17  }
0x429: {  	v34 =	vmul.f32 v34, v49;
	v46 =	vmul.f32 v46, v37;
	v50 =	vsub.s32 v39, v62  }
0x42a: {  	v49 =	vadd.f32 v61, v26;
	v58 =	vadd.f32 v57, v29;
	v62 =	vmul.f32 v23, v7  }
0x42b: {  	v41 =	vcvt.s32.f32 v41;
	v35 =	vmul.f32 v35, v36;
	v46 =	vadd.f32 $1.493215710e-01, v46  }
0x42c: {  	v50 =	vadd.f32 $-1.000000000e+00, v50;
	v34 =	vadd.f32 $-7.788711340e-10, v34;
	v54 =	vmul.f32 v49, v59  }
0x42d: {  	v61 =	vadd.f32 v60, v22;
	v41 =	vmul.f32 $6.931471820e-01, v41;
	v46 =	vmul.f32 v46, v37  }
0x42e: {  	v35 =	vadd.f32 $3.333465160e-01, v35;
	v55 =	vmul.f32 $9.274272620e-02, v50;
	v34 =	vadd.f32 v34, v43  }
0x42f: {  	v44 =	vmul.f32 v54, v21;
	v43 =	vadd.f32 v62, v26;
	v46 =	vadd.f32 $-1.651149990e-01, v46  }
0x430: {  	v54 =	vmul.f32 v31, v10;
	v35 =	vmul.f32 v35, v36;
	v47 =	vadd.f32 $-1.470776950e-01, v55  }
0x431: {  	v59 =	vpop (erf);
	v55 =	vmul.f32 v28, v8;
	v34 =	vadd.f32 v34, v44;
	v46 =	vmul.f32 v46, v37  }
0x432: {  	v44 =	vmul.f32 v61, v59;
	v43 =	vmul.f32 v43, v59;
	v35 =	vadd.f32 $-4.999995530e-01, v35  }
0x433: {  	v61 =	vmul.f32 v23, v8;
	v47 =	vmul.f32 v47, v50;
	v46 =	vadd.f32 $1.995013060e-01, v46  }
0x434: {  	v34 =	vsub.f32 v34, v63;
	v44 =	vmul.f32 v44, v44;
	v35 =	vmul.f32 v35, v36  }
0x435: {  	v51 =	vmul.f32 v43, v21;
	v48 =	vadd.f32 v61, v26;
	v46 =	vmul.f32 v46, v37  }
0x436: {  	v61 =	vmul.f32 v28, v9;
	v47 =	vadd.f32 $1.493215710e-01, v47;
	v35 =	vadd.f32 $9.999998800e-01, v35  }
0x437: {  	v34 =	vmul.f32 v34, v56;
	v56 =	vmul.f32 v27, v8;
	v46 =	vadd.f32 $-2.500434820e-01, v46  }
0x438: {  	v47 =	vmul.f32 v47, v50;
	v35 =	vmul.f32 v35, v36  }
0x439: {  	v36 =	vmul.f32 v58, v59;
	v46 =	vmul.f32 v46, v37  }
0x43a: {  	v44 =	vmul.f32 v44, v24;
	v47 =	vadd.f32 $-1.651149990e-01, v47;
	v59 =	vadd.f32 v56, v22  }
0x43b: {  	v60 =	vpop (erf);
	v36 =	vmul.f32 v36, v36;
	v35 =	vadd.f32 $-7.788711340e-10, v35;
	v46 =	vadd.f32 $3.333465160e-01, v46  }
0x43c: {  	v17 =	vadd.s32 $0x2EE0, v20;
	v49 =	vmul.f32 v47, v50;
	v45 =	vmul.f32 v59, v60  }
0x43d: {  	v35 =	vadd.f32 v35, v38;
	v38 =	vsub.f32 v30, v54;
	v46 =	vmul.f32 v46, v37  }
0x43e: {  	v58 =	vadd.f32 v55, v29;
	v47 =	vmul.f32 v48, v60;
	v36 =	vmul.f32 v36, v25  }
0x43f: {  	v53 =	vadd.f32 $1.995013060e-01, v49;
	v63 =	vadd.f32 $-4.999995530e-01, v46;
	v46 =	vadd.s32 $0xC0CD0000, v38  }
0x440: {  	v45 =	vmul.f32 v45, v45;
	v36 =	vadd.f32 v44, v36;
	v62 =	vand.u32 $0xFF800000, v46  }
0x441: {  	v44 =	vmul.f32 v53, v50;
	v52 =	vmul.f32 v63, v37;
	v49 =	vsub.s32 v38, v62  }
0x442: {  	v56 =	vmul.f32 v47, v21;
	v35 =	vadd.f32 v35, v51;
	v49 =	vadd.f32 $-1.000000000e+00, v49  }
0x443: {  	v54 =	vmul.f32 v45, v24;
	v57 =	vadd.f32 $-2.500434820e-01, v44;
	v43 =	vadd.f32 $9.999998800e-01, v52  }
0x444: {  	v33 =	vadd.f32 v33, v34;
	v44 =	vmul.f32 v58, v60;
	v63 =	vmul.f32 $9.274272620e-02, v49  }
0x445: {  	v36 =	vsub.f32 v35, v36;
	v37 =	vmul.f32 v43, v37;
	v43 =	vmul.f32 v57, v50  }
0x446: {  	(erf) = vrcp.f32 v38;
	v35 =	vld.idx.msk [tilespmem:v17+s28+$0x0], $0xffff;
	v44 =	vmul.f32 v44, v44;
	v55 =	vadd.f32 $-1.470776950e-01, v63  }
0x447: {  	v34 =	vld [tilespmem:s31+$0x20];
	v36 =	vmul.f32 v36, v42;
	v43 =	vadd.f32 $3.333465160e-01, v43;
	v37 =	vadd.f32 $-7.788711340e-10, v37  }
0x448: {  	v42 =	vadd.f32 v61, v29;
	v44 =	vmul.f32 v44, v25;
	v58 =	vmul.f32 v55, v49  }
0x449: {  	v33 =	vadd.f32 v33, v36;
	v43 =	vmul.f32 v43, v50;
	v37 =	vadd.f32 v37, v40  }
0x44a: {  	v17 =	vld [tilespmem:s30+$0x20];
	v62 =	vmul.f32 v31, v11;
	v59 =	vadd.f32 v54, v44;
	v60 =	vadd.f32 $1.493215710e-01, v58  }
0x44b: {  	v36 =	vmul.f32 v32, v35;
	v43 =	vadd.f32 $-4.999995530e-01, v43;
	v37 =	vadd.f32 v37, v56  }
0x44c: {  	v63 =	vadd.s32 $0x3E80, v34;
	v58 =	vadd.s32 $0x4650, v34;
	v56 =	vmul.f32 v27, v9  }
0x44d: {  	v40 =	vmul.f32 v60, v49;
	v57 =	vmul.f32 v43, v50;
	v37 =	vsub.f32 v37, v59  }
0x44e: {  	v43 =	vsub.f32 v30, v62;
	v59 =	vpop (erf);
	v45 =	vadd.f32 v56, v22;
	v62 =	vmul.f32 v23, v9  }
0x44f: {  	v40 =	vadd.f32 $-1.651149990e-01, v40;
	v42 =	vmul.f32 v42, v59;
	v39 =	vadd.f32 $9.999998800e-01, v57  }
0x450: {  	v57 =	vadd.s32 $0x7D0, v17;
	v51 =	vadd.s32 $0xC0CD0000, v43;
	v45 =	vmul.f32 v45, v59  }
0x451: {  	v44 =	vld.idx.msk [tilespmem:v63+s28+$0x0], $0xffff;
	v36 =	vmul.f32 v37, v36;
	v56 =	vadd.f32 v62, v26;
	(erf) = vrcp.f32 v43  }
0x452: {  	v60 =	vld.idx.msk [tilespmem:v17+s28+$0x0], $0xffff;
	v40 =	vmul.f32 v40, v49;
	v61 =	vand.u32 $0xFF800000, v51;
	v42 =	vmul.f32 v42, v42  }
0x453: {  	v39 =	vmul.f32 v39, v50;
	v53 =	vsub.s32 v43, v61;
	v45 =	vmul.f32 v45, v45  }
0x454: {  	v37 =	vmul.f32 v56, v59;
	v59 =	vmul.f32 v19, v35;
	v33 =	vadd.f32 v33, v36  }
0x455: {  	v35 =	vmul.f32 v18, v35;
	v40 =	vadd.f32 $1.995013060e-01, v40;
	v53 =	vadd.f32 $-1.000000000e+00, v53  }
0x456: {  	v42 =	vmul.f32 v42, v25;
	v39 =	vadd.f32 $-7.788711340e-10, v39;
	v45 =	vmul.f32 v45, v24  }
0x457: {  	v47 =	vld.idx.msk [tilespmem:v57+s28+$0x0], $0xffff;
	v40 =	vmul.f32 v40, v49;
	v63 =	vmul.f32 $9.274272620e-02, v53;
	v57 =	vadd.f32 v44, v60  }
0x458: {  	v48 =	vld.idx.msk [tilespmem:v58+s28+$0x0], $0xffff;
	v60 =	vmul.f32 v31, v12;
	v39 =	vadd.f32 v39, v41;
	v42 =	vadd.f32 v45, v42  }
0x459: {  	v31 =	vmul.f32 v31, v13;
	v40 =	vadd.f32 $-2.500434820e-01, v40;
	v58 =	vadd.f32 $-1.470776950e-01, v63  }
0x45a: {  	v37 =	vmul.f32 v37, v21;
	v41 =	vadd.f32 v57, v1;
	v62 =	vsub.f32 v30, v60  }
0x45b: {  	v30 =	vsub.f32 v30, v31;
	v57 =	vshra.s32 v46, $0x17;
	v60 =	vmul.f32 v28, v10  }
0x45c: {  	v37 =	vadd.f32 v39, v37;
	v40 =	vmul.f32 v40, v49;
	v44 =	vmul.f32 v58, v53  }
0x45d: {  	(erf) = vrcp.f32 v62;
	v39 =	vadd.s32 $0xC0CD0000, v62;
	v45 =	vadd.f32 v48, v47  }
0x45e: {  	(erf) = vrcp.f32 v30;
	v55 =	vsub.f32 v37, v42;
	v58 =	vand.u32 $0xFF800000, v39  }
0x45f: {  	v39 =	vshra.s32 v39, $0x17;
	v40 =	vadd.f32 $3.333465160e-01, v40;
	v44 =	vadd.f32 $1.493215710e-01, v44  }
0x460: {  	v38 =	vsub.s32 v62, v58;
	v62 =	vmul.f32 v27, v10;
	v39 =	vcvt.s32.f32 v39  }
0x461: {  	v61 =	vadd.f32 v45, v41;
	v36 =	vmul.f32 v55, v59;
	v42 =	vadd.f32 $-1.000000000e+00, v38  }
0x462: {  	v41 =	vsub.f32 v45, v41;
	v40 =	vmul.f32 v40, v49;
	v44 =	vmul.f32 v44, v53  }
0x463: {  	v47 =	vadd.f32 v62, v22;
	v39 =	vmul.f32 $6.931471820e-01, v39;
	v63 =	vsub.f32 $0.0e+00, v61  }
0x464: {  	v59 =	vpop (erf);
	v61 =	vmul.f32 $9.274272620e-02, v42;
	v41 =	vadd.f32 $0.0e+00, v41;
	v50 =	vadd.f32 $-4.999995530e-01, v40  }
0x465: {  	v54 =	vadd.f32 $-1.651149990e-01, v44;
	v40 =	vcvt.s32.f32 v57;
	v47 =	vmul.f32 v47, v59  }
0x466: {  	v44 =	vadd.f32 v33, v36;
	v52 =	vmul.f32 $1.442695020e+00, v63;
	v63 =	vmul.f32 v23, v10  }
0x467: {  	v36 =	vadd.f32 $-1.470776950e-01, v61;
	v41 =	vmul.f32 $1.442695020e+00, v41;
	v61 =	vmul.f32 v28, v11  }
0x468: {  	v31 =	vmul.f32 v50, v49;
	(erf) = vpow2.f32 v52  }
0x469: {  	v56 =	vmul.f32 v54, v53;
	v40 =	vmul.f32 $6.931471820e-01, v40  }
0x46a: {  	v52 =	vadd.f32 v60, v29;
	v36 =	vmul.f32 v36, v42;
	v55 =	vadd.f32 v63, v26  }
0x46b: {  	v63 =	vmul.f32 v27, v11;
	v37 =	vadd.f32 $1.995013060e-01, v56;
	v56 =	vmul.f32 v47, v47  }
0x46c: {  	v31 =	vadd.f32 $9.999998800e-01, v31;
	v48 =	vmul.f32 v52, v59;
	v38 =	vmul.f32 v55, v59  }
0x46d: {  	v47 =	vadd.f32 v61, v29;
	v52 =	vmul.f32 v28, v12;
	v28 =	vmul.f32 v28, v13  }
0x46e: {  	v43 =	vpop (erf);
	v36 =	vadd.f32 $1.493215710e-01, v36;
	v31 =	vmul.f32 v31, v49;
	v37 =	vmul.f32 v37, v53  }
0x46f: {  	v46 =	vpop (erf);
	v50 =	vadd.f32 v63, v22;
	v45 =	vmul.f32 v56, v24;
	v47 =	vmul.f32 v47, v43  }
0x470: {  	v60 =	vshra.s32 v51, $0x17;
	v33 =	vpop (erf);
	v48 =	vmul.f32 v48, v48;
	v36 =	vmul.f32 v36, v42  }
0x471: {  	v50 =	vmul.f32 v50, v43;
	v28 =	vadd.f32 v28, v29;
	v37 =	vadd.f32 $-2.500434820e-01, v37;
	v54 =	vpop (erf)  }
0x472: {  	v31 =	vadd.f32 $-7.788711340e-10, v31;
	v47 =	vmul.f32 v47, v47;
	v49 =	vadd.f32 $1.000000000e+00, v54  }
0x473: {  	v57 =	vmul.f32 v48, v25;
	v48 =	vadd.s32 $0xC0CD0000, v30;
	v36 =	vadd.f32 $-1.651149990e-01, v36  }
0x474: {  	v37 =	vmul.f32 v37, v53;
	v58 =	vand.u32 $0xFF800000, v48;
	(erf) = vrcp.f32 v49  }
0x475: {  	v30 =	vsub.s32 v30, v58;
	v36 =	vmul.f32 v36, v42;
	(erf) = vpow2.f32 v41  }
0x476: {  	v50 =	vmul.f32 v50, v50;
	v31 =	vadd.f32 v31, v40;
	v40 =	vadd.f32 $-1.000000000e+00, v30  }
0x477: {  	v37 =	vadd.f32 $3.333465160e-01, v37;
	v36 =	vadd.f32 $1.995013060e-01, v36;
	v54 =	vmul.f32 v23, v11  }
0x478: {  	v30 =	vadd.f32 v45, v57;
	v57 =	vmul.f32 v47, v25;
	v59 =	vmul.f32 $9.274272620e-02, v40  }
0x479: {  	v37 =	vmul.f32 v37, v53;
	v36 =	vmul.f32 v36, v42;
	v55 =	vadd.f32 v54, v26  }
0x47a: {  	v41 =	vmul.f32 v38, v21;
	v45 =	vadd.f32 $-1.470776950e-01, v59;
	v59 =	vmul.f32 v50, v24  }
0x47b: {  	v37 =	vadd.f32 $-4.999995530e-01, v37;
	v50 =	vmul.f32 v28, v33;
	v43 =	vmul.f32 v55, v43  }
0x47c: {  	v36 =	vadd.f32 $-2.500434820e-01, v36;
	v55 =	vmul.f32 v23, v12;
	v23 =	vmul.f32 v23, v13  }
0x47d: {  	v37 =	vmul.f32 v37, v53;
	v31 =	vadd.f32 v31, v41;
	v41 =	vcvt.s32.f32 v60;
	v38 =	vpop (erf)  }
0x47e: {  	v20 =	vadd.s32 $0x36B0, v20;
	v45 =	vmul.f32 v45, v40;
	v36 =	vmul.f32 v36, v42;
	v62 =	vpop (erf)  }
0x47f: {  	v43 =	vmul.f32 v43, v21;
	v23 =	vadd.f32 v23, v26;
	v49 =	vadd.f32 $1.000000000e+00, v62  }
0x480: {  	v37 =	vadd.f32 $9.999998800e-01, v37;
	v45 =	vadd.f32 $1.493215710e-01, v45;
	v41 =	vmul.f32 $6.931471820e-01, v41  }
0x481: {  	v30 =	vsub.f32 v31, v30;
	v23 =	vmul.f32 v23, v33;
	(erf) = vrcp.f32 v49  }
0x482: {  	v56 =	vadd.f32 $3.333465160e-01, v36;
	v37 =	vmul.f32 v37, v53;
	v45 =	vmul.f32 v45, v40  }
0x483: {  	v36 =	vld.idx.msk [tilespmem:v20+s28+$0x0], $0xffff;
	v20 =	vadd.f32 v59, v57;
	v30 =	vmul.f32 v30, v35;
	v53 =	vmul.f32 v27, v12  }
0x484: {  	v27 =	vmul.f32 v27, v13;
	v58 =	vmul.f32 v56, v42;
	v37 =	vadd.f32 $-7.788711340e-10, v37  }
0x485: {  	v23 =	vmul.f32 v23, v21;
	v45 =	vadd.f32 $-1.651149990e-01, v45;
	v63 =	vadd.f32 v44, v30  }
0x486: {  	v44 =	vadd.f32 v53, v22;
	v22 =	vadd.f32 v27, v22;
	v27 =	vmul.f32 v50, v50  }
0x487: {  	v53 =	vadd.s32 $0xFA0, v17;
	v60 =	vadd.f32 $-4.999995530e-01, v58;
	v45 =	vmul.f32 v45, v40  }
0x488: {  	v37 =	vadd.f32 v37, v41;
	v32 =	vmul.f32 v32, v36;
	v44 =	vmul.f32 v44, v46  }
0x489: {  	v22 =	vmul.f32 v22, v33;
	v19 =	vmul.f32 v19, v36;
	v62 =	vadd.f32 $1.995013060e-01, v45  }
0x48a: {  	v18 =	vmul.f32 v18, v36;
	v61 =	vmul.f32 v60, v42;
	v37 =	vadd.f32 v37, v43;
	v43 =	vpop (erf)  }
0x48b: {  	v49 =	vadd.f32 v55, v26;
	v41 =	vmul.f32 v62, v40;
	v31 =	vsub.f32 v38, v43  }
0x48c: {  	v44 =	vmul.f32 v44, v44;
	v22 =	vmul.f32 v22, v22;
	v20 =	vsub.f32 v37, v20  }
0x48d: {  	v41 =	vadd.f32 $-2.500434820e-01, v41;
	v30 =	vsub.f32 $1.000000000e+00, v43;
	v51 =	vmul.f32 v31, v2  }
0x48e: {  	v55 =	vadd.s32 $0x4E20, v34;
	v35 =	vadd.f32 $9.999998800e-01, v61;
	v57 =	vmul.f32 v44, v24  }
0x48f: {  	v20 =	vmul.f32 v20, v32;
	v41 =	vmul.f32 v41, v40;
	v32 =	vsub.f32 v30, v51  }
0x490: {  	v58 =	vmul.f32 v49, v46;
	v35 =	vmul.f32 v35, v42;
	v42 =	vadd.f32 v52, v29  }
0x491: {  	v62 =	vshra.s32 v48, $0x17;
	v41 =	vadd.f32 $3.333465160e-01, v41;
	v45 =	vadd.s32 $0xC0CD0000, v32  }
0x492: {  	v22 =	vmul.f32 v22, v24;
	v42 =	vmul.f32 v42, v46;
	v54 =	vand.u32 $0xFF800000, v45  }
0x493: {  	v35 =	vadd.f32 $-7.788711340e-10, v35;
	v41 =	vmul.f32 v41, v40;
	v47 =	vsub.s32 v32, v54  }
0x494: {  	v44 =	vcvt.s32.f32 v62;
	v42 =	vmul.f32 v42, v42;
	v47 =	vadd.f32 $-1.000000000e+00, v47  }
0x495: {  	v61 =	vmul.f32 v58, v21;
	v35 =	vadd.f32 v35, v39;
	v41 =	vadd.f32 $-4.999995530e-01, v41  }
0x496: {  	v20 =	vadd.f32 v63, v20;
	v42 =	vmul.f32 v42, v25;
	v56 =	vmul.f32 $9.274272620e-02, v47  }
0x497: {  	v63 =	vadd.f32 v35, v61;
	v25 =	vmul.f32 v27, v25;
	v59 =	vmul.f32 v41, v40  }
0x498: {  	v37 =	vadd.f32 v57, v42;
	v57 =	vadd.s32 $0x55F0, v34;
	v60 =	vadd.f32 $-1.470776950e-01, v56  }
0x499: {  	v21 =	vmul.f32 v30, v43;
	v39 =	vadd.f32 $9.999998800e-01, v59;
	v54 =	vadd.s32 $0x1770, v17  }
0x49a: {  	v62 =	vsub.f32 $1.000000000e+00, v38;
	v52 =	vmul.f32 v31, v3;
	v41 =	vmul.f32 v60, v47  }
0x49b: {  	v24 =	vld.idx.msk [tilespmem:v55+s28+$0x0], $0xffff;
	v37 =	vsub.f32 v63, v37;
	v27 =	vsub.f32 $0.0e+00, v21;
	v46 =	vmul.f32 v39, v40  }
0x49c: {  	v49 =	vmul.f32 $6.931471820e-01, v44;
	v59 =	vld.idx.msk [tilespmem:v53+s28+$0x0], $0xffff;
	v48 =	vadd.f32 $1.493215710e-01, v41;
	v41 =	vsub.f32 v30, v52  }
0x49d: {  	v19 =	vmul.f32 v37, v19;
	v44 =	vld.idx.msk [tilespmem:v57+s28+$0x0], $0xffff;
	v57 =	vmul.f32 v31, v4;
	v35 =	vadd.f32 $-7.788711340e-10, v46  }
0x49e: {  	(erf) = vrcp.f32 v32;
	v61 =	vld.idx.msk [tilespmem:v54+s28+$0x0], $0xffff;
	v51 =	vmul.f32 v48, v47;
	v42 =	vadd.s32 $0xC0CD0000, v41  }
0x49f: {  	s17 =	sadd.s32 $0x30, s13;
	v58 =	vadd.f32 v35, v49;
	v49 =	vadd.f32 v38, v38;
	v56 =	vand.u32 $0xFF800000, v42  }
0x4a0: {  	v40 =	vmov s17;
	v28 =	vadd.f32 $-1.651149990e-01, v51;
	v39 =	vsub.s32 v41, v56  }
0x4a1: {  	v38 =	vmul.f32 v62, v38;
	v50 =	vsub.f32 $1.000000000e+00, v49;
	v46 =	vadd.f32 $-1.000000000e+00, v39  }
0x4a2: {  	v24 =	vadd.f32 v24, v59;
	v35 =	vadd.f32 v22, v25;
	v28 =	vmul.f32 v28, v47  }
0x4a3: {  	v52 =	vmul.f32 v50, v38;
	v54 =	vadd.f32 v44, v61;
	v63 =	vmul.f32 $9.274272620e-02, v46  }
0x4a4: {  	v48 =	vadd.f32 v43, v43;
	v43 =	vadd.s32 $0x1F40, v17;
	v28 =	vadd.f32 $1.995013060e-01, v28  }
0x4a5: {  	v44 =	vadd.f32 v54, v24;
	v24 =	vmul.f32 $5.000000000e-01, v24;
	v29 =	vadd.f32 $-1.470776950e-01, v63  }
0x4a6: {  	v42 =	vshra.s32 v42, $0x17;
	v33 =	vsub.f32 $1.000000000e+00, v48;
	v60 =	vmul.f32 v28, v47  }
0x4a7: {  	v56 =	vadd.f32 v21, v38;
	v48 =	vsub.f32 v30, v57;
	v29 =	vmul.f32 v29, v46  }
0x4a8: {  	v42 =	vcvt.s32.f32 v42;
	v51 =	vmul.f32 v33, v21;
	v25 =	vadd.f32 $-2.500434820e-01, v60  }
0x4a9: {  	v57 =	vmul.f32 v31, v5;
	v39 =	vadd.f32 v58, v23;
	v53 =	vadd.f32 $1.493215710e-01, v29  }
0x4aa: {  	v42 =	vmul.f32 $6.931471820e-01, v42;
	v26 =	vsub.f32 v51, v52;
	v25 =	vmul.f32 v25, v47  }
0x4ab: {  	v23 =	vsub.f32 $0.0e+00, v51;
	v28 =	vsub.f32 v21, v38;
	v55 =	vmul.f32 v53, v46  }
0x4ac: {  	v51 =	vsub.f32 v30, v57;
	v57 =	vmul.f32 v26, v3;
	v25 =	vadd.f32 $3.333465160e-01, v25  }
0x4ad: {  	v60 =	vshra.s32 v45, $0x17;
	v62 =	vmul.f32 v28, v2;
	v22 =	vadd.f32 $-1.651149990e-01, v55  }
0x4ae: {  	v29 =	vsub.f32 $0.0e+00, v56;
	v33 =	vcvt.s32.f32 v60;
	v25 =	vmul.f32 v25, v47  }
0x4af: {  	v58 =	vmul.f32 v22, v46;
	v22 =	vmul.f32 $5.000000000e-01, v44;
	v44 =	vadd.s32 $0xC0CD0000, v48  }
0x4b0: {  	v33 =	vmul.f32 $6.931471820e-01, v33;
	v25 =	vadd.f32 $-4.999995530e-01, v25;
	v61 =	vand.u32 $0xFF800000, v44  }
0x4b1: {  	v63 =	vmul.f32 v29, v2;
	v44 =	vshra.s32 v44, $0x17;
	v45 =	vsub.s32 v48, v61  }
0x4b2: {  	v32 =	vadd.f32 $1.995013060e-01, v58;
	v25 =	vmul.f32 v25, v47;
	v45 =	vadd.f32 $-1.000000000e+00, v45  }
0x4b3: {  	v49 =	vadd.f32 v63, v21;
	v63 =	vmul.f32 v28, v3;
	v44 =	vcvt.s32.f32 v44  }
0x4b4: {  	v32 =	vmul.f32 v32, v46;
	v58 =	vpop (erf);
	v59 =	vadd.f32 $9.999998800e-01, v25;
	v56 =	vmul.f32 $9.274272620e-02, v45  }
0x4b5: {  	v55 =	vadd.s32 $0x5DC0, v34;
	(erf) = vrcp.f32 v41;
	v49 =	vmul.f32 v49, v58  }
0x4b6: {  	v25 =	vmul.f32 $5.000000000e-01, v54;
	v38 =	vmul.f32 v59, v47;
	v50 =	vadd.f32 $-1.470776950e-01, v56  }
0x4b7: {  	v32 =	vadd.f32 $-2.500434820e-01, v32;
	v59 =	vmul.f32 v26, v2;
	v49 =	vmul.f32 v49, v49  }
0x4b8: {  	v47 =	vadd.f32 $-7.788711340e-10, v38;
	v38 =	vadd.f32 v62, v27;
	v50 =	vmul.f32 v50, v45  }
0x4b9: {  	v44 =	vmul.f32 $6.931471820e-01, v44;
	v32 =	vmul.f32 v32, v46;
	v53 =	vadd.f32 v59, v23  }
0x4ba: {  	v49 =	vmul.f32 v49, v25;
	v38 =	vmul.f32 v38, v58;
	v50 =	vadd.f32 $1.493215710e-01, v50  }
0x4bb: {  	v32 =	vadd.f32 $3.333465160e-01, v32;
	v52 =	vmul.f32 v53, v58;
	v47 =	vadd.f32 v47, v33  }
0x4bc: {  	v60 =	vmul.f32 v38, v38;
	v38 =	vadd.s32 $0xC0CD0000, v51;
	v50 =	vmul.f32 v50, v45  }
0x4bd: {  	v58 =	vadd.s32 $0x6590, v34;
	v32 =	vmul.f32 v32, v46;
	v61 =	vand.u32 $0xFF800000, v38  }
0x4be: {  	v34 =	vadd.s32 $0x6D60, v34;
	v41 =	vsub.s32 v51, v61;
	v50 =	vadd.f32 $-1.651149990e-01, v50  }
0x4bf: {  	v52 =	vmul.f32 v52, v22;
	v32 =	vadd.f32 $-4.999995530e-01, v32;
	v41 =	vadd.f32 $-1.000000000e+00, v41  }
0x4c0: {  	v38 =	vshra.s32 v38, $0x17;
	v54 =	vmul.f32 v60, v24;
	v50 =	vmul.f32 v50, v45  }
0x4c1: {  	v61 =	vadd.f32 v63, v27;
	v32 =	vmul.f32 v32, v46;
	v62 =	vmul.f32 $9.274272620e-02, v41  }
0x4c2: {  	v60 =	vmul.f32 v29, v3;
	v63 =	vadd.f32 v57, v23;
	v50 =	vadd.f32 $1.995013060e-01, v50  }
0x4c3: {  	v38 =	vcvt.s32.f32 v38;
	v32 =	vadd.f32 $9.999998800e-01, v32;
	v33 =	vadd.f32 $-1.470776950e-01, v62  }
0x4c4: {  	v49 =	vadd.f32 v49, v54;
	v54 =	vmul.f32 v31, v6;
	v50 =	vmul.f32 v50, v45  }
0x4c5: {  	v56 =	vadd.f32 v60, v21;
	v32 =	vmul.f32 v32, v46;
	v33 =	vmul.f32 v33, v41;
	v62 =	vpop (erf)  }
0x4c6: {  	(erf) = vrcp.f32 v48;
	v46 =	vmul.f32 v61, v62;
	v50 =	vadd.f32 $-2.500434820e-01, v50  }
0x4c7: {  	v43 =	vld.idx.msk [tilespmem:v43+s28+$0x0], $0xffff;
	v56 =	vmul.f32 v56, v62;
	v53 =	vmul.f32 v63, v62;
	v33 =	vadd.f32 $1.493215710e-01, v33  }
0x4c8: {  	v59 =	vadd.f32 $-7.788711340e-10, v32;
	v32 =	vld.idx.msk [tilespmem:v58+s28+$0x0], $0xffff;
	v46 =	vmul.f32 v46, v46;
	v50 =	vmul.f32 v50, v45  }
0x4c9: {  	vm12 =	vgt.s32 v40, v0;
	v56 =	vmul.f32 v56, v56;
	v33 =	vmul.f32 v33, v41  }
0x4ca: {  	v42 =	vadd.f32 v59, v42;
	v53 =	vmul.f32 v53, v22;
	v50 =	vadd.f32 $3.333465160e-01, v50  }
0x4cb: {  	v46 =	vmul.f32 v46, v24;
	v61 =	vmul.f32 v56, v25;
	v60 =	vadd.f32 $-1.651149990e-01, v33;
	v33 =	vld.idx.msk [tilespmem:v55+s28+$0x0], $0xffff  }
0x4cc: {  	v35 =	vsub.f32 v39, v35;
	v59 =	vmul.f32 v28, v4;
	v50 =	vmul.f32 v50, v45  }
0x4cd: {  	v34 =	vld.idx.msk [tilespmem:v34+s28+$0x0], $0xffff;
	v42 =	vadd.f32 v42, v53;
	v57 =	vmul.f32 v32, v43;
	v63 =	vadd.f32 v61, v46  }
0x4ce: {  	v61 =	vadd.f32 v59, v27;
	v59 =	vmul.f32 v28, v5;
	v56 =	vadd.f32 $-4.999995530e-01, v50  }
0x4cf: {  	v62 =	vmul.f32 v60, v41;
	v60 =	vmul.f32 v29, v4;
	v40 =	vsub.f32 v42, v63  }
0x4d0: {  	v47 =	vadd.f32 v47, v52;
	v55 =	vmul.f32 v33, v43;
	v42 =	vmul.f32 v56, v45  }
0x4d1: {  	v52 =	vadd.f32 $1.995013060e-01, v62;
	v40 =	vmul.f32 v40, v57;
	v56 =	vmul.f32 v26, v4  }
0x4d2: {  	v47 =	vsub.f32 v47, v49;
	v57 =	vmul.f32 v31, v7;
	v43 =	vmul.f32 v34, v43  }
0x4d3: {  	v48 =	vsub.f32 v30, v54;
	v46 =	vmul.f32 v52, v41;
	v62 =	vpop (erf);
	(erf) = vrcp.f32 v51  }
0x4d4: {  	v52 =	vadd.f32 v60, v21;
	v60 =	vmul.f32 v29, v5;
	v39 =	vmul.f32 v47, v55  }
0x4d5: {  	v47 =	vadd.s32 $0xC0CD0000, v48;
	v42 =	vadd.f32 $9.999998800e-01, v42;
	v46 =	vadd.f32 $-2.500434820e-01, v46  }
0x4d6: {  	v51 =	vadd.f32 v56, v23;
	v58 =	vand.u32 $0xFF800000, v47;
	v52 =	vmul.f32 v52, v62  }
0x4d7: {  	v49 =	vsub.s32 v48, v58;
	v42 =	vmul.f32 v42, v45;
	v46 =	vmul.f32 v46, v41  }
0x4d8: {  	v45 =	vmul.f32 v61, v62;
	v50 =	vmul.f32 v51, v62;
	v49 =	vadd.f32 $-1.000000000e+00, v49  }
0x4d9: {  	v61 =	vmul.f32 v26, v5;
	v52 =	vmul.f32 v52, v52;
	v46 =	vadd.f32 $3.333465160e-01, v46  }
0x4da: {  	v45 =	vmul.f32 v45, v45;
	v63 =	vmul.f32 $9.274272620e-02, v49  }
0x4db: {  	v42 =	vadd.f32 $-7.788711340e-10, v42;
	v55 =	vadd.f32 v61, v23;
	v46 =	vmul.f32 v46, v41  }
0x4dc: {  	v52 =	vmul.f32 v52, v25;
	v45 =	vmul.f32 v45, v24;
	v53 =	vadd.f32 $-1.470776950e-01, v63  }
0x4dd: {  	v50 =	vmul.f32 v50, v22;
	v42 =	vadd.f32 v42, v44;
	v46 =	vadd.f32 $-4.999995530e-01, v46  }
0x4de: {  	v44 =	vadd.f32 v59, v27;
	v45 =	vadd.f32 v52, v45;
	v53 =	vmul.f32 v53, v49  }
0x4df: {  	v42 =	vadd.f32 v42, v50;
	v52 =	vshra.s32 v47, $0x17;
	v46 =	vmul.f32 v46, v41  }
0x4e0: {  	v63 =	vpop (erf);
	(erf) = vrcp.f32 v48;
	v58 =	vadd.f32 $1.493215710e-01, v53;
	v53 =	vsub.f32 v30, v57  }
0x4e1: {  	v44 =	vmul.f32 v44, v63;
	v55 =	vmul.f32 v55, v63;
	v46 =	vadd.f32 $9.999998800e-01, v46  }
0x4e2: {  	v42 =	vsub.f32 v42, v45;
	v51 =	vmul.f32 v58, v49;
	v54 =	vadd.s32 $0xC0CD0000, v53  }
0x4e3: {  	v62 =	vand.u32 $0xFF800000, v54;
	v41 =	vmul.f32 v46, v41;
	v46 =	vadd.f32 v60, v21  }
0x4e4: {  	v51 =	vadd.f32 $-1.651149990e-01, v51;
	v56 =	vsub.s32 v53, v62;
	v60 =	vadd.s32 $0x2710, v17  }
0x4e5: {  	v45 =	vcvt.s32.f32 v52;
	v44 =	vmul.f32 v44, v44;
	v56 =	vadd.f32 $-1.000000000e+00, v56  }
0x4e6: {  	v55 =	vmul.f32 v55, v22;
	v51 =	vmul.f32 v51, v49  }
0x4e7: {  	v46 =	vmul.f32 v46, v63;
	v61 =	vmul.f32 $9.274272620e-02, v56  }
0x4e8: {  	v41 =	vadd.f32 $-7.788711340e-10, v41;
	v63 =	vmul.f32 $6.931471820e-01, v38;
	v51 =	vadd.f32 $1.995013060e-01, v51  }
0x4e9: {  	v45 =	vmul.f32 $6.931471820e-01, v45;
	v46 =	vmul.f32 v46, v46;
	v57 =	vadd.f32 $-1.470776950e-01, v61;
	v38 =	vld.idx.msk [tilespmem:v60+s28+$0x0], $0xffff  }
0x4ea: {  	v44 =	vmul.f32 v44, v24;
	v41 =	vadd.f32 v41, v63;
	v51 =	vmul.f32 v51, v49  }
0x4eb: {  	v39 =	vadd.f32 $0.0e+00, v39;
	v46 =	vmul.f32 v46, v25;
	v62 =	vmul.f32 v57, v56  }
0x4ec: {  	v61 =	vmul.f32 v31, v8;
	v41 =	vadd.f32 v41, v55;
	v51 =	vadd.f32 $-2.500434820e-01, v51  }
0x4ed: {  	v44 =	vadd.f32 v46, v44;
	v50 =	vadd.f32 $1.493215710e-01, v62;
	v62 =	vmul.f32 v42, v43  }
0x4ee: {  	v39 =	vadd.f32 v39, v40;
	v51 =	vmul.f32 v51, v49;
	v58 =	vmul.f32 v33, v38  }
0x4ef: {  	v41 =	vsub.f32 v41, v44;
	v44 =	vsub.f32 v30, v61;
	v50 =	vmul.f32 v50, v56  }
0x4f0: {  	v39 =	vadd.f32 v39, v62;
	v62 =	vmul.f32 v26, v6;
	v51 =	vadd.f32 $3.333465160e-01, v51  }
0x4f1: {  	v41 =	vmul.f32 v41, v58;
	v46 =	vadd.s32 $0xC0CD0000, v44;
	v58 =	vmul.f32 v29, v6  }
0x4f2: {  	v57 =	vadd.f32 $-1.651149990e-01, v50;
	v55 =	vand.u32 $0xFF800000, v46;
	v59 =	vmul.f32 v51, v49  }
0x4f3: {  	v46 =	vshra.s32 v46, $0x17;
	v51 =	vmul.f32 v28, v6;
	v47 =	vsub.s32 v44, v55  }
0x4f4: {  	v39 =	vadd.f32 v39, v41;
	v46 =	vcvt.s32.f32 v46;
	v63 =	vadd.f32 $-4.999995530e-01, v59  }
0x4f5: {  	v60 =	vmul.f32 v57, v56;
	v47 =	vadd.f32 $-1.000000000e+00, v47;
	v42 =	vadd.f32 v51, v27  }
0x4f6: {  	v59 =	vadd.f32 v58, v21;
	v46 =	vmul.f32 $6.931471820e-01, v46;
	v57 =	vpop (erf);
	v50 =	vmul.f32 v63, v49  }
0x4f7: {  	v48 =	vadd.f32 $1.995013060e-01, v60;
	v61 =	vmul.f32 $9.274272620e-02, v47;
	v42 =	vmul.f32 v42, v57  }
0x4f8: {  	(erf) = vrcp.f32 v53;
	v63 =	vmul.f32 v31, v9;
	v40 =	vadd.f32 $9.999998800e-01, v50  }
0x4f9: {  	v43 =	vmul.f32 v48, v56;
	v60 =	vmul.f32 v42, v42;
	v42 =	vadd.f32 $-1.470776950e-01, v61  }
0x4fa: {  	v50 =	vadd.f32 v62, v23;
	v61 =	vmul.f32 v29, v7;
	v40 =	vmul.f32 v40, v49  }
0x4fb: {  	v43 =	vadd.f32 $-2.500434820e-01, v43;
	v49 =	vmul.f32 v59, v57;
	v41 =	vmul.f32 v60, v24  }
0x4fc: {  	v42 =	vmul.f32 v42, v47;
	v57 =	vmul.f32 v50, v57  }
0x4fd: {  	v58 =	vshra.s32 v54, $0x17;
	v60 =	vmul.f32 v28, v7;
	v43 =	vmul.f32 v43, v56  }
0x4fe: {  	v40 =	vadd.f32 $-7.788711340e-10, v40;
	v49 =	vmul.f32 v49, v49;
	v55 =	vadd.f32 $1.493215710e-01, v42  }
0x4ff: {  	v42 =	vsub.f32 v30, v63;
	v51 =	vadd.f32 v60, v27;
	v63 =	vmul.f32 v26, v7  }
0x500: {  	v60 =	vmul.f32 v31, v10;
	v43 =	vadd.f32 $3.333465160e-01, v43;
	v49 =	vmul.f32 v49, v25  }
0x501: {  	v40 =	vadd.f32 v40, v45;
	v37 =	vmul.f32 v55, v47;
	v48 =	vadd.s32 $0xC0CD0000, v42  }
0x502: {  	v45 =	vmul.f32 v57, v22;
	v53 =	vpop (erf);
	v54 =	vadd.f32 v63, v23;
	(erf) = vrcp.f32 v44  }
0x503: {  	v55 =	vmul.f32 v26, v8;
	v43 =	vmul.f32 v43, v56;
	v59 =	vand.u32 $0xFF800000, v48  }
0x504: {  	v51 =	vmul.f32 v51, v53;
	v41 =	vadd.f32 v49, v41;
	v37 =	vadd.f32 $-1.651149990e-01, v37  }
0x505: {  	v50 =	vsub.s32 v42, v59;
	v49 =	vcvt.s32.f32 v58;
	v40 =	vadd.f32 v40, v45  }
0x506: {  	v45 =	vadd.f32 v61, v21;
	v61 =	vmul.f32 v54, v53;
	v43 =	vadd.f32 $-4.999995530e-01, v43  }
0x507: {  	v50 =	vadd.f32 $-1.000000000e+00, v50;
	v58 =	vmul.f32 v51, v51;
	v37 =	vmul.f32 v37, v47  }
0x508: {  	v57 =	vmul.f32 v45, v53;
	v43 =	vmul.f32 v43, v56  }
0x509: {  	v49 =	vmul.f32 $6.931471820e-01, v49;
	v62 =	vmul.f32 $9.274272620e-02, v50;
	v37 =	vadd.f32 $1.995013060e-01, v37  }
0x50a: {  	v40 =	vsub.f32 v40, v41;
	v41 =	vmul.f32 v57, v57;
	v43 =	vadd.f32 $9.999998800e-01, v43  }
0x50b: {  	v45 =	vmul.f32 v58, v24;
	v52 =	vadd.f32 $-1.470776950e-01, v62;
	v37 =	vmul.f32 v37, v47  }
0x50c: {  	v41 =	vmul.f32 v41, v25;
	v43 =	vmul.f32 v43, v56  }
0x50d: {  	v59 =	vmul.f32 v52, v50;
	v52 =	vsub.f32 v30, v60;
	v56 =	vmul.f32 v32, v38  }
0x50e: {  	v38 =	vmul.f32 v34, v38;
	v37 =	vadd.f32 $-2.500434820e-01, v37;
	v43 =	vadd.f32 $-7.788711340e-10, v43  }
0x50f: {  	v41 =	vadd.f32 v41, v45;
	v51 =	vadd.f32 $1.493215710e-01, v59;
	v45 =	vadd.s32 $0xC0CD0000, v52  }
0x510: {  	v37 =	vmul.f32 v37, v47;
	v62 =	vand.u32 $0xFF800000, v45;
	v43 =	vadd.f32 v43, v49  }
0x511: {  	v51 =	vmul.f32 v51, v50;
	v49 =	vmul.f32 v61, v22;
	v63 =	vsub.s32 v52, v62  }
0x512: {  	v60 =	vmul.f32 v28, v8;
	v37 =	vadd.f32 $3.333465160e-01, v37;
	v44 =	vadd.f32 $-1.000000000e+00, v63  }
0x513: {  	v54 =	vpop (erf);
	(erf) = vrcp.f32 v42;
	v51 =	vadd.f32 $-1.651149990e-01, v51;
	v57 =	vadd.f32 v43, v49  }
0x514: {  	v40 =	vmul.f32 v40, v56;
	v37 =	vmul.f32 v37, v47  }
0x515: {  	v59 =	vmul.f32 $9.274272620e-02, v44;
	v51 =	vmul.f32 v51, v50;
	v36 =	vsub.f32 v57, v41  }
0x516: {  	v39 =	vadd.f32 v39, v40;
	v63 =	vmul.f32 v29, v8;
	v37 =	vadd.f32 $-4.999995530e-01, v37  }
0x517: {  	v49 =	vadd.f32 $-1.470776950e-01, v59;
	v58 =	vadd.f32 $1.995013060e-01, v51;
	v36 =	vmul.f32 v36, v38  }
0x518: {  	v38 =	vadd.f32 v60, v27;
	v51 =	vadd.f32 v55, v23;
	v37 =	vmul.f32 v37, v47  }
0x519: {  	v41 =	vadd.s32 $0x2EE0, v17;
	v62 =	vmul.f32 v49, v44;
	v43 =	vmul.f32 v58, v50  }
0x51a: {  	v60 =	vshra.s32 v48, $0x17;
	v38 =	vmul.f32 v38, v54;
	v56 =	vmul.f32 v51, v54  }
0x51b: {  	v36 =	vadd.f32 v39, v36;
	v58 =	vmul.f32 v31, v11;
	v37 =	vadd.f32 $9.999998800e-01, v37  }
0x51c: {  	v61 =	vadd.f32 $-2.500434820e-01, v43;
	v43 =	vadd.f32 $1.493215710e-01, v62;
	v38 =	vmul.f32 v38, v38  }
0x51d: {  	v42 =	vmul.f32 v56, v22;
	v37 =	vmul.f32 v37, v47;
	v47 =	vadd.f32 v63, v21  }
0x51e: {  	v39 =	vsub.f32 v30, v58;
	v40 =	vmul.f32 v61, v50;
	v43 =	vmul.f32 v43, v44  }
0x51f: {  	v62 =	vmul.f32 v29, v9;
	v47 =	vmul.f32 v47, v54;
	v37 =	vadd.f32 $-7.788711340e-10, v37  }
0x520: {  	v61 =	vmul.f32 v28, v9;
	v40 =	vadd.f32 $3.333465160e-01, v40;
	v43 =	vadd.f32 $-1.651149990e-01, v43  }
0x521: {  	v63 =	vpop (erf);
	(erf) = vrcp.f32 v52;
	v47 =	vmul.f32 v47, v47;
	v37 =	vadd.f32 v37, v46  }
0x522: {  	v46 =	vadd.f32 v61, v27;
	v40 =	vmul.f32 v40, v50;
	v43 =	vmul.f32 v43, v44  }
0x523: {  	v38 =	vmul.f32 v38, v24;
	v57 =	vmul.f32 v47, v25;
	v47 =	vadd.f32 v62, v21  }
0x524: {  	v46 =	vmul.f32 v46, v63;
	v40 =	vadd.f32 $-4.999995530e-01, v40;
	v43 =	vadd.f32 $1.995013060e-01, v43  }
0x525: {  	v38 =	vadd.f32 v57, v38;
	v57 =	vmul.f32 v26, v9;
	v58 =	vmul.f32 v47, v63  }
0x526: {  	v48 =	vadd.s32 $0xC0CD0000, v39;
	v46 =	vmul.f32 v46, v46;
	v40 =	vmul.f32 v40, v50  }
0x527: {  	v37 =	vadd.f32 v37, v42;
	v59 =	vmul.f32 v43, v44;
	v43 =	vcvt.s32.f32 v60  }
0x528: {  	v56 =	vand.u32 $0xFF800000, v48;
	v60 =	vmul.f32 v31, v12;
	v31 =	vmul.f32 v31, v13  }
0x529: {  	v37 =	vsub.f32 v37, v38;
	v46 =	vmul.f32 v46, v24;
	v38 =	vmul.f32 v58, v58  }
0x52a: {  	v51 =	vadd.f32 v57, v23;
	v57 =	vmul.f32 v28, v10;
	v58 =	vmul.f32 v29, v10  }
0x52b: {  	v40 =	vadd.f32 $9.999998800e-01, v40;
	v42 =	vadd.f32 $-2.500434820e-01, v59;
	v43 =	vmul.f32 $6.931471820e-01, v43  }
0x52c: {  	v49 =	vmul.f32 v51, v63;
	v51 =	vsub.f32 v30, v60;
	v38 =	vmul.f32 v38, v25  }
0x52d: {  	v40 =	vmul.f32 v40, v50;
	v42 =	vmul.f32 v42, v44;
	v50 =	vsub.s32 v39, v56  }
0x52e: {  	v60 =	vmul.f32 v26, v10;
	v30 =	vsub.f32 v30, v31;
	v50 =	vadd.f32 $-1.000000000e+00, v50  }
0x52f: {  	v56 =	vshra.s32 v45, $0x17;
	v45 =	vadd.f32 v57, v27;
	v42 =	vadd.f32 $3.333465160e-01, v42  }
0x530: {  	v41 =	vld.idx.msk [tilespmem:v41+s28+$0x0], $0xffff;
	v62 =	vmul.f32 v49, v22;
	v40 =	vadd.f32 $-7.788711340e-10, v40;
	v59 =	vmul.f32 $9.274272620e-02, v50  }
0x531: {  	v49 =	vadd.s32 $0xC0CD0000, v51;
	v38 =	vadd.f32 v38, v46;
	v42 =	vmul.f32 v42, v44  }
0x532: {  	v63 =	vand.u32 $0xFF800000, v49;
	v40 =	vadd.f32 v40, v43;
	v47 =	vadd.f32 $-1.470776950e-01, v59  }
0x533: {  	v53 =	vadd.s32 $0xC0CD0000, v30;
	v55 =	vsub.s32 v51, v63;
	v42 =	vadd.f32 $-4.999995530e-01, v42  }
0x534: {  	v40 =	vadd.f32 v40, v62;
	v62 =	vand.u32 $0xFF800000, v53;
	v61 =	vmul.f32 v47, v50  }
0x535: {  	v59 =	vpop (erf);
	v47 =	vadd.f32 v58, v21;
	(erf) = vrcp.f32 v39;
	v58 =	vmul.f32 v32, v41  }
0x536: {  	v52 =	vsub.s32 v30, v62;
	v42 =	vmul.f32 v42, v44;
	v45 =	vmul.f32 v45, v59  }
0x537: {  	v38 =	vsub.f32 v40, v38;
	v40 =	vcvt.s32.f32 v56;
	v52 =	vadd.f32 $-1.000000000e+00, v52  }
0x538: {  	v43 =	vadd.f32 $1.493215710e-01, v61;
	v47 =	vmul.f32 v47, v59;
	v45 =	vmul.f32 v45, v45  }
0x539: {  	v61 =	vadd.f32 v60, v23;
	v40 =	vmul.f32 $6.931471820e-01, v40;
	v63 =	vmul.f32 $9.274272620e-02, v52  }
0x53a: {  	v42 =	vadd.f32 $9.999998800e-01, v42;
	v38 =	vmul.f32 v38, v58;
	v43 =	vmul.f32 v43, v50  }
0x53b: {  	v47 =	vmul.f32 v47, v47;
	v31 =	vmul.f32 v61, v59  }
0x53c: {  	v61 =	vmul.f32 v28, v11;
	v42 =	vmul.f32 v42, v44  }
0x53d: {  	v44 =	vadd.f32 $-1.000000000e+00, v55;
	v45 =	vmul.f32 v45, v24;
	v54 =	vadd.f32 $-1.470776950e-01, v63  }
0x53e: {  	v55 =	vmul.f32 v33, v41;
	v41 =	vmul.f32 v34, v41;
	v43 =	vadd.f32 $-1.651149990e-01, v43  }
0x53f: {  	v62 =	vshra.s32 v48, $0x17;
	v47 =	vmul.f32 v47, v25;
	v46 =	vmul.f32 $9.274272620e-02, v44  }
0x540: {  	v42 =	vadd.f32 $-7.788711340e-10, v42;
	v39 =	vmul.f32 v54, v52;
	v43 =	vmul.f32 v43, v50  }
0x541: {  	v63 =	vmul.f32 v29, v11;
	v45 =	vadd.f32 v47, v45;
	v46 =	vadd.f32 $-1.470776950e-01, v46  }
0x542: {  	v37 =	vmul.f32 v37, v55;
	v39 =	vadd.f32 $1.493215710e-01, v39;
	v43 =	vadd.f32 $1.995013060e-01, v43  }
0x543: {  	v40 =	vadd.f32 v42, v40;
	v48 =	vpop (erf);
	(erf) = vrcp.f32 v51;
	v46 =	vmul.f32 v46, v44  }
0x544: {  	v36 =	vadd.f32 v36, v37;
	v39 =	vmul.f32 v39, v52;
	v43 =	vmul.f32 v43, v50  }
0x545: {  	v31 =	vmul.f32 v31, v22;
	v37 =	vadd.f32 v61, v27;
	v46 =	vadd.f32 $1.493215710e-01, v46  }
0x546: {  	v55 =	vmul.f32 v28, v12;
	v39 =	vadd.f32 $-1.651149990e-01, v39;
	v43 =	vadd.f32 $-2.500434820e-01, v43  }
0x547: {  	v31 =	vadd.f32 v40, v31;
	v37 =	vmul.f32 v37, v48;
	v46 =	vmul.f32 v46, v44  }
0x548: {  	v17 =	vadd.s32 $0x36B0, v17;
	v39 =	vmul.f32 v39, v52;
	v43 =	vmul.f32 v43, v50  }
0x549: {  	v28 =	vmul.f32 v28, v13;
	v31 =	vsub.f32 v31, v45;
	v46 =	vadd.f32 $-1.651149990e-01, v46  }
0x54a: {  	v37 =	vmul.f32 v37, v37;
	v39 =	vadd.f32 $1.995013060e-01, v39;
	v43 =	vadd.f32 $3.333465160e-01, v43  }
0x54b: {  	v31 =	vmul.f32 v31, v41;
	v46 =	vmul.f32 v46, v44  }
0x54c: {  	v39 =	vmul.f32 v39, v52;
	v56 =	vmul.f32 v43, v50  }
0x54d: {  	v37 =	vmul.f32 v37, v24;
	v58 =	vpop (erf);
	(erf) = vrcp.f32 v30;
	v57 =	vadd.f32 $1.995013060e-01, v46  }
0x54e: {  	v39 =	vadd.f32 $-2.500434820e-01, v39;
	v42 =	vadd.f32 $-4.999995530e-01, v56;
	v56 =	vmul.f32 v29, v12  }
0x54f: {  	v17 =	vld.idx.msk [tilespmem:v17+s28+$0x0], $0xffff;
	v29 =	vmul.f32 v29, v13;
	v43 =	vmul.f32 v57, v44  }
0x550: {  	v39 =	vmul.f32 v39, v52;
	v57 =	vmul.f32 v26, v12  }
0x551: {  	v59 =	vmul.f32 v42, v50;
	v42 =	vcvt.s32.f32 v62;
	v60 =	vadd.f32 $-2.500434820e-01, v43  }
0x552: {  	v43 =	vadd.f32 v63, v21;
	v62 =	vadd.f32 v57, v23;
	v63 =	vshra.s32 v49, $0x17  }
0x553: {  	v40 =	vadd.f32 $9.999998800e-01, v59;
	v42 =	vmul.f32 $6.931471820e-01, v42;
	v46 =	vcvt.s32.f32 v63  }
0x554: {  	v59 =	vadd.f32 v56, v21;
	v56 =	vmul.f32 v32, v17;
	v41 =	vmul.f32 v60, v44  }
0x555: {  	v36 =	vadd.f32 v36, v38;
	v43 =	vmul.f32 v43, v48;
	v45 =	vmul.f32 v62, v58  }
0x556: {  	v21 =	vadd.f32 v29, v21;
	v40 =	vmul.f32 v40, v50;
	v50 =	vmul.f32 v26, v11  }
0x557: {  	v60 =	vadd.f32 $3.333465160e-01, v39;
	v30 =	vmul.f32 v59, v58;
	v26 =	vmul.f32 v26, v13  }
0x558: {  	v49 =	vpop (erf);
	v41 =	vadd.f32 $3.333465160e-01, v41;
	v51 =	vmul.f32 v43, v43;
	v43 =	vadd.f32 v55, v27  }
0x559: {  	v21 =	vmul.f32 v21, v49;
	v27 =	vadd.f32 v28, v27;
	v40 =	vadd.f32 $-7.788711340e-10, v40  }
0x55a: {  	v54 =	vadd.f32 v50, v23;
	v41 =	vmul.f32 v41, v44;
	v38 =	vmul.f32 v51, v25  }
0x55b: {  	v30 =	vmul.f32 v30, v30;
	v23 =	vadd.f32 v26, v23;
	v21 =	vmul.f32 v21, v21  }
0x55c: {  	v41 =	vadd.f32 $-4.999995530e-01, v41;
	v37 =	vadd.f32 v38, v37;
	v38 =	vmul.f32 v60, v52  }
0x55d: {  	v50 =	vshra.s32 v53, $0x17;
	v43 =	vmul.f32 v43, v58;
	v27 =	vmul.f32 v27, v49  }
0x55e: {  	v26 =	vcvt.s32.f32 v50;
	v41 =	vmul.f32 v41, v44;
	v38 =	vadd.f32 $-4.999995530e-01, v38  }
0x55f: {  	v40 =	vadd.f32 v40, v42;
	v42 =	vmul.f32 v54, v48;
	v30 =	vmul.f32 v30, v25  }
0x560: {  	v23 =	vmul.f32 v23, v49;
	v41 =	vadd.f32 $9.999998800e-01, v41;
	v38 =	vmul.f32 v38, v52  }
0x561: {  	v19 =	vadd.f32 v20, v19;
	v21 =	vmul.f32 v21, v25;
	v43 =	vmul.f32 v43, v43  }
0x562: {  	v27 =	vmul.f32 v27, v27;
	v41 =	vmul.f32 v41, v44;
	v38 =	vadd.f32 $9.999998800e-01, v38  }
0x563: {  	v15 =	vnsel vm12, $0x0, v15;
	v26 =	vmul.f32 $6.931471820e-01, v26;
	v61 =	vmul.f32 v42, v22  }
0x564: {  	v42 =	vmul.f32 $6.931471820e-01, v46;
	v41 =	vadd.f32 $-7.788711340e-10, v41;
	v38 =	vmul.f32 v38, v52  }
0x565: {  	v47 =	vmul.f32 v43, v24;
	v24 =	vmul.f32 v27, v24;
	v39 =	vadd.f32 v40, v61  }
0x566: {  	v40 =	vmul.f32 v45, v22;
	v41 =	vadd.f32 v41, v42;
	v38 =	vadd.f32 $-7.788711340e-10, v38  }
0x567: {  	v22 =	vmul.f32 v23, v22;
	v30 =	vadd.f32 v30, v47;
	v37 =	vsub.f32 v39, v37  }
0x568: {  	s18 =	sadd.s32 $0x20, s13;
	v52 =	vmul.f32 v33, v17;
	v48 =	vadd.f32 v41, v40;
	v26 =	vadd.f32 v38, v26  }
0x569: {  	v53 =	vadd.f32 v36, v31;
	v51 =	vmov s18;
	v21 =	vadd.f32 v21, v24  }
0x56a: {  	v54 =	vmul.f32 v37, v52;
	v55 =	vsub.f32 v48, v30;
	v22 =	vadd.f32 v26, v22  }
0x56b: {  	v18 =	vmul.f32 v35, v18;
	vm13 =	vgt.s32 v51, v0;
	v17 =	vmul.f32 v34, v17  }
0x56c: {  	v57 =	vadd.f32 v53, v54;
	v58 =	vmul.f32 v55, v56;
	v21 =	vsub.f32 v22, v21  }
0x56d: {  	s19 =	sadd.s32 $0x10, s13;
	s29 =	sadd.s32 $0x6, s29;
	v14 =	vadd.f32 v15, v14;
	v59 =	vadd.f32 v19, v18;
	v15 =	vnsel vm13, $0x0, v16  }
0x56e: {  	p0 =	slt.u32 s29, $0x612;
	v60 =	vmov s19;
	v61 =	vadd.f32 v57, v58;
	v17 =	vmul.f32 v21, v17  }
.Ltmp0:
0x56f: {  	v14 =	vadd.f32 v15, v14;
	vm14 =	vgt.s32 v60, v0;
	(pc) =	sbr.rel @p0 .LBB2_2-.Ltmp0, $4  }
0x570: {  	v63 =	vmov s13;
	v15 =	vnsel vm14, $0x0, v59;
	v62 =	vadd.f32 v61, v17  }
0x571: {  	vm15 =	vgt.s32 v63, v0;
	v14 =	vadd.f32 v15, v14  }
0x572: {  	v15 =	vnsel vm15, $0x0, v62  }
0x573: {  	s31 =	sadd.s32 $0x60, s31;
	s30 =	sadd.s32 $0x60, s30;
	s13 =	sadd.s32 $0xFFFFFFA0, s13;
	v14 =	vadd.f32 v15, v14  }
0x574: {  	s13 =	smov.u32 s14  }
.LBB2_4:
0x575: {  	s15 =	sshra.s32 s28, $0x2  }
0x576: {  	v28 =	vld [tilespmem:s15+$0x16810]  }
0x577: {  	v15 =	vld [tilespmem:s15+$0x10660];
	_ =	sdelay $0x3  }
0x578: {  	v16 =	vadd.s32 $0x3E80, v28  }
0x579: {  	v17 =	vadd.s32 $0x7D0, v15  }
0x57a: {  	v18 =	vadd.s32 $0x4650, v28;
	_ =	sdelay $0x1  }
0x57b: {  	v19 =	vld.idx.msk [tilespmem:v15+s3+$0x0], $0xffff  }
0x57c: {  	v16 =	vld.idx.msk [tilespmem:v16+s3+$0x0], $0xffff  }
0x57d: {  	v17 =	vld.idx.msk [tilespmem:v17+s3+$0x0], $0xffff  }
0x57e: {  	v18 =	vld.idx.msk [tilespmem:v18+s3+$0x0], $0xffff;
	_ =	sdelay $0x2  }
0x57f: {  	v16 =	vadd.f32 v16, v19;
	_ =	sdelay $0x1  }
0x580: {  	v17 =	vadd.f32 v18, v17;
	v16 =	vadd.f32 v16, v1;
	_ =	sdelay $0x1  }
0x581: {  	v18 =	vadd.f32 v17, v16;
	_ =	sdelay $0x1  }
0x582: {  	v18 =	vsub.f32 $0.0e+00, v18;
	_ =	sdelay $0x1  }
0x583: {  	v18 =	vmul.f32 $1.442695020e+00, v18;
	_ =	sdelay $0x1  }
0x584: {  	(erf) = vpow2.f32 v18;
	_ =	sdelay $0x6  }
0x585: {  	v16 =	vsub.f32 v17, v16;
	_ =	sdelay $0x1  }
0x586: {  	v16 =	vadd.f32 $0.0e+00, v16;
	v37 =	vpop (erf)  }
0x587: {  	v17 =	vadd.f32 $1.000000000e+00, v37  }
0x588: {  	v16 =	vmul.f32 $1.442695020e+00, v16  }
0x589: {  	(erf) = vrcp.f32 v17  }
0x58a: {  	(erf) = vpow2.f32 v16;
	_ =	sdelay $0x7  }
0x58b: {  	v38 =	vpop (erf)  }
0x58c: {  	v39 =	vpop (erf)  }
0x58d: {  	v17 =	vadd.f32 $1.000000000e+00, v39;
	_ =	sdelay $0x1  }
0x58e: {  	(erf) = vrcp.f32 v17;
	_ =	sdelay $0x8  }
0x58f: {  	v22 =	vadd.s32 $0x1770, v15;
	v17 =	vpop (erf)  }
0x590: {  	v23 =	vadd.s32 $0x55F0, v28;
	v26 =	vsub.f32 v38, v17;
	_ =	sdelay $0x1  }
0x591: {  	v25 =	vsub.f32 $1.000000000e+00, v17;
	v40 =	vmul.f32 v26, v2;
	_ =	sdelay $0x1  }
0x592: {  	v22 =	vld.idx.msk [tilespmem:v22+s3+$0x0], $0xffff;
	v41 =	vsub.f32 v25, v40  }
0x593: {  	v23 =	vld.idx.msk [tilespmem:v23+s3+$0x0], $0xffff;
	v20 =	vmul.f32 v26, v3  }
0x594: {  	v24 =	vadd.s32 $0xC0CD0000, v41  }
0x595: {  	v29 =	vsub.f32 v25, v20;
	v42 =	vand.u32 $0xFF800000, v24  }
0x596: {  	v18 =	vsub.s32 v41, v42  }
0x597: {  	v21 =	vadd.s32 $0xFA0, v15;
	v32 =	vadd.s32 $0xC0CD0000, v29;
	v27 =	vadd.f32 $-1.000000000e+00, v18  }
0x598: {  	v43 =	vadd.s32 $0x4E20, v28;
	v50 =	vadd.f32 v23, v22;
	v30 =	vand.u32 $0xFF800000, v32  }
0x599: {  	v31 =	vsub.f32 $1.000000000e+00, v38;
	v30 =	vsub.s32 v29, v30;
	v18 =	vmul.f32 $9.274272620e-02, v27  }
0x59a: {  	v52 =	vadd.s32 $0x5DC0, v28;
	v16 =	vadd.f32 v38, v38;
	v33 =	vadd.f32 $-1.000000000e+00, v30  }
0x59b: {  	v44 =	vmul.f32 v31, v38;
	v45 =	vadd.f32 v17, v17;
	v18 =	vadd.f32 $-1.470776950e-01, v18  }
0x59c: {  	v35 =	vsub.f32 $1.000000000e+00, v16;
	v51 =	vmul.f32 v26, v4;
	v34 =	vmul.f32 $9.274272620e-02, v33  }
0x59d: {  	v16 =	vmul.f32 v25, v17;
	v46 =	vsub.f32 $1.000000000e+00, v45;
	v18 =	vmul.f32 v18, v27  }
0x59e: {  	v35 =	vmul.f32 v35, v44;
	v37 =	vsub.f32 v25, v51;
	v47 =	vadd.f32 $-1.470776950e-01, v34  }
0x59f: {  	v45 =	vmul.f32 v26, v5;
	v55 =	vadd.f32 v16, v44;
	v18 =	vadd.f32 $1.493215710e-01, v18  }
0x5a0: {  	v21 =	vld.idx.msk [tilespmem:v21+s3+$0x0], $0xffff;
	v22 =	vsub.f32 v16, v44;
	(erf) = vrcp.f32 v41;
	v49 =	vmul.f32 v47, v33  }
0x5a1: {  	v20 =	vld.idx.msk [tilespmem:v43+s3+$0x0], $0xffff;
	v36 =	vmul.f32 v46, v16;
	v23 =	vsub.f32 $0.0e+00, v55;
	v18 =	vmul.f32 v18, v27  }
0x5a2: {  	v38 =	vadd.s32 $0xC0CD0000, v37;
	v60 =	vmul.f32 v22, v2;
	v53 =	vadd.f32 $1.493215710e-01, v49  }
0x5a3: {  	v24 =	vshra.s32 v24, $0x17;
	v42 =	vmul.f32 v23, v2;
	v18 =	vadd.f32 $-1.651149990e-01, v18  }
0x5a4: {  	v32 =	vshra.s32 v32, $0x17;
	v43 =	vcvt.s32.f32 v24;
	v54 =	vmul.f32 v53, v33  }
0x5a5: {  	v41 =	vand.u32 $0xFF800000, v38;
	v32 =	vcvt.s32.f32 v32;
	v18 =	vmul.f32 v18, v27  }
0x5a6: {  	v38 =	vshra.s32 v38, $0x17;
	v20 =	vadd.f32 v20, v21;
	v40 =	vadd.f32 $-1.651149990e-01, v54  }
0x5a7: {  	v21 =	vsub.f32 $0.0e+00, v16;
	v57 =	vsub.s32 v37, v41;
	v18 =	vadd.f32 $1.995013060e-01, v18  }
0x5a8: {  	v38 =	vcvt.s32.f32 v38;
	v59 =	vmul.f32 v40, v33;
	v40 =	vadd.f32 $-1.000000000e+00, v57  }
0x5a9: {  	v42 =	vadd.f32 v42, v16;
	v62 =	vpop (erf);
	(erf) = vrcp.f32 v29;
	v18 =	vmul.f32 v18, v27  }
0x5aa: {  	v32 =	vmul.f32 $6.931471820e-01, v32;
	v31 =	vadd.f32 v60, v21;
	v61 =	vmul.f32 $9.274272620e-02, v40  }
0x5ab: {  	v56 =	vadd.f32 v50, v20;
	v19 =	vmul.f32 $5.000000000e-01, v20;
	v18 =	vadd.f32 $-2.500434820e-01, v18  }
0x5ac: {  	v20 =	vmul.f32 $5.000000000e-01, v50;
	v31 =	vmul.f32 v31, v62;
	v41 =	vadd.f32 $-1.470776950e-01, v61  }
0x5ad: {  	v24 =	vsub.f32 $0.0e+00, v36;
	v63 =	vmul.f32 v42, v62;
	v48 =	vmul.f32 v18, v27  }
0x5ae: {  	v31 =	vmul.f32 v31, v31;
	v61 =	vadd.s32 $0x6590, v28;
	v41 =	vmul.f32 v41, v40  }
0x5af: {  	v60 =	vmul.f32 v22, v3;
	v38 =	vmul.f32 $6.931471820e-01, v38;
	v17 =	vadd.f32 $3.333465160e-01, v48  }
0x5b0: {  	v34 =	vadd.s32 $0x1F40, v15;
	v50 =	vmul.f32 v31, v19;
	v41 =	vadd.f32 $1.493215710e-01, v41  }
0x5b1: {  	v18 =	vsub.f32 v36, v35;
	v36 =	vmul.f32 v63, v63;
	v17 =	vmul.f32 v17, v27  }
0x5b2: {  	v47 =	vadd.s32 $0x6D60, v28;
	v63 =	vpop (erf);
	(erf) = vrcp.f32 v37;
	v41 =	vmul.f32 v41, v40  }
0x5b3: {  	v28 =	vld.idx.msk [tilespmem:v61+s3+$0x0], $0xffff;
	v61 =	vmul.f32 v22, v5;
	v44 =	vmul.f32 v18, v2;
	v39 =	vadd.f32 $-4.999995530e-01, v17  }
0x5b4: {  	v48 =	vmul.f32 $6.931471820e-01, v43;
	v36 =	vmul.f32 v36, v20;
	v53 =	vadd.f32 $-1.651149990e-01, v41  }
0x5b5: {  	v41 =	vsub.f32 v25, v45;
	v58 =	vmul.f32 v39, v27;
	v39 =	vadd.f32 $1.995013060e-01, v59  }
0x5b6: {  	v46 =	vmul.f32 v18, v3;
	v49 =	vadd.f32 v44, v24;
	v36 =	vadd.f32 v36, v50  }
0x5b7: {  	v42 =	vadd.s32 $0xC0CD0000, v41;
	v30 =	vadd.f32 $9.999998800e-01, v58;
	v39 =	vmul.f32 v39, v33  }
0x5b8: {  	v17 =	vmul.f32 $5.000000000e-01, v56;
	v54 =	vand.u32 $0xFF800000, v42;
	v42 =	vshra.s32 v42, $0x17  }
0x5b9: {  	v42 =	vcvt.s32.f32 v42;
	v27 =	vmul.f32 v30, v27;
	v39 =	vadd.f32 $-2.500434820e-01, v39  }
0x5ba: {  	v29 =	vsub.s32 v41, v54;
	v30 =	vmul.f32 v49, v62;
	v62 =	vmul.f32 v23, v3  }
0x5bb: {  	v31 =	vld.idx.msk [tilespmem:v34+s3+$0x0], $0xffff;
	v54 =	vmul.f32 v23, v4;
	v29 =	vadd.f32 $-1.000000000e+00, v29;
	v39 =	vmul.f32 v39, v33  }
0x5bc: {  	v42 =	vmul.f32 $6.931471820e-01, v42;
	v49 =	vmul.f32 v26, v6;
	v44 =	vadd.f32 v62, v16  }
0x5bd: {  	v58 =	vmul.f32 $9.274272620e-02, v29;
	v51 =	vadd.f32 $-7.788711340e-10, v27;
	v27 =	vld.idx.msk [tilespmem:v52+s3+$0x0], $0xffff;
	v39 =	vadd.f32 $3.333465160e-01, v39  }
0x5be: {  	v30 =	vmul.f32 v30, v17;
	v37 =	vsub.f32 v25, v49;
	v44 =	vmul.f32 v44, v63  }
0x5bf: {  	v34 =	vadd.f32 v51, v48;
	v52 =	vmul.f32 v39, v33;
	v39 =	vmul.f32 v53, v40  }
0x5c0: {  	v51 =	vadd.f32 v46, v24;
	v46 =	vmul.f32 v28, v31;
	v49 =	vpop (erf);
	(erf) = vrcp.f32 v41  }
0x5c1: {  	v50 =	vmul.f32 v44, v44;
	v35 =	vadd.f32 $-4.999995530e-01, v52;
	v56 =	vadd.f32 $1.995013060e-01, v39  }
0x5c2: {  	v30 =	vadd.f32 v34, v30;
	v53 =	vmul.f32 v22, v4;
	v57 =	vmul.f32 v27, v31  }
0x5c3: {  	v44 =	vadd.s32 $0xC0CD0000, v37;
	v55 =	vmul.f32 v35, v33;
	v35 =	vmul.f32 v56, v40  }
0x5c4: {  	v30 =	vsub.f32 v30, v36;
	v39 =	vadd.f32 $-1.470776950e-01, v58;
	v43 =	vmul.f32 v50, v20  }
0x5c5: {  	v52 =	vand.u32 $0xFF800000, v44;
	v34 =	vadd.f32 $9.999998800e-01, v55;
	v59 =	vadd.f32 $-2.500434820e-01, v35  }
0x5c6: {  	v50 =	vmul.f32 v18, v4;
	v39 =	vmul.f32 v39, v29;
	v35 =	vadd.f32 v60, v21  }
0x5c7: {  	v45 =	vsub.s32 v37, v52;
	v33 =	vmul.f32 v34, v33;
	v34 =	vmul.f32 v59, v40  }
0x5c8: {  	v52 =	vadd.f32 v61, v21;
	v39 =	vadd.f32 $1.493215710e-01, v39;
	v35 =	vmul.f32 v35, v63  }
0x5c9: {  	v61 =	vmul.f32 v26, v8;
	v30 =	vmul.f32 v30, v57;
	v34 =	vadd.f32 $3.333465160e-01, v34  }
0x5ca: {  	v48 =	vmul.f32 v39, v29;
	v33 =	vadd.f32 $-7.788711340e-10, v33;
	v35 =	vmul.f32 v35, v35  }
0x5cb: {  	v36 =	vadd.s32 $0x2710, v15;
	v39 =	vmul.f32 v51, v63;
	v34 =	vmul.f32 v34, v40  }
0x5cc: {  	v32 =	vadd.f32 v33, v32;
	v33 =	vadd.f32 $-1.651149990e-01, v48;
	v35 =	vmul.f32 v35, v19  }
0x5cd: {  	v56 =	vmul.f32 v26, v7;
	v39 =	vmul.f32 v39, v17;
	v34 =	vadd.f32 $-4.999995530e-01, v34  }
0x5ce: {  	v33 =	vmul.f32 v33, v29;
	v35 =	vadd.f32 v43, v35;
	v43 =	vadd.f32 v53, v21  }
0x5cf: {  	v63 =	vmul.f32 v23, v5;
	v32 =	vadd.f32 v32, v39;
	v39 =	vsub.f32 v25, v56  }
0x5d0: {  	v53 =	vpop (erf);
	(erf) = vrcp.f32 v37;
	v34 =	vmul.f32 v34, v40;
	v33 =	vadd.f32 $1.995013060e-01, v33  }
0x5d1: {  	v43 =	vmul.f32 v43, v49;
	v32 =	vsub.f32 v32, v35;
	v41 =	vadd.s32 $0xC0CD0000, v39  }
0x5d2: {  	v62 =	vand.u32 $0xFF800000, v41;
	v34 =	vadd.f32 $9.999998800e-01, v34;
	v33 =	vmul.f32 v33, v29  }
0x5d3: {  	v41 =	vshra.s32 v41, $0x17;
	v43 =	vmul.f32 v43, v43;
	v32 =	vmul.f32 v32, v46  }
0x5d4: {  	v34 =	vmul.f32 v34, v40;
	v40 =	vadd.f32 $-1.000000000e+00, v45;
	v33 =	vadd.f32 $-2.500434820e-01, v33  }
0x5d5: {  	v41 =	vcvt.s32.f32 v41;
	v45 =	vadd.f32 v54, v16;
	v57 =	vmul.f32 v43, v19  }
0x5d6: {  	v50 =	vadd.f32 v50, v24;
	v48 =	vmul.f32 $9.274272620e-02, v40;
	v33 =	vmul.f32 v33, v29  }
0x5d7: {  	v54 =	vmul.f32 v18, v5;
	v34 =	vadd.f32 $-7.788711340e-10, v34;
	v45 =	vmul.f32 v45, v49  }
0x5d8: {  	v41 =	vmul.f32 $6.931471820e-01, v41;
	v48 =	vadd.f32 $-1.470776950e-01, v48;
	v33 =	vadd.f32 $3.333465160e-01, v33  }
0x5d9: {  	v37 =	vsub.f32 v25, v61;
	v49 =	vmul.f32 v50, v49;
	v45 =	vmul.f32 v45, v45  }
0x5da: {  	v34 =	vadd.f32 v34, v38;
	v48 =	vmul.f32 v48, v40;
	v33 =	vmul.f32 v33, v29  }
0x5db: {  	v59 =	vmul.f32 v49, v17;
	v49 =	vadd.f32 v54, v24;
	v58 =	vmul.f32 v45, v20  }
0x5dc: {  	v45 =	vsub.s32 v39, v62;
	v48 =	vadd.f32 $1.493215710e-01, v48;
	v33 =	vadd.f32 $-4.999995530e-01, v33  }
0x5dd: {  	v34 =	vadd.f32 v34, v59;
	v43 =	vadd.f32 $-1.000000000e+00, v45;
	v45 =	vmul.f32 v49, v53  }
0x5de: {  	v62 =	vshra.s32 v44, $0x17;
	v55 =	vmul.f32 v48, v40;
	v33 =	vmul.f32 v33, v29  }
0x5df: {  	v60 =	vadd.f32 v58, v57;
	v45 =	vmul.f32 v45, v17;
	v48 =	vadd.f32 v63, v16  }
0x5e0: {  	v63 =	vmul.f32 v22, v6;
	v38 =	vadd.f32 $-1.651149990e-01, v55;
	v33 =	vadd.f32 $9.999998800e-01, v33  }
0x5e1: {  	v44 =	vadd.s32 $0xC0CD0000, v37;
	v55 =	vmul.f32 $9.274272620e-02, v43;
	v48 =	vmul.f32 v48, v53  }
0x5e2: {  	v34 =	vsub.f32 v34, v60;
	v38 =	vmul.f32 v38, v40;
	v29 =	vmul.f32 v33, v29  }
0x5e3: {  	v33 =	vmul.f32 v52, v53;
	v50 =	vadd.f32 $-1.470776950e-01, v55;
	v56 =	vmul.f32 v48, v48  }
0x5e4: {  	v52 =	vand.u32 $0xFF800000, v44;
	v53 =	vmul.f32 v23, v6;
	v38 =	vadd.f32 $1.995013060e-01, v38  }
0x5e5: {  	v33 =	vmul.f32 v33, v33;
	v57 =	vadd.f32 $-7.788711340e-10, v29;
	v58 =	vmul.f32 v50, v43  }
0x5e6: {  	v29 =	vld.idx.msk [tilespmem:v47+s3+$0x0], $0xffff;
	v35 =	vmul.f32 v56, v20;
	v47 =	vsub.s32 v37, v52;
	v38 =	vmul.f32 v38, v40  }
0x5e7: {  	v36 =	vld.idx.msk [tilespmem:v36+s3+$0x0], $0xffff;
	v55 =	vpop (erf);
	v48 =	vadd.f32 v53, v16;
	(erf) = vrcp.f32 v39;
	v59 =	vadd.f32 $1.493215710e-01, v58  }
0x5e8: {  	v46 =	vadd.f32 $-1.000000000e+00, v47;
	v33 =	vmul.f32 v33, v19;
	v38 =	vadd.f32 $-2.500434820e-01, v38  }
0x5e9: {  	v42 =	vadd.f32 v57, v42;
	v48 =	vmul.f32 v48, v55;
	v60 =	vmul.f32 v59, v43  }
0x5ea: {  	v57 =	vmul.f32 v18, v6;
	v33 =	vadd.f32 v35, v33;
	v38 =	vmul.f32 v38, v40  }
0x5eb: {  	v56 =	vmul.f32 $9.274272620e-02, v46;
	v42 =	vadd.f32 v42, v45;
	v35 =	vadd.f32 $-1.651149990e-01, v60  }
0x5ec: {  	v45 =	vmul.f32 v27, v36;
	v58 =	vmul.f32 v48, v48;
	v38 =	vadd.f32 $3.333465160e-01, v38  }
0x5ed: {  	v59 =	vadd.f32 v57, v24;
	v31 =	vmul.f32 v29, v31;
	v35 =	vmul.f32 v35, v43  }
0x5ee: {  	v49 =	vadd.f32 $-1.470776950e-01, v56;
	v33 =	vsub.f32 v42, v33;
	v38 =	vmul.f32 v38, v40  }
0x5ef: {  	v42 =	vcvt.s32.f32 v62;
	v60 =	vmul.f32 v26, v9;
	v35 =	vadd.f32 $1.995013060e-01, v35  }
0x5f0: {  	v47 =	vmul.f32 v59, v55;
	v49 =	vmul.f32 v49, v46;
	v38 =	vadd.f32 $-4.999995530e-01, v38  }
0x5f1: {  	v34 =	vmul.f32 v34, v31;
	v35 =	vmul.f32 v35, v43  }
0x5f2: {  	v54 =	vadd.f32 v63, v21;
	v42 =	vmul.f32 $6.931471820e-01, v42;
	v38 =	vmul.f32 v38, v40  }
0x5f3: {  	v63 =	vmul.f32 v47, v17;
	v61 =	vadd.f32 $1.493215710e-01, v49;
	v35 =	vadd.f32 $-2.500434820e-01, v35  }
0x5f4: {  	v31 =	vmul.f32 v33, v45;
	v49 =	vsub.f32 v25, v60;
	v38 =	vadd.f32 $9.999998800e-01, v38  }
0x5f5: {  	v60 =	vmul.f32 v22, v7;
	v35 =	vmul.f32 v35, v43  }
0x5f6: {  	v52 =	vmul.f32 v61, v46;
	v48 =	vadd.s32 $0xC0CD0000, v49;
	v38 =	vmul.f32 v38, v40  }
0x5f7: {  	v40 =	vmul.f32 v54, v55;
	v51 =	vadd.f32 $3.333465160e-01, v35;
	v54 =	vand.u32 $0xFF800000, v48  }
0x5f8: {  	v55 =	vadd.f32 $-1.651149990e-01, v52;
	v52 =	vmul.f32 v18, v7;
	v38 =	vadd.f32 $-7.788711340e-10, v38  }
0x5f9: {  	v56 =	vsub.s32 v49, v54;
	v40 =	vmul.f32 v40, v40;
	v62 =	vmul.f32 v51, v43  }
0x5fa: {  	v54 =	vmul.f32 v28, v36;
	v36 =	vmul.f32 v29, v36;
	v38 =	vadd.f32 v38, v42  }
0x5fb: {  	v40 =	vmul.f32 v40, v19;
	v42 =	vmul.f32 v58, v20;
	v53 =	vadd.f32 $-4.999995530e-01, v62  }
0x5fc: {  	v47 =	vadd.f32 $-1.000000000e+00, v56;
	v58 =	vmul.f32 v55, v46;
	v62 =	vmul.f32 v23, v7  }
0x5fd: {  	v40 =	vadd.f32 v42, v40;
	v38 =	vadd.f32 v38, v63;
	v42 =	vmul.f32 v53, v43  }
0x5fe: {  	v61 =	vmul.f32 $9.274272620e-02, v47;
	v55 =	vmul.f32 v26, v10;
	v45 =	vadd.f32 v62, v16  }
0x5ff: {  	v63 =	vpop (erf);
	(erf) = vrcp.f32 v37;
	v57 =	vsub.f32 v38, v40;
	v59 =	vadd.f32 $9.999998800e-01, v42  }
0x600: {  	v62 =	vmul.f32 v22, v8;
	v38 =	vadd.f32 $1.995013060e-01, v58;
	v40 =	vadd.f32 v60, v21  }
0x601: {  	v42 =	vadd.f32 $-1.470776950e-01, v61;
	v45 =	vmul.f32 v45, v63;
	v39 =	vmul.f32 v59, v43  }
0x602: {  	v50 =	vadd.f32 v52, v24;
	v38 =	vmul.f32 v38, v46;
	v40 =	vmul.f32 v40, v63  }
0x603: {  	v35 =	vadd.s32 $0x2EE0, v15;
	v42 =	vmul.f32 v42, v47;
	v53 =	vmul.f32 v45, v45  }
0x604: {  	v51 =	vadd.f32 $0.0e+00, v30;
	v43 =	vmul.f32 v50, v63;
	v30 =	vmul.f32 v57, v54  }
0x605: {  	v63 =	vshra.s32 v44, $0x17;
	v50 =	vmul.f32 v23, v8;
	v39 =	vadd.f32 $-7.788711340e-10, v39  }
0x606: {  	v54 =	vmul.f32 v18, v8;
	v38 =	vadd.f32 $-2.500434820e-01, v38;
	v42 =	vadd.f32 $1.493215710e-01, v42  }
0x607: {  	v40 =	vmul.f32 v40, v40;
	v56 =	vmul.f32 v43, v17;
	v43 =	vsub.f32 v25, v55  }
0x608: {  	v44 =	vadd.f32 v50, v16;
	v38 =	vmul.f32 v38, v46;
	v42 =	vmul.f32 v42, v47  }
0x609: {  	v39 =	vadd.f32 v39, v41;
	v40 =	vmul.f32 v40, v19;
	v41 =	vmul.f32 v53, v20  }
0x60a: {  	v53 =	vpop (erf);
	(erf) = vrcp.f32 v49;
	v49 =	vadd.f32 v54, v24;
	v38 =	vadd.f32 $3.333465160e-01, v38  }
0x60b: {  	v54 =	vmul.f32 v23, v9;
	v42 =	vadd.f32 $-1.651149990e-01, v42;
	v57 =	vadd.f32 v41, v40  }
0x60c: {  	v37 =	vadd.f32 v39, v56;
	v40 =	vadd.s32 $0xC0CD0000, v43;
	v41 =	vadd.f32 v62, v21  }
0x60d: {  	v44 =	vmul.f32 v44, v53;
	v59 =	vand.u32 $0xFF800000, v40;
	v40 =	vshra.s32 v40, $0x17  }
0x60e: {  	v38 =	vmul.f32 v38, v46;
	v42 =	vmul.f32 v42, v47;
	v33 =	vsub.f32 v37, v57  }
0x60f: {  	v61 =	vsub.s32 v43, v59;
	v41 =	vmul.f32 v41, v53;
	v44 =	vmul.f32 v44, v44  }
0x610: {  	v59 =	vmul.f32 v22, v9;
	v40 =	vcvt.s32.f32 v40;
	v39 =	vadd.f32 $-1.000000000e+00, v61  }
0x611: {  	v61 =	vmul.f32 v26, v11;
	v58 =	vadd.f32 $1.995013060e-01, v42;
	v42 =	vcvt.s32.f32 v63  }
0x612: {  	v38 =	vadd.f32 $-4.999995530e-01, v38;
	v41 =	vmul.f32 v41, v41;
	v44 =	vmul.f32 v44, v20  }
0x613: {  	v15 =	vadd.s32 $0x36B0, v15;
	v33 =	vmul.f32 v33, v36;
	v52 =	vmul.f32 $9.274272620e-02, v39  }
0x614: {  	v57 =	vshra.s32 v48, $0x17;
	v38 =	vmul.f32 v38, v46;
	v60 =	vmul.f32 v58, v47  }
0x615: {  	v40 =	vmul.f32 $6.931471820e-01, v40;
	v41 =	vmul.f32 v41, v19;
	v45 =	vadd.f32 $-1.470776950e-01, v52  }
0x616: {  	v42 =	vmul.f32 $6.931471820e-01, v42;
	v38 =	vadd.f32 $9.999998800e-01, v38;
	v37 =	vadd.f32 $-2.500434820e-01, v60  }
0x617: {  	v56 =	vadd.f32 v44, v41;
	v41 =	vcvt.s32.f32 v57;
	v45 =	vmul.f32 v45, v39  }
0x618: {  	v62 =	vadd.f32 v59, v21;
	v38 =	vmul.f32 v38, v46;
	v46 =	vmul.f32 v49, v53  }
0x619: {  	v63 =	vpop (erf);
	(erf) = vrcp.f32 v43;
	v37 =	vmul.f32 v37, v47;
	v45 =	vadd.f32 $1.493215710e-01, v45  }
0x61a: {  	v38 =	vadd.f32 $-7.788711340e-10, v38;
	v55 =	vmul.f32 v46, v17;
	v46 =	vadd.f32 v54, v16  }
0x61b: {  	v41 =	vmul.f32 $6.931471820e-01, v41;
	v37 =	vadd.f32 $3.333465160e-01, v37;
	v45 =	vmul.f32 v45, v39  }
0x61c: {  	v38 =	vadd.f32 v38, v42;
	v42 =	vsub.f32 v25, v61;
	v46 =	vmul.f32 v46, v63  }
0x61d: {  	v37 =	vmul.f32 v37, v47;
	v58 =	vadd.f32 $-1.651149990e-01, v45;
	v45 =	vadd.f32 v51, v32  }
0x61e: {  	v38 =	vadd.f32 v38, v55;
	v55 =	vmul.f32 v18, v9;
	v59 =	vmul.f32 v46, v46  }
0x61f: {  	v37 =	vadd.f32 $-4.999995530e-01, v37;
	(erf) = vrcp.f32 v42;
	v60 =	vmul.f32 v58, v39  }
0x620: {  	v58 =	vmul.f32 v26, v12;
	v34 =	vadd.f32 v45, v34;
	v26 =	vmul.f32 v26, v13  }
0x621: {  	v37 =	vmul.f32 v37, v47;
	v36 =	vsub.f32 v38, v56;
	v32 =	vadd.f32 $1.995013060e-01, v60  }
0x622: {  	v38 =	vmul.f32 v62, v63;
	v50 =	vsub.f32 v25, v58;
	v25 =	vsub.f32 v25, v26  }
0x623: {  	v58 =	vmul.f32 v23, v10;
	v31 =	vadd.f32 v34, v31;
	v37 =	vadd.f32 $9.999998800e-01, v37  }
0x624: {  	v38 =	vmul.f32 v38, v38;
	v56 =	vmul.f32 v32, v39;
	v32 =	vadd.s32 $0xC0CD0000, v42  }
0x625: {  	v51 =	vld.idx.msk [tilespmem:v35+s3+$0x0], $0xffff;
	v35 =	vadd.s32 $0xC0CD0000, v50;
	v30 =	vadd.f32 v31, v30;
	v37 =	vmul.f32 v37, v47  }
0x626: {  	v57 =	vand.u32 $0xFF800000, v32;
	v47 =	vadd.f32 v55, v24;
	v48 =	vadd.f32 $-2.500434820e-01, v56  }
0x627: {  	v38 =	vmul.f32 v38, v19;
	v49 =	vsub.s32 v42, v57;
	v56 =	vmul.f32 v22, v10  }
0x628: {  	v37 =	vadd.f32 $-7.788711340e-10, v37;
	v49 =	vadd.f32 $-1.000000000e+00, v49;
	v48 =	vmul.f32 v48, v39  }
0x629: {  	v15 =	vld.idx.msk [tilespmem:v15+s3+$0x0], $0xffff;
	v44 =	vmul.f32 v47, v63;
	v63 =	vand.u32 $0xFF800000, v35;
	v35 =	vshra.s32 v35, $0x17  }
0x62a: {  	v57 =	vadd.f32 v56, v21;
	v56 =	vmul.f32 v18, v11;
	v61 =	vadd.f32 $3.333465160e-01, v48  }
0x62b: {  	v46 =	vsub.s32 v50, v63;
	v35 =	vcvt.s32.f32 v35;
	v60 =	vmul.f32 $9.274272620e-02, v49  }
0x62c: {  	v37 =	vadd.f32 v37, v41;
	v41 =	vmul.f32 v59, v20;
	v47 =	vmul.f32 v61, v39  }
0x62d: {  	v44 =	vmul.f32 v44, v17;
	v46 =	vadd.f32 $-1.000000000e+00, v46;
	v59 =	vpop (erf);
	(erf) = vrcp.f32 v50  }
0x62e: {  	v48 =	vmul.f32 v27, v51;
	v27 =	vmul.f32 v27, v15;
	v47 =	vadd.f32 $-4.999995530e-01, v47  }
0x62f: {  	v35 =	vmul.f32 $6.931471820e-01, v35;
	v62 =	vadd.f32 $-1.470776950e-01, v60;
	v38 =	vadd.f32 v41, v38  }
0x630: {  	v37 =	vadd.f32 v37, v44;
	v52 =	vmul.f32 $9.274272620e-02, v46;
	v53 =	vmul.f32 v47, v39  }
0x631: {  	v60 =	vmul.f32 v18, v10;
	v44 =	vadd.f32 v58, v16;
	v58 =	vmul.f32 v22, v12  }
0x632: {  	v36 =	vmul.f32 v36, v48;
	v48 =	vmul.f32 v29, v51;
	v41 =	vadd.f32 $9.999998800e-01, v53  }
0x633: {  	v43 =	vmul.f32 v62, v49;
	v55 =	vadd.f32 $-1.470776950e-01, v52;
	v44 =	vmul.f32 v44, v59  }
0x634: {  	v61 =	vadd.f32 v60, v24;
	v60 =	vmul.f32 v23, v12;
	v39 =	vmul.f32 v41, v39  }
0x635: {  	v43 =	vadd.f32 $1.493215710e-01, v43;
	v44 =	vmul.f32 v44, v44;
	v47 =	vadd.s32 $0xC0CD0000, v25  }
0x636: {  	v26 =	vmul.f32 v61, v59;
	v62 =	vand.u32 $0xFF800000, v47;
	v39 =	vadd.f32 $-7.788711340e-10, v39  }
0x637: {  	v54 =	vmul.f32 v43, v49;
	v43 =	vmul.f32 v55, v46;
	v45 =	vsub.s32 v25, v62  }
0x638: {  	v44 =	vmul.f32 v44, v20;
	v39 =	vadd.f32 v39, v40;
	v40 =	vadd.f32 $-1.000000000e+00, v45  }
0x639: {  	v37 =	vsub.f32 v37, v38;
	v26 =	vmul.f32 v26, v17;
	v55 =	vmul.f32 v23, v11  }
0x63a: {  	v31 =	vadd.f32 v58, v21;
	v23 =	vmul.f32 v23, v13;
	v63 =	vmul.f32 $9.274272620e-02, v40  }
0x63b: {  	v53 =	vmul.f32 v22, v11;
	v22 =	vmul.f32 v22, v13;
	v43 =	vadd.f32 $1.493215710e-01, v43  }
0x63c: {  	v41 =	vmul.f32 v57, v59;
	v26 =	vadd.f32 v39, v26;
	v39 =	vadd.f32 $-1.470776950e-01, v63  }
0x63d: {  	v38 =	vadd.f32 $-1.651149990e-01, v54;
	v59 =	vmul.f32 v18, v12;
	v43 =	vmul.f32 v43, v46  }
0x63e: {  	v42 =	vadd.f32 v55, v16;
	v57 =	vpop (erf);
	(erf) = vrcp.f32 v25;
	v52 =	vmul.f32 v39, v40  }
0x63f: {  	v18 =	vmul.f32 v18, v13;
	v38 =	vmul.f32 v38, v49;
	v43 =	vadd.f32 $-1.651149990e-01, v43  }
0x640: {  	v42 =	vmul.f32 v42, v57;
	v61 =	vpop (erf);
	v41 =	vmul.f32 v41, v41;
	v34 =	vadd.f32 $1.493215710e-01, v52  }
0x641: {  	v30 =	vadd.f32 v30, v33;
	v31 =	vmul.f32 v31, v61;
	v43 =	vmul.f32 v43, v46  }
0x642: {  	v38 =	vadd.f32 $1.995013060e-01, v38;
	v41 =	vmul.f32 v41, v19;
	v34 =	vmul.f32 v34, v40  }
0x643: {  	v45 =	vmul.f32 v28, v51;
	v31 =	vmul.f32 v31, v31;
	v43 =	vadd.f32 $1.995013060e-01, v43  }
0x644: {  	v38 =	vmul.f32 v38, v49;
	v41 =	vadd.f32 v44, v41;
	v34 =	vadd.f32 $-1.651149990e-01, v34  }
0x645: {  	v37 =	vmul.f32 v37, v45;
	v44 =	vadd.f32 v59, v24;
	v43 =	vmul.f32 v43, v46  }
0x646: {  	v45 =	vadd.f32 v60, v16;
	v38 =	vadd.f32 $-2.500434820e-01, v38;
	v34 =	vmul.f32 v34, v40  }
0x647: {  	v31 =	vmul.f32 v31, v19;
	v26 =	vsub.f32 v26, v41;
	v43 =	vadd.f32 $-2.500434820e-01, v43  }
0x648: {  	v62 =	vmul.f32 v45, v61;
	v44 =	vmul.f32 v44, v61;
	v34 =	vadd.f32 $1.995013060e-01, v34  }
0x649: {  	v63 =	vshra.s32 v32, $0x17;
	v38 =	vmul.f32 v38, v49;
	v51 =	vmul.f32 v43, v46  }
0x64a: {  	v18 =	vadd.f32 v18, v24;
	v25 =	vcvt.s32.f32 v63;
	v34 =	vmul.f32 v34, v40  }
0x64b: {  	v26 =	vmul.f32 v26, v48;
	v38 =	vadd.f32 $3.333465160e-01, v38;
	v54 =	vadd.f32 $3.333465160e-01, v51  }
0x64c: {  	v48 =	vmul.f32 v42, v42;
	v33 =	vmul.f32 v62, v62;
	v45 =	vadd.f32 $-2.500434820e-01, v34  }
0x64d: {  	v16 =	vadd.f32 v23, v16;
	v38 =	vmul.f32 v38, v49;
	v41 =	vmul.f32 v54, v46  }
0x64e: {  	v39 =	vadd.f32 v53, v21;
	v50 =	vmul.f32 v44, v17;
	v32 =	vmul.f32 v45, v40  }
0x64f: {  	v53 =	vpop (erf);
	v25 =	vmul.f32 $6.931471820e-01, v25;
	v38 =	vadd.f32 $-4.999995530e-01, v38;
	v41 =	vadd.f32 $-4.999995530e-01, v41  }
0x650: {  	v16 =	vmul.f32 v16, v53;
	v18 =	vmul.f32 v18, v53;
	v32 =	vadd.f32 $3.333465160e-01, v32  }
0x651: {  	v30 =	vadd.f32 v30, v36;
	v38 =	vmul.f32 v38, v49;
	v41 =	vmul.f32 v41, v46  }
0x652: {  	v21 =	vadd.f32 v22, v21;
	v39 =	vmul.f32 v39, v57;
	v32 =	vmul.f32 v32, v40  }
0x653: {  	v36 =	vmul.f32 v48, v20;
	v38 =	vadd.f32 $9.999998800e-01, v38;
	v41 =	vadd.f32 $9.999998800e-01, v41  }
0x654: {  	v33 =	vmul.f32 v33, v20;
	v21 =	vmul.f32 v21, v53;
	v32 =	vadd.f32 $-4.999995530e-01, v32  }
0x655: {  	v43 =	vadd.f32 v56, v24;
	v38 =	vmul.f32 v38, v49;
	v41 =	vmul.f32 v41, v46  }
0x656: {  	v30 =	vadd.f32 v30, v37;
	v46 =	vmul.f32 v39, v39;
	v32 =	vmul.f32 v32, v40  }
0x657: {  	v16 =	vmul.f32 v16, v16;
	v43 =	vmul.f32 v43, v57;
	v38 =	vadd.f32 $-7.788711340e-10, v38  }
0x658: {  	v51 =	vshra.s32 v47, $0x17;
	v34 =	vmul.f32 v46, v19;
	v52 =	vadd.f32 $9.999998800e-01, v32  }
0x659: {  	v49 =	vmul.f32 v43, v17;
	v25 =	vadd.f32 v38, v25;
	v54 =	vadd.f32 $-7.788711340e-10, v41  }
0x65a: {  	v34 =	vadd.f32 v36, v34;
	v36 =	vcvt.s32.f32 v51;
	v22 =	vmul.f32 v52, v40  }
0x65b: {  	v21 =	vmul.f32 v21, v21;
	v31 =	vadd.f32 v33, v31;
	v25 =	vadd.f32 v25, v49  }
0x65c: {  	v23 =	vadd.f32 v54, v35;
	v55 =	vmul.f32 $6.931471820e-01, v36;
	v22 =	vadd.f32 $-7.788711340e-10, v22  }
0x65d: {  	v16 =	vmul.f32 v16, v20;
	v19 =	vmul.f32 v21, v19;
	v25 =	vsub.f32 v25, v34  }
0x65e: {  	v17 =	vmul.f32 v18, v17;
	v23 =	vadd.f32 v23, v50;
	v56 =	vadd.f32 v22, v55  }
0x65f: {  	v60 =	vmul.f32 v28, v15;
	v57 =	vadd.f32 v30, v26;
	v16 =	vadd.f32 v16, v19  }
0x660: {  	v58 =	vmul.f32 v25, v27;
	v59 =	vsub.f32 v23, v31;
	v17 =	vadd.f32 v56, v17  }
0x661: {  	v15 =	vmul.f32 v29, v15  }
0x662: {  	v18 =	vadd.f32 v57, v58;
	v61 =	vmul.f32 v59, v60;
	v16 =	vsub.f32 v17, v16;
	_ =	sdelay $0x1  }
0x663: {  	p0 =	sne.s32 s28, $0x80;
	v62 =	vadd.f32 v18, v61;
	v15 =	vmul.f32 v16, v15  }
.Ltmp1:
0x664: {  	_ = 	snop;
	(pc) =	sbr.rel @p0 .LBB2_4-.Ltmp1, $4  }
0x665: {  	v63 =	vmov s13;
	v15 =	vadd.f32 v62, v15  }
0x666: {  	vm0 =	vgt.s32 v63, v0  }
0x667: {  	v15 =	vnsel vm0, $0x0, v15  }
0x668: {  	s28 =	sadd.s32 $0x40, s28;
	s13 =	sadd.s32 $0xFFFFFFF0, s13;
	v14 =	vadd.f32 v15, v14  }
0x669: {  	s13 =	simm.s32 $0x16860  }
0x66a: {  	s29 =	simm.s32 $0x174A0;
	v2 =	vld [tilespmem:s13+$0x10]  }
0x66b: {  	v12 =	vld [tilespmem:s29+$0x10]  }
0x66c: {  	v13 =	vld [tilespmem:s13+$0x0]  }
0x66d: {  	v15 =	vld [tilespmem:s29+$0x0]  }
0x66e: {  	v16 =	vld [tilespmem:s13+$0xFFFFFFF0]  }
0x66f: {  	v17 =	vld [tilespmem:s13+$0xFFFFFFE0];
	_ =	sdelay $0x2  }
0x670: {  	v18 =	vld [tilespmem:s29+$0xFFFFFFF0]  }
0x671: {  	v19 =	vld [tilespmem:s29+$0xFFFFFFE0];
	v3 =	vadd.s32 $0x55F0, v12  }
0x672: {  	v4 =	vadd.s32 $0x55F0, v15;
	v20 =	vld.idx.msk [tilespmem:v2+s3+$0x0], $0xffff  }
0x673: {  	v5 =	vadd.s32 $0x4E20, v12;
	v21 =	vld.idx.msk [tilespmem:v13+s3+$0x0], $0xffff  }
0x674: {  	v7 =	vadd.s32 $0x6D60, v12;
	v22 =	vld.idx.msk [tilespmem:v16+s3+$0x0], $0xffff  }
0x675: {  	v9 =	vadd.s32 $0x84D0, v2;
	v23 =	vld.idx.msk [tilespmem:v17+s3+$0x0], $0xffff  }
0x676: {  	v10 =	vadd.s32 $0x4E20, v15;
	v6 =	vld.idx.msk [tilespmem:v3+s3+$0x0], $0xffff  }
0x677: {  	v25 =	vadd.s32 $0x1770, v2;
	v8 =	vld.idx.msk [tilespmem:v4+s3+$0x0], $0xffff  }
0x678: {  	v27 =	vadd.s32 $0x5DC0, v12;
	v11 =	vld.idx.msk [tilespmem:v5+s3+$0x0], $0xffff  }
0x679: {  	v29 =	vadd.s32 $0xFA0, v13;
	v24 =	vld.idx.msk [tilespmem:v7+s3+$0x0], $0xffff  }
0x67a: {  	v30 =	vadd.s32 $0x1770, v13;
	v26 =	vld.idx.msk [tilespmem:v9+s3+$0x0], $0xffff  }
0x67b: {  	v31 =	vadd.s32 $0x5DC0, v15;
	v10 =	vld.idx.msk [tilespmem:v10+s3+$0x0], $0xffff  }
0x67c: {  	v35 =	vadd.s32 $0xFA0, v16;
	v25 =	vld.idx.msk [tilespmem:v25+s3+$0x0], $0xffff  }
0x67d: {  	v36 =	vadd.s32 $0x1770, v16;
	v27 =	vld.idx.msk [tilespmem:v27+s3+$0x0], $0xffff  }
0x67e: {  	v37 =	vadd.s32 $0x5DC0, v18;
	v29 =	vld.idx.msk [tilespmem:v29+s3+$0x0], $0xffff  }
0x67f: {  	v45 =	vadd.s32 $0x3E80, v12;
	v30 =	vld.idx.msk [tilespmem:v30+s3+$0x0], $0xffff  }
0x680: {  	v46 =	vadd.s32 $0x4650, v19;
	v31 =	vld.idx.msk [tilespmem:v31+s3+$0x0], $0xffff  }
0x681: {  	v48 =	vadd.s32 $0x3E80, v19;
	v35 =	vld.idx.msk [tilespmem:v35+s3+$0x0], $0xffff  }
0x682: {  	v49 =	vadd.s32 $0x7D0, v17;
	v36 =	vld.idx.msk [tilespmem:v36+s3+$0x0], $0xffff  }
0x683: {  	v50 =	vadd.s32 $0x3E80, v18;
	v37 =	vld.idx.msk [tilespmem:v37+s3+$0x0], $0xffff  }
0x684: {  	v52 =	vadd.s32 $0x3E80, v15;
	v45 =	vld.idx.msk [tilespmem:v45+s3+$0x0], $0xffff  }
0x685: {  	v53 =	vadd.s32 $0x7D0, v16;
	v55 =	vadd.s32 $0x55F0, v19;
	v58 =	vadd.s32 $0x4E20, v19;
	v46 =	vld.idx.msk [tilespmem:v46+s3+$0x0], $0xffff  }
0x686: {  	v59 =	vadd.s32 $0x6D60, v19;
	v60 =	vadd.s32 $0x5DC0, v19;
	v19 =	vadd.s32 $0x6590, v19;
	v48 =	vld.idx.msk [tilespmem:v48+s3+$0x0], $0xffff  }
0x687: {  	v3 =	vadd.s32 $0x6D60, v15;
	v49 =	vld.idx.msk [tilespmem:v49+s3+$0x0], $0xffff  }
0x688: {  	v4 =	vadd.s32 $0x84D0, v13;
	v50 =	vld.idx.msk [tilespmem:v50+s3+$0x0], $0xffff  }
0x689: {  	v41 =	vadd.s32 $0xFA0, v17;
	v42 =	vadd.s32 $0x1770, v17;
	v5 =	vadd.s32 $0xFA0, v2;
	v52 =	vld.idx.msk [tilespmem:v52+s3+$0x0], $0xffff  }
0x68a: {  	v61 =	vadd.s32 $0x84D0, v17;
	v62 =	vadd.s32 $0x7530, v17;
	v17 =	vadd.s32 $0x7D00, v17;
	v53 =	vld.idx.msk [tilespmem:v53+s3+$0x0], $0xffff  }
0x68b: {  	v57 =	vadd.s32 $0x4650, v18;
	v19 =	vld.idx.msk [tilespmem:v19+s3+$0x0], $0xffff  }
0x68c: {  	v7 =	vld.idx.msk [tilespmem:v3+s3+$0x0], $0xffff;
	v3 =	vadd.s32 $0x6590, v12  }
0x68d: {  	v9 =	vld.idx.msk [tilespmem:v4+s3+$0x0], $0xffff;
	v4 =	vadd.s32 $0x7530, v2  }
0x68e: {  	v23 =	vadd.f32 v23, v1;
	v28 =	vld.idx.msk [tilespmem:v5+s3+$0x0], $0xffff;
	v5 =	vadd.s32 $0x7D00, v2  }
0x68f: {  	v17 =	vld.idx.msk [tilespmem:v17+s3+$0x0], $0xffff;
	v2 =	vadd.s32 $0x7D0, v2  }
0x690: {  	v12 =	vadd.s32 $0x4650, v12;
	v23 =	vadd.f32 v48, v23;
	v48 =	vld.idx.msk [tilespmem:v57+s3+$0x0], $0xffff  }
0x691: {  	v32 =	vld.idx.msk [tilespmem:v3+s3+$0x0], $0xffff;
	v3 =	vadd.s32 $0x6590, v15  }
0x692: {  	v33 =	vld.idx.msk [tilespmem:v4+s3+$0x0], $0xffff;
	v4 =	vadd.s32 $0x7530, v13  }
0x693: {  	v34 =	vld.idx.msk [tilespmem:v5+s3+$0x0], $0xffff;
	v5 =	vadd.s32 $0x7D00, v13  }
0x694: {  	v54 =	vadd.s32 $0x55F0, v18;
	v56 =	vadd.s32 $0x4E20, v18;
	v51 =	vld.idx.msk [tilespmem:v2+s3+$0x0], $0xffff;
	v13 =	vadd.s32 $0x7D0, v13  }
0x695: {  	v21 =	vadd.f32 v21, v1;
	v22 =	vadd.f32 v22, v1;
	v15 =	vadd.s32 $0x4650, v15;
	v12 =	vld.idx.msk [tilespmem:v12+s3+$0x0], $0xffff  }
0x696: {  	v20 =	vadd.f32 v20, v1;
	v29 =	vadd.f32 v30, v29;
	v38 =	vld.idx.msk [tilespmem:v3+s3+$0x0], $0xffff;
	v3 =	vadd.s32 $0x6590, v18  }
0x697: {  	v22 =	vadd.f32 v50, v22;
	v21 =	vadd.f32 v52, v21;
	v39 =	vld.idx.msk [tilespmem:v4+s3+$0x0], $0xffff;
	v4 =	vadd.s32 $0x7530, v16  }
0x698: {  	v20 =	vadd.f32 v45, v20;
	v23 =	vadd.f32 v23, v49;
	v40 =	vld.idx.msk [tilespmem:v5+s3+$0x0], $0xffff;
	v5 =	vadd.s32 $0x7D00, v16  }
0x699: {  	v24 =	vmul.f32 v26, v24;
	v63 =	vadd.f32 v36, v35;
	v22 =	vadd.f32 v22, v53;
	v13 =	vld.idx.msk [tilespmem:v13+s3+$0x0], $0xffff  }
0x69a: {  	s19 =	sadd.s32 $0x30, s0;
	v10 =	vadd.f32 v10, v29;
	v17 =	vmul.f32 v17, v19;
	v23 =	vadd.f32 v23, v46;
	v15 =	vld.idx.msk [tilespmem:v15+s3+$0x0], $0xffff  }
0x69b: {  	v2 =	vmov s19;
	v25 =	vadd.f32 v25, v28;
	v22 =	vadd.f32 v22, v48;
	v43 =	vld.idx.msk [tilespmem:v3+s3+$0x0], $0xffff  }
0x69c: {  	vm1 =	vgt.s32 v2, v0;
	vm4 =	vge.f32 v23, $0.0e+00;
	v18 =	vadd.s32 $0x6D60, v18;
	v44 =	vld.idx.msk [tilespmem:v4+s3+$0x0], $0xffff  }
0x69d: {  	v46 =	vand.u32 $0x7FFFFFFF, v22;
	v11 =	vadd.f32 v11, v25;
	vm3 =	vge.f32 v22, $0.0e+00;
	v47 =	vld.idx.msk [tilespmem:v5+s3+$0x0], $0xffff  }
0x69e: {  	v41 =	vld.idx.msk [tilespmem:v41+s3+$0x0], $0xffff;
	v20 =	vadd.f32 v20, v51;
	v13 =	vadd.f32 v21, v13;
	v21 =	vand.u32 $0x7FFFFFFF, v23  }
0x69f: {  	v62 =	vld.idx.msk [tilespmem:v62+s3+$0x0], $0xffff;
	v16 =	vadd.s32 $0x84D0, v16;
	v27 =	vmul.f32 v33, v27;
	v21 =	vsub.f32 $0.0e+00, v21  }
0x6a0: {  	v57 =	vld.idx.msk [tilespmem:v60+s3+$0x0], $0xffff;
	v28 =	vmul.f32 v34, v32;
	v20 =	vadd.f32 v20, v12;
	v45 =	vadd.f32 v13, v15  }
0x6a1: {  	v60 =	vmul.f32 v40, v38;
	v12 =	vld.idx.msk [tilespmem:v18+s3+$0x0], $0xffff;
	v18 =	vmul.f32 $1.442695020e+00, v21;
	v21 =	vsub.f32 $0.0e+00, v46  }
0x6a2: {  	v42 =	vld.idx.msk [tilespmem:v42+s3+$0x0], $0xffff;
	v40 =	vmul.f32 v44, v37;
	v44 =	vmul.f32 v47, v43;
	v47 =	vand.u32 $0x7FFFFFFF, v45  }
0x6a3: {  	v50 =	vld.idx.msk [tilespmem:v58+s3+$0x0], $0xffff;
	v27 =	vadd.f32 v28, v27;
	(erf) = vpow2.f32 v18;
	v48 =	vsub.f32 $0.0e+00, v47  }
0x6a4: {  	v51 =	vld.idx.msk [tilespmem:v61+s3+$0x0], $0xffff;
	v49 =	vand.u32 $0x7FFFFFFF, v20;
	vm5 =	vge.f32 v20, $0.0e+00;
	v21 =	vmul.f32 $1.442695020e+00, v21  }
0x6a5: {  	s28 =	sadd.s32 $0x10, s0;
	v30 =	vmul.f32 v39, v31;
	v13 =	vld.idx.msk [tilespmem:v56+s3+$0x0], $0xffff;
	v37 =	vsub.f32 $0.0e+00, v49;
	v19 =	vmul.f32 $1.442695020e+00, v48  }
0x6a6: {  	s15 =	sadd.s32 $0x20, s0;
	v5 =	vmov s28;
	v16 =	vld.idx.msk [tilespmem:v16+s3+$0x0], $0xffff;
	v31 =	vmul.f32 v62, v57;
	(erf) = vpow2.f32 v21  }
0x6a7: {  	v3 =	vmov s15;
	v18 =	vld.idx.msk [tilespmem:v59+s3+$0x0], $0xffff;
	v52 =	vmul.f32 $1.442695020e+00, v37;
	(erf) = vpow2.f32 v19  }
0x6a8: {  	v4 =	vmov s0;
	vm0 =	vgt.s32 v3, v0;
	v15 =	vadd.f32 v42, v41;
	v21 =	vld.idx.msk [tilespmem:v54+s3+$0x0], $0xffff  }
0x6a9: {  	v53 =	vadd.f32 v60, v30;
	v17 =	vadd.f32 v17, v31;
	v19 =	vld.idx.msk [tilespmem:v55+s3+$0x0], $0xffff;
	(erf) = vpow2.f32 v52  }
0x6aa: {  	v15 =	vadd.f32 v50, v15;
	vm2 =	vge.f32 v45, $0.0e+00;
	v13 =	vadd.f32 v13, v63  }
0x6ab: {  	v26 =	vadd.f32 v44, v40;
	v54 =	vmul.f32 v9, v7;
	v7 =	vadd.f32 v6, v11  }
0x6ac: {  	v12 =	vmul.f32 v16, v12;
	v6 =	vadd.f32 v24, v27;
	v9 =	vadd.f32 v8, v10;
	v55 =	vpop (erf)  }
0x6ad: {  	v11 =	vmul.f32 v51, v18;
	v10 =	vadd.f32 v21, v13;
	v21 =	vadd.f32 $1.000000000e+00, v55  }
0x6ae: {  	v16 =	vmin.f32 v45, $0.0e+00;
	v8 =	vadd.f32 v54, v53;
	v13 =	vadd.f32 v19, v15  }
0x6af: {  	v15 =	vadd.f32 v11, v17;
	v11 =	vmin.f32 v20, $0.0e+00;
	v56 =	vpop (erf);
	v20 =	vadd.s32 $0xC0CD0000, v21  }
0x6b0: {  	v12 =	vadd.f32 v12, v26;
	v57 =	vadd.f32 $1.000000000e+00, v56;
	v19 =	vand.u32 $0xFF800000, v20;
	v58 =	vpop (erf)  }
0x6b1: {  	v17 =	vmin.f32 v22, $0.0e+00;
	v19 =	vsub.s32 v21, v19;
	v22 =	vadd.f32 $1.000000000e+00, v58  }
0x6b2: {  	v18 =	vmin.f32 v23, $0.0e+00;
	v59 =	vadd.s32 $0xC0CD0000, v57;
	v23 =	vpop (erf);
	v30 =	vadd.f32 $-1.000000000e+00, v19  }
0x6b3: {  	v19 =	vand.u32 $0xFF800000, v59;
	v60 =	vadd.f32 $1.000000000e+00, v23;
	v61 =	vadd.s32 $0xC0CD0000, v22  }
0x6b4: {  	v19 =	vsub.s32 v57, v19;
	v39 =	vmul.f32 $9.274272620e-02, v30;
	v62 =	vand.u32 $0xFF800000, v61  }
0x6b5: {  	v40 =	vadd.f32 $-1.000000000e+00, v19;
	v63 =	vadd.s32 $0xC0CD0000, v60;
	v19 =	vsub.s32 v22, v62  }
0x6b6: {  	v20 =	vshra.s32 v20, $0x17;
	v32 =	vadd.f32 $-1.000000000e+00, v19;
	v19 =	vand.u32 $0xFF800000, v63  }
0x6b7: {  	v34 =	vadd.f32 $-1.470776950e-01, v39;
	v41 =	vmul.f32 $9.274272620e-02, v40;
	v19 =	vsub.s32 v60, v19  }
0x6b8: {  	(erf) = vrcp.f32 v60;
	v42 =	vmul.f32 $9.274272620e-02, v32;
	v19 =	vadd.f32 $-1.000000000e+00, v19  }
0x6b9: {  	(erf) = vrcp.f32 v22;
	v22 =	vmul.f32 v34, v30;
	v43 =	vadd.f32 $-1.470776950e-01, v41  }
0x6ba: {  	(erf) = vrcp.f32 v57;
	v44 =	vadd.f32 $-1.470776950e-01, v42;
	v45 =	vmul.f32 $9.274272620e-02, v19  }
0x6bb: {  	(erf) = vrcp.f32 v21;
	v21 =	vadd.f32 $1.493215710e-01, v22;
	v22 =	vmul.f32 v43, v40  }
0x6bc: {  	v46 =	vcvt.s32.f32 v20;
	v26 =	vmul.f32 v44, v32;
	v29 =	vadd.f32 $-1.470776950e-01, v45  }
0x6bd: {  	v28 =	vshra.s32 v59, $0x17;
	v21 =	vmul.f32 v21, v30;
	v22 =	vadd.f32 $1.493215710e-01, v22  }
0x6be: {  	v28 =	vcvt.s32.f32 v28;
	v26 =	vadd.f32 $1.493215710e-01, v26;
	v29 =	vmul.f32 v29, v19  }
0x6bf: {  	v31 =	vshra.s32 v61, $0x17;
	v21 =	vadd.f32 $-1.651149990e-01, v21;
	v22 =	vmul.f32 v22, v40  }
0x6c0: {  	v33 =	vshra.s32 v63, $0x17;
	v26 =	vmul.f32 v26, v32;
	v29 =	vadd.f32 $1.493215710e-01, v29  }
0x6c1: {  	v31 =	vcvt.s32.f32 v31;
	v21 =	vmul.f32 v21, v30;
	v22 =	vadd.f32 $-1.651149990e-01, v22  }
0x6c2: {  	v33 =	vcvt.s32.f32 v33;
	v26 =	vadd.f32 $-1.651149990e-01, v26;
	v29 =	vmul.f32 v29, v19  }
0x6c3: {  	v34 =	vmul.f32 $6.931471820e-01, v46;
	v47 =	vadd.f32 $1.995013060e-01, v21;
	v22 =	vmul.f32 v22, v40  }
0x6c4: {  	v20 =	vmul.f32 $6.931471820e-01, v33;
	v50 =	vpop (erf);
	v26 =	vmul.f32 v26, v32;
	v29 =	vadd.f32 $-1.651149990e-01, v29  }
0x6c5: {  	v51 =	vpop (erf);
	v23 =	vmul.f32 v50, v23;
	v48 =	vmul.f32 v47, v30;
	v49 =	vadd.f32 $1.995013060e-01, v22  }
0x6c6: {  	v27 =	vmul.f32 v51, v58;
	v26 =	vadd.f32 $1.995013060e-01, v26;
	v29 =	vmul.f32 v29, v19  }
0x6c7: {  	v52 =	vpop (erf);
	v21 =	vmul.f32 $6.931471820e-01, v31;
	v31 =	vadd.f32 $-2.500434820e-01, v48;
	v33 =	vmul.f32 v49, v40  }
0x6c8: {  	v25 =	vmul.f32 v52, v56;
	v26 =	vmul.f32 v26, v32;
	v29 =	vadd.f32 $1.995013060e-01, v29  }
0x6c9: {  	v53 =	vpop (erf);
	v23 =	vsel vm5, v50, v23;
	v31 =	vmul.f32 v31, v30;
	v33 =	vadd.f32 $-2.500434820e-01, v33  }
0x6ca: {  	v24 =	vmul.f32 v53, v55;
	v26 =	vadd.f32 $-2.500434820e-01, v26;
	v29 =	vmul.f32 v29, v19  }
0x6cb: {  	v27 =	vsel vm2, v51, v27;
	v31 =	vadd.f32 $3.333465160e-01, v31;
	v33 =	vmul.f32 v33, v40  }
0x6cc: {  	v57 =	vsub.f32 $0.0e+00, v23;
	v26 =	vmul.f32 v26, v32;
	v54 =	vadd.f32 $-2.500434820e-01, v29  }
0x6cd: {  	v23 =	vsub.f32 $1.000000000e+00, v23;
	v55 =	vmul.f32 v31, v30;
	v56 =	vadd.f32 $3.333465160e-01, v33  }
0x6ce: {  	v22 =	vmul.f32 $6.931471820e-01, v28;
	v26 =	vadd.f32 $3.333465160e-01, v26;
	v28 =	vmul.f32 v54, v19  }
0x6cf: {  	v25 =	vsel vm3, v52, v25;
	v29 =	vadd.f32 $-4.999995530e-01, v55;
	v31 =	vmul.f32 v56, v40  }
0x6d0: {  	v58 =	vsub.f32 $0.0e+00, v27;
	v26 =	vmul.f32 v26, v32;
	v28 =	vadd.f32 $3.333465160e-01, v28  }
0x6d1: {  	v27 =	vsub.f32 $1.000000000e+00, v27;
	v29 =	vmul.f32 v29, v30;
	v31 =	vadd.f32 $-4.999995530e-01, v31  }
0x6d2: {  	v24 =	vsel vm4, v53, v24;
	v26 =	vadd.f32 $-4.999995530e-01, v26;
	v28 =	vmul.f32 v28, v19  }
0x6d3: {  	v36 =	vsub.f32 $0.0e+00, v25;
	v29 =	vadd.f32 $9.999998800e-01, v29;
	v31 =	vmul.f32 v31, v40  }
0x6d4: {  	v37 =	vsub.f32 $1.000000000e+00, v25;
	v59 =	vmul.f32 v26, v32;
	v60 =	vadd.f32 $-4.999995530e-01, v28  }
0x6d5: {  	v62 =	vsub.f32 $0.0e+00, v24;
	v61 =	vmul.f32 v29, v30;
	v63 =	vadd.f32 $9.999998800e-01, v31  }
0x6d6: {  	v24 =	vsub.f32 $1.000000000e+00, v24;
	v25 =	vadd.f32 $9.999998800e-01, v59;
	v26 =	vmul.f32 v60, v19  }
0x6d7: {  	v35 =	vmul.f32 v27, v58;
	v28 =	vadd.f32 $-7.788711340e-10, v61;
	v30 =	vmul.f32 v63, v40  }
0x6d8: {  	v33 =	vmul.f32 v23, v57;
	v41 =	vmul.f32 v25, v32;
	v42 =	vadd.f32 $9.999998800e-01, v26  }
0x6d9: {  	s30 =	simm.s32 $0x0;
	s31 =	simm.s32 $0x168A0;
	s15 =	smov.u32 s0;
	v40 =	vmul.f32 v24, v62;
	v39 =	vadd.f32 v28, v34;
	v38 =	vadd.f32 $-7.788711340e-10, v30  }
.LBB2_6:
0x6da: {  	v23 =	vld [tilespmem:s31+$0x10];
	v24 =	vmul.f32 v37, v36;
	v25 =	vadd.f32 $-7.788711340e-10, v41;
	v26 =	vmul.f32 v42, v19;
	s29 =	sadd.s32 $0x40, s29  }
0x6db: {  	v19 =	vld [tilespmem:s29+$0x10];
	v27 =	vsub.f32 v18, v39;
	v28 =	vmul.f32 $5.000000000e-01, v40;
	v29 =	vadd.f32 v38, v22  }
0x6dc: {  	v22 =	vld [tilespmem:s31+$0x0];
	v24 =	vmul.f32 $5.000000000e-01, v24;
	v21 =	vadd.f32 v25, v21;
	v25 =	vadd.f32 $-7.788711340e-10, v26  }
0x6dd: {  	v18 =	vld [tilespmem:s29+$0x0];
	v26 =	vadd.f32 v27, v15;
	v27 =	vmul.f32 v28, v13;
	v17 =	vsub.f32 v17, v29  }
0x6de: {  	v15 =	vld [tilespmem:s31+$0xFFFFFFF0];
	v16 =	vsub.f32 v16, v21;
	v21 =	vmul.f32 $5.000000000e-01, v35;
	v20 =	vadd.f32 v25, v20  }
0x6df: {  	v10 =	vmul.f32 v24, v10;
	v13 =	vld [tilespmem:s31+$0xFFFFFFE0];
	v25 =	vadd.f32 v26, v27;
	v12 =	vadd.f32 v17, v12  }
0x6e0: {  	v17 =	vmul.f32 $5.000000000e-01, v33;
	v9 =	vmul.f32 v21, v9;
	v11 =	vsub.f32 v11, v20  }
0x6e1: {  	v8 =	vadd.f32 v16, v8;
	v20 =	vnsel vm1, $0x0, v25;
	v10 =	vadd.f32 v12, v10  }
0x6e2: {  	v25 =	vadd.s32 $0x55F0, v19;
	v7 =	vmul.f32 v17, v7;
	v21 =	vld [tilespmem:s29+$0xFFFFFFF0];
	v14 =	vadd.f32 v20, v14  }
0x6e3: {  	v8 =	vadd.f32 v8, v9;
	v6 =	vadd.f32 v11, v6;
	v16 =	vld [tilespmem:s29+$0xFFFFFFE0];
	v10 =	vnsel vm0, $0x0, v10  }
0x6e4: {  	v9 =	vadd.s32 $0x55F0, v18;
	vm0 =	vgt.s32 v5, v0;
	v12 =	vld.idx.msk [tilespmem:v23+s3+$0x0], $0xffff;
	v10 =	vadd.f32 v10, v14  }
0x6e5: {  	v5 =	vadd.s32 $0x4E20, v19;
	v8 =	vnsel vm0, $0x0, v8;
	v6 =	vadd.f32 v6, v7;
	v20 =	vld.idx.msk [tilespmem:v22+s3+$0x0], $0xffff  }
0x6e6: {  	v7 =	vadd.s32 $0x6D60, v19;
	vm0 =	vgt.s32 v4, v0;
	v17 =	vld.idx.msk [tilespmem:v15+s3+$0x0], $0xffff;
	v8 =	vadd.f32 v8, v10  }
0x6e7: {  	v4 =	vadd.s32 $0x84D0, v23;
	v10 =	vnsel vm0, $0x0, v6;
	v24 =	vld.idx.msk [tilespmem:v13+s3+$0x0], $0xffff  }
0x6e8: {  	s16 =	simm.s32 $0x180E0;
	s13 =	simm.s32 $0x18D20;
	v26 =	vadd.s32 $0x4E20, v18;
	v6 =	vld.idx.msk [tilespmem:v25+s3+$0x0], $0xffff;
	v14 =	vadd.f32 v10, v8  }
0x6e9: {  	v8 =	vld.idx.msk [tilespmem:v9+s3+$0x0], $0xffff;
	v9 =	vadd.s32 $0x6D60, v18  }
0x6ea: {  	v25 =	vadd.s32 $0x84D0, v22;
	v11 =	vld.idx.msk [tilespmem:v5+s3+$0x0], $0xffff  }
0x6eb: {  	v5 =	vadd.s32 $0xFA0, v23;
	v27 =	vld.idx.msk [tilespmem:v7+s3+$0x0], $0xffff  }
0x6ec: {  	v28 =	vadd.s32 $0x1770, v23;
	v29 =	vld.idx.msk [tilespmem:v4+s3+$0x0], $0xffff  }
0x6ed: {  	v4 =	vadd.s32 $0x5DC0, v19;
	v10 =	vld.idx.msk [tilespmem:v26+s3+$0x0], $0xffff  }
0x6ee: {  	v26 =	vadd.s32 $0x6590, v19;
	v7 =	vld.idx.msk [tilespmem:v9+s3+$0x0], $0xffff  }
0x6ef: {  	v9 =	vld.idx.msk [tilespmem:v25+s3+$0x0], $0xffff;
	v25 =	vadd.s32 $0x7530, v23  }
0x6f0: {  	v30 =	vld.idx.msk [tilespmem:v5+s3+$0x0], $0xffff;
	v5 =	vadd.s32 $0x7D00, v23  }
0x6f1: {  	v31 =	vadd.s32 $0xFA0, v22;
	v28 =	vld.idx.msk [tilespmem:v28+s3+$0x0], $0xffff  }
0x6f2: {  	v32 =	vadd.s32 $0x1770, v22;
	v33 =	vld.idx.msk [tilespmem:v4+s3+$0x0], $0xffff  }
0x6f3: {  	v4 =	vadd.s32 $0x5DC0, v18;
	v26 =	vld.idx.msk [tilespmem:v26+s3+$0x0], $0xffff  }
0x6f4: {  	v34 =	vadd.s32 $0x6590, v18;
	v25 =	vld.idx.msk [tilespmem:v25+s3+$0x0], $0xffff  }
0x6f5: {  	v35 =	vadd.s32 $0x7530, v22;
	v36 =	vld.idx.msk [tilespmem:v5+s3+$0x0], $0xffff  }
0x6f6: {  	v5 =	vadd.s32 $0x7D00, v22;
	v31 =	vld.idx.msk [tilespmem:v31+s3+$0x0], $0xffff  }
0x6f7: {  	v37 =	vadd.s32 $0xFA0, v15;
	v32 =	vld.idx.msk [tilespmem:v32+s3+$0x0], $0xffff  }
0x6f8: {  	v38 =	vadd.s32 $0x1770, v15;
	v39 =	vld.idx.msk [tilespmem:v4+s3+$0x0], $0xffff  }
0x6f9: {  	v4 =	vadd.s32 $0x5DC0, v21;
	v34 =	vld.idx.msk [tilespmem:v34+s3+$0x0], $0xffff  }
0x6fa: {  	v40 =	vadd.s32 $0x6590, v21;
	v35 =	vld.idx.msk [tilespmem:v35+s3+$0x0], $0xffff  }
0x6fb: {  	v41 =	vadd.s32 $0x7530, v15;
	v42 =	vld.idx.msk [tilespmem:v5+s3+$0x0], $0xffff  }
0x6fc: {  	v5 =	vadd.s32 $0x7D00, v15;
	v37 =	vld.idx.msk [tilespmem:v37+s3+$0x0], $0xffff  }
0x6fd: {  	s30 =	sadd.s32 $0x4, s30;
	v43 =	vadd.s32 $0xFA0, v13;
	v38 =	vld.idx.msk [tilespmem:v38+s3+$0x0], $0xffff  }
0x6fe: {  	p0 =	slt.u32 s30, $0xC0;
	v44 =	vadd.s32 $0x1770, v13;
	v45 =	vld.idx.msk [tilespmem:v4+s3+$0x0], $0xffff  }
0x6ff: {  	v4 =	vadd.s32 $0x7D0, v23;
	v40 =	vld.idx.msk [tilespmem:v40+s3+$0x0], $0xffff  }
0x700: {  	v46 =	vadd.s32 $0x3E80, v19;
	v41 =	vld.idx.msk [tilespmem:v41+s3+$0x0], $0xffff  }
0x701: {  	v47 =	vadd.s32 $0x4650, v16;
	v48 =	vld.idx.msk [tilespmem:v5+s3+$0x0], $0xffff  }
0x702: {  	s15 =	sadd.s32 $0xFFFFFFC0, s15;
	v49 =	vadd.s32 $0x3E80, v16;
	v43 =	vld.idx.msk [tilespmem:v43+s3+$0x0], $0xffff  }
0x703: {  	s17 =	sadd.s32 $0x10, s15;
	v50 =	vadd.s32 $0x7D0, v13;
	v44 =	vld.idx.msk [tilespmem:v44+s3+$0x0], $0xffff  }
0x704: {  	s18 =	sadd.s32 $0x30, s15;
	s19 =	sadd.s32 $0x20, s15;
	v51 =	vadd.s32 $0x3E80, v21;
	v5 =	vmov s17;
	v52 =	vld.idx.msk [tilespmem:v4+s3+$0x0], $0xffff;
	v4 =	vmov s15  }
0x705: {  	v53 =	vmov s19;
	v54 =	vadd.s32 $0x3E80, v18;
	v23 =	vmov s18;
	v46 =	vld.idx.msk [tilespmem:v46+s3+$0x0], $0xffff  }
0x706: {  	v55 =	vadd.s32 $0x7D0, v15;
	vm0 =	vgt.s32 v53, v0;
	v56 =	vadd.s32 $0x55F0, v21;
	v47 =	vld.idx.msk [tilespmem:v47+s3+$0x0], $0xffff  }
0x707: {  	v57 =	vadd.s32 $0x4E20, v21;
	v53 =	vadd.s32 $0x55F0, v16;
	v22 =	vadd.s32 $0x7D0, v22;
	v49 =	vld.idx.msk [tilespmem:v49+s3+$0x0], $0xffff  }
0x708: {  	v58 =	vadd.s32 $0x4650, v21;
	v21 =	vadd.s32 $0x6D60, v21;
	v15 =	vadd.s32 $0x84D0, v15;
	v50 =	vld.idx.msk [tilespmem:v50+s3+$0x0], $0xffff  }
0x709: {  	v59 =	vadd.s32 $0x4E20, v16;
	v60 =	vadd.s32 $0x6D60, v16;
	v18 =	vadd.s32 $0x4650, v18;
	v51 =	vld.idx.msk [tilespmem:v51+s3+$0x0], $0xffff  }
0x70a: {  	v62 =	vadd.s32 $0x84D0, v13;
	v61 =	vadd.s32 $0x5DC0, v16;
	v19 =	vadd.s32 $0x4650, v19;
	v54 =	vld.idx.msk [tilespmem:v54+s3+$0x0], $0xffff  }
0x70b: {  	v63 =	vadd.s32 $0x7530, v13;
	v16 =	vadd.s32 $0x6590, v16;
	v24 =	vadd.f32 v24, v1;
	v55 =	vld.idx.msk [tilespmem:v55+s3+$0x0], $0xffff  }
0x70c: {  	v13 =	vadd.s32 $0x7D00, v13;
	v12 =	vadd.f32 v12, v1;
	v20 =	vadd.f32 v20, v1;
	v22 =	vld.idx.msk [tilespmem:v22+s3+$0x0], $0xffff  }
0x70d: {  	v17 =	vadd.f32 v17, v1;
	v27 =	vmul.f32 v29, v27;
	v24 =	vadd.f32 v49, v24;
	v49 =	vld.idx.msk [tilespmem:v58+s3+$0x0], $0xffff  }
0x70e: {  	v28 =	vadd.f32 v28, v30;
	v25 =	vmul.f32 v25, v33;
	v29 =	vadd.f32 v32, v31;
	v18 =	vld.idx.msk [tilespmem:v18+s3+$0x0], $0xffff  }
0x70f: {  	v26 =	vmul.f32 v36, v26;
	v24 =	vadd.f32 v24, v50;
	v17 =	vadd.f32 v51, v17;
	v19 =	vld.idx.msk [tilespmem:v19+s3+$0x0], $0xffff  }
0x710: {  	v31 =	vmul.f32 v35, v39;
	v12 =	vadd.f32 v46, v12;
	v20 =	vadd.f32 v54, v20;
	v30 =	vld.idx.msk [tilespmem:v61+s3+$0x0], $0xffff  }
0x711: {  	v33 =	vmul.f32 v42, v34;
	v24 =	vadd.f32 v24, v47;
	v17 =	vadd.f32 v17, v55;
	v32 =	vld.idx.msk [tilespmem:v63+s3+$0x0], $0xffff  }
0x712: {  	v34 =	vadd.f32 v38, v37;
	v35 =	vmul.f32 v41, v45;
	v20 =	vadd.f32 v20, v22;
	v16 =	vld.idx.msk [tilespmem:v16+s3+$0x0], $0xffff  }
0x713: {  	v12 =	vadd.f32 v12, v52;
	v22 =	vand.u32 $0x7FFFFFFF, v24;
	v36 =	vadd.f32 v17, v49;
	v13 =	vld.idx.msk [tilespmem:v13+s3+$0x0], $0xffff  }
0x714: {  	v37 =	vmul.f32 v48, v40;
	v17 =	vsub.f32 $0.0e+00, v22;
	v20 =	vadd.f32 v20, v18;
	v22 =	vld.idx.msk [tilespmem:v57+s3+$0x0], $0xffff  }
0x715: {  	v18 =	vadd.f32 v44, v43;
	v38 =	vand.u32 $0x7FFFFFFF, v36;
	v19 =	vadd.f32 v12, v19;
	v21 =	vld.idx.msk [tilespmem:v21+s3+$0x0], $0xffff  }
0x716: {  	v12 =	vmul.f32 $1.442695020e+00, v17;
	v17 =	vsub.f32 $0.0e+00, v38;
	v38 =	vand.u32 $0x7FFFFFFF, v20;
	v15 =	vld.idx.msk [tilespmem:v15+s3+$0x0], $0xffff  }
0x717: {  	v30 =	vmul.f32 v32, v30;
	v32 =	vsub.f32 $0.0e+00, v38;
	v38 =	vand.u32 $0x7FFFFFFF, v19;
	v39 =	vld.idx.msk [tilespmem:v59+s3+$0x0], $0xffff  }
0x718: {  	v17 =	vmul.f32 $1.442695020e+00, v17;
	v38 =	vsub.f32 $0.0e+00, v38;
	v40 =	vld.idx.msk [tilespmem:v60+s3+$0x0], $0xffff;
	(erf) = vpow2.f32 v12  }
0x719: {  	v11 =	vadd.f32 v11, v28;
	v13 =	vmul.f32 v13, v16;
	v16 =	vmul.f32 $1.442695020e+00, v32;
	v12 =	vld.idx.msk [tilespmem:v62+s3+$0x0], $0xffff  }
0x71a: {  	v25 =	vadd.f32 v26, v25;
	v32 =	vmul.f32 $1.442695020e+00, v38;
	v28 =	vld.idx.msk [tilespmem:v56+s3+$0x0], $0xffff;
	(erf) = vpow2.f32 v17  }
0x71b: {  	v10 =	vadd.f32 v10, v29;
	v26 =	vadd.f32 v33, v31;
	v17 =	vld.idx.msk [tilespmem:v53+s3+$0x0], $0xffff;
	(erf) = vpow2.f32 v16  }
0x71c: {  	v16 =	vadd.f32 v22, v34;
	v22 =	vadd.f32 v37, v35;
	(erf) = vpow2.f32 v32  }
0x71d: {  	v29 =	vadd.f32 v13, v30;
	v13 =	vmul.f32 v9, v7;
	v18 =	vadd.f32 v39, v18  }
0x71e: {  	v7 =	vadd.f32 v6, v11;
	v6 =	vadd.f32 v27, v25;
	v15 =	vmul.f32 v15, v21  }
0x71f: {  	v9 =	vadd.f32 v8, v10;
	v8 =	vadd.f32 v13, v26;
	v11 =	vmul.f32 v12, v40  }
0x720: {  	vm1 =	vgt.s32 v23, v0;
	v12 =	vadd.f32 v15, v22;
	v10 =	vadd.f32 v28, v16  }
0x721: {  	v13 =	vadd.f32 v17, v18;
	v15 =	vadd.f32 v11, v29;
	v11 =	vmin.f32 v19, $0.0e+00;
	v26 =	vpop (erf)  }
0x722: {  	v16 =	vmin.f32 v20, $0.0e+00;
	v17 =	vmin.f32 v36, $0.0e+00;
	v21 =	vadd.f32 $1.000000000e+00, v26  }
0x723: {  	vm2 =	vge.f32 v20, $0.0e+00;
	vm5 =	vge.f32 v19, $0.0e+00;
	v18 =	vmin.f32 v24, $0.0e+00;
	v27 =	vpop (erf)  }
0x724: {  	vm4 =	vge.f32 v36, $0.0e+00;
	v20 =	vadd.s32 $0xC0CD0000, v21;
	v22 =	vadd.f32 $1.000000000e+00, v27;
	v28 =	vpop (erf)  }
0x725: {  	vm3 =	vge.f32 v24, $0.0e+00;
	v19 =	vand.u32 $0xFF800000, v20;
	v29 =	vadd.f32 $1.000000000e+00, v28;
	v30 =	vpop (erf)  }
0x726: {  	v19 =	vsub.s32 v21, v19;
	v31 =	vadd.s32 $0xC0CD0000, v22;
	v32 =	vadd.f32 $1.000000000e+00, v30  }
0x727: {  	v23 =	vadd.f32 $-1.000000000e+00, v19;
	v19 =	vand.u32 $0xFF800000, v31;
	v33 =	vadd.s32 $0xC0CD0000, v29  }
0x728: {  	v19 =	vsub.s32 v22, v19;
	v25 =	vand.u32 $0xFF800000, v33;
	v34 =	vadd.s32 $0xC0CD0000, v32  }
0x729: {  	v35 =	vmul.f32 $9.274272620e-02, v23;
	v24 =	vadd.f32 $-1.000000000e+00, v19;
	v19 =	vsub.s32 v29, v25  }
0x72a: {  	v25 =	vadd.f32 $-1.000000000e+00, v19;
	v19 =	vand.u32 $0xFF800000, v34;
	(erf) = vrcp.f32 v32  }
0x72b: {  	v35 =	vadd.f32 $-1.470776950e-01, v35;
	v36 =	vmul.f32 $9.274272620e-02, v24;
	v19 =	vsub.s32 v32, v19  }
0x72c: {  	v32 =	vmul.f32 $9.274272620e-02, v25;
	v19 =	vadd.f32 $-1.000000000e+00, v19;
	(erf) = vrcp.f32 v29  }
0x72d: {  	v29 =	vmul.f32 v35, v23;
	v35 =	vadd.f32 $-1.470776950e-01, v36;
	(erf) = vrcp.f32 v22  }
0x72e: {  	v22 =	vadd.f32 $-1.470776950e-01, v32;
	v32 =	vmul.f32 $9.274272620e-02, v19;
	(erf) = vrcp.f32 v21  }
0x72f: {  	v34 =	vshra.s32 v34, $0x17;
	v21 =	vadd.f32 $1.493215710e-01, v29;
	v29 =	vmul.f32 v35, v24  }
0x730: {  	v33 =	vshra.s32 v33, $0x17;
	v22 =	vmul.f32 v22, v25;
	v32 =	vadd.f32 $-1.470776950e-01, v32  }
0x731: {  	v31 =	vshra.s32 v31, $0x17;
	v21 =	vmul.f32 v21, v23;
	v29 =	vadd.f32 $1.493215710e-01, v29  }
0x732: {  	v20 =	vshra.s32 v20, $0x17;
	v22 =	vadd.f32 $1.493215710e-01, v22;
	v32 =	vmul.f32 v32, v19  }
0x733: {  	v34 =	vcvt.s32.f32 v34;
	v21 =	vadd.f32 $-1.651149990e-01, v21;
	v29 =	vmul.f32 v29, v24;
	v35 =	vpop (erf)  }
0x734: {  	v33 =	vcvt.s32.f32 v33;
	v22 =	vmul.f32 v22, v25;
	v32 =	vadd.f32 $1.493215710e-01, v32  }
0x735: {  	v31 =	vcvt.s32.f32 v31;
	v21 =	vmul.f32 v21, v23;
	v29 =	vadd.f32 $-1.651149990e-01, v29;
	v36 =	vpop (erf)  }
0x736: {  	v37 =	vcvt.s32.f32 v20;
	v22 =	vadd.f32 $-1.651149990e-01, v22;
	v32 =	vmul.f32 v32, v19;
	v38 =	vpop (erf)  }
0x737: {  	v20 =	vmul.f32 $6.931471820e-01, v34;
	v39 =	vadd.f32 $1.995013060e-01, v21;
	v29 =	vmul.f32 v29, v24;
	v34 =	vpop (erf)  }
0x738: {  	v21 =	vmul.f32 $6.931471820e-01, v33;
	v40 =	vmul.f32 v22, v25;
	v32 =	vadd.f32 $-1.651149990e-01, v32  }
0x739: {  	v22 =	vmul.f32 $6.931471820e-01, v31;
	v33 =	vmul.f32 v39, v23;
	v29 =	vadd.f32 $1.995013060e-01, v29  }
0x73a: {  	v31 =	vmul.f32 $6.931471820e-01, v37;
	v37 =	vadd.f32 $1.995013060e-01, v40;
	v32 =	vmul.f32 v32, v19  }
0x73b: {  	v30 =	vmul.f32 v35, v30;
	v33 =	vadd.f32 $-2.500434820e-01, v33;
	v29 =	vmul.f32 v29, v24  }
0x73c: {  	v28 =	vmul.f32 v36, v28;
	v37 =	vmul.f32 v37, v25;
	v32 =	vadd.f32 $1.995013060e-01, v32  }
0x73d: {  	v27 =	vmul.f32 v38, v27;
	v33 =	vmul.f32 v33, v23;
	v29 =	vadd.f32 $-2.500434820e-01, v29  }
0x73e: {  	v26 =	vmul.f32 v34, v26;
	v37 =	vadd.f32 $-2.500434820e-01, v37;
	v32 =	vmul.f32 v32, v19  }
0x73f: {  	v30 =	vsel vm5, v35, v30;
	v33 =	vadd.f32 $3.333465160e-01, v33;
	v29 =	vmul.f32 v29, v24  }
0x740: {  	v28 =	vsel vm2, v36, v28;
	v35 =	vmul.f32 v37, v25;
	v32 =	vadd.f32 $-2.500434820e-01, v32  }
0x741: {  	v27 =	vsel vm4, v38, v27;
	v33 =	vmul.f32 v33, v23;
	v29 =	vadd.f32 $3.333465160e-01, v29  }
0x742: {  	v26 =	vsel vm3, v34, v26;
	v34 =	vadd.f32 $3.333465160e-01, v35;
	v32 =	vmul.f32 v32, v19  }
0x743: {  	v35 =	vsub.f32 $0.0e+00, v30;
	v33 =	vadd.f32 $-4.999995530e-01, v33;
	v29 =	vmul.f32 v29, v24  }
0x744: {  	v30 =	vsub.f32 $1.000000000e+00, v30;
	v34 =	vmul.f32 v34, v25;
	v32 =	vadd.f32 $3.333465160e-01, v32  }
0x745: {  	v38 =	vsub.f32 $0.0e+00, v28;
	v33 =	vmul.f32 v33, v23;
	v29 =	vadd.f32 $-4.999995530e-01, v29  }
0x746: {  	v28 =	vsub.f32 $1.000000000e+00, v28;
	v34 =	vadd.f32 $-4.999995530e-01, v34;
	v32 =	vmul.f32 v32, v19  }
0x747: {  	v36 =	vsub.f32 $0.0e+00, v27;
	v33 =	vadd.f32 $9.999998800e-01, v33;
	v29 =	vmul.f32 v29, v24  }
0x748: {  	v37 =	vsub.f32 $1.000000000e+00, v27;
	v27 =	vmul.f32 v34, v25;
	v32 =	vadd.f32 $-4.999995530e-01, v32  }
.Ltmp2:
0x749: {  	v34 =	vsub.f32 $0.0e+00, v26;
	v23 =	vmul.f32 v33, v23;
	v29 =	vadd.f32 $9.999998800e-01, v29;
	(pc) =	sbr.rel @p0 .LBB2_6-.Ltmp2, $4  }
0x74a: {  	v26 =	vsub.f32 $1.000000000e+00, v26;
	v27 =	vadd.f32 $9.999998800e-01, v27;
	v32 =	vmul.f32 v32, v19  }
0x74b: {  	v33 =	vmul.f32 v30, v35;
	v23 =	vadd.f32 $-7.788711340e-10, v23;
	v24 =	vmul.f32 v29, v24  }
0x74c: {  	v35 =	vmul.f32 v28, v38;
	v41 =	vmul.f32 v27, v25;
	v42 =	vadd.f32 $9.999998800e-01, v32  }
0x74d: {  	s31 =	sadd.s32 $0x40, s31;
	v40 =	vmul.f32 v26, v34;
	v39 =	vadd.f32 v23, v31;
	v38 =	vadd.f32 $-7.788711340e-10, v24  }
0x74e: {  	v43 =	vld [tilespmem:s16+$0x10]  }
0x74f: {  	v30 =	vld [tilespmem:s13+$0x10]  }
0x750: {  	v44 =	vld [tilespmem:s16+$0x0]  }
0x751: {  	v45 =	vld [tilespmem:s13+$0x0]  }
0x752: {  	v46 =	vld [tilespmem:s16+$0xFFFFFFF0]  }
0x753: {  	v29 =	vld [tilespmem:s16+$0xFFFFFFE0];
	_ =	sdelay $0x2  }
0x754: {  	v47 =	vld [tilespmem:s13+$0xFFFFFFF0]  }
0x755: {  	v48 =	vld [tilespmem:s13+$0xFFFFFFE0];
	v23 =	vadd.s32 $0x55F0, v30  }
0x756: {  	v25 =	vadd.s32 $0x55F0, v45;
	v31 =	vld.idx.msk [tilespmem:v43+s3+$0x0], $0xffff  }
0x757: {  	v26 =	vadd.s32 $0x4E20, v30;
	v34 =	vld.idx.msk [tilespmem:v44+s3+$0x0], $0xffff  }
0x758: {  	v27 =	vadd.s32 $0x6D60, v30;
	v32 =	vld.idx.msk [tilespmem:v46+s3+$0x0], $0xffff  }
0x759: {  	v50 =	vadd.s32 $0x9C40, v43;
	v49 =	vld.idx.msk [tilespmem:v29+s3+$0x0], $0xffff  }
0x75a: {  	v51 =	vadd.s32 $0x4E20, v45;
	v24 =	vld.idx.msk [tilespmem:v23+s3+$0x0], $0xffff  }
0x75b: {  	v52 =	vadd.s32 $0x9C40, v44;
	v23 =	vld.idx.msk [tilespmem:v25+s3+$0x0], $0xffff  }
0x75c: {  	v53 =	vadd.s32 $0xFA0, v43;
	v28 =	vld.idx.msk [tilespmem:v26+s3+$0x0], $0xffff  }
0x75d: {  	v55 =	vadd.s32 $0x1770, v43;
	v54 =	vld.idx.msk [tilespmem:v27+s3+$0x0], $0xffff  }
0x75e: {  	v60 =	vadd.s32 $0x5DC0, v30;
	v50 =	vld.idx.msk [tilespmem:v50+s3+$0x0], $0xffff  }
0x75f: {  	v36 =	vmul.f32 v37, v36;
	v56 =	vadd.s32 $0x6590, v30;
	v27 =	vld.idx.msk [tilespmem:v51+s3+$0x0], $0xffff  }
0x760: {  	v41 =	vadd.f32 $-7.788711340e-10, v41;
	v19 =	vmul.f32 v42, v19;
	v42 =	vadd.s32 $0xFA0, v44;
	v26 =	vld.idx.msk [tilespmem:v52+s3+$0x0], $0xffff  }
0x761: {  	v18 =	vsub.f32 v18, v39;
	v61 =	vmul.f32 $5.000000000e-01, v40;
	v62 =	vadd.s32 $0x1770, v44;
	v37 =	vld.idx.msk [tilespmem:v53+s3+$0x0], $0xffff  }
0x762: {  	v22 =	vadd.f32 v38, v22;
	v21 =	vadd.f32 v41, v21;
	v63 =	vadd.s32 $0x5DC0, v45;
	v55 =	vld.idx.msk [tilespmem:v55+s3+$0x0], $0xffff  }
0x763: {  	v19 =	vadd.f32 $-7.788711340e-10, v19;
	v15 =	vadd.f32 v18, v15;
	v18 =	vadd.s32 $0x8CA0, v44;
	v51 =	vld.idx.msk [tilespmem:v60+s3+$0x0], $0xffff  }
0x764: {  	v13 =	vmul.f32 v61, v13;
	v17 =	vsub.f32 v17, v22;
	v22 =	vadd.s32 $0x9470, v44;
	v56 =	vld.idx.msk [tilespmem:v56+s3+$0x0], $0xffff  }
0x765: {  	v16 =	vsub.f32 v16, v21;
	v19 =	vadd.f32 v19, v20;
	v20 =	vadd.s32 $0xFA0, v46;
	v21 =	vld.idx.msk [tilespmem:v42+s3+$0x0], $0xffff  }
0x766: {  	v36 =	vmul.f32 $5.000000000e-01, v36;
	v13 =	vadd.f32 v15, v13;
	v15 =	vadd.s32 $0x1770, v46;
	v40 =	vld.idx.msk [tilespmem:v62+s3+$0x0], $0xffff  }
0x767: {  	v35 =	vmul.f32 $5.000000000e-01, v35;
	v12 =	vadd.f32 v17, v12;
	v61 =	vadd.s32 $0x5DC0, v47;
	v17 =	vld.idx.msk [tilespmem:v63+s3+$0x0], $0xffff  }
0x768: {  	v10 =	vmul.f32 v36, v10;
	v38 =	vadd.s32 $0x3E80, v45;
	v41 =	vadd.s32 $0x7D0, v46;
	v18 =	vld.idx.msk [tilespmem:v18+s3+$0x0], $0xffff  }
0x769: {  	v11 =	vsub.f32 v11, v19;
	v19 =	vmul.f32 $5.000000000e-01, v33;
	v13 =	vnsel vm1, $0x0, v13;
	v22 =	vld.idx.msk [tilespmem:v22+s3+$0x0], $0xffff  }
0x76a: {  	v8 =	vadd.f32 v16, v8;
	v16 =	vadd.s32 $0x9470, v46;
	v13 =	vadd.f32 v13, v14;
	v14 =	vld.idx.msk [tilespmem:v20+s3+$0x0], $0xffff  }
0x76b: {  	v9 =	vmul.f32 v35, v9;
	v10 =	vadd.f32 v12, v10;
	v12 =	vadd.s32 $0x8CA0, v46;
	v15 =	vld.idx.msk [tilespmem:v15+s3+$0x0], $0xffff  }
0x76c: {  	v7 =	vmul.f32 v19, v7;
	v19 =	vadd.s32 $0xFA0, v29;
	v6 =	vadd.f32 v11, v6;
	v11 =	vld.idx.msk [tilespmem:v61+s3+$0x0], $0xffff  }
0x76d: {  	v8 =	vadd.f32 v8, v9;
	v9 =	vadd.s32 $0x1770, v29;
	v38 =	vld.idx.msk [tilespmem:v38+s3+$0x0], $0xffff  }
0x76e: {  	v44 =	vadd.s32 $0x7D0, v44;
	v41 =	vld.idx.msk [tilespmem:v41+s3+$0x0], $0xffff  }
0x76f: {  	v10 =	vnsel vm0, $0x0, v10;
	vm0 =	vgt.s32 v5, v0;
	v5 =	vadd.s32 $0x7D0, v43;
	v16 =	vld.idx.msk [tilespmem:v16+s3+$0x0], $0xffff  }
0x770: {  	v25 =	vadd.s32 $0x6D60, v45;
	v6 =	vadd.f32 v6, v7;
	v7 =	vld.idx.msk [tilespmem:v12+s3+$0x0], $0xffff  }
0x771: {  	v52 =	vadd.s32 $0x8CA0, v43;
	v19 =	vld.idx.msk [tilespmem:v19+s3+$0x0], $0xffff  }
0x772: {  	v53 =	vadd.s32 $0x9470, v43;
	v10 =	vadd.f32 v10, v13;
	v9 =	vld.idx.msk [tilespmem:v9+s3+$0x0], $0xffff  }
0x773: {  	v57 =	vadd.s32 $0x4E20, v48;
	v60 =	vadd.s32 $0x6590, v45;
	v8 =	vnsel vm0, $0x0, v8;
	v44 =	vld.idx.msk [tilespmem:v44+s3+$0x0], $0xffff  }
0x774: {  	vm0 =	vgt.s32 v4, v0;
	v20 =	vadd.s32 $0x3E80, v48;
	v8 =	vadd.f32 v8, v10;
	v35 =	vld.idx.msk [tilespmem:v5+s3+$0x0], $0xffff  }
0x775: {  	v58 =	vadd.s32 $0x6D60, v48;
	v63 =	vadd.s32 $0x3E80, v47;
	v4 =	vnsel vm0, $0x0, v6;
	v25 =	vld.idx.msk [tilespmem:v25+s3+$0x0], $0xffff  }
0x776: {  	v59 =	vadd.s32 $0x5DC0, v48;
	v4 =	vadd.f32 v4, v8;
	v8 =	vadd.s32 $0x7D0, v29;
	v52 =	vld.idx.msk [tilespmem:v52+s3+$0x0], $0xffff  }
0x777: {  	vm1 =	vgt.s32 v2, v0;
	v46 =	vadd.s32 $0x9C40, v46;
	v12 =	vadd.s32 $0x3E80, v30;
	v39 =	vld.idx.msk [tilespmem:v53+s3+$0x0], $0xffff  }
0x778: {  	v62 =	vadd.s32 $0x6590, v47;
	v42 =	vadd.s32 $0x55F0, v47;
	v10 =	vadd.s32 $0x4650, v48;
	v36 =	vld.idx.msk [tilespmem:v60+s3+$0x0], $0xffff  }
0x779: {  	v43 =	vadd.s32 $0x4E20, v47;
	v45 =	vadd.s32 $0x4650, v45;
	v61 =	vadd.s32 $0x8CA0, v29;
	v20 =	vld.idx.msk [tilespmem:v20+s3+$0x0], $0xffff  }
0x77a: {  	v6 =	vmov s28;
	vm0 =	vgt.s32 v3, v0;
	v53 =	vadd.s32 $0x4650, v47;
	v33 =	vld.idx.msk [tilespmem:v63+s3+$0x0], $0xffff  }
0x77b: {  	v30 =	vadd.s32 $0x4650, v30;
	v49 =	vadd.f32 v49, v1;
	v34 =	vadd.f32 v34, v1;
	v8 =	vld.idx.msk [tilespmem:v8+s3+$0x0], $0xffff  }
0x77c: {  	v31 =	vadd.f32 v31, v1;
	v32 =	vadd.f32 v32, v1;
	v5 =	vmov s0;
	v12 =	vld.idx.msk [tilespmem:v12+s3+$0x0], $0xffff  }
0x77d: {  	v47 =	vadd.s32 $0x6D60, v47;
	v60 =	vadd.s32 $0x9C40, v29;
	v37 =	vadd.f32 v55, v37;
	v3 =	vld.idx.msk [tilespmem:v10+s3+$0x0], $0xffff  }
0x77e: {  	v13 =	vld.idx.msk [tilespmem:v62+s3+$0x0], $0xffff;
	v29 =	vadd.s32 $0x9470, v29;
	v14 =	vadd.f32 v15, v14;
	v20 =	vadd.f32 v20, v49  }
0x77f: {  	v10 =	vadd.s32 $0x55F0, v48;
	v48 =	vadd.s32 $0x6590, v48;
	v49 =	vmul.f32 v50, v54;
	v54 =	vld.idx.msk [tilespmem:v53+s3+$0x0], $0xffff  }
0x780: {  	v45 =	vld.idx.msk [tilespmem:v45+s3+$0x0], $0xffff;
	v17 =	vmul.f32 v18, v17;
	v8 =	vsub.f32 v20, v8;
	v20 =	vadd.f32 v33, v32  }
0x781: {  	v30 =	vld.idx.msk [tilespmem:v30+s3+$0x0], $0xffff;
	v63 =	vmul.f32 v39, v56;
	v39 =	vadd.f32 v38, v34;
	v12 =	vadd.f32 v12, v31  }
0x782: {  	v18 =	vld.idx.msk [tilespmem:v59+s3+$0x0], $0xffff;
	v7 =	vmul.f32 v7, v11;
	v31 =	vsub.f32 v8, v3;
	v3 =	vsub.f32 v20, v41  }
0x783: {  	v9 =	vadd.f32 v9, v19;
	v11 =	vsub.f32 v39, v44;
	v8 =	vmul.f32 v22, v36;
	v20 =	vld.idx.msk [tilespmem:v61+s3+$0x0], $0xffff  }
0x784: {  	v15 =	vld.idx.msk [tilespmem:v48+s3+$0x0], $0xffff;
	v22 =	vand.u32 $0x7FFFFFFF, v31;
	v44 =	vsub.f32 v3, v54;
	v3 =	vsub.f32 v12, v35  }
0x785: {  	v62 =	vmul.f32 v52, v51;
	v12 =	vld.idx.msk [tilespmem:v29+s3+$0x0], $0xffff;
	v29 =	vsub.f32 v11, v45;
	v22 =	vsub.f32 $0.0e+00, v22  }
0x786: {  	v13 =	vmul.f32 v16, v13;
	v48 =	vld.idx.msk [tilespmem:v57+s3+$0x0], $0xffff;
	v16 =	vand.u32 $0x7FFFFFFF, v44;
	v19 =	vsub.f32 v3, v30  }
0x787: {  	v11 =	vld.idx.msk [tilespmem:v43+s3+$0x0], $0xffff;
	v30 =	vand.u32 $0x7FFFFFFF, v29;
	v22 =	vmul.f32 $1.442695020e+00, v22;
	v16 =	vsub.f32 $0.0e+00, v16  }
0x788: {  	v3 =	vld.idx.msk [tilespmem:v47+s3+$0x0], $0xffff;
	v18 =	vmul.f32 v20, v18;
	v20 =	vsub.f32 $0.0e+00, v30;
	v30 =	vand.u32 $0x7FFFFFFF, v19  }
0x789: {  	v47 =	vld.idx.msk [tilespmem:v46+s3+$0x0], $0xffff;
	v16 =	vmul.f32 $1.442695020e+00, v16;
	v30 =	vsub.f32 $0.0e+00, v30;
	(erf) = vpow2.f32 v22  }
0x78a: {  	v21 =	vadd.f32 v40, v21;
	v22 =	vld.idx.msk [tilespmem:v58+s3+$0x0], $0xffff;
	v12 =	vmul.f32 v12, v15;
	v15 =	vmul.f32 $1.442695020e+00, v20  }
0x78b: {  	v20 =	vadd.f32 v28, v37;
	v28 =	vld.idx.msk [tilespmem:v60+s3+$0x0], $0xffff;
	v30 =	vmul.f32 $1.442695020e+00, v30;
	(erf) = vpow2.f32 v16  }
0x78c: {  	v21 =	vadd.f32 v27, v21;
	v32 =	vadd.f32 v63, v62;
	v16 =	vld.idx.msk [tilespmem:v42+s3+$0x0], $0xffff;
	(erf) = vpow2.f32 v15  }
0x78d: {  	v8 =	vadd.f32 v8, v17;
	vm4 =	vge.f32 v31, $0.0e+00;
	v15 =	vld.idx.msk [tilespmem:v10+s3+$0x0], $0xffff;
	(erf) = vpow2.f32 v30  }
0x78e: {  	v17 =	vmul.f32 v47, v3;
	v3 =	vadd.f32 v49, v32;
	v10 =	vadd.f32 v11, v14  }
0x78f: {  	v11 =	vadd.f32 v13, v7;
	v14 =	vadd.f32 v12, v18;
	v12 =	vmul.f32 v26, v25  }
0x790: {  	vm2 =	vge.f32 v29, $0.0e+00;
	v13 =	vadd.f32 v48, v9;
	v7 =	vadd.f32 v24, v20  }
0x791: {  	v9 =	vadd.f32 v23, v21;
	v18 =	vmul.f32 v28, v22;
	v8 =	vadd.f32 v12, v8  }
0x792: {  	vm3 =	vge.f32 v44, $0.0e+00;
	v2 =	vadd.f32 v16, v10;
	v12 =	vadd.f32 v15, v13;
	v21 =	vpop (erf)  }
0x793: {  	vm5 =	vge.f32 v19, $0.0e+00;
	v13 =	vadd.f32 v18, v14;
	v18 =	vadd.f32 $1.000000000e+00, v21  }
0x794: {  	v10 =	vadd.f32 v17, v11;
	v11 =	vmin.f32 v19, $0.0e+00;
	v16 =	vmin.f32 v31, $0.0e+00;
	v22 =	vpop (erf)  }
0x795: {  	v15 =	vmin.f32 v44, $0.0e+00;
	v19 =	vadd.s32 $0xC0CD0000, v18;
	v20 =	vadd.f32 $1.000000000e+00, v22;
	v23 =	vpop (erf)  }
0x796: {  	v14 =	vmin.f32 v29, $0.0e+00;
	v17 =	vand.u32 $0xFF800000, v19;
	v24 =	vadd.f32 $1.000000000e+00, v23;
	v25 =	vpop (erf)  }
0x797: {  	v17 =	vsub.s32 v18, v17;
	v26 =	vadd.s32 $0xC0CD0000, v20;
	v27 =	vadd.f32 $1.000000000e+00, v25  }
0x798: {  	v28 =	vadd.f32 $-1.000000000e+00, v17;
	v17 =	vand.u32 $0xFF800000, v26;
	v29 =	vadd.s32 $0xC0CD0000, v24  }
0x799: {  	v17 =	vsub.s32 v20, v17;
	v30 =	vand.u32 $0xFF800000, v29;
	v31 =	vadd.s32 $0xC0CD0000, v27  }
0x79a: {  	v50 =	vmul.f32 $9.274272620e-02, v28;
	v51 =	vadd.f32 $-1.000000000e+00, v17;
	v17 =	vsub.s32 v24, v30  }
0x79b: {  	v19 =	vshra.s32 v19, $0x17;
	v30 =	vadd.f32 $-1.000000000e+00, v17;
	v17 =	vand.u32 $0xFF800000, v31  }
0x79c: {  	v32 =	vadd.f32 $-1.470776950e-01, v50;
	v52 =	vmul.f32 $9.274272620e-02, v51;
	v17 =	vsub.s32 v27, v17  }
0x79d: {  	(erf) = vrcp.f32 v27;
	v27 =	vmul.f32 $9.274272620e-02, v30;
	v17 =	vadd.f32 $-1.000000000e+00, v17  }
0x79e: {  	(erf) = vrcp.f32 v24;
	v24 =	vmul.f32 v32, v28;
	v53 =	vadd.f32 $-1.470776950e-01, v52  }
0x79f: {  	(erf) = vrcp.f32 v20;
	v20 =	vadd.f32 $-1.470776950e-01, v27;
	v27 =	vmul.f32 $9.274272620e-02, v17  }
0x7a0: {  	(erf) = vrcp.f32 v18;
	v18 =	vadd.f32 $1.493215710e-01, v24;
	v24 =	vmul.f32 v53, v51  }
0x7a1: {  	v54 =	vcvt.s32.f32 v19;
	v20 =	vmul.f32 v20, v30;
	v27 =	vadd.f32 $-1.470776950e-01, v27  }
0x7a2: {  	v26 =	vshra.s32 v26, $0x17;
	v18 =	vmul.f32 v18, v28;
	v24 =	vadd.f32 $1.493215710e-01, v24  }
0x7a3: {  	v29 =	vshra.s32 v29, $0x17;
	v20 =	vadd.f32 $1.493215710e-01, v20;
	v27 =	vmul.f32 v27, v17  }
0x7a4: {  	v26 =	vcvt.s32.f32 v26;
	v18 =	vadd.f32 $-1.651149990e-01, v18;
	v24 =	vmul.f32 v24, v51  }
0x7a5: {  	v31 =	vshra.s32 v31, $0x17;
	v20 =	vmul.f32 v20, v30;
	v27 =	vadd.f32 $1.493215710e-01, v27  }
0x7a6: {  	v31 =	vcvt.s32.f32 v31;
	v18 =	vmul.f32 v18, v28;
	v24 =	vadd.f32 $-1.651149990e-01, v24  }
0x7a7: {  	v29 =	vcvt.s32.f32 v29;
	v19 =	vadd.f32 $-1.651149990e-01, v20;
	v20 =	vmul.f32 v27, v17  }
0x7a8: {  	v27 =	vadd.f32 $1.995013060e-01, v18;
	v24 =	vmul.f32 v24, v51;
	v18 =	vmul.f32 $6.931471820e-01, v31  }
0x7a9: {  	v31 =	vmul.f32 v19, v30;
	v19 =	vmul.f32 $6.931471820e-01, v29;
	v29 =	vadd.f32 $-1.651149990e-01, v20  }
0x7aa: {  	v32 =	vmul.f32 $6.931471820e-01, v54;
	v27 =	vmul.f32 v27, v28;
	v24 =	vadd.f32 $1.995013060e-01, v24  }
0x7ab: {  	v20 =	vmul.f32 $6.931471820e-01, v26;
	v26 =	vpop (erf);
	v31 =	vadd.f32 $1.995013060e-01, v31;
	v29 =	vmul.f32 v29, v17  }
0x7ac: {  	v55 =	vpop (erf);
	v25 =	vmul.f32 v26, v25;
	v27 =	vadd.f32 $-2.500434820e-01, v27;
	v24 =	vmul.f32 v24, v51  }
0x7ad: {  	v56 =	vpop (erf);
	v23 =	vmul.f32 v55, v23;
	v31 =	vmul.f32 v31, v30;
	v29 =	vadd.f32 $1.995013060e-01, v29  }
0x7ae: {  	v22 =	vmul.f32 v56, v22;
	v27 =	vmul.f32 v27, v28;
	v24 =	vadd.f32 $-2.500434820e-01, v24  }
0x7af: {  	v57 =	vpop (erf);
	v25 =	vsel vm5, v26, v25;
	v31 =	vadd.f32 $-2.500434820e-01, v31;
	v29 =	vmul.f32 v29, v17  }
0x7b0: {  	v21 =	vmul.f32 v57, v21;
	v27 =	vadd.f32 $3.333465160e-01, v27;
	v24 =	vmul.f32 v24, v51  }
0x7b1: {  	v23 =	vsel vm2, v55, v23;
	v26 =	vmul.f32 v31, v30;
	v29 =	vadd.f32 $-2.500434820e-01, v29  }
0x7b2: {  	v58 =	vsub.f32 $1.000000000e+00, v25;
	v27 =	vmul.f32 v27, v28;
	v24 =	vadd.f32 $3.333465160e-01, v24  }
0x7b3: {  	v22 =	vsel vm3, v56, v22;
	v26 =	vadd.f32 $3.333465160e-01, v26;
	v29 =	vmul.f32 v29, v17  }
0x7b4: {  	v21 =	vsel vm4, v57, v21;
	v27 =	vadd.f32 $-4.999995530e-01, v27;
	v24 =	vmul.f32 v24, v51  }
0x7b5: {  	v31 =	vsub.f32 $0.0e+00, v25;
	v26 =	vmul.f32 v26, v30;
	v29 =	vadd.f32 $3.333465160e-01, v29  }
0x7b6: {  	v25 =	vmul.f32 v27, v28;
	v24 =	vadd.f32 $-4.999995530e-01, v24;
	v27 =	vsub.f32 $0.0e+00, v23  }
0x7b7: {  	v23 =	vsub.f32 $1.000000000e+00, v23;
	v26 =	vadd.f32 $-4.999995530e-01, v26;
	v29 =	vmul.f32 v29, v17  }
0x7b8: {  	v59 =	vadd.f32 $9.999998800e-01, v25;
	v60 =	vmul.f32 v24, v51;
	v24 =	vsub.f32 $0.0e+00, v22  }
0x7b9: {  	v25 =	vsub.f32 $1.000000000e+00, v22;
	v22 =	vmul.f32 v26, v30;
	v26 =	vadd.f32 $-4.999995530e-01, v29  }
0x7ba: {  	v23 =	vmul.f32 v23, v27;
	v28 =	vmul.f32 v59, v28;
	v61 =	vadd.f32 $9.999998800e-01, v60  }
0x7bb: {  	v29 =	vsub.f32 $0.0e+00, v21;
	v62 =	vadd.f32 $9.999998800e-01, v22;
	v63 =	vmul.f32 v26, v17  }
0x7bc: {  	v21 =	vsub.f32 $1.000000000e+00, v21;
	v28 =	vadd.f32 $-7.788711340e-10, v28;
	v33 =	vmul.f32 v61, v51  }
0x7bd: {  	v22 =	vmul.f32 v58, v31;
	v26 =	vmul.f32 v62, v30;
	v30 =	vadd.f32 $9.999998800e-01, v63  }
0x7be: {  	s15 =	simm.s32 $0x18120;
	s29 =	smov.u32 s0;
	s28 =	simm.s32 $0x0;
	v27 =	vadd.f32 v28, v32;
	v28 =	vmul.f32 v21, v29;
	v29 =	vadd.f32 $-7.788711340e-10, v33  }
.LBB2_8:
0x7bf: {  	v21 =	vld [tilespmem:s15+$0x10];
	v24 =	vmul.f32 v25, v24;
	v25 =	vadd.f32 $-7.788711340e-10, v26;
	v26 =	vmul.f32 v30, v17;
	s13 =	sadd.s32 $0x40, s13  }
0x7c0: {  	v17 =	vld [tilespmem:s13+$0x10];
	v27 =	vsub.f32 v16, v27;
	v28 =	vmul.f32 $5.000000000e-01, v28;
	v29 =	vadd.f32 v29, v20  }
0x7c1: {  	v20 =	vld [tilespmem:s15+$0x0];
	v24 =	vmul.f32 $5.000000000e-01, v24;
	v19 =	vadd.f32 v25, v19;
	v25 =	vadd.f32 $-7.788711340e-10, v26  }
0x7c2: {  	v16 =	vld [tilespmem:s13+$0x0];
	v26 =	vadd.f32 v27, v13;
	v27 =	vmul.f32 v28, v12;
	v15 =	vsub.f32 v15, v29  }
0x7c3: {  	v13 =	vld [tilespmem:s15+$0xFFFFFFF0];
	v14 =	vsub.f32 v14, v19;
	v19 =	vmul.f32 $5.000000000e-01, v23;
	v18 =	vadd.f32 v25, v18  }
0x7c4: {  	v2 =	vmul.f32 v24, v2;
	v12 =	vld [tilespmem:s15+$0xFFFFFFE0];
	v23 =	vadd.f32 v26, v27;
	v10 =	vadd.f32 v15, v10  }
0x7c5: {  	v15 =	vmul.f32 $5.000000000e-01, v22;
	v9 =	vmul.f32 v19, v9;
	v11 =	vsub.f32 v11, v18  }
0x7c6: {  	v8 =	vadd.f32 v14, v8;
	v18 =	vnsel vm1, $0x0, v23;
	v2 =	vadd.f32 v10, v2  }
0x7c7: {  	v10 =	vadd.s32 $0x55F0, v17;
	v7 =	vmul.f32 v15, v7;
	v19 =	vld [tilespmem:s13+$0xFFFFFFF0];
	v4 =	vadd.f32 v18, v4  }
0x7c8: {  	v8 =	vadd.f32 v8, v9;
	v3 =	vadd.f32 v11, v3;
	v14 =	vld [tilespmem:s13+$0xFFFFFFE0];
	v2 =	vnsel vm0, $0x0, v2  }
0x7c9: {  	v9 =	vadd.s32 $0x55F0, v16;
	vm0 =	vgt.s32 v6, v0;
	v11 =	vld.idx.msk [tilespmem:v21+s3+$0x0], $0xffff;
	v2 =	vadd.f32 v2, v4  }
0x7ca: {  	v6 =	vadd.s32 $0x4E20, v17;
	v4 =	vnsel vm0, $0x0, v8;
	v3 =	vadd.f32 v3, v7;
	v18 =	vld.idx.msk [tilespmem:v20+s3+$0x0], $0xffff  }
0x7cb: {  	v7 =	vadd.s32 $0x6D60, v17;
	vm0 =	vgt.s32 v5, v0;
	v15 =	vld.idx.msk [tilespmem:v13+s3+$0x0], $0xffff;
	v2 =	vadd.f32 v4, v2  }
0x7cc: {  	v5 =	vadd.s32 $0x9C40, v21;
	v4 =	vnsel vm0, $0x0, v3;
	v22 =	vld.idx.msk [tilespmem:v12+s3+$0x0], $0xffff  }
0x7cd: {  	v8 =	vadd.s32 $0x4E20, v16;
	v3 =	vld.idx.msk [tilespmem:v10+s3+$0x0], $0xffff;
	v4 =	vadd.f32 v4, v2  }
0x7ce: {  	v23 =	vadd.s32 $0x6D60, v16;
	v2 =	vld.idx.msk [tilespmem:v9+s3+$0x0], $0xffff  }
0x7cf: {  	v24 =	vadd.s32 $0x9C40, v20;
	v10 =	vld.idx.msk [tilespmem:v6+s3+$0x0], $0xffff  }
0x7d0: {  	v6 =	vadd.s32 $0xFA0, v21;
	v25 =	vld.idx.msk [tilespmem:v7+s3+$0x0], $0xffff  }
0x7d1: {  	v26 =	vadd.s32 $0x1770, v21;
	v27 =	vld.idx.msk [tilespmem:v5+s3+$0x0], $0xffff  }
0x7d2: {  	v5 =	vadd.s32 $0x5DC0, v17;
	v9 =	vld.idx.msk [tilespmem:v8+s3+$0x0], $0xffff  }
0x7d3: {  	v7 =	vld.idx.msk [tilespmem:v23+s3+$0x0], $0xffff;
	v23 =	vadd.s32 $0x6590, v17  }
0x7d4: {  	v8 =	vld.idx.msk [tilespmem:v24+s3+$0x0], $0xffff;
	v24 =	vadd.s32 $0x8CA0, v21  }
0x7d5: {  	v28 =	vld.idx.msk [tilespmem:v6+s3+$0x0], $0xffff;
	v6 =	vadd.s32 $0x9470, v21  }
0x7d6: {  	v29 =	vadd.s32 $0xFA0, v20;
	v26 =	vld.idx.msk [tilespmem:v26+s3+$0x0], $0xffff  }
0x7d7: {  	v30 =	vadd.s32 $0x1770, v20;
	v31 =	vld.idx.msk [tilespmem:v5+s3+$0x0], $0xffff  }
0x7d8: {  	v5 =	vadd.s32 $0x5DC0, v16;
	v23 =	vld.idx.msk [tilespmem:v23+s3+$0x0], $0xffff  }
0x7d9: {  	v32 =	vadd.s32 $0x6590, v16;
	v24 =	vld.idx.msk [tilespmem:v24+s3+$0x0], $0xffff  }
0x7da: {  	v33 =	vadd.s32 $0x8CA0, v20;
	v34 =	vld.idx.msk [tilespmem:v6+s3+$0x0], $0xffff  }
0x7db: {  	v6 =	vadd.s32 $0x9470, v20;
	v29 =	vld.idx.msk [tilespmem:v29+s3+$0x0], $0xffff  }
0x7dc: {  	v35 =	vadd.s32 $0xFA0, v13;
	v30 =	vld.idx.msk [tilespmem:v30+s3+$0x0], $0xffff  }
0x7dd: {  	v36 =	vadd.s32 $0x1770, v13;
	v37 =	vld.idx.msk [tilespmem:v5+s3+$0x0], $0xffff  }
0x7de: {  	v5 =	vadd.s32 $0x5DC0, v19;
	v32 =	vld.idx.msk [tilespmem:v32+s3+$0x0], $0xffff  }
0x7df: {  	v38 =	vadd.s32 $0x6590, v19;
	v33 =	vld.idx.msk [tilespmem:v33+s3+$0x0], $0xffff  }
0x7e0: {  	v39 =	vadd.s32 $0x8CA0, v13;
	v40 =	vld.idx.msk [tilespmem:v6+s3+$0x0], $0xffff  }
0x7e1: {  	v6 =	vadd.s32 $0x9470, v13;
	v35 =	vld.idx.msk [tilespmem:v35+s3+$0x0], $0xffff  }
0x7e2: {  	s28 =	sadd.s32 $0x4, s28;
	v41 =	vadd.s32 $0xFA0, v12;
	v36 =	vld.idx.msk [tilespmem:v36+s3+$0x0], $0xffff  }
0x7e3: {  	p0 =	slt.u32 s28, $0xC0;
	v42 =	vadd.s32 $0x1770, v12;
	v43 =	vld.idx.msk [tilespmem:v5+s3+$0x0], $0xffff  }
0x7e4: {  	v5 =	vadd.s32 $0x7D0, v21;
	v38 =	vld.idx.msk [tilespmem:v38+s3+$0x0], $0xffff  }
0x7e5: {  	v44 =	vadd.s32 $0x3E80, v17;
	v39 =	vld.idx.msk [tilespmem:v39+s3+$0x0], $0xffff  }
0x7e6: {  	v45 =	vadd.s32 $0x4650, v14;
	v46 =	vld.idx.msk [tilespmem:v6+s3+$0x0], $0xffff  }
0x7e7: {  	s29 =	sadd.s32 $0xFFFFFFC0, s29;
	v47 =	vadd.s32 $0x3E80, v14;
	v41 =	vld.idx.msk [tilespmem:v41+s3+$0x0], $0xffff  }
0x7e8: {  	s16 =	sadd.s32 $0x10, s29;
	v48 =	vadd.s32 $0x7D0, v12;
	v42 =	vld.idx.msk [tilespmem:v42+s3+$0x0], $0xffff  }
0x7e9: {  	s17 =	sadd.s32 $0x30, s29;
	s18 =	sadd.s32 $0x20, s29;
	v49 =	vadd.s32 $0x3E80, v19;
	v6 =	vmov s16;
	v50 =	vld.idx.msk [tilespmem:v5+s3+$0x0], $0xffff;
	v5 =	vmov s29  }
0x7ea: {  	v51 =	vmov s18;
	v52 =	vadd.s32 $0x3E80, v16;
	v21 =	vmov s17;
	v44 =	vld.idx.msk [tilespmem:v44+s3+$0x0], $0xffff  }
0x7eb: {  	v53 =	vadd.s32 $0x7D0, v13;
	vm0 =	vgt.s32 v51, v0;
	v54 =	vadd.s32 $0x55F0, v19;
	v45 =	vld.idx.msk [tilespmem:v45+s3+$0x0], $0xffff  }
0x7ec: {  	v55 =	vadd.s32 $0x4E20, v19;
	v51 =	vadd.s32 $0x55F0, v14;
	v20 =	vadd.s32 $0x7D0, v20;
	v47 =	vld.idx.msk [tilespmem:v47+s3+$0x0], $0xffff  }
0x7ed: {  	v56 =	vadd.s32 $0x4650, v19;
	v19 =	vadd.s32 $0x6D60, v19;
	v13 =	vadd.s32 $0x9C40, v13;
	v48 =	vld.idx.msk [tilespmem:v48+s3+$0x0], $0xffff  }
0x7ee: {  	v57 =	vadd.s32 $0x4E20, v14;
	v58 =	vadd.s32 $0x6D60, v14;
	v16 =	vadd.s32 $0x4650, v16;
	v49 =	vld.idx.msk [tilespmem:v49+s3+$0x0], $0xffff  }
0x7ef: {  	v60 =	vadd.s32 $0x9C40, v12;
	v59 =	vadd.s32 $0x5DC0, v14;
	v17 =	vadd.s32 $0x4650, v17;
	v52 =	vld.idx.msk [tilespmem:v52+s3+$0x0], $0xffff  }
0x7f0: {  	v61 =	vadd.s32 $0x8CA0, v12;
	v14 =	vadd.s32 $0x6590, v14;
	v22 =	vadd.f32 v22, v1;
	v53 =	vld.idx.msk [tilespmem:v53+s3+$0x0], $0xffff  }
0x7f1: {  	v12 =	vadd.s32 $0x9470, v12;
	v11 =	vadd.f32 v11, v1;
	v18 =	vadd.f32 v18, v1;
	v20 =	vld.idx.msk [tilespmem:v20+s3+$0x0], $0xffff  }
0x7f2: {  	v15 =	vadd.f32 v15, v1;
	v25 =	vmul.f32 v27, v25;
	v22 =	vadd.f32 v47, v22;
	v47 =	vld.idx.msk [tilespmem:v56+s3+$0x0], $0xffff  }
0x7f3: {  	v26 =	vadd.f32 v26, v28;
	v24 =	vmul.f32 v24, v31;
	v27 =	vadd.f32 v30, v29;
	v16 =	vld.idx.msk [tilespmem:v16+s3+$0x0], $0xffff  }
0x7f4: {  	v23 =	vmul.f32 v34, v23;
	v22 =	vsub.f32 v22, v48;
	v15 =	vadd.f32 v49, v15;
	v17 =	vld.idx.msk [tilespmem:v17+s3+$0x0], $0xffff  }
0x7f5: {  	v29 =	vmul.f32 v33, v37;
	v11 =	vadd.f32 v44, v11;
	v18 =	vadd.f32 v52, v18;
	v28 =	vld.idx.msk [tilespmem:v59+s3+$0x0], $0xffff  }
0x7f6: {  	v31 =	vmul.f32 v40, v32;
	v22 =	vsub.f32 v22, v45;
	v15 =	vsub.f32 v15, v53;
	v30 =	vld.idx.msk [tilespmem:v61+s3+$0x0], $0xffff  }
0x7f7: {  	v32 =	vadd.f32 v36, v35;
	v33 =	vmul.f32 v39, v43;
	v18 =	vsub.f32 v18, v20;
	v14 =	vld.idx.msk [tilespmem:v14+s3+$0x0], $0xffff  }
0x7f8: {  	v11 =	vsub.f32 v11, v50;
	v20 =	vand.u32 $0x7FFFFFFF, v22;
	v34 =	vsub.f32 v15, v47;
	v12 =	vld.idx.msk [tilespmem:v12+s3+$0x0], $0xffff  }
0x7f9: {  	v35 =	vmul.f32 v46, v38;
	v15 =	vsub.f32 $0.0e+00, v20;
	v18 =	vsub.f32 v18, v16;
	v20 =	vld.idx.msk [tilespmem:v55+s3+$0x0], $0xffff  }
0x7fa: {  	v16 =	vadd.f32 v42, v41;
	v36 =	vand.u32 $0x7FFFFFFF, v34;
	v17 =	vsub.f32 v11, v17;
	v19 =	vld.idx.msk [tilespmem:v19+s3+$0x0], $0xffff  }
0x7fb: {  	v11 =	vmul.f32 $1.442695020e+00, v15;
	v15 =	vsub.f32 $0.0e+00, v36;
	v36 =	vand.u32 $0x7FFFFFFF, v18;
	v13 =	vld.idx.msk [tilespmem:v13+s3+$0x0], $0xffff  }
0x7fc: {  	v28 =	vmul.f32 v30, v28;
	v30 =	vsub.f32 $0.0e+00, v36;
	v36 =	vand.u32 $0x7FFFFFFF, v17;
	v37 =	vld.idx.msk [tilespmem:v57+s3+$0x0], $0xffff  }
0x7fd: {  	v15 =	vmul.f32 $1.442695020e+00, v15;
	v36 =	vsub.f32 $0.0e+00, v36;
	v38 =	vld.idx.msk [tilespmem:v58+s3+$0x0], $0xffff;
	(erf) = vpow2.f32 v11  }
0x7fe: {  	v10 =	vadd.f32 v10, v26;
	v12 =	vmul.f32 v12, v14;
	v14 =	vmul.f32 $1.442695020e+00, v30;
	v11 =	vld.idx.msk [tilespmem:v60+s3+$0x0], $0xffff  }
0x7ff: {  	v23 =	vadd.f32 v23, v24;
	v30 =	vmul.f32 $1.442695020e+00, v36;
	v26 =	vld.idx.msk [tilespmem:v54+s3+$0x0], $0xffff;
	(erf) = vpow2.f32 v15  }
0x800: {  	v9 =	vadd.f32 v9, v27;
	v24 =	vadd.f32 v31, v29;
	v15 =	vld.idx.msk [tilespmem:v51+s3+$0x0], $0xffff;
	(erf) = vpow2.f32 v14  }
0x801: {  	v14 =	vadd.f32 v20, v32;
	v20 =	vadd.f32 v35, v33;
	(erf) = vpow2.f32 v30  }
0x802: {  	v8 =	vmul.f32 v8, v7;
	v27 =	vadd.f32 v12, v28;
	v16 =	vadd.f32 v37, v16  }
0x803: {  	v7 =	vadd.f32 v3, v10;
	v3 =	vadd.f32 v25, v23;
	v12 =	vmul.f32 v13, v19  }
0x804: {  	v9 =	vadd.f32 v2, v9;
	v8 =	vadd.f32 v8, v24;
	v11 =	vmul.f32 v11, v38  }
0x805: {  	vm1 =	vgt.s32 v21, v0;
	v10 =	vadd.f32 v12, v20;
	v2 =	vadd.f32 v26, v14  }
0x806: {  	v12 =	vadd.f32 v15, v16;
	v13 =	vadd.f32 v11, v27;
	v11 =	vmin.f32 v17, $0.0e+00;
	v24 =	vpop (erf)  }
0x807: {  	v14 =	vmin.f32 v18, $0.0e+00;
	v15 =	vmin.f32 v34, $0.0e+00;
	v19 =	vadd.f32 $1.000000000e+00, v24  }
0x808: {  	vm2 =	vge.f32 v18, $0.0e+00;
	vm5 =	vge.f32 v17, $0.0e+00;
	v16 =	vmin.f32 v22, $0.0e+00;
	v25 =	vpop (erf)  }
0x809: {  	vm4 =	vge.f32 v34, $0.0e+00;
	v18 =	vadd.s32 $0xC0CD0000, v19;
	v20 =	vadd.f32 $1.000000000e+00, v25;
	v26 =	vpop (erf)  }
0x80a: {  	vm3 =	vge.f32 v22, $0.0e+00;
	v17 =	vand.u32 $0xFF800000, v18;
	v27 =	vadd.f32 $1.000000000e+00, v26;
	v28 =	vpop (erf)  }
0x80b: {  	v17 =	vsub.s32 v19, v17;
	v29 =	vadd.s32 $0xC0CD0000, v20;
	v30 =	vadd.f32 $1.000000000e+00, v28  }
0x80c: {  	v21 =	vadd.f32 $-1.000000000e+00, v17;
	v17 =	vand.u32 $0xFF800000, v29;
	v31 =	vadd.s32 $0xC0CD0000, v27  }
0x80d: {  	v17 =	vsub.s32 v20, v17;
	v23 =	vand.u32 $0xFF800000, v31;
	v32 =	vadd.s32 $0xC0CD0000, v30  }
0x80e: {  	v33 =	vmul.f32 $9.274272620e-02, v21;
	v22 =	vadd.f32 $-1.000000000e+00, v17;
	v17 =	vsub.s32 v27, v23  }
0x80f: {  	v23 =	vadd.f32 $-1.000000000e+00, v17;
	v17 =	vand.u32 $0xFF800000, v32;
	(erf) = vrcp.f32 v30  }
0x810: {  	v33 =	vadd.f32 $-1.470776950e-01, v33;
	v34 =	vmul.f32 $9.274272620e-02, v22;
	v17 =	vsub.s32 v30, v17  }
0x811: {  	v30 =	vmul.f32 $9.274272620e-02, v23;
	v17 =	vadd.f32 $-1.000000000e+00, v17;
	(erf) = vrcp.f32 v27  }
0x812: {  	v27 =	vmul.f32 v33, v21;
	v33 =	vadd.f32 $-1.470776950e-01, v34;
	(erf) = vrcp.f32 v20  }
0x813: {  	v20 =	vadd.f32 $-1.470776950e-01, v30;
	v30 =	vmul.f32 $9.274272620e-02, v17;
	(erf) = vrcp.f32 v19  }
0x814: {  	v32 =	vshra.s32 v32, $0x17;
	v19 =	vadd.f32 $1.493215710e-01, v27;
	v27 =	vmul.f32 v33, v22  }
0x815: {  	v31 =	vshra.s32 v31, $0x17;
	v20 =	vmul.f32 v20, v23;
	v30 =	vadd.f32 $-1.470776950e-01, v30  }
0x816: {  	v29 =	vshra.s32 v29, $0x17;
	v19 =	vmul.f32 v19, v21;
	v27 =	vadd.f32 $1.493215710e-01, v27  }
0x817: {  	v18 =	vshra.s32 v18, $0x17;
	v20 =	vadd.f32 $1.493215710e-01, v20;
	v30 =	vmul.f32 v30, v17  }
0x818: {  	v32 =	vcvt.s32.f32 v32;
	v19 =	vadd.f32 $-1.651149990e-01, v19;
	v27 =	vmul.f32 v27, v22;
	v33 =	vpop (erf)  }
0x819: {  	v31 =	vcvt.s32.f32 v31;
	v20 =	vmul.f32 v20, v23;
	v30 =	vadd.f32 $1.493215710e-01, v30  }
0x81a: {  	v29 =	vcvt.s32.f32 v29;
	v19 =	vmul.f32 v19, v21;
	v27 =	vadd.f32 $-1.651149990e-01, v27;
	v34 =	vpop (erf)  }
0x81b: {  	v35 =	vcvt.s32.f32 v18;
	v20 =	vadd.f32 $-1.651149990e-01, v20;
	v30 =	vmul.f32 v30, v17;
	v36 =	vpop (erf)  }
0x81c: {  	v18 =	vmul.f32 $6.931471820e-01, v32;
	v37 =	vadd.f32 $1.995013060e-01, v19;
	v27 =	vmul.f32 v27, v22;
	v32 =	vpop (erf)  }
0x81d: {  	v19 =	vmul.f32 $6.931471820e-01, v31;
	v38 =	vmul.f32 v20, v23;
	v30 =	vadd.f32 $-1.651149990e-01, v30  }
0x81e: {  	v20 =	vmul.f32 $6.931471820e-01, v29;
	v31 =	vmul.f32 v37, v21;
	v27 =	vadd.f32 $1.995013060e-01, v27  }
0x81f: {  	v29 =	vmul.f32 $6.931471820e-01, v35;
	v35 =	vadd.f32 $1.995013060e-01, v38;
	v30 =	vmul.f32 v30, v17  }
0x820: {  	v28 =	vmul.f32 v33, v28;
	v31 =	vadd.f32 $-2.500434820e-01, v31;
	v27 =	vmul.f32 v27, v22  }
0x821: {  	v26 =	vmul.f32 v34, v26;
	v35 =	vmul.f32 v35, v23;
	v30 =	vadd.f32 $1.995013060e-01, v30  }
0x822: {  	v25 =	vmul.f32 v36, v25;
	v31 =	vmul.f32 v31, v21;
	v27 =	vadd.f32 $-2.500434820e-01, v27  }
0x823: {  	v24 =	vmul.f32 v32, v24;
	v35 =	vadd.f32 $-2.500434820e-01, v35;
	v30 =	vmul.f32 v30, v17  }
0x824: {  	v28 =	vsel vm5, v33, v28;
	v31 =	vadd.f32 $3.333465160e-01, v31;
	v27 =	vmul.f32 v27, v22  }
0x825: {  	v26 =	vsel vm2, v34, v26;
	v33 =	vmul.f32 v35, v23;
	v30 =	vadd.f32 $-2.500434820e-01, v30  }
0x826: {  	v25 =	vsel vm4, v36, v25;
	v31 =	vmul.f32 v31, v21;
	v27 =	vadd.f32 $3.333465160e-01, v27  }
0x827: {  	v32 =	vsel vm3, v32, v24;
	v24 =	vadd.f32 $3.333465160e-01, v33;
	v30 =	vmul.f32 v30, v17  }
0x828: {  	v33 =	vsub.f32 $0.0e+00, v28;
	v31 =	vadd.f32 $-4.999995530e-01, v31;
	v27 =	vmul.f32 v27, v22  }
0x829: {  	v28 =	vsub.f32 $1.000000000e+00, v28;
	v24 =	vmul.f32 v24, v23;
	v30 =	vadd.f32 $3.333465160e-01, v30  }
0x82a: {  	v34 =	vsub.f32 $0.0e+00, v26;
	v31 =	vmul.f32 v31, v21;
	v27 =	vadd.f32 $-4.999995530e-01, v27  }
0x82b: {  	v36 =	vsub.f32 $1.000000000e+00, v26;
	v35 =	vadd.f32 $-4.999995530e-01, v24;
	v26 =	vmul.f32 v30, v17  }
0x82c: {  	v24 =	vsub.f32 $0.0e+00, v25;
	v30 =	vadd.f32 $9.999998800e-01, v31;
	v27 =	vmul.f32 v27, v22  }
0x82d: {  	v25 =	vsub.f32 $1.000000000e+00, v25;
	v31 =	vmul.f32 v35, v23;
	v26 =	vadd.f32 $-4.999995530e-01, v26  }
.Ltmp3:
0x82e: {  	v35 =	vsub.f32 $0.0e+00, v32;
	v21 =	vmul.f32 v30, v21;
	v27 =	vadd.f32 $9.999998800e-01, v27;
	(pc) =	sbr.rel @p0 .LBB2_8-.Ltmp3, $4  }
0x82f: {  	v32 =	vsub.f32 $1.000000000e+00, v32;
	v30 =	vadd.f32 $9.999998800e-01, v31;
	v31 =	vmul.f32 v26, v17  }
0x830: {  	v21 =	vadd.f32 $-7.788711340e-10, v21;
	v37 =	vmul.f32 v27, v22;
	v22 =	vmul.f32 v28, v33  }
0x831: {  	v26 =	vmul.f32 v30, v23;
	v23 =	vmul.f32 v36, v34;
	v30 =	vadd.f32 $9.999998800e-01, v31  }
0x832: {  	s15 =	sadd.s32 $0x40, s15;
	v28 =	vmul.f32 v32, v35;
	v27 =	vadd.f32 v21, v29;
	v29 =	vadd.f32 $-7.788711340e-10, v37  }
0x833: {  	v1 =	vmul.f32 v25, v24;
	v21 =	vadd.f32 $-7.788711340e-10, v26;
	v17 =	vmul.f32 v30, v17  }
0x834: {  	v16 =	vsub.f32 v16, v27;
	v60 =	vmul.f32 $5.000000000e-01, v28;
	v20 =	vadd.f32 v29, v20  }
0x835: {  	v1 =	vmul.f32 $5.000000000e-01, v1;
	v19 =	vadd.f32 v21, v19;
	v17 =	vadd.f32 $-7.788711340e-10, v17  }
0x836: {  	v13 =	vadd.f32 v16, v13;
	v12 =	vmul.f32 v60, v12;
	v15 =	vsub.f32 v15, v20  }
0x837: {  	v61 =	vmul.f32 $5.000000000e-01, v23;
	v14 =	vsub.f32 v14, v19;
	v17 =	vadd.f32 v17, v18  }
0x838: {  	v1 =	vmul.f32 v1, v2;
	v12 =	vadd.f32 v13, v12;
	v10 =	vadd.f32 v15, v10  }
0x839: {  	v63 =	vmul.f32 $5.000000000e-01, v22;
	v2 =	vmul.f32 v61, v9;
	v62 =	vsub.f32 v11, v17  }
0x83a: {  	v8 =	vadd.f32 v14, v8;
	v12 =	vnsel vm1, $0x0, v12;
	v1 =	vadd.f32 v10, v1  }
0x83b: {  	v7 =	vmul.f32 v63, v7;
	v4 =	vadd.f32 v12, v4  }
0x83c: {  	v2 =	vadd.f32 v8, v2;
	v3 =	vadd.f32 v62, v3;
	v1 =	vnsel vm0, $0x0, v1  }
0x83d: {  	vm14 =	vgt.s32 v6, v0;
	v1 =	vadd.f32 v1, v4  }
0x83e: {  	v2 =	vnsel vm14, $0x0, v2;
	v3 =	vadd.f32 v3, v7  }
0x83f: {  	vm15 =	vgt.s32 v5, v0;
	v1 =	vadd.f32 v2, v1  }
0x840: {  	v2 =	vnsel vm15, $0x0, v3  }
0x841: {  	s26 =	sadd.s32 $0x1, s26;
	v1 =	vadd.f32 v2, v1  }
0x842: {  	p0 =	sne.s32 s26, s12  }
.Ltmp4:
0x843: {  	[tilespmem:$0x19940] =	vst v1;
	(pc) =	sbr.rel @p0 .LBB2_1-.Ltmp4, $4  }
0x844: {  	[hbm4b:s11+s3] =	stream.linear.scatter [tilespmem:s24], [sflag:$0x2], $0x10, $0x38;
	[tilespmem:$0x19950] =	vst v63  }
0x845: {  	_ =	swait.ge [sflag:s25], $0x10  }
0x846: {  	[sflag:s25] =	ssyncset.done $0x0  }
0x847: {  	[sflag:s25] =	ssyncadd.s32 $0xFFFFFFF0  }
0x848: {  	_ =	sfence.sel $0x180000  }
0x849: {  	[bflag:$0x0] =	sbarrier.arrive $0xFFFF  }
0x84a: {  	_ =	strace $0x90000047  }
0x84b: {  	s0 =	stileid.u32;
	[bflag:$0x2] =	sbarrier.arrive $0xFFFF  }
0x84c: {  	p0 =	sne.s32 s0, $0x0;
	s0 =	rddreg [dreg:$0x1]  }
0x84d: {  	s0 =	sadd.s32 @!p0 $0x100000, s0  }
0x84e: {  	[sflag:s0] =	ssyncadd.tile.s32 @!p0 $0x1;
	_ =	shalt  }
.Lfunc_end2:
_tile_overlayer_lowered:
.L_overlay_start_2:
0x84f: {  	(tag) =	ssettag $0x2  }
0x850: {  	s0 =	rddreg [dreg:$0x0];
	s2 =	stileid.u32  }
0x851: {  	s1 =	rddreg [dreg:$0x1];
	p0 =	sne.s32 s2, $0x0  }
0x852: {  	s3 =	rddreg [dreg:$0x2];
	[bflag:$0x3] =	sbarrier.arrive $0xFFFF;
	s2 =	simm.s32 @!p0 $0x1C02  }
0x853: {  	[timem:s3], [sflag:s2] =	dma.local @!p0 [hbm:s0], s1  }
0x854: {  	s0 =	simm.s32 @!p0 $0x2  }
0x855: {  	_ =	swait.ge @!p0 [sflag:s0], s1  }
0x856: {  	s1 =	ssub.s32 @!p0 $0x0, s1;
	[sflag:s0] =	ssyncset.done @!p0 $0x0  }
0x857: {  	[sflag:s0] =	ssyncadd.s32 @!p0 s1  }
0x858: {  	[bflag:$0x3] =	sbarrier.arrive $0xFFFF  }
0x859: {  	_ =	shalt  }

</sc_bundles>
